<compile_context>
chip_gen: v7x
topology: tpu7x:2x2x1
jax: 0.10.2.dev20260603
libtpu: 0.0.44.dev20260713+nightly
codegen_flags: <defaults>
</compile_context>

<pallas_src>
import functools

import jax
import jax.numpy as jnp
from jax import lax
from jax.experimental import pallas as pl
from jax.experimental.pallas import tpu as pltpu
from jax.experimental.pallas import tpu_sc as plsc

_C = 32
_NUM_CORES = 2
_NUM_SUBCORES = 16
_LANES = 16
_CORE0_FRAC = 0.84


def _even_ceil(x):
    v = int(-(-x // 1))
    return v + (v % 2)


def _make_sc_kernel(cpw0, cpw1, n_streams, d_feat, b_total):
    b_last = b_total - 1
    tail = b_total % _C
    inv_s = 1.0 / float(n_streams - 1)
    n_groups = d_feat // _LANES
    chunk_words = n_streams * _C
    mesh = plsc.VectorSubcoreMesh(
        core_axis_name="core", subcore_axis_name="subcore",
        num_cores=_NUM_CORES)

    @functools.partial(
        pl.kernel,
        out_type=jax.ShapeDtypeStruct((b_total, d_feat), jnp.float32),
        mesh=mesh,
        scratch_types=[
            pltpu.VMEM((2 * chunk_words,), jnp.int32),
            pltpu.VMEM((2, chunk_words, d_feat), jnp.float32),
            pltpu.VMEM((2, _C, d_feat), jnp.float32),
            pltpu.SemaphoreType.DMA,
            pltpu.SemaphoreType.DMA,
            pltpu.SemaphoreType.DMA,
            pltpu.SemaphoreType.DMA,
            pltpu.SemaphoreType.DMA,
            pltpu.SemaphoreType.DMA,
        ],
    )
    def sc_kernel(idx_hbm, table_hbm, out_hbm, idx_v, rows_v, out_v,
                  i_sem0, i_sem1, g_sem0, g_sem1, o_sem0, o_sem1):
        core = lax.axis_index("core")
        sub = lax.axis_index("subcore")
        my_cpw = jnp.where(core == 0, cpw0, cpw1)
        c0 = jnp.where(core == 0, sub * cpw0,
                       _NUM_SUBCORES * cpw0 + sub * cpw1)
        i_sems = (i_sem0, i_sem1)
        g_sems = (g_sem0, g_sem1)
        o_sems = (o_sem0, o_sem1)

        def idx_copy(j, buf):
            return pltpu.make_async_copy(
                idx_hbm.at[pl.ds((c0 + j) * chunk_words, chunk_words)],
                idx_v.at[pl.ds(buf * chunk_words, chunk_words)], i_sems[buf])

        def gather_copy(buf):
            return pltpu.make_async_copy(
                table_hbm.at[idx_v.at[pl.ds(buf * chunk_words, chunk_words)]],
                rows_v.at[buf], g_sems[buf])

        def issue_gathers(buf):
            gather_copy(buf).start()

        def drain_gathers(buf):
            gather_copy(buf).wait()

        def _out_do(j, buf, op):
            row0 = (c0 + j) * _C
            full = pltpu.make_async_copy(
                out_v.at[buf], out_hbm.at[pl.ds(row0, _C)], o_sems[buf])

            @pl.when(row0 + _C <= b_total)
            def _():
                getattr(full, op)()

            if tail:
                part = pltpu.make_async_copy(
                    out_v.at[buf, pl.ds(0, tail)],
                    out_hbm.at[pl.ds(row0, tail)], o_sems[buf])

                @pl.when((row0 < b_total) & (row0 + _C > b_total))
                def _():
                    getattr(part, op)()

        def out_start(j, buf):
            _out_do(j, buf, "start")

        def out_wait(j, buf):
            _out_do(j, buf, "wait")

        def compute(j, buf):
            row0 = (c0 + j) * _C

            def row_body(c, carry):
                scale = jnp.where(row0 + c == b_last,
                                  jnp.float32(1.0), jnp.float32(inv_s))
                for g in range(n_groups):
                    sl = pl.ds(g * _LANES, _LANES)
                    acc = rows_v[buf, c, sl]
                    for s in range(1, n_streams - 1):
                        acc = acc + rows_v[buf, s * _C + c, sl]
                    out_v[buf, c, sl] = (
                        rows_v[buf, (n_streams - 1) * _C + c, sl] + scale * acc)
                return carry

            lax.fori_loop(0, _C, row_body, 0)

        idx_copy(0, 0).start()
        idx_copy(0, 0).wait()
        issue_gathers(0)
        idx_copy(1, 1).start()

        def pair_body(j, carry):
            for buf in (0, 1):
                jc = j + buf
                nbuf = 1 - buf

                @pl.when(jc + 1 < my_cpw)
                def _():
                    idx_copy(jc + 1, nbuf).wait()
                    issue_gathers(nbuf)

                drain_gathers(buf)

                @pl.when(jc + 2 < my_cpw)
                def _():
                    idx_copy(jc + 2, buf).start()

                @pl.when(jc >= 2)
                def _():
                    out_wait(jc - 2, buf)

                compute(jc, buf)
                out_start(jc, buf)
            return carry

        lax.fori_loop(0, my_cpw // 2, lambda i, cr: pair_body(2 * i, cr), 0)

        out_wait(my_cpw - 2, 0)
        out_wait(my_cpw - 1, 1)

    return sc_kernel


def kernel(nodes, neigh_idx, num_sample, table):
    del num_sample
    b, s = neigh_idx.shape
    _, d = table.shape

    n_min = -(-b // _C)
    cpw0 = _even_ceil(n_min * _CORE0_FRAC / _NUM_SUBCORES)
    rem = max(0, n_min - _NUM_SUBCORES * cpw0)
    cpw1 = max(2, _even_ceil(rem / _NUM_SUBCORES))
    n_chunks = _NUM_SUBCORES * (cpw0 + cpw1)
    b_pad = n_chunks * _C

    comb = jnp.concatenate(
        [neigh_idx.T.astype(jnp.int32), nodes[None, :].astype(jnp.int32)], axis=0)
    comb = jnp.pad(comb, ((0, 0), (0, b_pad - b)))
    idx_arr = (comb.reshape(s + 1, n_chunks, _C).transpose(1, 0, 2)
               .reshape(n_chunks * (s + 1) * _C))

    sc = _make_sc_kernel(cpw0, cpw1, s + 1, d, b)
    return sc(idx_arr, table)

# --- scband reference (transcript-rebuilt; emitter-appended) ---
"""Pipeline reference for scband-mean-aggregator-80204219286419 (READ-ONLY COPY).

The authoritative reference and input builder live on the scoring server;
editing this copy changes nothing except your own understanding.
"""

import jax, jax.numpy as jnp
import numpy as np

N_NODES = 100000
D_FEAT = 128
BATCH = 50000
NUM_SAMPLE = 10


def setup_inputs(seed: int = 0) -> dict:
    key = jax.random.key(seed)
    k1, k2, k3 = jax.random.split(key, 3)
    # learned 'features' function modeled as an embedding table
    table = jax.random.normal(k1, (N_NODES, D_FEAT), dtype=jnp.float32)
    nodes = jax.random.randint(k2, (BATCH,), 0, N_NODES)
    # pre-sampled neighbor ids (random.sample of each to_neigh set, num_sample per node)
    neigh_idx = jax.random.randint(k3, (BATCH, NUM_SAMPLE), 0, N_NODES)
    return {"nodes": nodes, "neigh_idx": neigh_idx, "num_sample": NUM_SAMPLE, "table": table}


def reference(nodes, neigh_idx, num_sample, table):
    # MeanAggregator.forward (gcn=False):
    #  - sample num_sample neighbors per node (pre-sampled as neigh_idx)
    #  - build sparse row-normalized mask; original code's normalization loop only
    #    rewrites weights when the row index changes, so the LAST row keeps weight
    #    1.0 per entry (sum instead of mean). We replicate that exactly.
    #  - to_feats = features(nodes) + mask.mm(features(unique_neighbors))
    B, S = neigh_idx.shape
    row_w = jnp.full((B,), 1.0 / S, dtype=jnp.float32).at[B - 1].set(1.0)
    neigh_feats = jnp.take(table, neigh_idx, axis=0)          # gather [B, S, d]
    agg = neigh_feats.sum(axis=1) * row_w[:, None]            # sparse mask.mm equivalent
    node_feats = jnp.take(table, nodes, axis=0)               # gather [B, d]
    to_feats = node_feats + agg
    return to_feats

if __name__ == "__main__":
    import jax
    _d = setup_inputs()
    print(jax.jit(kernel)(*tuple(_d.values())))

</pallas_src>

<mosaic_0001>
#map = affine_map<(d0, d1) -> (0)>
#map1 = affine_map<(d0, d1) -> (0, 0)>
module attributes {stable_mosaic.version = 14 : i64} {
  func.func @sc_kernel(%arg0: i32, %arg1: i32, %arg2: memref<551936xi32, #tpu.memory_space<hbm>>, %arg3: memref<100000x128xf32, #tpu.memory_space<hbm>>, %arg4: memref<50000x128xf32, #tpu.memory_space<hbm>>, %arg5: memref<704xi32, #tpu.memory_space<vmem>>, %arg6: memref<2x352x128xf32, #tpu.memory_space<vmem>>, %arg7: memref<2x32x128xf32, #tpu.memory_space<vmem>>, %arg8: memref<!tpu.dma_semaphore, #tpu.memory_space<semaphore_mem>>, %arg9: memref<!tpu.dma_semaphore, #tpu.memory_space<semaphore_mem>>, %arg10: memref<!tpu.dma_semaphore, #tpu.memory_space<semaphore_mem>>, %arg11: memref<!tpu.dma_semaphore, #tpu.memory_space<semaphore_mem>>, %arg12: memref<!tpu.dma_semaphore, #tpu.memory_space<semaphore_mem>>, %arg13: memref<!tpu.dma_semaphore, #tpu.memory_space<semaphore_mem>>) attributes {dimension_semantics = [#tpu.dimension_semantics<core_parallel>, #tpu.dimension_semantics<subcore_parallel>], iteration_bounds = array<i64: 2, 16>, scalar_prefetch = 0 : i64, scratch_operands = 9 : i64, tpu.core_type = #tpu.core_type<sc_vector_subcore>, window_params = [{transform_indices = #map}, {transform_indices = #map1}, {transform_indices = #map1}]} {
    %eq3A = arith.constant 0 : i32
    %eq3A_0 = arith.cmpi eq, %arg0, %eq3A : i32
    %jit3A = arith.constant 84 : i32
    %jit3A_1 = arith.constant 14 : i32
    %select_n3A = arith.select %eq3A_0, %jit3A, %jit3A_1 : i32
    %eq3A_2 = arith.constant 0 : i32
    %eq3A_3 = arith.cmpi eq, %arg0, %eq3A_2 : i32
    %mul3A = arith.constant 84 : i32
    %mul3A_4 = arith.muli %arg1, %mul3A : i32
    %mul3A_5 = arith.constant 14 : i32
    %mul3A_6 = arith.muli %arg1, %mul3A_5 : i32
    %add3A = arith.constant 1344 : i32
    %add3A_7 = arith.addi %add3A, %mul3A_6 : i32
    %select_n3A_8 = arith.select %eq3A_3, %mul3A_4, %add3A_7 : i32
    %add3A_9 = arith.constant 0 : i32
    %add3A_10 = arith.addi %select_n3A_8, %add3A_9 : i32
    %mul3A_11 = arith.constant 352 : i32
    %mul3A_12 = arith.muli %add3A_10, %mul3A_11 : i32
    %dma_start3A = arith.constant 0 : i32
    %dma_start3A_13 = tpu.memref_slice %arg5[%dma_start3A] : memref<704xi32, #tpu.memory_space<vmem>> -> memref<352xi32, #tpu.memory_space<vmem>>
    %dma_start3A_14 = tpu.memref_slice %arg2[%mul3A_12] : memref<551936xi32, #tpu.memory_space<hbm>> -> memref<352xi32, #tpu.memory_space<hbm>>
    %dma_start3A_15 = arith.constant 0 : i32
    %dma_start3A_16 = tpu.memref_slice %arg5[%dma_start3A_15] : memref<704xi32, #tpu.memory_space<vmem>> -> memref<352xi32, #tpu.memory_space<vmem>>
    %dma_start3A_17 = tpu.memref_slice %arg2[%mul3A_12] : memref<551936xi32, #tpu.memory_space<hbm>> -> memref<352xi32, #tpu.memory_space<hbm>>
    tpu.enqueue_dma source(%dma_start3A_17 : memref<352xi32, #tpu.memory_space<hbm>>) target(%dma_start3A_16 : memref<352xi32, #tpu.memory_space<vmem>>) target_semaphore(%arg8 : memref<!tpu.dma_semaphore, #tpu.memory_space<semaphore_mem>>)
    %add3A_18 = arith.constant 0 : i32
    %add3A_19 = arith.addi %select_n3A_8, %add3A_18 : i32
    %mul3A_20 = arith.constant 352 : i32
    %mul3A_21 = arith.muli %add3A_19, %mul3A_20 : i32
    %dma_wait3A = arith.constant 0 : i32
    %dma_wait3A_22 = tpu.memref_slice %arg5[%dma_wait3A] : memref<704xi32, #tpu.memory_space<vmem>> -> memref<352xi32, #tpu.memory_space<vmem>>
    %dma_wait3A_23 = tpu.memref_slice %arg2[%mul3A_21] : memref<551936xi32, #tpu.memory_space<hbm>> -> memref<352xi32, #tpu.memory_space<hbm>>
    %dma_wait3A_24 = arith.constant 0 : i32
    %dma_wait3A_25 = tpu.memref_slice %arg5[%dma_wait3A_24] : memref<704xi32, #tpu.memory_space<vmem>> -> memref<352xi32, #tpu.memory_space<vmem>>
    %dma_wait3A_26 = tpu.memref_slice %arg2[%mul3A_21] : memref<551936xi32, #tpu.memory_space<hbm>> -> memref<352xi32, #tpu.memory_space<hbm>>
    tpu.wait_dma2 semaphore(%arg8 : memref<!tpu.dma_semaphore, #tpu.memory_space<semaphore_mem>>) src(%dma_wait3A_26 : memref<352xi32, #tpu.memory_space<hbm>>) dst(%dma_wait3A_25 : memref<352xi32, #tpu.memory_space<vmem>>)
    %dma_start3A_27 = arith.constant 0 : i32
    %dma_start3A_28 = arith.constant 0 : i32
    %dma_start3A_29 = arith.constant 0 : i32
    %dma_start3A_30 = tpu.memref_slice %arg6[%dma_start3A_27, %dma_start3A_28, %dma_start3A_29] : memref<2x352x128xf32, #tpu.memory_space<vmem>> -> memref<1x352x128xf32, #tpu.memory_space<vmem>>
    %dma_start3A_31 = tpu.memref_squeeze %dma_start3A_30 : memref<1x352x128xf32, #tpu.memory_space<vmem>> -> memref<352x128xf32, #tpu.memory_space<vmem>>
    %dma_start3A_32 = arith.constant 0 : i32
    %dma_start3A_33 = tpu.memref_slice %arg5[%dma_start3A_32] : memref<704xi32, #tpu.memory_space<vmem>> -> memref<352xi32, #tpu.memory_space<vmem>>
    %dma_start3A_34 = arith.constant 0 : i32
    %dma_start3A_35 = arith.constant 0 : i32
    %dma_start3A_36 = tpu.memref_slice %arg3[%dma_start3A_34, %dma_start3A_35] : memref<100000x128xf32, #tpu.memory_space<hbm>> -> memref<100000x128xf32, #tpu.memory_space<hbm>>
    tpu.enqueue_indirect_dma source(%dma_start3A_36 : memref<100000x128xf32, #tpu.memory_space<hbm>>) target(%dma_start3A_31 : memref<352x128xf32, #tpu.memory_space<vmem>>) offsets(%dma_start3A_33 : memref<352xi32, #tpu.memory_space<vmem>>) semaphore(%arg10 : memref<!tpu.dma_semaphore, #tpu.memory_space<semaphore_mem>>)
    %add3A_37 = arith.constant 1 : i32
    %add3A_38 = arith.addi %select_n3A_8, %add3A_37 : i32
    %mul3A_39 = arith.constant 352 : i32
    %mul3A_40 = arith.muli %add3A_38, %mul3A_39 : i32
    %dma_start3A_41 = arith.constant 352 : i32
    %dma_start3A_42 = tpu.memref_slice %arg5[%dma_start3A_41] : memref<704xi32, #tpu.memory_space<vmem>> -> memref<352xi32, #tpu.memory_space<vmem>>
    %dma_start3A_43 = tpu.memref_slice %arg2[%mul3A_40] : memref<551936xi32, #tpu.memory_space<hbm>> -> memref<352xi32, #tpu.memory_space<hbm>>
    %dma_start3A_44 = arith.constant 352 : i32
    %dma_start3A_45 = tpu.memref_slice %arg5[%dma_start3A_44] : memref<704xi32, #tpu.memory_space<vmem>> -> memref<352xi32, #tpu.memory_space<vmem>>
    %dma_start3A_46 = tpu.memref_slice %arg2[%mul3A_40] : memref<551936xi32, #tpu.memory_space<hbm>> -> memref<352xi32, #tpu.memory_space<hbm>>
    tpu.enqueue_dma source(%dma_start3A_46 : memref<352xi32, #tpu.memory_space<hbm>>) target(%dma_start3A_45 : memref<352xi32, #tpu.memory_space<vmem>>) target_semaphore(%arg9 : memref<!tpu.dma_semaphore, #tpu.memory_space<semaphore_mem>>)
    %jit3A_47 = arith.constant 2 : i32
    %div3A = arith.divsi %select_n3A, %jit3A_47 : i32
    %sign3A = arith.constant 0 : i32
    %sign3A_48 = arith.cmpi sgt, %select_n3A, %sign3A : i32
    %sign3A_49 = arith.extui %sign3A_48 : i1 to i32
    %sign3A_50 = arith.constant 0 : i32
    %sign3A_51 = arith.cmpi slt, %select_n3A, %sign3A_50 : i32
    %sign3A_52 = arith.extui %sign3A_51 : i1 to i32
    %sign3A_53 = arith.subi %sign3A_49, %sign3A_52 : i32
    %sign3A_54 = arith.constant 0 : i32
    %sign3A_55 = arith.cmpi sgt, %jit3A_47, %sign3A_54 : i32
    %sign3A_56 = arith.extui %sign3A_55 : i1 to i32
    %sign3A_57 = arith.constant 0 : i32
    %sign3A_58 = arith.cmpi slt, %jit3A_47, %sign3A_57 : i32
    %sign3A_59 = arith.extui %sign3A_58 : i1 to i32
    %sign3A_60 = arith.subi %sign3A_56, %sign3A_59 : i32
    %ne3A = arith.cmpi ne, %sign3A_53, %sign3A_60 : i32
    %rem3A = arith.remsi %select_n3A, %jit3A_47 : i32
    %ne3A_61 = arith.constant 0 : i32
    %ne3A_62 = arith.cmpi ne, %rem3A, %ne3A_61 : i32
    %and3A = arith.andi %ne3A, %ne3A_62 : i1
    %sub3A = arith.constant 1 : i32
    %sub3A_63 = arith.subi %div3A, %sub3A : i32
    %select_n3A_64 = arith.select %and3A, %sub3A_63, %div3A : i32
    %while3A = arith.constant 0 : i32
    %while3A_65 = arith.constant 0 : i32
    %while3A_66 = arith.subi %select_n3A_64, %while3A_65 : i32
    %while3A_67 = arith.addi %while3A_65, %while3A_66 : i32
    %while3A_68 = arith.constant 1 : i32
    %while3A_69 = arith.divsi %while3A_66, %while3A_68 : i32
    %while3A_70 = arith.muli %while3A_69, %while3A_68 : i32
    %while3A_71 = arith.addi %while3A_65, %while3A_70 : i32
    %while3A_72 = arith.constant 1 : i32
    scf.for %while3A_117 = %while3A_65 to %while3A_71 step %while3A_72  : i32 {
      %mul3A_118 = arith.constant 2 : i32
      %mul3A_119 = arith.muli %mul3A_118, %while3A_117 : i32
      %add3A_120 = arith.constant 0 : i32
      %add3A_121 = arith.addi %mul3A_119, %add3A_120 : i32
      %add3A_122 = arith.constant 1 : i32
      %add3A_123 = arith.addi %add3A_121, %add3A_122 : i32
      %lt3A_124 = arith.cmpi slt, %add3A_123, %select_n3A : i32
      %convert_element_type3A_125 = arith.extui %lt3A_124 : i1 to i32
      %cond3A_126 = arith.constant 0 : i32
      %cond3A_127 = arith.cmpi ne, %convert_element_type3A_125, %cond3A_126 : i32
      scf.if %cond3A_127 {
        %add3A_238 = arith.constant 1 : i32
        %add3A_239 = arith.addi %add3A_121, %add3A_238 : i32
        %add3A_240 = arith.addi %select_n3A_8, %add3A_239 : i32
        %mul3A_241 = arith.constant 352 : i32
        %mul3A_242 = arith.muli %add3A_240, %mul3A_241 : i32
        %dma_wait3A_243 = arith.constant 352 : i32
        %dma_wait3A_244 = tpu.memref_slice %arg5[%dma_wait3A_243] : memref<704xi32, #tpu.memory_space<vmem>> -> memref<352xi32, #tpu.memory_space<vmem>>
        %dma_wait3A_245 = tpu.memref_slice %arg2[%mul3A_242] : memref<551936xi32, #tpu.memory_space<hbm>> -> memref<352xi32, #tpu.memory_space<hbm>>
        %dma_wait3A_246 = arith.constant 352 : i32
        %dma_wait3A_247 = tpu.memref_slice %arg5[%dma_wait3A_246] : memref<704xi32, #tpu.memory_space<vmem>> -> memref<352xi32, #tpu.memory_space<vmem>>
        %dma_wait3A_248 = tpu.memref_slice %arg2[%mul3A_242] : memref<551936xi32, #tpu.memory_space<hbm>> -> memref<352xi32, #tpu.memory_space<hbm>>
        tpu.wait_dma2 semaphore(%arg9 : memref<!tpu.dma_semaphore, #tpu.memory_space<semaphore_mem>>) src(%dma_wait3A_248 : memref<352xi32, #tpu.memory_space<hbm>>) dst(%dma_wait3A_247 : memref<352xi32, #tpu.memory_space<vmem>>)
        %dma_start3A_249 = arith.constant 1 : i32
        %dma_start3A_250 = arith.constant 0 : i32
        %dma_start3A_251 = arith.constant 0 : i32
        %dma_start3A_252 = tpu.memref_slice %arg6[%dma_start3A_249, %dma_start3A_250, %dma_start3A_251] : memref<2x352x128xf32, #tpu.memory_space<vmem>> -> memref<1x352x128xf32, #tpu.memory_space<vmem>>
        %dma_start3A_253 = tpu.memref_squeeze %dma_start3A_252 : memref<1x352x128xf32, #tpu.memory_space<vmem>> -> memref<352x128xf32, #tpu.memory_space<vmem>>
        %dma_start3A_254 = arith.constant 352 : i32
        %dma_start3A_255 = tpu.memref_slice %arg5[%dma_start3A_254] : memref<704xi32, #tpu.memory_space<vmem>> -> memref<352xi32, #tpu.memory_space<vmem>>
        %dma_start3A_256 = arith.constant 0 : i32
        %dma_start3A_257 = arith.constant 0 : i32
        %dma_start3A_258 = tpu.memref_slice %arg3[%dma_start3A_256, %dma_start3A_257] : memref<100000x128xf32, #tpu.memory_space<hbm>> -> memref<100000x128xf32, #tpu.memory_space<hbm>>
        tpu.enqueue_indirect_dma source(%dma_start3A_258 : memref<100000x128xf32, #tpu.memory_space<hbm>>) target(%dma_start3A_253 : memref<352x128xf32, #tpu.memory_space<vmem>>) offsets(%dma_start3A_255 : memref<352xi32, #tpu.memory_space<vmem>>) semaphore(%arg11 : memref<!tpu.dma_semaphore, #tpu.memory_space<semaphore_mem>>)
      } else {
      }
      %dma_wait3A_128 = arith.constant 0 : i32
      %dma_wait3A_129 = arith.constant 0 : i32
      %dma_wait3A_130 = arith.constant 0 : i32
      %dma_wait3A_131 = tpu.memref_slice %arg6[%dma_wait3A_128, %dma_wait3A_129, %dma_wait3A_130] : memref<2x352x128xf32, #tpu.memory_space<vmem>> -> memref<1x352x128xf32, #tpu.memory_space<vmem>>
      %dma_wait3A_132 = tpu.memref_squeeze %dma_wait3A_131 : memref<1x352x128xf32, #tpu.memory_space<vmem>> -> memref<352x128xf32, #tpu.memory_space<vmem>>
      %dma_wait3A_133 = arith.constant 0 : i32
      %dma_wait3A_134 = tpu.memref_slice %arg5[%dma_wait3A_133] : memref<704xi32, #tpu.memory_space<vmem>> -> memref<352xi32, #tpu.memory_space<vmem>>
      %dma_wait3A_135 = arith.constant 0 : i32
      %dma_wait3A_136 = arith.constant 0 : i32
      %dma_wait3A_137 = tpu.memref_slice %arg3[%dma_wait3A_135, %dma_wait3A_136] : memref<100000x128xf32, #tpu.memory_space<hbm>> -> memref<100000x128xf32, #tpu.memory_space<hbm>>
      tpu.wait_indirect_dma semaphore(%arg10 : memref<!tpu.dma_semaphore, #tpu.memory_space<semaphore_mem>>) src(%dma_wait3A_137 : memref<100000x128xf32, #tpu.memory_space<hbm>>) dst(%dma_wait3A_132 : memref<352x128xf32, #tpu.memory_space<vmem>>)
      %add3A_138 = arith.constant 2 : i32
      %add3A_139 = arith.addi %add3A_121, %add3A_138 : i32
      %lt3A_140 = arith.cmpi slt, %add3A_139, %select_n3A : i32
      %convert_element_type3A_141 = arith.extui %lt3A_140 : i1 to i32
      %cond3A_142 = arith.constant 0 : i32
      %cond3A_143 = arith.cmpi ne, %convert_element_type3A_141, %cond3A_142 : i32
      scf.if %cond3A_143 {
        %add3A_238 = arith.constant 2 : i32
        %add3A_239 = arith.addi %add3A_121, %add3A_238 : i32
        %add3A_240 = arith.addi %select_n3A_8, %add3A_239 : i32
        %mul3A_241 = arith.constant 352 : i32
        %mul3A_242 = arith.muli %add3A_240, %mul3A_241 : i32
        %dma_start3A_243 = arith.constant 0 : i32
        %dma_start3A_244 = tpu.memref_slice %arg5[%dma_start3A_243] : memref<704xi32, #tpu.memory_space<vmem>> -> memref<352xi32, #tpu.memory_space<vmem>>
        %dma_start3A_245 = tpu.memref_slice %arg2[%mul3A_242] : memref<551936xi32, #tpu.memory_space<hbm>> -> memref<352xi32, #tpu.memory_space<hbm>>
        %dma_start3A_246 = arith.constant 0 : i32
        %dma_start3A_247 = tpu.memref_slice %arg5[%dma_start3A_246] : memref<704xi32, #tpu.memory_space<vmem>> -> memref<352xi32, #tpu.memory_space<vmem>>
        %dma_start3A_248 = tpu.memref_slice %arg2[%mul3A_242] : memref<551936xi32, #tpu.memory_space<hbm>> -> memref<352xi32, #tpu.memory_space<hbm>>
        tpu.enqueue_dma source(%dma_start3A_248 : memref<352xi32, #tpu.memory_space<hbm>>) target(%dma_start3A_247 : memref<352xi32, #tpu.memory_space<vmem>>) target_semaphore(%arg8 : memref<!tpu.dma_semaphore, #tpu.memory_space<semaphore_mem>>)
      } else {
      }
      %ge3A = arith.constant 2 : i32
      %ge3A_144 = arith.cmpi sge, %add3A_121, %ge3A : i32
      %convert_element_type3A_145 = arith.extui %ge3A_144 : i1 to i32
      %cond3A_146 = arith.constant 0 : i32
      %cond3A_147 = arith.cmpi ne, %convert_element_type3A_145, %cond3A_146 : i32
      scf.if %cond3A_147 {
        %sub3A_238 = arith.constant 2 : i32
        %sub3A_239 = arith.subi %add3A_121, %sub3A_238 : i32
        %add3A_240 = arith.addi %select_n3A_8, %sub3A_239 : i32
        %mul3A_241 = arith.constant 32 : i32
        %mul3A_242 = arith.muli %add3A_240, %mul3A_241 : i32
        %add3A_243 = arith.constant 32 : i32
        %add3A_244 = arith.addi %mul3A_242, %add3A_243 : i32
        %le3A_245 = arith.constant 50000 : i32
        %le3A_246 = arith.cmpi sle, %add3A_244, %le3A_245 : i32
        %convert_element_type3A_247 = arith.extui %le3A_246 : i1 to i32
        %cond3A_248 = arith.constant 0 : i32
        %cond3A_249 = arith.constant 0 : i32
        %cond3A_250 = arith.cmpi ne, %convert_element_type3A_247, %cond3A_249 : i32
        scf.if %cond3A_250 {
          %dma_wait3A_262 = arith.constant 0 : i32
          %dma_wait3A_263 = arith.constant 0 : i32
          %dma_wait3A_264 = tpu.memref_slice %arg7[%cond3A_248, %dma_wait3A_262, %dma_wait3A_263] : memref<2x32x128xf32, #tpu.memory_space<vmem>> -> memref<1x32x128xf32, #tpu.memory_space<vmem>>
          %dma_wait3A_265 = tpu.memref_squeeze %dma_wait3A_264 : memref<1x32x128xf32, #tpu.memory_space<vmem>> -> memref<32x128xf32, #tpu.memory_space<vmem>>
          %dma_wait3A_266 = arith.constant 0 : i32
          %dma_wait3A_267 = tpu.memref_slice %arg4[%mul3A_242, %dma_wait3A_266] : memref<50000x128xf32, #tpu.memory_space<hbm>> -> memref<32x128xf32, #tpu.memory_space<hbm>>
          %dma_wait3A_268 = arith.constant 0 : i32
          %dma_wait3A_269 = tpu.memref_slice %arg4[%mul3A_242, %dma_wait3A_268] : memref<50000x128xf32, #tpu.memory_space<hbm>> -> memref<32x128xf32, #tpu.memory_space<hbm>>
          %dma_wait3A_270 = arith.constant 0 : i32
          %dma_wait3A_271 = arith.constant 0 : i32
          %dma_wait3A_272 = tpu.memref_slice %arg7[%cond3A_248, %dma_wait3A_270, %dma_wait3A_271] : memref<2x32x128xf32, #tpu.memory_space<vmem>> -> memref<1x32x128xf32, #tpu.memory_space<vmem>>
          %dma_wait3A_273 = tpu.memref_squeeze %dma_wait3A_272 : memref<1x32x128xf32, #tpu.memory_space<vmem>> -> memref<32x128xf32, #tpu.memory_space<vmem>>
          tpu.wait_dma2 semaphore(%arg12 : memref<!tpu.dma_semaphore, #tpu.memory_space<semaphore_mem>>) src(%dma_wait3A_273 : memref<32x128xf32, #tpu.memory_space<vmem>>) dst(%dma_wait3A_269 : memref<32x128xf32, #tpu.memory_space<hbm>>)
        } else {
        }
        %lt3A_251 = arith.constant 50000 : i32
        %lt3A_252 = arith.cmpi slt, %mul3A_242, %lt3A_251 : i32
        %add3A_253 = arith.constant 32 : i32
        %add3A_254 = arith.addi %mul3A_242, %add3A_253 : i32
        %gt3A_255 = arith.constant 50000 : i32
        %gt3A_256 = arith.cmpi sgt, %add3A_254, %gt3A_255 : i32
        %and3A_257 = arith.andi %lt3A_252, %gt3A_256 : i1
        %convert_element_type3A_258 = arith.extui %and3A_257 : i1 to i32
        %cond3A_259 = arith.constant 0 : i32
        %cond3A_260 = arith.constant 0 : i32
        %cond3A_261 = arith.cmpi ne, %convert_element_type3A_258, %cond3A_260 : i32
        scf.if %cond3A_261 {
          %dma_wait3A_262 = arith.constant 0 : i32
          %dma_wait3A_263 = arith.constant 0 : i32
          %dma_wait3A_264 = tpu.memref_slice %arg7[%cond3A_259, %dma_wait3A_262, %dma_wait3A_263] : memref<2x32x128xf32, #tpu.memory_space<vmem>> -> memref<1x16x128xf32, #tpu.memory_space<vmem>>
          %dma_wait3A_265 = tpu.memref_squeeze %dma_wait3A_264 : memref<1x16x128xf32, #tpu.memory_space<vmem>> -> memref<16x128xf32, #tpu.memory_space<vmem>>
          %dma_wait3A_266 = arith.constant 0 : i32
          %dma_wait3A_267 = tpu.memref_slice %arg4[%mul3A_242, %dma_wait3A_266] : memref<50000x128xf32, #tpu.memory_space<hbm>> -> memref<16x128xf32, #tpu.memory_space<hbm>>
          %dma_wait3A_268 = arith.constant 0 : i32
          %dma_wait3A_269 = tpu.memref_slice %arg4[%mul3A_242, %dma_wait3A_268] : memref<50000x128xf32, #tpu.memory_space<hbm>> -> memref<16x128xf32, #tpu.memory_space<hbm>>
          %dma_wait3A_270 = arith.constant 0 : i32
          %dma_wait3A_271 = arith.constant 0 : i32
          %dma_wait3A_272 = tpu.memref_slice %arg7[%cond3A_259, %dma_wait3A_270, %dma_wait3A_271] : memref<2x32x128xf32, #tpu.memory_space<vmem>> -> memref<1x16x128xf32, #tpu.memory_space<vmem>>
          %dma_wait3A_273 = tpu.memref_squeeze %dma_wait3A_272 : memref<1x16x128xf32, #tpu.memory_space<vmem>> -> memref<16x128xf32, #tpu.memory_space<vmem>>
          tpu.wait_dma2 semaphore(%arg12 : memref<!tpu.dma_semaphore, #tpu.memory_space<semaphore_mem>>) src(%dma_wait3A_273 : memref<16x128xf32, #tpu.memory_space<vmem>>) dst(%dma_wait3A_269 : memref<16x128xf32, #tpu.memory_space<hbm>>)
        } else {
        }
      } else {
      }
      %add3A_148 = arith.addi %select_n3A_8, %add3A_121 : i32
      %mul3A_149 = arith.constant 32 : i32
      %mul3A_150 = arith.muli %add3A_148, %mul3A_149 : i32
      %scan3A = arith.constant 0 : i32
      %scan3A_151 = arith.constant 0 : i32
      %scan3A_152 = arith.constant 32 : i32
      %scan3A_153 = arith.addi %scan3A_151, %scan3A_152 : i32
      %scan3A_154 = arith.constant 1 : i32
      scf.for %scan3A_238 = %scan3A_151 to %scan3A_153 step %scan3A_154  : i32 {
        %add3A_239 = arith.addi %mul3A_150, %scan3A_238 : i32
        %eq3A_240 = arith.constant 49999 : i32
        %eq3A_241 = arith.cmpi eq, %add3A_239, %eq3A_240 : i32
        %jit3A_242 = arith.constant 1.000000e+00 : f32
        %jit3A_243 = arith.constant 1.000000e-01 : f32
        %select_n3A_244 = arith.select %eq3A_241, %jit3A_242, %jit3A_243 : f32
        %get3A = arith.constant 0 : i32
        %get3A_245 = arith.index_cast %get3A : i32 to index
        %get3A_246 = arith.index_cast %scan3A_238 : i32 to index
        %get3A_247 = arith.constant 0 : index
        %get3A_248 = tpu.vector_load %arg6[%get3A_245, %get3A_246, %get3A_247] {strides = array<i32>} : memref<2x352x128xf32, #tpu.memory_space<vmem>>, vector<1x1x16xf32>,
        %get3A_249 = vector.shape_cast %get3A_248 : vector<1x1x16xf32> to vector<16xf32>
        %add3A_250 = arith.constant 32 : i32
        %add3A_251 = arith.addi %add3A_250, %scan3A_238 : i32
        %get3A_252 = arith.constant 0 : i32
        %get3A_253 = arith.index_cast %get3A_252 : i32 to index
        %get3A_254 = arith.index_cast %add3A_251 : i32 to index
        %get3A_255 = arith.constant 0 : index
        %get3A_256 = tpu.vector_load %arg6[%get3A_253, %get3A_254, %get3A_255] {strides = array<i32>} : memref<2x352x128xf32, #tpu.memory_space<vmem>>, vector<1x1x16xf32>,
        %get3A_257 = vector.shape_cast %get3A_256 : vector<1x1x16xf32> to vector<16xf32>
        %add3A_258 = arith.addf %get3A_249, %get3A_257 : vector<16xf32>
        %add3A_259 = arith.constant 64 : i32
        %add3A_260 = arith.addi %add3A_259, %scan3A_238 : i32
        %get3A_261 = arith.constant 0 : i32
        %get3A_262 = arith.index_cast %get3A_261 : i32 to index
        %get3A_263 = arith.index_cast %add3A_260 : i32 to index
        %get3A_264 = arith.constant 0 : index
        %get3A_265 = tpu.vector_load %arg6[%get3A_262, %get3A_263, %get3A_264] {strides = array<i32>} : memref<2x352x128xf32, #tpu.memory_space<vmem>>, vector<1x1x16xf32>,
        %get3A_266 = vector.shape_cast %get3A_265 : vector<1x1x16xf32> to vector<16xf32>
        %add3A_267 = arith.addf %add3A_258, %get3A_266 : vector<16xf32>
        %add3A_268 = arith.constant 96 : i32
        %add3A_269 = arith.addi %add3A_268, %scan3A_238 : i32
        %get3A_270 = arith.constant 0 : i32
        %get3A_271 = arith.index_cast %get3A_270 : i32 to index
        %get3A_272 = arith.index_cast %add3A_269 : i32 to index
        %get3A_273 = arith.constant 0 : index
        %get3A_274 = tpu.vector_load %arg6[%get3A_271, %get3A_272, %get3A_273] {strides = array<i32>} : memref<2x352x128xf32, #tpu.memory_space<vmem>>, vector<1x1x16xf32>,
        %get3A_275 = vector.shape_cast %get3A_274 : vector<1x1x16xf32> to vector<16xf32>
        %add3A_276 = arith.addf %add3A_267, %get3A_275 : vector<16xf32>
        %add3A_277 = arith.constant 128 : i32
        %add3A_278 = arith.addi %add3A_277, %scan3A_238 : i32
        %get3A_279 = arith.constant 0 : i32
        %get3A_280 = arith.index_cast %get3A_279 : i32 to index
        %get3A_281 = arith.index_cast %add3A_278 : i32 to index
        %get3A_282 = arith.constant 0 : index
        %get3A_283 = tpu.vector_load %arg6[%get3A_280, %get3A_281, %get3A_282] {strides = array<i32>} : memref<2x352x128xf32, #tpu.memory_space<vmem>>, vector<1x1x16xf32>,
        %get3A_284 = vector.shape_cast %get3A_283 : vector<1x1x16xf32> to vector<16xf32>
        %add3A_285 = arith.addf %add3A_276, %get3A_284 : vector<16xf32>
        %add3A_286 = arith.constant 160 : i32
        %add3A_287 = arith.addi %add3A_286, %scan3A_238 : i32
        %get3A_288 = arith.constant 0 : i32
        %get3A_289 = arith.index_cast %get3A_288 : i32 to index
        %get3A_290 = arith.index_cast %add3A_287 : i32 to index
        %get3A_291 = arith.constant 0 : index
        %get3A_292 = tpu.vector_load %arg6[%get3A_289, %get3A_290, %get3A_291] {strides = array<i32>} : memref<2x352x128xf32, #tpu.memory_space<vmem>>, vector<1x1x16xf32>,
        %get3A_293 = vector.shape_cast %get3A_292 : vector<1x1x16xf32> to vector<16xf32>
        %add3A_294 = arith.addf %add3A_285, %get3A_293 : vector<16xf32>
        %add3A_295 = arith.constant 192 : i32
        %add3A_296 = arith.addi %add3A_295, %scan3A_238 : i32
        %get3A_297 = arith.constant 0 : i32
        %get3A_298 = arith.index_cast %get3A_297 : i32 to index
        %get3A_299 = arith.index_cast %add3A_296 : i32 to index
        %get3A_300 = arith.constant 0 : index
        %get3A_301 = tpu.vector_load %arg6[%get3A_298, %get3A_299, %get3A_300] {strides = array<i32>} : memref<2x352x128xf32, #tpu.memory_space<vmem>>, vector<1x1x16xf32>,
        %get3A_302 = vector.shape_cast %get3A_301 : vector<1x1x16xf32> to vector<16xf32>
        %add3A_303 = arith.addf %add3A_294, %get3A_302 : vector<16xf32>
        %add3A_304 = arith.constant 224 : i32
        %add3A_305 = arith.addi %add3A_304, %scan3A_238 : i32
        %get3A_306 = arith.constant 0 : i32
        %get3A_307 = arith.index_cast %get3A_306 : i32 to index
        %get3A_308 = arith.index_cast %add3A_305 : i32 to index
        %get3A_309 = arith.constant 0 : index
        %get3A_310 = tpu.vector_load %arg6[%get3A_307, %get3A_308, %get3A_309] {strides = array<i32>} : memref<2x352x128xf32, #tpu.memory_space<vmem>>, vector<1x1x16xf32>,
        %get3A_311 = vector.shape_cast %get3A_310 : vector<1x1x16xf32> to vector<16xf32>
        %add3A_312 = arith.addf %add3A_303, %get3A_311 : vector<16xf32>
        %add3A_313 = arith.constant 256 : i32
        %add3A_314 = arith.addi %add3A_313, %scan3A_238 : i32
        %get3A_315 = arith.constant 0 : i32
        %get3A_316 = arith.index_cast %get3A_315 : i32 to index
        %get3A_317 = arith.index_cast %add3A_314 : i32 to index
        %get3A_318 = arith.constant 0 : index
        %get3A_319 = tpu.vector_load %arg6[%get3A_316, %get3A_317, %get3A_318] {strides = array<i32>} : memref<2x352x128xf32, #tpu.memory_space<vmem>>, vector<1x1x16xf32>,
        %get3A_320 = vector.shape_cast %get3A_319 : vector<1x1x16xf32> to vector<16xf32>
        %add3A_321 = arith.addf %add3A_312, %get3A_320 : vector<16xf32>
        %add3A_322 = arith.constant 288 : i32
        %add3A_323 = arith.addi %add3A_322, %scan3A_238 : i32
        %get3A_324 = arith.constant 0 : i32
        %get3A_325 = arith.index_cast %get3A_324 : i32 to index
        %get3A_326 = arith.index_cast %add3A_323 : i32 to index
        %get3A_327 = arith.constant 0 : index
        %get3A_328 = tpu.vector_load %arg6[%get3A_325, %get3A_326, %get3A_327] {strides = array<i32>} : memref<2x352x128xf32, #tpu.memory_space<vmem>>, vector<1x1x16xf32>,
        %get3A_329 = vector.shape_cast %get3A_328 : vector<1x1x16xf32> to vector<16xf32>
        %add3A_330 = arith.addf %add3A_321, %get3A_329 : vector<16xf32>
        %add3A_331 = arith.constant 320 : i32
        %add3A_332 = arith.addi %add3A_331, %scan3A_238 : i32
        %get3A_333 = arith.constant 0 : i32
        %get3A_334 = arith.index_cast %get3A_333 : i32 to index
        %get3A_335 = arith.index_cast %add3A_332 : i32 to index
        %get3A_336 = arith.constant 0 : index
        %get3A_337 = tpu.vector_load %arg6[%get3A_334, %get3A_335, %get3A_336] {strides = array<i32>} : memref<2x352x128xf32, #tpu.memory_space<vmem>>, vector<1x1x16xf32>,
        %get3A_338 = vector.shape_cast %get3A_337 : vector<1x1x16xf32> to vector<16xf32>
        %mul3A_339 = vector.broadcast %select_n3A_244 : f32 to vector<16xf32>
        %mul3A_340 = arith.mulf %mul3A_339, %add3A_330 : vector<16xf32>
        %add3A_341 = arith.addf %get3A_338, %mul3A_340 : vector<16xf32>
        %swap3A = arith.constant 0 : i32
        %swap3A_342 = arith.index_cast %swap3A : i32 to index
        %swap3A_343 = arith.index_cast %scan3A_238 : i32 to index
        %swap3A_344 = arith.constant 0 : index
        %swap3A_345 = tpu.vector_load %arg7[%swap3A_342, %swap3A_343, %swap3A_344] {strides = array<i32>} : memref<2x32x128xf32, #tpu.memory_space<vmem>>, vector<1x1x16xf32>,
        %swap3A_346 = vector.shape_cast %swap3A_345 : vector<1x1x16xf32> to vector<16xf32>
        %swap3A_347 = vector.shape_cast %add3A_341 : vector<16xf32> to vector<1x1x16xf32>
        tpu.vector_store %arg7[%swap3A_342, %swap3A_343, %swap3A_344], %swap3A_347 {strides = array<i32>} : memref<2x32x128xf32, #tpu.memory_space<vmem>>, vector<1x1x16xf32>,
        %get3A_348 = arith.constant 0 : i32
        %get3A_349 = arith.index_cast %get3A_348 : i32 to index
        %get3A_350 = arith.index_cast %scan3A_238 : i32 to index
        %get3A_351 = arith.constant 16 : index
        %get3A_352 = tpu.vector_load %arg6[%get3A_349, %get3A_350, %get3A_351] {strides = array<i32>} : memref<2x352x128xf32, #tpu.memory_space<vmem>>, vector<1x1x16xf32>,
        %get3A_353 = vector.shape_cast %get3A_352 : vector<1x1x16xf32> to vector<16xf32>
        %add3A_354 = arith.constant 32 : i32
        %add3A_355 = arith.addi %add3A_354, %scan3A_238 : i32
        %get3A_356 = arith.constant 0 : i32
        %get3A_357 = arith.index_cast %get3A_356 : i32 to index
        %get3A_358 = arith.index_cast %add3A_355 : i32 to index
        %get3A_359 = arith.constant 16 : index
        %get3A_360 = tpu.vector_load %arg6[%get3A_357, %get3A_358, %get3A_359] {strides = array<i32>} : memref<2x352x128xf32, #tpu.memory_space<vmem>>, vector<1x1x16xf32>,
        %get3A_361 = vector.shape_cast %get3A_360 : vector<1x1x16xf32> to vector<16xf32>
        %add3A_362 = arith.addf %get3A_353, %get3A_361 : vector<16xf32>
        %add3A_363 = arith.constant 64 : i32
        %add3A_364 = arith.addi %add3A_363, %scan3A_238 : i32
        %get3A_365 = arith.constant 0 : i32
        %get3A_366 = arith.index_cast %get3A_365 : i32 to index
        %get3A_367 = arith.index_cast %add3A_364 : i32 to index
        %get3A_368 = arith.constant 16 : index
        %get3A_369 = tpu.vector_load %arg6[%get3A_366, %get3A_367, %get3A_368] {strides = array<i32>} : memref<2x352x128xf32, #tpu.memory_space<vmem>>, vector<1x1x16xf32>,
        %get3A_370 = vector.shape_cast %get3A_369 : vector<1x1x16xf32> to vector<16xf32>
        %add3A_371 = arith.addf %add3A_362, %get3A_370 : vector<16xf32>
        %add3A_372 = arith.constant 96 : i32
        %add3A_373 = arith.addi %add3A_372, %scan3A_238 : i32
        %get3A_374 = arith.constant 0 : i32
        %get3A_375 = arith.index_cast %get3A_374 : i32 to index
        %get3A_376 = arith.index_cast %add3A_373 : i32 to index
        %get3A_377 = arith.constant 16 : index
        %get3A_378 = tpu.vector_load %arg6[%get3A_375, %get3A_376, %get3A_377] {strides = array<i32>} : memref<2x352x128xf32, #tpu.memory_space<vmem>>, vector<1x1x16xf32>,
        %get3A_379 = vector.shape_cast %get3A_378 : vector<1x1x16xf32> to vector<16xf32>
        %add3A_380 = arith.addf %add3A_371, %get3A_379 : vector<16xf32>
        %add3A_381 = arith.constant 128 : i32
        %add3A_382 = arith.addi %add3A_381, %scan3A_238 : i32
        %get3A_383 = arith.constant 0 : i32
        %get3A_384 = arith.index_cast %get3A_383 : i32 to index
        %get3A_385 = arith.index_cast %add3A_382 : i32 to index
        %get3A_386 = arith.constant 16 : index
        %get3A_387 = tpu.vector_load %arg6[%get3A_384, %get3A_385, %get3A_386] {strides = array<i32>} : memref<2x352x128xf32, #tpu.memory_space<vmem>>, vector<1x1x16xf32>,
        %get3A_388 = vector.shape_cast %get3A_387 : vector<1x1x16xf32> to vector<16xf32>
        %add3A_389 = arith.addf %add3A_380, %get3A_388 : vector<16xf32>
        %add3A_390 = arith.constant 160 : i32
        %add3A_391 = arith.addi %add3A_390, %scan3A_238 : i32
        %get3A_392 = arith.constant 0 : i32
        %get3A_393 = arith.index_cast %get3A_392 : i32 to index
        %get3A_394 = arith.index_cast %add3A_391 : i32 to index
        %get3A_395 = arith.constant 16 : index
        %get3A_396 = tpu.vector_load %arg6[%get3A_393, %get3A_394, %get3A_395] {strides = array<i32>} : memref<2x352x128xf32, #tpu.memory_space<vmem>>, vector<1x1x16xf32>,
        %get3A_397 = vector.shape_cast %get3A_396 : vector<1x1x16xf32> to vector<16xf32>
        %add3A_398 = arith.addf %add3A_389, %get3A_397 : vector<16xf32>
        %add3A_399 = arith.constant 192 : i32
        %add3A_400 = arith.addi %add3A_399, %scan3A_238 : i32
        %get3A_401 = arith.constant 0 : i32
        %get3A_402 = arith.index_cast %get3A_401 : i32 to index
        %get3A_403 = arith.index_cast %add3A_400 : i32 to index
        %get3A_404 = arith.constant 16 : index
        %get3A_405 = tpu.vector_load %arg6[%get3A_402, %get3A_403, %get3A_404] {strides = array<i32>} : memref<2x352x128xf32, #tpu.memory_space<vmem>>, vector<1x1x16xf32>,
        %get3A_406 = vector.shape_cast %get3A_405 : vector<1x1x16xf32> to vector<16xf32>
        %add3A_407 = arith.addf %add3A_398, %get3A_406 : vector<16xf32>
        %add3A_408 = arith.constant 224 : i32
        %add3A_409 = arith.addi %add3A_408, %scan3A_238 : i32
        %get3A_410 = arith.constant 0 : i32
        %get3A_411 = arith.index_cast %get3A_410 : i32 to index
        %get3A_412 = arith.index_cast %add3A_409 : i32 to index
        %get3A_413 = arith.constant 16 : index
        %get3A_414 = tpu.vector_load %arg6[%get3A_411, %get3A_412, %get3A_413] {strides = array<i32>} : memref<2x352x128xf32, #tpu.memory_space<vmem>>, vector<1x1x16xf32>,
        %get3A_415 = vector.shape_cast %get3A_414 : vector<1x1x16xf32> to vector<16xf32>
        %add3A_416 = arith.addf %add3A_407, %get3A_415 : vector<16xf32>
        %add3A_417 = arith.constant 256 : i32
        %add3A_418 = arith.addi %add3A_417, %scan3A_238 : i32
        %get3A_419 = arith.constant 0 : i32
        %get3A_420 = arith.index_cast %get3A_419 : i32 to index
        %get3A_421 = arith.index_cast %add3A_418 : i32 to index
        %get3A_422 = arith.constant 16 : index
        %get3A_423 = tpu.vector_load %arg6[%get3A_420, %get3A_421, %get3A_422] {strides = array<i32>} : memref<2x352x128xf32, #tpu.memory_space<vmem>>, vector<1x1x16xf32>,
        %get3A_424 = vector.shape_cast %get3A_423 : vector<1x1x16xf32> to vector<16xf32>
        %add3A_425 = arith.addf %add3A_416, %get3A_424 : vector<16xf32>
        %add3A_426 = arith.constant 288 : i32
        %add3A_427 = arith.addi %add3A_426, %scan3A_238 : i32
        %get3A_428 = arith.constant 0 : i32
        %get3A_429 = arith.index_cast %get3A_428 : i32 to index
        %get3A_430 = arith.index_cast %add3A_427 : i32 to index
        %get3A_431 = arith.constant 16 : index
        %get3A_432 = tpu.vector_load %arg6[%get3A_429, %get3A_430, %get3A_431] {strides = array<i32>} : memref<2x352x128xf32, #tpu.memory_space<vmem>>, vector<1x1x16xf32>,
        %get3A_433 = vector.shape_cast %get3A_432 : vector<1x1x16xf32> to vector<16xf32>
        %add3A_434 = arith.addf %add3A_425, %get3A_433 : vector<16xf32>
        %add3A_435 = arith.constant 320 : i32
        %add3A_436 = arith.addi %add3A_435, %scan3A_238 : i32
        %get3A_437 = arith.constant 0 : i32
        %get3A_438 = arith.index_cast %get3A_437 : i32 to index
        %get3A_439 = arith.index_cast %add3A_436 : i32 to index
        %get3A_440 = arith.constant 16 : index
        %get3A_441 = tpu.vector_load %arg6[%get3A_438, %get3A_439, %get3A_440] {strides = array<i32>} : memref<2x352x128xf32, #tpu.memory_space<vmem>>, vector<1x1x16xf32>,
        %get3A_442 = vector.shape_cast %get3A_441 : vector<1x1x16xf32> to vector<16xf32>
        %mul3A_443 = vector.broadcast %select_n3A_244 : f32 to vector<16xf32>
        %mul3A_444 = arith.mulf %mul3A_443, %add3A_434 : vector<16xf32>
        %add3A_445 = arith.addf %get3A_442, %mul3A_444 : vector<16xf32>
        %swap3A_446 = arith.constant 0 : i32
        %swap3A_447 = arith.index_cast %swap3A_446 : i32 to index
        %swap3A_448 = arith.index_cast %scan3A_238 : i32 to index
        %swap3A_449 = arith.constant 16 : index
        %swap3A_450 = tpu.vector_load %arg7[%swap3A_447, %swap3A_448, %swap3A_449] {strides = array<i32>} : memref<2x32x128xf32, #tpu.memory_space<vmem>>, vector<1x1x16xf32>,
        %swap3A_451 = vector.shape_cast %swap3A_450 : vector<1x1x16xf32> to vector<16xf32>
        %swap3A_452 = vector.shape_cast %add3A_445 : vector<16xf32> to vector<1x1x16xf32>
        tpu.vector_store %arg7[%swap3A_447, %swap3A_448, %swap3A_449], %swap3A_452 {strides = array<i32>} : memref<2x32x128xf32, #tpu.memory_space<vmem>>, vector<1x1x16xf32>,
        %get3A_453 = arith.constant 0 : i32
        %get3A_454 = arith.index_cast %get3A_453 : i32 to index
        %get3A_455 = arith.index_cast %scan3A_238 : i32 to index
        %get3A_456 = arith.constant 32 : index
        %get3A_457 = tpu.vector_load %arg6[%get3A_454, %get3A_455, %get3A_456] {strides = array<i32>} : memref<2x352x128xf32, #tpu.memory_space<vmem>>, vector<1x1x16xf32>,
        %get3A_458 = vector.shape_cast %get3A_457 : vector<1x1x16xf32> to vector<16xf32>
        %add3A_459 = arith.constant 32 : i32
        %add3A_460 = arith.addi %add3A_459, %scan3A_238 : i32
        %get3A_461 = arith.constant 0 : i32
        %get3A_462 = arith.index_cast %get3A_461 : i32 to index
        %get3A_463 = arith.index_cast %add3A_460 : i32 to index
        %get3A_464 = arith.constant 32 : index
        %get3A_465 = tpu.vector_load %arg6[%get3A_462, %get3A_463, %get3A_464] {strides = array<i32>} : memref<2x352x128xf32, #tpu.memory_space<vmem>>, vector<1x1x16xf32>,
        %get3A_466 = vector.shape_cast %get3A_465 : vector<1x1x16xf32> to vector<16xf32>
        %add3A_467 = arith.addf %get3A_458, %get3A_466 : vector<16xf32>
        %add3A_468 = arith.constant 64 : i32
        %add3A_469 = arith.addi %add3A_468, %scan3A_238 : i32
        %get3A_470 = arith.constant 0 : i32
        %get3A_471 = arith.index_cast %get3A_470 : i32 to index
        %get3A_472 = arith.index_cast %add3A_469 : i32 to index
        %get3A_473 = arith.constant 32 : index
        %get3A_474 = tpu.vector_load %arg6[%get3A_471, %get3A_472, %get3A_473] {strides = array<i32>} : memref<2x352x128xf32, #tpu.memory_space<vmem>>, vector<1x1x16xf32>,
        %get3A_475 = vector.shape_cast %get3A_474 : vector<1x1x16xf32> to vector<16xf32>
        %add3A_476 = arith.addf %add3A_467, %get3A_475 : vector<16xf32>
        %add3A_477 = arith.constant 96 : i32
        %add3A_478 = arith.addi %add3A_477, %scan3A_238 : i32
        %get3A_479 = arith.constant 0 : i32
        %get3A_480 = arith.index_cast %get3A_479 : i32 to index
        %get3A_481 = arith.index_cast %add3A_478 : i32 to index
        %get3A_482 = arith.constant 32 : index
        %get3A_483 = tpu.vector_load %arg6[%get3A_480, %get3A_481, %get3A_482] {strides = array<i32>} : memref<2x352x128xf32, #tpu.memory_space<vmem>>, vector<1x1x16xf32>,
        %get3A_484 = vector.shape_cast %get3A_483 : vector<1x1x16xf32> to vector<16xf32>
        %add3A_485 = arith.addf %add3A_476, %get3A_484 : vector<16xf32>
        %add3A_486 = arith.constant 128 : i32
        %add3A_487 = arith.addi %add3A_486, %scan3A_238 : i32
        %get3A_488 = arith.constant 0 : i32
        %get3A_489 = arith.index_cast %get3A_488 : i32 to index
        %get3A_490 = arith.index_cast %add3A_487 : i32 to index
        %get3A_491 = arith.constant 32 : index
        %get3A_492 = tpu.vector_load %arg6[%get3A_489, %get3A_490, %get3A_491] {strides = array<i32>} : memref<2x352x128xf32, #tpu.memory_space<vmem>>, vector<1x1x16xf32>,
        %get3A_493 = vector.shape_cast %get3A_492 : vector<1x1x16xf32> to vector<16xf32>
        %add3A_494 = arith.addf %add3A_485, %get3A_493 : vector<16xf32>
        %add3A_495 = arith.constant 160 : i32
        %add3A_496 = arith.addi %add3A_495, %scan3A_238 : i32
        %get3A_497 = arith.constant 0 : i32
        %get3A_498 = arith.index_cast %get3A_497 : i32 to index
        %get3A_499 = arith.index_cast %add3A_496 : i32 to index
        %get3A_500 = arith.constant 32 : index
        %get3A_501 = tpu.vector_load %arg6[%get3A_498, %get3A_499, %get3A_500] {strides = array<i32>} : memref<2x352x128xf32, #tpu.memory_space<vmem>>, vector<1x1x16xf32>,
        %get3A_502 = vector.shape_cast %get3A_501 : vector<1x1x16xf32> to vector<16xf32>
        %add3A_503 = arith.addf %add3A_494, %get3A_502 : vector<16xf32>
        %add3A_504 = arith.constant 192 : i32
        %add3A_505 = arith.addi %add3A_504, %scan3A_238 : i32
        %get3A_506 = arith.constant 0 : i32
        %get3A_507 = arith.index_cast %get3A_506 : i32 to index
        %get3A_508 = arith.index_cast %add3A_505 : i32 to index
        %get3A_509 = arith.constant 32 : index
        %get3A_510 = tpu.vector_load %arg6[%get3A_507, %get3A_508, %get3A_509] {strides = array<i32>} : memref<2x352x128xf32, #tpu.memory_space<vmem>>, vector<1x1x16xf32>,
        %get3A_511 = vector.shape_cast %get3A_510 : vector<1x1x16xf32> to vector<16xf32>
        %add3A_512 = arith.addf %add3A_503, %get3A_511 : vector<16xf32>
        %add3A_513 = arith.constant 224 : i32
        %add3A_514 = arith.addi %add3A_513, %scan3A_238 : i32
        %get3A_515 = arith.constant 0 : i32
        %get3A_516 = arith.index_cast %get3A_515 : i32 to index
        %get3A_517 = arith.index_cast %add3A_514 : i32 to index
        %get3A_518 = arith.constant 32 : index
        %get3A_519 = tpu.vector_load %arg6[%get3A_516, %get3A_517, %get3A_518] {strides = array<i32>} : memref<2x352x128xf32, #tpu.memory_space<vmem>>, vector<1x1x16xf32>,
        %get3A_520 = vector.shape_cast %get3A_519 : vector<1x1x16xf32> to vector<16xf32>
        %add3A_521 = arith.addf %add3A_512, %get3A_520 : vector<16xf32>
        %add3A_522 = arith.constant 256 : i32
        %add3A_523 = arith.addi %add3A_522, %scan3A_238 : i32
        %get3A_524 = arith.constant 0 : i32
        %get3A_525 = arith.index_cast %get3A_524 : i32 to index
        %get3A_526 = arith.index_cast %add3A_523 : i32 to index
        %get3A_527 = arith.constant 32 : index
        %get3A_528 = tpu.vector_load %arg6[%get3A_525, %get3A_526, %get3A_527] {strides = array<i32>} : memref<2x352x128xf32, #tpu.memory_space<vmem>>, vector<1x1x16xf32>,
        %get3A_529 = vector.shape_cast %get3A_528 : vector<1x1x16xf32> to vector<16xf32>
        %add3A_530 = arith.addf %add3A_521, %get3A_529 : vector<16xf32>
        %add3A_531 = arith.constant 288 : i32
        %add3A_532 = arith.addi %add3A_531, %scan3A_238 : i32
        %get3A_533 = arith.constant 0 : i32
        %get3A_534 = arith.index_cast %get3A_533 : i32 to index
        %get3A_535 = arith.index_cast %add3A_532 : i32 to index
        %get3A_536 = arith.constant 32 : index
        %get3A_537 = tpu.vector_load %arg6[%get3A_534, %get3A_535, %get3A_536] {strides = array<i32>} : memref<2x352x128xf32, #tpu.memory_space<vmem>>, vector<1x1x16xf32>,
        %get3A_538 = vector.shape_cast %get3A_537 : vector<1x1x16xf32> to vector<16xf32>
        %add3A_539 = arith.addf %add3A_530, %get3A_538 : vector<16xf32>
        %add3A_540 = arith.constant 320 : i32
        %add3A_541 = arith.addi %add3A_540, %scan3A_238 : i32
        %get3A_542 = arith.constant 0 : i32
        %get3A_543 = arith.index_cast %get3A_542 : i32 to index
        %get3A_544 = arith.index_cast %add3A_541 : i32 to index
        %get3A_545 = arith.constant 32 : index
        %get3A_546 = tpu.vector_load %arg6[%get3A_543, %get3A_544, %get3A_545] {strides = array<i32>} : memref<2x352x128xf32, #tpu.memory_space<vmem>>, vector<1x1x16xf32>,
        %get3A_547 = vector.shape_cast %get3A_546 : vector<1x1x16xf32> to vector<16xf32>
        %mul3A_548 = vector.broadcast %select_n3A_244 : f32 to vector<16xf32>
        %mul3A_549 = arith.mulf %mul3A_548, %add3A_539 : vector<16xf32>
        %add3A_550 = arith.addf %get3A_547, %mul3A_549 : vector<16xf32>
        %swap3A_551 = arith.constant 0 : i32
        %swap3A_552 = arith.index_cast %swap3A_551 : i32 to index
        %swap3A_553 = arith.index_cast %scan3A_238 : i32 to index
        %swap3A_554 = arith.constant 32 : index
        %swap3A_555 = tpu.vector_load %arg7[%swap3A_552, %swap3A_553, %swap3A_554] {strides = array<i32>} : memref<2x32x128xf32, #tpu.memory_space<vmem>>, vector<1x1x16xf32>,
        %swap3A_556 = vector.shape_cast %swap3A_555 : vector<1x1x16xf32> to vector<16xf32>
        %swap3A_557 = vector.shape_cast %add3A_550 : vector<16xf32> to vector<1x1x16xf32>
        tpu.vector_store %arg7[%swap3A_552, %swap3A_553, %swap3A_554], %swap3A_557 {strides = array<i32>} : memref<2x32x128xf32, #tpu.memory_space<vmem>>, vector<1x1x16xf32>,
        %get3A_558 = arith.constant 0 : i32
        %get3A_559 = arith.index_cast %get3A_558 : i32 to index
        %get3A_560 = arith.index_cast %scan3A_238 : i32 to index
        %get3A_561 = arith.constant 48 : index
        %get3A_562 = tpu.vector_load %arg6[%get3A_559, %get3A_560, %get3A_561] {strides = array<i32>} : memref<2x352x128xf32, #tpu.memory_space<vmem>>, vector<1x1x16xf32>,
        %get3A_563 = vector.shape_cast %get3A_562 : vector<1x1x16xf32> to vector<16xf32>
        %add3A_564 = arith.constant 32 : i32
        %add3A_565 = arith.addi %add3A_564, %scan3A_238 : i32
        %get3A_566 = arith.constant 0 : i32
        %get3A_567 = arith.index_cast %get3A_566 : i32 to index
        %get3A_568 = arith.index_cast %add3A_565 : i32 to index
        %get3A_569 = arith.constant 48 : index
        %get3A_570 = tpu.vector_load %arg6[%get3A_567, %get3A_568, %get3A_569] {strides = array<i32>} : memref<2x352x128xf32, #tpu.memory_space<vmem>>, vector<1x1x16xf32>,
        %get3A_571 = vector.shape_cast %get3A_570 : vector<1x1x16xf32> to vector<16xf32>
        %add3A_572 = arith.addf %get3A_563, %get3A_571 : vector<16xf32>
        %add3A_573 = arith.constant 64 : i32
        %add3A_574 = arith.addi %add3A_573, %scan3A_238 : i32
        %get3A_575 = arith.constant 0 : i32
        %get3A_576 = arith.index_cast %get3A_575 : i32 to index
        %get3A_577 = arith.index_cast %add3A_574 : i32 to index
        %get3A_578 = arith.constant 48 : index
        %get3A_579 = tpu.vector_load %arg6[%get3A_576, %get3A_577, %get3A_578] {strides = array<i32>} : memref<2x352x128xf32, #tpu.memory_space<vmem>>, vector<1x1x16xf32>,
        %get3A_580 = vector.shape_cast %get3A_579 : vector<1x1x16xf32> to vector<16xf32>
        %add3A_581 = arith.addf %add3A_572, %get3A_580 : vector<16xf32>
        %add3A_582 = arith.constant 96 : i32
        %add3A_583 = arith.addi %add3A_582, %scan3A_238 : i32
        %get3A_584 = arith.constant 0 : i32
        %get3A_585 = arith.index_cast %get3A_584 : i32 to index
        %get3A_586 = arith.index_cast %add3A_583 : i32 to index
        %get3A_587 = arith.constant 48 : index
        %get3A_588 = tpu.vector_load %arg6[%get3A_585, %get3A_586, %get3A_587] {strides = array<i32>} : memref<2x352x128xf32, #tpu.memory_space<vmem>>, vector<1x1x16xf32>,
        %get3A_589 = vector.shape_cast %get3A_588 : vector<1x1x16xf32> to vector<16xf32>
        %add3A_590 = arith.addf %add3A_581, %get3A_589 : vector<16xf32>
        %add3A_591 = arith.constant 128 : i32
        %add3A_592 = arith.addi %add3A_591, %scan3A_238 : i32
        %get3A_593 = arith.constant 0 : i32
        %get3A_594 = arith.index_cast %get3A_593 : i32 to index
        %get3A_595 = arith.index_cast %add3A_592 : i32 to index
        %get3A_596 = arith.constant 48 : index
        %get3A_597 = tpu.vector_load %arg6[%get3A_594, %get3A_595, %get3A_596] {strides = array<i32>} : memref<2x352x128xf32, #tpu.memory_space<vmem>>, vector<1x1x16xf32>,
        %get3A_598 = vector.shape_cast %get3A_597 : vector<1x1x16xf32> to vector<16xf32>
        %add3A_599 = arith.addf %add3A_590, %get3A_598 : vector<16xf32>
        %add3A_600 = arith.constant 160 : i32
        %add3A_601 = arith.addi %add3A_600, %scan3A_238 : i32
        %get3A_602 = arith.constant 0 : i32
        %get3A_603 = arith.index_cast %get3A_602 : i32 to index
        %get3A_604 = arith.index_cast %add3A_601 : i32 to index
        %get3A_605 = arith.constant 48 : index
        %get3A_606 = tpu.vector_load %arg6[%get3A_603, %get3A_604, %get3A_605] {strides = array<i32>} : memref<2x352x128xf32, #tpu.memory_space<vmem>>, vector<1x1x16xf32>,
        %get3A_607 = vector.shape_cast %get3A_606 : vector<1x1x16xf32> to vector<16xf32>
        %add3A_608 = arith.addf %add3A_599, %get3A_607 : vector<16xf32>
        %add3A_609 = arith.constant 192 : i32
        %add3A_610 = arith.addi %add3A_609, %scan3A_238 : i32
        %get3A_611 = arith.constant 0 : i32
        %get3A_612 = arith.index_cast %get3A_611 : i32 to index
        %get3A_613 = arith.index_cast %add3A_610 : i32 to index
        %get3A_614 = arith.constant 48 : index
        %get3A_615 = tpu.vector_load %arg6[%get3A_612, %get3A_613, %get3A_614] {strides = array<i32>} : memref<2x352x128xf32, #tpu.memory_space<vmem>>, vector<1x1x16xf32>,
        %get3A_616 = vector.shape_cast %get3A_615 : vector<1x1x16xf32> to vector<16xf32>
        %add3A_617 = arith.addf %add3A_608, %get3A_616 : vector<16xf32>
        %add3A_618 = arith.constant 224 : i32
        %add3A_619 = arith.addi %add3A_618, %scan3A_238 : i32
        %get3A_620 = arith.constant 0 : i32
        %get3A_621 = arith.index_cast %get3A_620 : i32 to index
        %get3A_622 = arith.index_cast %add3A_619 : i32 to index
        %get3A_623 = arith.constant 48 : index
        %get3A_624 = tpu.vector_load %arg6[%get3A_621, %get3A_622, %get3A_623] {strides = array<i32>} : memref<2x352x128xf32, #tpu.memory_space<vmem>>, vector<1x1x16xf32>,
        %get3A_625 = vector.shape_cast %get3A_624 : vector<1x1x16xf32> to vector<16xf32>
        %add3A_626 = arith.addf %add3A_617, %get3A_625 : vector<16xf32>
        %add3A_627 = arith.constant 256 : i32
        %add3A_628 = arith.addi %add3A_627, %scan3A_238 : i32
        %get3A_629 = arith.constant 0 : i32
        %get3A_630 = arith.index_cast %get3A_629 : i32 to index
        %get3A_631 = arith.index_cast %add3A_628 : i32 to index
        %get3A_632 = arith.constant 48 : index
        %get3A_633 = tpu.vector_load %arg6[%get3A_630, %get3A_631, %get3A_632] {strides = array<i32>} : memref<2x352x128xf32, #tpu.memory_space<vmem>>, vector<1x1x16xf32>,
        %get3A_634 = vector.shape_cast %get3A_633 : vector<1x1x16xf32> to vector<16xf32>
        %add3A_635 = arith.addf %add3A_626, %get3A_634 : vector<16xf32>
        %add3A_636 = arith.constant 288 : i32
        %add3A_637 = arith.addi %add3A_636, %scan3A_238 : i32
        %get3A_638 = arith.constant 0 : i32
        %get3A_639 = arith.index_cast %get3A_638 : i32 to index
        %get3A_640 = arith.index_cast %add3A_637 : i32 to index
        %get3A_641 = arith.constant 48 : index
        %get3A_642 = tpu.vector_load %arg6[%get3A_639, %get3A_640, %get3A_641] {strides = array<i32>} : memref<2x352x128xf32, #tpu.memory_space<vmem>>, vector<1x1x16xf32>,
        %get3A_643 = vector.shape_cast %get3A_642 : vector<1x1x16xf32> to vector<16xf32>
        %add3A_644 = arith.addf %add3A_635, %get3A_643 : vector<16xf32>
        %add3A_645 = arith.constant 320 : i32
        %add3A_646 = arith.addi %add3A_645, %scan3A_238 : i32
        %get3A_647 = arith.constant 0 : i32
        %get3A_648 = arith.index_cast %get3A_647 : i32 to index
        %get3A_649 = arith.index_cast %add3A_646 : i32 to index
        %get3A_650 = arith.constant 48 : index
        %get3A_651 = tpu.vector_load %arg6[%get3A_648, %get3A_649, %get3A_650] {strides = array<i32>} : memref<2x352x128xf32, #tpu.memory_space<vmem>>, vector<1x1x16xf32>,
        %get3A_652 = vector.shape_cast %get3A_651 : vector<1x1x16xf32> to vector<16xf32>
        %mul3A_653 = vector.broadcast %select_n3A_244 : f32 to vector<16xf32>
        %mul3A_654 = arith.mulf %mul3A_653, %add3A_644 : vector<16xf32>
        %add3A_655 = arith.addf %get3A_652, %mul3A_654 : vector<16xf32>
        %swap3A_656 = arith.constant 0 : i32
        %swap3A_657 = arith.index_cast %swap3A_656 : i32 to index
        %swap3A_658 = arith.index_cast %scan3A_238 : i32 to index
        %swap3A_659 = arith.constant 48 : index
        %swap3A_660 = tpu.vector_load %arg7[%swap3A_657, %swap3A_658, %swap3A_659] {strides = array<i32>} : memref<2x32x128xf32, #tpu.memory_space<vmem>>, vector<1x1x16xf32>,
        %swap3A_661 = vector.shape_cast %swap3A_660 : vector<1x1x16xf32> to vector<16xf32>
        %swap3A_662 = vector.shape_cast %add3A_655 : vector<16xf32> to vector<1x1x16xf32>
        tpu.vector_store %arg7[%swap3A_657, %swap3A_658, %swap3A_659], %swap3A_662 {strides = array<i32>} : memref<2x32x128xf32, #tpu.memory_space<vmem>>, vector<1x1x16xf32>,
        %get3A_663 = arith.constant 0 : i32
        %get3A_664 = arith.index_cast %get3A_663 : i32 to index
        %get3A_665 = arith.index_cast %scan3A_238 : i32 to index
        %get3A_666 = arith.constant 64 : index
        %get3A_667 = tpu.vector_load %arg6[%get3A_664, %get3A_665, %get3A_666] {strides = array<i32>} : memref<2x352x128xf32, #tpu.memory_space<vmem>>, vector<1x1x16xf32>,
        %get3A_668 = vector.shape_cast %get3A_667 : vector<1x1x16xf32> to vector<16xf32>
        %add3A_669 = arith.constant 32 : i32
        %add3A_670 = arith.addi %add3A_669, %scan3A_238 : i32
        %get3A_671 = arith.constant 0 : i32
        %get3A_672 = arith.index_cast %get3A_671 : i32 to index
        %get3A_673 = arith.index_cast %add3A_670 : i32 to index
        %get3A_674 = arith.constant 64 : index
        %get3A_675 = tpu.vector_load %arg6[%get3A_672, %get3A_673, %get3A_674] {strides = array<i32>} : memref<2x352x128xf32, #tpu.memory_space<vmem>>, vector<1x1x16xf32>,
        %get3A_676 = vector.shape_cast %get3A_675 : vector<1x1x16xf32> to vector<16xf32>
        %add3A_677 = arith.addf %get3A_668, %get3A_676 : vector<16xf32>
        %add3A_678 = arith.constant 64 : i32
        %add3A_679 = arith.addi %add3A_678, %scan3A_238 : i32
        %get3A_680 = arith.constant 0 : i32
        %get3A_681 = arith.index_cast %get3A_680 : i32 to index
        %get3A_682 = arith.index_cast %add3A_679 : i32 to index
        %get3A_683 = arith.constant 64 : index
        %get3A_684 = tpu.vector_load %arg6[%get3A_681, %get3A_682, %get3A_683] {strides = array<i32>} : memref<2x352x128xf32, #tpu.memory_space<vmem>>, vector<1x1x16xf32>,
        %get3A_685 = vector.shape_cast %get3A_684 : vector<1x1x16xf32> to vector<16xf32>
        %add3A_686 = arith.addf %add3A_677, %get3A_685 : vector<16xf32>
        %add3A_687 = arith.constant 96 : i32
        %add3A_688 = arith.addi %add3A_687, %scan3A_238 : i32
        %get3A_689 = arith.constant 0 : i32
        %get3A_690 = arith.index_cast %get3A_689 : i32 to index
        %get3A_691 = arith.index_cast %add3A_688 : i32 to index
        %get3A_692 = arith.constant 64 : index
        %get3A_693 = tpu.vector_load %arg6[%get3A_690, %get3A_691, %get3A_692] {strides = array<i32>} : memref<2x352x128xf32, #tpu.memory_space<vmem>>, vector<1x1x16xf32>,
        %get3A_694 = vector.shape_cast %get3A_693 : vector<1x1x16xf32> to vector<16xf32>
        %add3A_695 = arith.addf %add3A_686, %get3A_694 : vector<16xf32>
        %add3A_696 = arith.constant 128 : i32
        %add3A_697 = arith.addi %add3A_696, %scan3A_238 : i32
        %get3A_698 = arith.constant 0 : i32
        %get3A_699 = arith.index_cast %get3A_698 : i32 to index
        %get3A_700 = arith.index_cast %add3A_697 : i32 to index
        %get3A_701 = arith.constant 64 : index
        %get3A_702 = tpu.vector_load %arg6[%get3A_699, %get3A_700, %get3A_701] {strides = array<i32>} : memref<2x352x128xf32, #tpu.memory_space<vmem>>, vector<1x1x16xf32>,
        %get3A_703 = vector.shape_cast %get3A_702 : vector<1x1x16xf32> to vector<16xf32>
        %add3A_704 = arith.addf %add3A_695, %get3A_703 : vector<16xf32>
        %add3A_705 = arith.constant 160 : i32
        %add3A_706 = arith.addi %add3A_705, %scan3A_238 : i32
        %get3A_707 = arith.constant 0 : i32
        %get3A_708 = arith.index_cast %get3A_707 : i32 to index
        %get3A_709 = arith.index_cast %add3A_706 : i32 to index
        %get3A_710 = arith.constant 64 : index
        %get3A_711 = tpu.vector_load %arg6[%get3A_708, %get3A_709, %get3A_710] {strides = array<i32>} : memref<2x352x128xf32, #tpu.memory_space<vmem>>, vector<1x1x16xf32>,
        %get3A_712 = vector.shape_cast %get3A_711 : vector<1x1x16xf32> to vector<16xf32>
        %add3A_713 = arith.addf %add3A_704, %get3A_712 : vector<16xf32>
        %add3A_714 = arith.constant 192 : i32
        %add3A_715 = arith.addi %add3A_714, %scan3A_238 : i32
        %get3A_716 = arith.constant 0 : i32
        %get3A_717 = arith.index_cast %get3A_716 : i32 to index
        %get3A_718 = arith.index_cast %add3A_715 : i32 to index
        %get3A_719 = arith.constant 64 : index
        %get3A_720 = tpu.vector_load %arg6[%get3A_717, %get3A_718, %get3A_719] {strides = array<i32>} : memref<2x352x128xf32, #tpu.memory_space<vmem>>, vector<1x1x16xf32>,
        %get3A_721 = vector.shape_cast %get3A_720 : vector<1x1x16xf32> to vector<16xf32>
        %add3A_722 = arith.addf %add3A_713, %get3A_721 : vector<16xf32>
        %add3A_723 = arith.constant 224 : i32
        %add3A_724 = arith.addi %add3A_723, %scan3A_238 : i32
        %get3A_725 = arith.constant 0 : i32
        %get3A_726 = arith.index_cast %get3A_725 : i32 to index
        %get3A_727 = arith.index_cast %add3A_724 : i32 to index
        %get3A_728 = arith.constant 64 : index
        %get3A_729 = tpu.vector_load %arg6[%get3A_726, %get3A_727, %get3A_728] {strides = array<i32>} : memref<2x352x128xf32, #tpu.memory_space<vmem>>, vector<1x1x16xf32>,
        %get3A_730 = vector.shape_cast %get3A_729 : vector<1x1x16xf32> to vector<16xf32>
        %add3A_731 = arith.addf %add3A_722, %get3A_730 : vector<16xf32>
        %add3A_732 = arith.constant 256 : i32
        %add3A_733 = arith.addi %add3A_732, %scan3A_238 : i32
        %get3A_734 = arith.constant 0 : i32
        %get3A_735 = arith.index_cast %get3A_734 : i32 to index
        %get3A_736 = arith.index_cast %add3A_733 : i32 to index
        %get3A_737 = arith.constant 64 : index
        %get3A_738 = tpu.vector_load %arg6[%get3A_735, %get3A_736, %get3A_737] {strides = array<i32>} : memref<2x352x128xf32, #tpu.memory_space<vmem>>, vector<1x1x16xf32>,
        %get3A_739 = vector.shape_cast %get3A_738 : vector<1x1x16xf32> to vector<16xf32>
        %add3A_740 = arith.addf %add3A_731, %get3A_739 : vector<16xf32>
        %add3A_741 = arith.constant 288 : i32
        %add3A_742 = arith.addi %add3A_741, %scan3A_238 : i32
        %get3A_743 = arith.constant 0 : i32
        %get3A_744 = arith.index_cast %get3A_743 : i32 to index
        %get3A_745 = arith.index_cast %add3A_742 : i32 to index
        %get3A_746 = arith.constant 64 : index
        %get3A_747 = tpu.vector_load %arg6[%get3A_744, %get3A_745, %get3A_746] {strides = array<i32>} : memref<2x352x128xf32, #tpu.memory_space<vmem>>, vector<1x1x16xf32>,
        %get3A_748 = vector.shape_cast %get3A_747 : vector<1x1x16xf32> to vector<16xf32>
        %add3A_749 = arith.addf %add3A_740, %get3A_748 : vector<16xf32>
        %add3A_750 = arith.constant 320 : i32
        %add3A_751 = arith.addi %add3A_750, %scan3A_238 : i32
        %get3A_752 = arith.constant 0 : i32
        %get3A_753 = arith.index_cast %get3A_752 : i32 to index
        %get3A_754 = arith.index_cast %add3A_751 : i32 to index
        %get3A_755 = arith.constant 64 : index
        %get3A_756 = tpu.vector_load %arg6[%get3A_753, %get3A_754, %get3A_755] {strides = array<i32>} : memref<2x352x128xf32, #tpu.memory_space<vmem>>, vector<1x1x16xf32>,
        %get3A_757 = vector.shape_cast %get3A_756 : vector<1x1x16xf32> to vector<16xf32>
        %mul3A_758 = vector.broadcast %select_n3A_244 : f32 to vector<16xf32>
        %mul3A_759 = arith.mulf %mul3A_758, %add3A_749 : vector<16xf32>
        %add3A_760 = arith.addf %get3A_757, %mul3A_759 : vector<16xf32>
        %swap3A_761 = arith.constant 0 : i32
        %swap3A_762 = arith.index_cast %swap3A_761 : i32 to index
        %swap3A_763 = arith.index_cast %scan3A_238 : i32 to index
        %swap3A_764 = arith.constant 64 : index
        %swap3A_765 = tpu.vector_load %arg7[%swap3A_762, %swap3A_763, %swap3A_764] {strides = array<i32>} : memref<2x32x128xf32, #tpu.memory_space<vmem>>, vector<1x1x16xf32>,
        %swap3A_766 = vector.shape_cast %swap3A_765 : vector<1x1x16xf32> to vector<16xf32>
        %swap3A_767 = vector.shape_cast %add3A_760 : vector<16xf32> to vector<1x1x16xf32>
        tpu.vector_store %arg7[%swap3A_762, %swap3A_763, %swap3A_764], %swap3A_767 {strides = array<i32>} : memref<2x32x128xf32, #tpu.memory_space<vmem>>, vector<1x1x16xf32>,
        %get3A_768 = arith.constant 0 : i32
        %get3A_769 = arith.index_cast %get3A_768 : i32 to index
        %get3A_770 = arith.index_cast %scan3A_238 : i32 to index
        %get3A_771 = arith.constant 80 : index
        %get3A_772 = tpu.vector_load %arg6[%get3A_769, %get3A_770, %get3A_771] {strides = array<i32>} : memref<2x352x128xf32, #tpu.memory_space<vmem>>, vector<1x1x16xf32>,
        %get3A_773 = vector.shape_cast %get3A_772 : vector<1x1x16xf32> to vector<16xf32>
        %add3A_774 = arith.constant 32 : i32
        %add3A_775 = arith.addi %add3A_774, %scan3A_238 : i32
        %get3A_776 = arith.constant 0 : i32
        %get3A_777 = arith.index_cast %get3A_776 : i32 to index
        %get3A_778 = arith.index_cast %add3A_775 : i32 to index
        %get3A_779 = arith.constant 80 : index
        %get3A_780 = tpu.vector_load %arg6[%get3A_777, %get3A_778, %get3A_779] {strides = array<i32>} : memref<2x352x128xf32, #tpu.memory_space<vmem>>, vector<1x1x16xf32>,
        %get3A_781 = vector.shape_cast %get3A_780 : vector<1x1x16xf32> to vector<16xf32>
        %add3A_782 = arith.addf %get3A_773, %get3A_781 : vector<16xf32>
        %add3A_783 = arith.constant 64 : i32
        %add3A_784 = arith.addi %add3A_783, %scan3A_238 : i32
        %get3A_785 = arith.constant 0 : i32
        %get3A_786 = arith.index_cast %get3A_785 : i32 to index
        %get3A_787 = arith.index_cast %add3A_784 : i32 to index
        %get3A_788 = arith.constant 80 : index
        %get3A_789 = tpu.vector_load %arg6[%get3A_786, %get3A_787, %get3A_788] {strides = array<i32>} : memref<2x352x128xf32, #tpu.memory_space<vmem>>, vector<1x1x16xf32>,
        %get3A_790 = vector.shape_cast %get3A_789 : vector<1x1x16xf32> to vector<16xf32>
        %add3A_791 = arith.addf %add3A_782, %get3A_790 : vector<16xf32>
        %add3A_792 = arith.constant 96 : i32
        %add3A_793 = arith.addi %add3A_792, %scan3A_238 : i32
        %get3A_794 = arith.constant 0 : i32
        %get3A_795 = arith.index_cast %get3A_794 : i32 to index
        %get3A_796 = arith.index_cast %add3A_793 : i32 to index
        %get3A_797 = arith.constant 80 : index
        %get3A_798 = tpu.vector_load %arg6[%get3A_795, %get3A_796, %get3A_797] {strides = array<i32>} : memref<2x352x128xf32, #tpu.memory_space<vmem>>, vector<1x1x16xf32>,
        %get3A_799 = vector.shape_cast %get3A_798 : vector<1x1x16xf32> to vector<16xf32>
        %add3A_800 = arith.addf %add3A_791, %get3A_799 : vector<16xf32>
        %add3A_801 = arith.constant 128 : i32
        %add3A_802 = arith.addi %add3A_801, %scan3A_238 : i32
        %get3A_803 = arith.constant 0 : i32
        %get3A_804 = arith.index_cast %get3A_803 : i32 to index
        %get3A_805 = arith.index_cast %add3A_802 : i32 to index
        %get3A_806 = arith.constant 80 : index
        %get3A_807 = tpu.vector_load %arg6[%get3A_804, %get3A_805, %get3A_806] {strides = array<i32>} : memref<2x352x128xf32, #tpu.memory_space<vmem>>, vector<1x1x16xf32>,
        %get3A_808 = vector.shape_cast %get3A_807 : vector<1x1x16xf32> to vector<16xf32>
        %add3A_809 = arith.addf %add3A_800, %get3A_808 : vector<16xf32>
        %add3A_810 = arith.constant 160 : i32
        %add3A_811 = arith.addi %add3A_810, %scan3A_238 : i32
        %get3A_812 = arith.constant 0 : i32
        %get3A_813 = arith.index_cast %get3A_812 : i32 to index
        %get3A_814 = arith.index_cast %add3A_811 : i32 to index
        %get3A_815 = arith.constant 80 : index
        %get3A_816 = tpu.vector_load %arg6[%get3A_813, %get3A_814, %get3A_815] {strides = array<i32>} : memref<2x352x128xf32, #tpu.memory_space<vmem>>, vector<1x1x16xf32>,
        %get3A_817 = vector.shape_cast %get3A_816 : vector<1x1x16xf32> to vector<16xf32>
        %add3A_818 = arith.addf %add3A_809, %get3A_817 : vector<16xf32>
        %add3A_819 = arith.constant 192 : i32
        %add3A_820 = arith.addi %add3A_819, %scan3A_238 : i32
        %get3A_821 = arith.constant 0 : i32
        %get3A_822 = arith.index_cast %get3A_821 : i32 to index
        %get3A_823 = arith.index_cast %add3A_820 : i32 to index
        %get3A_824 = arith.constant 80 : index
        %get3A_825 = tpu.vector_load %arg6[%get3A_822, %get3A_823, %get3A_824] {strides = array<i32>} : memref<2x352x128xf32, #tpu.memory_space<vmem>>, vector<1x1x16xf32>,
        %get3A_826 = vector.shape_cast %get3A_825 : vector<1x1x16xf32> to vector<16xf32>
        %add3A_827 = arith.addf %add3A_818, %get3A_826 : vector<16xf32>
        %add3A_828 = arith.constant 224 : i32
        %add3A_829 = arith.addi %add3A_828, %scan3A_238 : i32
        %get3A_830 = arith.constant 0 : i32
        %get3A_831 = arith.index_cast %get3A_830 : i32 to index
        %get3A_832 = arith.index_cast %add3A_829 : i32 to index
        %get3A_833 = arith.constant 80 : index
        %get3A_834 = tpu.vector_load %arg6[%get3A_831, %get3A_832, %get3A_833] {strides = array<i32>} : memref<2x352x128xf32, #tpu.memory_space<vmem>>, vector<1x1x16xf32>,
        %get3A_835 = vector.shape_cast %get3A_834 : vector<1x1x16xf32> to vector<16xf32>
        %add3A_836 = arith.addf %add3A_827, %get3A_835 : vector<16xf32>
        %add3A_837 = arith.constant 256 : i32
        %add3A_838 = arith.addi %add3A_837, %scan3A_238 : i32
        %get3A_839 = arith.constant 0 : i32
        %get3A_840 = arith.index_cast %get3A_839 : i32 to index
        %get3A_841 = arith.index_cast %add3A_838 : i32 to index
        %get3A_842 = arith.constant 80 : index
        %get3A_843 = tpu.vector_load %arg6[%get3A_840, %get3A_841, %get3A_842] {strides = array<i32>} : memref<2x352x128xf32, #tpu.memory_space<vmem>>, vector<1x1x16xf32>,
        %get3A_844 = vector.shape_cast %get3A_843 : vector<1x1x16xf32> to vector<16xf32>
        %add3A_845 = arith.addf %add3A_836, %get3A_844 : vector<16xf32>
        %add3A_846 = arith.constant 288 : i32
        %add3A_847 = arith.addi %add3A_846, %scan3A_238 : i32
        %get3A_848 = arith.constant 0 : i32
        %get3A_849 = arith.index_cast %get3A_848 : i32 to index
        %get3A_850 = arith.index_cast %add3A_847 : i32 to index
        %get3A_851 = arith.constant 80 : index
        %get3A_852 = tpu.vector_load %arg6[%get3A_849, %get3A_850, %get3A_851] {strides = array<i32>} : memref<2x352x128xf32, #tpu.memory_space<vmem>>, vector<1x1x16xf32>,
        %get3A_853 = vector.shape_cast %get3A_852 : vector<1x1x16xf32> to vector<16xf32>
        %add3A_854 = arith.addf %add3A_845, %get3A_853 : vector<16xf32>
        %add3A_855 = arith.constant 320 : i32
        %add3A_856 = arith.addi %add3A_855, %scan3A_238 : i32
        %get3A_857 = arith.constant 0 : i32
        %get3A_858 = arith.index_cast %get3A_857 : i32 to index
        %get3A_859 = arith.index_cast %add3A_856 : i32 to index
        %get3A_860 = arith.constant 80 : index
        %get3A_861 = tpu.vector_load %arg6[%get3A_858, %get3A_859, %get3A_860] {strides = array<i32>} : memref<2x352x128xf32, #tpu.memory_space<vmem>>, vector<1x1x16xf32>,
        %get3A_862 = vector.shape_cast %get3A_861 : vector<1x1x16xf32> to vector<16xf32>
        %mul3A_863 = vector.broadcast %select_n3A_244 : f32 to vector<16xf32>
        %mul3A_864 = arith.mulf %mul3A_863, %add3A_854 : vector<16xf32>
        %add3A_865 = arith.addf %get3A_862, %mul3A_864 : vector<16xf32>
        %swap3A_866 = arith.constant 0 : i32
        %swap3A_867 = arith.index_cast %swap3A_866 : i32 to index
        %swap3A_868 = arith.index_cast %scan3A_238 : i32 to index
        %swap3A_869 = arith.constant 80 : index
        %swap3A_870 = tpu.vector_load %arg7[%swap3A_867, %swap3A_868, %swap3A_869] {strides = array<i32>} : memref<2x32x128xf32, #tpu.memory_space<vmem>>, vector<1x1x16xf32>,
        %swap3A_871 = vector.shape_cast %swap3A_870 : vector<1x1x16xf32> to vector<16xf32>
        %swap3A_872 = vector.shape_cast %add3A_865 : vector<16xf32> to vector<1x1x16xf32>
        tpu.vector_store %arg7[%swap3A_867, %swap3A_868, %swap3A_869], %swap3A_872 {strides = array<i32>} : memref<2x32x128xf32, #tpu.memory_space<vmem>>, vector<1x1x16xf32>,
        %get3A_873 = arith.constant 0 : i32
        %get3A_874 = arith.index_cast %get3A_873 : i32 to index
        %get3A_875 = arith.index_cast %scan3A_238 : i32 to index
        %get3A_876 = arith.constant 96 : index
        %get3A_877 = tpu.vector_load %arg6[%get3A_874, %get3A_875, %get3A_876] {strides = array<i32>} : memref<2x352x128xf32, #tpu.memory_space<vmem>>, vector<1x1x16xf32>,
        %get3A_878 = vector.shape_cast %get3A_877 : vector<1x1x16xf32> to vector<16xf32>
        %add3A_879 = arith.constant 32 : i32
        %add3A_880 = arith.addi %add3A_879, %scan3A_238 : i32
        %get3A_881 = arith.constant 0 : i32
        %get3A_882 = arith.index_cast %get3A_881 : i32 to index
        %get3A_883 = arith.index_cast %add3A_880 : i32 to index
        %get3A_884 = arith.constant 96 : index
        %get3A_885 = tpu.vector_load %arg6[%get3A_882, %get3A_883, %get3A_884] {strides = array<i32>} : memref<2x352x128xf32, #tpu.memory_space<vmem>>, vector<1x1x16xf32>,
        %get3A_886 = vector.shape_cast %get3A_885 : vector<1x1x16xf32> to vector<16xf32>
        %add3A_887 = arith.addf %get3A_878, %get3A_886 : vector<16xf32>
        %add3A_888 = arith.constant 64 : i32
        %add3A_889 = arith.addi %add3A_888, %scan3A_238 : i32
        %get3A_890 = arith.constant 0 : i32
        %get3A_891 = arith.index_cast %get3A_890 : i32 to index
        %get3A_892 = arith.index_cast %add3A_889 : i32 to index
        %get3A_893 = arith.constant 96 : index
        %get3A_894 = tpu.vector_load %arg6[%get3A_891, %get3A_892, %get3A_893] {strides = array<i32>} : memref<2x352x128xf32, #tpu.memory_space<vmem>>, vector<1x1x16xf32>,
        %get3A_895 = vector.shape_cast %get3A_894 : vector<1x1x16xf32> to vector<16xf32>
        %add3A_896 = arith.addf %add3A_887, %get3A_895 : vector<16xf32>
        %add3A_897 = arith.constant 96 : i32
        %add3A_898 = arith.addi %add3A_897, %scan3A_238 : i32
        %get3A_899 = arith.constant 0 : i32
        %get3A_900 = arith.index_cast %get3A_899 : i32 to index
        %get3A_901 = arith.index_cast %add3A_898 : i32 to index
        %get3A_902 = arith.constant 96 : index
        %get3A_903 = tpu.vector_load %arg6[%get3A_900, %get3A_901, %get3A_902] {strides = array<i32>} : memref<2x352x128xf32, #tpu.memory_space<vmem>>, vector<1x1x16xf32>,
        %get3A_904 = vector.shape_cast %get3A_903 : vector<1x1x16xf32> to vector<16xf32>
        %add3A_905 = arith.addf %add3A_896, %get3A_904 : vector<16xf32>
        %add3A_906 = arith.constant 128 : i32
        %add3A_907 = arith.addi %add3A_906, %scan3A_238 : i32
        %get3A_908 = arith.constant 0 : i32
        %get3A_909 = arith.index_cast %get3A_908 : i32 to index
        %get3A_910 = arith.index_cast %add3A_907 : i32 to index
        %get3A_911 = arith.constant 96 : index
        %get3A_912 = tpu.vector_load %arg6[%get3A_909, %get3A_910, %get3A_911] {strides = array<i32>} : memref<2x352x128xf32, #tpu.memory_space<vmem>>, vector<1x1x16xf32>,
        %get3A_913 = vector.shape_cast %get3A_912 : vector<1x1x16xf32> to vector<16xf32>
        %add3A_914 = arith.addf %add3A_905, %get3A_913 : vector<16xf32>
        %add3A_915 = arith.constant 160 : i32
        %add3A_916 = arith.addi %add3A_915, %scan3A_238 : i32
        %get3A_917 = arith.constant 0 : i32
        %get3A_918 = arith.index_cast %get3A_917 : i32 to index
        %get3A_919 = arith.index_cast %add3A_916 : i32 to index
        %get3A_920 = arith.constant 96 : index
        %get3A_921 = tpu.vector_load %arg6[%get3A_918, %get3A_919, %get3A_920] {strides = array<i32>} : memref<2x352x128xf32, #tpu.memory_space<vmem>>, vector<1x1x16xf32>,
        %get3A_922 = vector.shape_cast %get3A_921 : vector<1x1x16xf32> to vector<16xf32>
        %add3A_923 = arith.addf %add3A_914, %get3A_922 : vector<16xf32>
        %add3A_924 = arith.constant 192 : i32
        %add3A_925 = arith.addi %add3A_924, %scan3A_238 : i32
        %get3A_926 = arith.constant 0 : i32
        %get3A_927 = arith.index_cast %get3A_926 : i32 to index
        %get3A_928 = arith.index_cast %add3A_925 : i32 to index
        %get3A_929 = arith.constant 96 : index
        %get3A_930 = tpu.vector_load %arg6[%get3A_927, %get3A_928, %get3A_929] {strides = array<i32>} : memref<2x352x128xf32, #tpu.memory_space<vmem>>, vector<1x1x16xf32>,
        %get3A_931 = vector.shape_cast %get3A_930 : vector<1x1x16xf32> to vector<16xf32>
        %add3A_932 = arith.addf %add3A_923, %get3A_931 : vector<16xf32>
        %add3A_933 = arith.constant 224 : i32
        %add3A_934 = arith.addi %add3A_933, %scan3A_238 : i32
        %get3A_935 = arith.constant 0 : i32
        %get3A_936 = arith.index_cast %get3A_935 : i32 to index
        %get3A_937 = arith.index_cast %add3A_934 : i32 to index
        %get3A_938 = arith.constant 96 : index
        %get3A_939 = tpu.vector_load %arg6[%get3A_936, %get3A_937, %get3A_938] {strides = array<i32>} : memref<2x352x128xf32, #tpu.memory_space<vmem>>, vector<1x1x16xf32>,
        %get3A_940 = vector.shape_cast %get3A_939 : vector<1x1x16xf32> to vector<16xf32>
        %add3A_941 = arith.addf %add3A_932, %get3A_940 : vector<16xf32>
        %add3A_942 = arith.constant 256 : i32
        %add3A_943 = arith.addi %add3A_942, %scan3A_238 : i32
        %get3A_944 = arith.constant 0 : i32
        %get3A_945 = arith.index_cast %get3A_944 : i32 to index
        %get3A_946 = arith.index_cast %add3A_943 : i32 to index
        %get3A_947 = arith.constant 96 : index
        %get3A_948 = tpu.vector_load %arg6[%get3A_945, %get3A_946, %get3A_947] {strides = array<i32>} : memref<2x352x128xf32, #tpu.memory_space<vmem>>, vector<1x1x16xf32>,
        %get3A_949 = vector.shape_cast %get3A_948 : vector<1x1x16xf32> to vector<16xf32>
        %add3A_950 = arith.addf %add3A_941, %get3A_949 : vector<16xf32>
        %add3A_951 = arith.constant 288 : i32
        %add3A_952 = arith.addi %add3A_951, %scan3A_238 : i32
        %get3A_953 = arith.constant 0 : i32
        %get3A_954 = arith.index_cast %get3A_953 : i32 to index
        %get3A_955 = arith.index_cast %add3A_952 : i32 to index
        %get3A_956 = arith.constant 96 : index
        %get3A_957 = tpu.vector_load %arg6[%get3A_954, %get3A_955, %get3A_956] {strides = array<i32>} : memref<2x352x128xf32, #tpu.memory_space<vmem>>, vector<1x1x16xf32>,
        %get3A_958 = vector.shape_cast %get3A_957 : vector<1x1x16xf32> to vector<16xf32>
        %add3A_959 = arith.addf %add3A_950, %get3A_958 : vector<16xf32>
        %add3A_960 = arith.constant 320 : i32
        %add3A_961 = arith.addi %add3A_960, %scan3A_238 : i32
        %get3A_962 = arith.constant 0 : i32
        %get3A_963 = arith.index_cast %get3A_962 : i32 to index
        %get3A_964 = arith.index_cast %add3A_961 : i32 to index
        %get3A_965 = arith.constant 96 : index
        %get3A_966 = tpu.vector_load %arg6[%get3A_963, %get3A_964, %get3A_965] {strides = array<i32>} : memref<2x352x128xf32, #tpu.memory_space<vmem>>, vector<1x1x16xf32>,
        %get3A_967 = vector.shape_cast %get3A_966 : vector<1x1x16xf32> to vector<16xf32>
        %mul3A_968 = vector.broadcast %select_n3A_244 : f32 to vector<16xf32>
        %mul3A_969 = arith.mulf %mul3A_968, %add3A_959 : vector<16xf32>
        %add3A_970 = arith.addf %get3A_967, %mul3A_969 : vector<16xf32>
        %swap3A_971 = arith.constant 0 : i32
        %swap3A_972 = arith.index_cast %swap3A_971 : i32 to index
        %swap3A_973 = arith.index_cast %scan3A_238 : i32 to index
        %swap3A_974 = arith.constant 96 : index
        %swap3A_975 = tpu.vector_load %arg7[%swap3A_972, %swap3A_973, %swap3A_974] {strides = array<i32>} : memref<2x32x128xf32, #tpu.memory_space<vmem>>, vector<1x1x16xf32>,
        %swap3A_976 = vector.shape_cast %swap3A_975 : vector<1x1x16xf32> to vector<16xf32>
        %swap3A_977 = vector.shape_cast %add3A_970 : vector<16xf32> to vector<1x1x16xf32>
        tpu.vector_store %arg7[%swap3A_972, %swap3A_973, %swap3A_974], %swap3A_977 {strides = array<i32>} : memref<2x32x128xf32, #tpu.memory_space<vmem>>, vector<1x1x16xf32>,
        %get3A_978 = arith.constant 0 : i32
        %get3A_979 = arith.index_cast %get3A_978 : i32 to index
        %get3A_980 = arith.index_cast %scan3A_238 : i32 to index
        %get3A_981 = arith.constant 112 : index
        %get3A_982 = tpu.vector_load %arg6[%get3A_979, %get3A_980, %get3A_981] {strides = array<i32>} : memref<2x352x128xf32, #tpu.memory_space<vmem>>, vector<1x1x16xf32>,
        %get3A_983 = vector.shape_cast %get3A_982 : vector<1x1x16xf32> to vector<16xf32>
        %add3A_984 = arith.constant 32 : i32
        %add3A_985 = arith.addi %add3A_984, %scan3A_238 : i32
        %get3A_986 = arith.constant 0 : i32
        %get3A_987 = arith.index_cast %get3A_986 : i32 to index
        %get3A_988 = arith.index_cast %add3A_985 : i32 to index
        %get3A_989 = arith.constant 112 : index
        %get3A_990 = tpu.vector_load %arg6[%get3A_987, %get3A_988, %get3A_989] {strides = array<i32>} : memref<2x352x128xf32, #tpu.memory_space<vmem>>, vector<1x1x16xf32>,
        %get3A_991 = vector.shape_cast %get3A_990 : vector<1x1x16xf32> to vector<16xf32>
        %add3A_992 = arith.addf %get3A_983, %get3A_991 : vector<16xf32>
        %add3A_993 = arith.constant 64 : i32
        %add3A_994 = arith.addi %add3A_993, %scan3A_238 : i32
        %get3A_995 = arith.constant 0 : i32
        %get3A_996 = arith.index_cast %get3A_995 : i32 to index
        %get3A_997 = arith.index_cast %add3A_994 : i32 to index
        %get3A_998 = arith.constant 112 : index
        %get3A_999 = tpu.vector_load %arg6[%get3A_996, %get3A_997, %get3A_998] {strides = array<i32>} : memref<2x352x128xf32, #tpu.memory_space<vmem>>, vector<1x1x16xf32>,
        %get3A_1000 = vector.shape_cast %get3A_999 : vector<1x1x16xf32> to vector<16xf32>
        %add3A_1001 = arith.addf %add3A_992, %get3A_1000 : vector<16xf32>
        %add3A_1002 = arith.constant 96 : i32
        %add3A_1003 = arith.addi %add3A_1002, %scan3A_238 : i32
        %get3A_1004 = arith.constant 0 : i32
        %get3A_1005 = arith.index_cast %get3A_1004 : i32 to index
        %get3A_1006 = arith.index_cast %add3A_1003 : i32 to index
        %get3A_1007 = arith.constant 112 : index
        %get3A_1008 = tpu.vector_load %arg6[%get3A_1005, %get3A_1006, %get3A_1007] {strides = array<i32>} : memref<2x352x128xf32, #tpu.memory_space<vmem>>, vector<1x1x16xf32>,
        %get3A_1009 = vector.shape_cast %get3A_1008 : vector<1x1x16xf32> to vector<16xf32>
        %add3A_1010 = arith.addf %add3A_1001, %get3A_1009 : vector<16xf32>
        %add3A_1011 = arith.constant 128 : i32
        %add3A_1012 = arith.addi %add3A_1011, %scan3A_238 : i32
        %get3A_1013 = arith.constant 0 : i32
        %get3A_1014 = arith.index_cast %get3A_1013 : i32 to index
        %get3A_1015 = arith.index_cast %add3A_1012 : i32 to index
        %get3A_1016 = arith.constant 112 : index
        %get3A_1017 = tpu.vector_load %arg6[%get3A_1014, %get3A_1015, %get3A_1016] {strides = array<i32>} : memref<2x352x128xf32, #tpu.memory_space<vmem>>, vector<1x1x16xf32>,
        %get3A_1018 = vector.shape_cast %get3A_1017 : vector<1x1x16xf32> to vector<16xf32>
        %add3A_1019 = arith.addf %add3A_1010, %get3A_1018 : vector<16xf32>
        %add3A_1020 = arith.constant 160 : i32
        %add3A_1021 = arith.addi %add3A_1020, %scan3A_238 : i32
        %get3A_1022 = arith.constant 0 : i32
        %get3A_1023 = arith.index_cast %get3A_1022 : i32 to index
        %get3A_1024 = arith.index_cast %add3A_1021 : i32 to index
        %get3A_1025 = arith.constant 112 : index
        %get3A_1026 = tpu.vector_load %arg6[%get3A_1023, %get3A_1024, %get3A_1025] {strides = array<i32>} : memref<2x352x128xf32, #tpu.memory_space<vmem>>, vector<1x1x16xf32>,
        %get3A_1027 = vector.shape_cast %get3A_1026 : vector<1x1x16xf32> to vector<16xf32>
        %add3A_1028 = arith.addf %add3A_1019, %get3A_1027 : vector<16xf32>
        %add3A_1029 = arith.constant 192 : i32
        %add3A_1030 = arith.addi %add3A_1029, %scan3A_238 : i32
        %get3A_1031 = arith.constant 0 : i32
        %get3A_1032 = arith.index_cast %get3A_1031 : i32 to index
        %get3A_1033 = arith.index_cast %add3A_1030 : i32 to index
        %get3A_1034 = arith.constant 112 : index
        %get3A_1035 = tpu.vector_load %arg6[%get3A_1032, %get3A_1033, %get3A_1034] {strides = array<i32>} : memref<2x352x128xf32, #tpu.memory_space<vmem>>, vector<1x1x16xf32>,
        %get3A_1036 = vector.shape_cast %get3A_1035 : vector<1x1x16xf32> to vector<16xf32>
        %add3A_1037 = arith.addf %add3A_1028, %get3A_1036 : vector<16xf32>
        %add3A_1038 = arith.constant 224 : i32
        %add3A_1039 = arith.addi %add3A_1038, %scan3A_238 : i32
        %get3A_1040 = arith.constant 0 : i32
        %get3A_1041 = arith.index_cast %get3A_1040 : i32 to index
        %get3A_1042 = arith.index_cast %add3A_1039 : i32 to index
        %get3A_1043 = arith.constant 112 : index
        %get3A_1044 = tpu.vector_load %arg6[%get3A_1041, %get3A_1042, %get3A_1043] {strides = array<i32>} : memref<2x352x128xf32, #tpu.memory_space<vmem>>, vector<1x1x16xf32>,
        %get3A_1045 = vector.shape_cast %get3A_1044 : vector<1x1x16xf32> to vector<16xf32>
        %add3A_1046 = arith.addf %add3A_1037, %get3A_1045 : vector<16xf32>
        %add3A_1047 = arith.constant 256 : i32
        %add3A_1048 = arith.addi %add3A_1047, %scan3A_238 : i32
        %get3A_1049 = arith.constant 0 : i32
        %get3A_1050 = arith.index_cast %get3A_1049 : i32 to index
        %get3A_1051 = arith.index_cast %add3A_1048 : i32 to index
        %get3A_1052 = arith.constant 112 : index
        %get3A_1053 = tpu.vector_load %arg6[%get3A_1050, %get3A_1051, %get3A_1052] {strides = array<i32>} : memref<2x352x128xf32, #tpu.memory_space<vmem>>, vector<1x1x16xf32>,
        %get3A_1054 = vector.shape_cast %get3A_1053 : vector<1x1x16xf32> to vector<16xf32>
        %add3A_1055 = arith.addf %add3A_1046, %get3A_1054 : vector<16xf32>
        %add3A_1056 = arith.constant 288 : i32
        %add3A_1057 = arith.addi %add3A_1056, %scan3A_238 : i32
        %get3A_1058 = arith.constant 0 : i32
        %get3A_1059 = arith.index_cast %get3A_1058 : i32 to index
        %get3A_1060 = arith.index_cast %add3A_1057 : i32 to index
        %get3A_1061 = arith.constant 112 : index
        %get3A_1062 = tpu.vector_load %arg6[%get3A_1059, %get3A_1060, %get3A_1061] {strides = array<i32>} : memref<2x352x128xf32, #tpu.memory_space<vmem>>, vector<1x1x16xf32>,
        %get3A_1063 = vector.shape_cast %get3A_1062 : vector<1x1x16xf32> to vector<16xf32>
        %add3A_1064 = arith.addf %add3A_1055, %get3A_1063 : vector<16xf32>
        %add3A_1065 = arith.constant 320 : i32
        %add3A_1066 = arith.addi %add3A_1065, %scan3A_238 : i32
        %get3A_1067 = arith.constant 0 : i32
        %get3A_1068 = arith.index_cast %get3A_1067 : i32 to index
        %get3A_1069 = arith.index_cast %add3A_1066 : i32 to index
        %get3A_1070 = arith.constant 112 : index
        %get3A_1071 = tpu.vector_load %arg6[%get3A_1068, %get3A_1069, %get3A_1070] {strides = array<i32>} : memref<2x352x128xf32, #tpu.memory_space<vmem>>, vector<1x1x16xf32>,
        %get3A_1072 = vector.shape_cast %get3A_1071 : vector<1x1x16xf32> to vector<16xf32>
        %mul3A_1073 = vector.broadcast %select_n3A_244 : f32 to vector<16xf32>
        %mul3A_1074 = arith.mulf %mul3A_1073, %add3A_1064 : vector<16xf32>
        %add3A_1075 = arith.addf %get3A_1072, %mul3A_1074 : vector<16xf32>
        %swap3A_1076 = arith.constant 0 : i32
        %swap3A_1077 = arith.index_cast %swap3A_1076 : i32 to index
        %swap3A_1078 = arith.index_cast %scan3A_238 : i32 to index
        %swap3A_1079 = arith.constant 112 : index
        %swap3A_1080 = tpu.vector_load %arg7[%swap3A_1077, %swap3A_1078, %swap3A_1079] {strides = array<i32>} : memref<2x32x128xf32, #tpu.memory_space<vmem>>, vector<1x1x16xf32>,
        %swap3A_1081 = vector.shape_cast %swap3A_1080 : vector<1x1x16xf32> to vector<16xf32>
        %swap3A_1082 = vector.shape_cast %add3A_1075 : vector<16xf32> to vector<1x1x16xf32>
        tpu.vector_store %arg7[%swap3A_1077, %swap3A_1078, %swap3A_1079], %swap3A_1082 {strides = array<i32>} : memref<2x32x128xf32, #tpu.memory_space<vmem>>, vector<1x1x16xf32>,
      }
      %scan3A_155 = arith.constant 32 : i32
      %add3A_156 = arith.addi %select_n3A_8, %add3A_121 : i32
      %mul3A_157 = arith.constant 32 : i32
      %mul3A_158 = arith.muli %add3A_156, %mul3A_157 : i32
      %add3A_159 = arith.constant 32 : i32
      %add3A_160 = arith.addi %mul3A_158, %add3A_159 : i32
      %le3A_161 = arith.constant 50000 : i32
      %le3A_162 = arith.cmpi sle, %add3A_160, %le3A_161 : i32
      %convert_element_type3A_163 = arith.extui %le3A_162 : i1 to i32
      %cond3A_164 = arith.constant 0 : i32
      %cond3A_165 = arith.constant 0 : i32
      %cond3A_166 = arith.cmpi ne, %convert_element_type3A_163, %cond3A_165 : i32
      scf.if %cond3A_166 {
        %dma_start3A_238 = arith.constant 0 : i32
        %dma_start3A_239 = arith.constant 0 : i32
        %dma_start3A_240 = tpu.memref_slice %arg7[%cond3A_164, %dma_start3A_238, %dma_start3A_239] : memref<2x32x128xf32, #tpu.memory_space<vmem>> -> memref<1x32x128xf32, #tpu.memory_space<vmem>>
        %dma_start3A_241 = tpu.memref_squeeze %dma_start3A_240 : memref<1x32x128xf32, #tpu.memory_space<vmem>> -> memref<32x128xf32, #tpu.memory_space<vmem>>
        %dma_start3A_242 = arith.constant 0 : i32
        %dma_start3A_243 = tpu.memref_slice %arg4[%mul3A_158, %dma_start3A_242] : memref<50000x128xf32, #tpu.memory_space<hbm>> -> memref<32x128xf32, #tpu.memory_space<hbm>>
        %dma_start3A_244 = arith.constant 0 : i32
        %dma_start3A_245 = tpu.memref_slice %arg4[%mul3A_158, %dma_start3A_244] : memref<50000x128xf32, #tpu.memory_space<hbm>> -> memref<32x128xf32, #tpu.memory_space<hbm>>
        %dma_start3A_246 = arith.constant 0 : i32
        %dma_start3A_247 = arith.constant 0 : i32
        %dma_start3A_248 = tpu.memref_slice %arg7[%cond3A_164, %dma_start3A_246, %dma_start3A_247] : memref<2x32x128xf32, #tpu.memory_space<vmem>> -> memref<1x32x128xf32, #tpu.memory_space<vmem>>
        %dma_start3A_249 = tpu.memref_squeeze %dma_start3A_248 : memref<1x32x128xf32, #tpu.memory_space<vmem>> -> memref<32x128xf32, #tpu.memory_space<vmem>>
        tpu.enqueue_dma source(%dma_start3A_249 : memref<32x128xf32, #tpu.memory_space<vmem>>) target(%dma_start3A_245 : memref<32x128xf32, #tpu.memory_space<hbm>>) target_semaphore(%arg12 : memref<!tpu.dma_semaphore, #tpu.memory_space<semaphore_mem>>)
      } else {
      }
      %lt3A_167 = arith.constant 50000 : i32
      %lt3A_168 = arith.cmpi slt, %mul3A_158, %lt3A_167 : i32
      %add3A_169 = arith.constant 32 : i32
      %add3A_170 = arith.addi %mul3A_158, %add3A_169 : i32
      %gt3A_171 = arith.constant 50000 : i32
      %gt3A_172 = arith.cmpi sgt, %add3A_170, %gt3A_171 : i32
      %and3A_173 = arith.andi %lt3A_168, %gt3A_172 : i1
      %convert_element_type3A_174 = arith.extui %and3A_173 : i1 to i32
      %cond3A_175 = arith.constant 0 : i32
      %cond3A_176 = arith.constant 0 : i32
      %cond3A_177 = arith.cmpi ne, %convert_element_type3A_174, %cond3A_176 : i32
      scf.if %cond3A_177 {
        %dma_start3A_238 = arith.constant 0 : i32
        %dma_start3A_239 = arith.constant 0 : i32
        %dma_start3A_240 = tpu.memref_slice %arg7[%cond3A_175, %dma_start3A_238, %dma_start3A_239] : memref<2x32x128xf32, #tpu.memory_space<vmem>> -> memref<1x16x128xf32, #tpu.memory_space<vmem>>
        %dma_start3A_241 = tpu.memref_squeeze %dma_start3A_240 : memref<1x16x128xf32, #tpu.memory_space<vmem>> -> memref<16x128xf32, #tpu.memory_space<vmem>>
        %dma_start3A_242 = arith.constant 0 : i32
        %dma_start3A_243 = tpu.memref_slice %arg4[%mul3A_158, %dma_start3A_242] : memref<50000x128xf32, #tpu.memory_space<hbm>> -> memref<16x128xf32, #tpu.memory_space<hbm>>
        %dma_start3A_244 = arith.constant 0 : i32
        %dma_start3A_245 = tpu.memref_slice %arg4[%mul3A_158, %dma_start3A_244] : memref<50000x128xf32, #tpu.memory_space<hbm>> -> memref<16x128xf32, #tpu.memory_space<hbm>>
        %dma_start3A_246 = arith.constant 0 : i32
        %dma_start3A_247 = arith.constant 0 : i32
        %dma_start3A_248 = tpu.memref_slice %arg7[%cond3A_175, %dma_start3A_246, %dma_start3A_247] : memref<2x32x128xf32, #tpu.memory_space<vmem>> -> memref<1x16x128xf32, #tpu.memory_space<vmem>>
        %dma_start3A_249 = tpu.memref_squeeze %dma_start3A_248 : memref<1x16x128xf32, #tpu.memory_space<vmem>> -> memref<16x128xf32, #tpu.memory_space<vmem>>
        tpu.enqueue_dma source(%dma_start3A_249 : memref<16x128xf32, #tpu.memory_space<vmem>>) target(%dma_start3A_245 : memref<16x128xf32, #tpu.memory_space<hbm>>) target_semaphore(%arg12 : memref<!tpu.dma_semaphore, #tpu.memory_space<semaphore_mem>>)
      } else {
      }
      %add3A_178 = arith.constant 1 : i32
      %add3A_179 = arith.addi %mul3A_119, %add3A_178 : i32
      %add3A_180 = arith.constant 1 : i32
      %add3A_181 = arith.addi %add3A_179, %add3A_180 : i32
      %lt3A_182 = arith.cmpi slt, %add3A_181, %select_n3A : i32
      %convert_element_type3A_183 = arith.extui %lt3A_182 : i1 to i32
      %cond3A_184 = arith.constant 0 : i32
      %cond3A_185 = arith.cmpi ne, %convert_element_type3A_183, %cond3A_184 : i32
      scf.if %cond3A_185 {
        %add3A_238 = arith.constant 1 : i32
        %add3A_239 = arith.addi %add3A_179, %add3A_238 : i32
        %add3A_240 = arith.addi %select_n3A_8, %add3A_239 : i32
        %mul3A_241 = arith.constant 352 : i32
        %mul3A_242 = arith.muli %add3A_240, %mul3A_241 : i32
        %dma_wait3A_243 = arith.constant 0 : i32
        %dma_wait3A_244 = tpu.memref_slice %arg5[%dma_wait3A_243] : memref<704xi32, #tpu.memory_space<vmem>> -> memref<352xi32, #tpu.memory_space<vmem>>
        %dma_wait3A_245 = tpu.memref_slice %arg2[%mul3A_242] : memref<551936xi32, #tpu.memory_space<hbm>> -> memref<352xi32, #tpu.memory_space<hbm>>
        %dma_wait3A_246 = arith.constant 0 : i32
        %dma_wait3A_247 = tpu.memref_slice %arg5[%dma_wait3A_246] : memref<704xi32, #tpu.memory_space<vmem>> -> memref<352xi32, #tpu.memory_space<vmem>>
        %dma_wait3A_248 = tpu.memref_slice %arg2[%mul3A_242] : memref<551936xi32, #tpu.memory_space<hbm>> -> memref<352xi32, #tpu.memory_space<hbm>>
        tpu.wait_dma2 semaphore(%arg8 : memref<!tpu.dma_semaphore, #tpu.memory_space<semaphore_mem>>) src(%dma_wait3A_248 : memref<352xi32, #tpu.memory_space<hbm>>) dst(%dma_wait3A_247 : memref<352xi32, #tpu.memory_space<vmem>>)
        %dma_start3A_249 = arith.constant 0 : i32
        %dma_start3A_250 = arith.constant 0 : i32
        %dma_start3A_251 = arith.constant 0 : i32
        %dma_start3A_252 = tpu.memref_slice %arg6[%dma_start3A_249, %dma_start3A_250, %dma_start3A_251] : memref<2x352x128xf32, #tpu.memory_space<vmem>> -> memref<1x352x128xf32, #tpu.memory_space<vmem>>
        %dma_start3A_253 = tpu.memref_squeeze %dma_start3A_252 : memref<1x352x128xf32, #tpu.memory_space<vmem>> -> memref<352x128xf32, #tpu.memory_space<vmem>>
        %dma_start3A_254 = arith.constant 0 : i32
        %dma_start3A_255 = tpu.memref_slice %arg5[%dma_start3A_254] : memref<704xi32, #tpu.memory_space<vmem>> -> memref<352xi32, #tpu.memory_space<vmem>>
        %dma_start3A_256 = arith.constant 0 : i32
        %dma_start3A_257 = arith.constant 0 : i32
        %dma_start3A_258 = tpu.memref_slice %arg3[%dma_start3A_256, %dma_start3A_257] : memref<100000x128xf32, #tpu.memory_space<hbm>> -> memref<100000x128xf32, #tpu.memory_space<hbm>>
        tpu.enqueue_indirect_dma source(%dma_start3A_258 : memref<100000x128xf32, #tpu.memory_space<hbm>>) target(%dma_start3A_253 : memref<352x128xf32, #tpu.memory_space<vmem>>) offsets(%dma_start3A_255 : memref<352xi32, #tpu.memory_space<vmem>>) semaphore(%arg10 : memref<!tpu.dma_semaphore, #tpu.memory_space<semaphore_mem>>)
      } else {
      }
      %dma_wait3A_186 = arith.constant 1 : i32
      %dma_wait3A_187 = arith.constant 0 : i32
      %dma_wait3A_188 = arith.constant 0 : i32
      %dma_wait3A_189 = tpu.memref_slice %arg6[%dma_wait3A_186, %dma_wait3A_187, %dma_wait3A_188] : memref<2x352x128xf32, #tpu.memory_space<vmem>> -> memref<1x352x128xf32, #tpu.memory_space<vmem>>
      %dma_wait3A_190 = tpu.memref_squeeze %dma_wait3A_189 : memref<1x352x128xf32, #tpu.memory_space<vmem>> -> memref<352x128xf32, #tpu.memory_space<vmem>>
      %dma_wait3A_191 = arith.constant 352 : i32
      %dma_wait3A_192 = tpu.memref_slice %arg5[%dma_wait3A_191] : memref<704xi32, #tpu.memory_space<vmem>> -> memref<352xi32, #tpu.memory_space<vmem>>
      %dma_wait3A_193 = arith.constant 0 : i32
      %dma_wait3A_194 = arith.constant 0 : i32
      %dma_wait3A_195 = tpu.memref_slice %arg3[%dma_wait3A_193, %dma_wait3A_194] : memref<100000x128xf32, #tpu.memory_space<hbm>> -> memref<100000x128xf32, #tpu.memory_space<hbm>>
      tpu.wait_indirect_dma semaphore(%arg11 : memref<!tpu.dma_semaphore, #tpu.memory_space<semaphore_mem>>) src(%dma_wait3A_195 : memref<100000x128xf32, #tpu.memory_space<hbm>>) dst(%dma_wait3A_190 : memref<352x128xf32, #tpu.memory_space<vmem>>)
      %add3A_196 = arith.constant 2 : i32
      %add3A_197 = arith.addi %add3A_179, %add3A_196 : i32
      %lt3A_198 = arith.cmpi slt, %add3A_197, %select_n3A : i32
      %convert_element_type3A_199 = arith.extui %lt3A_198 : i1 to i32
      %cond3A_200 = arith.constant 0 : i32
      %cond3A_201 = arith.cmpi ne, %convert_element_type3A_199, %cond3A_200 : i32
      scf.if %cond3A_201 {
        %add3A_238 = arith.constant 2 : i32
        %add3A_239 = arith.addi %add3A_179, %add3A_238 : i32
        %add3A_240 = arith.addi %select_n3A_8, %add3A_239 : i32
        %mul3A_241 = arith.constant 352 : i32
        %mul3A_242 = arith.muli %add3A_240, %mul3A_241 : i32
        %dma_start3A_243 = arith.constant 352 : i32
        %dma_start3A_244 = tpu.memref_slice %arg5[%dma_start3A_243] : memref<704xi32, #tpu.memory_space<vmem>> -> memref<352xi32, #tpu.memory_space<vmem>>
        %dma_start3A_245 = tpu.memref_slice %arg2[%mul3A_242] : memref<551936xi32, #tpu.memory_space<hbm>> -> memref<352xi32, #tpu.memory_space<hbm>>
        %dma_start3A_246 = arith.constant 352 : i32
        %dma_start3A_247 = tpu.memref_slice %arg5[%dma_start3A_246] : memref<704xi32, #tpu.memory_space<vmem>> -> memref<352xi32, #tpu.memory_space<vmem>>
        %dma_start3A_248 = tpu.memref_slice %arg2[%mul3A_242] : memref<551936xi32, #tpu.memory_space<hbm>> -> memref<352xi32, #tpu.memory_space<hbm>>
        tpu.enqueue_dma source(%dma_start3A_248 : memref<352xi32, #tpu.memory_space<hbm>>) target(%dma_start3A_247 : memref<352xi32, #tpu.memory_space<vmem>>) target_semaphore(%arg9 : memref<!tpu.dma_semaphore, #tpu.memory_space<semaphore_mem>>)
      } else {
      }
      %ge3A_202 = arith.constant 2 : i32
      %ge3A_203 = arith.cmpi sge, %add3A_179, %ge3A_202 : i32
      %convert_element_type3A_204 = arith.extui %ge3A_203 : i1 to i32
      %cond3A_205 = arith.constant 0 : i32
      %cond3A_206 = arith.cmpi ne, %convert_element_type3A_204, %cond3A_205 : i32
      scf.if %cond3A_206 {
        %sub3A_238 = arith.constant 2 : i32
        %sub3A_239 = arith.subi %add3A_179, %sub3A_238 : i32
        %add3A_240 = arith.addi %select_n3A_8, %sub3A_239 : i32
        %mul3A_241 = arith.constant 32 : i32
        %mul3A_242 = arith.muli %add3A_240, %mul3A_241 : i32
        %add3A_243 = arith.constant 32 : i32
        %add3A_244 = arith.addi %mul3A_242, %add3A_243 : i32
        %le3A_245 = arith.constant 50000 : i32
        %le3A_246 = arith.cmpi sle, %add3A_244, %le3A_245 : i32
        %convert_element_type3A_247 = arith.extui %le3A_246 : i1 to i32
        %cond3A_248 = arith.constant 1 : i32
        %cond3A_249 = arith.constant 0 : i32
        %cond3A_250 = arith.cmpi ne, %convert_element_type3A_247, %cond3A_249 : i32
        scf.if %cond3A_250 {
          %dma_wait3A_262 = arith.constant 0 : i32
          %dma_wait3A_263 = arith.constant 0 : i32
          %dma_wait3A_264 = tpu.memref_slice %arg7[%cond3A_248, %dma_wait3A_262, %dma_wait3A_263] : memref<2x32x128xf32, #tpu.memory_space<vmem>> -> memref<1x32x128xf32, #tpu.memory_space<vmem>>
          %dma_wait3A_265 = tpu.memref_squeeze %dma_wait3A_264 : memref<1x32x128xf32, #tpu.memory_space<vmem>> -> memref<32x128xf32, #tpu.memory_space<vmem>>
          %dma_wait3A_266 = arith.constant 0 : i32
          %dma_wait3A_267 = tpu.memref_slice %arg4[%mul3A_242, %dma_wait3A_266] : memref<50000x128xf32, #tpu.memory_space<hbm>> -> memref<32x128xf32, #tpu.memory_space<hbm>>
          %dma_wait3A_268 = arith.constant 0 : i32
          %dma_wait3A_269 = tpu.memref_slice %arg4[%mul3A_242, %dma_wait3A_268] : memref<50000x128xf32, #tpu.memory_space<hbm>> -> memref<32x128xf32, #tpu.memory_space<hbm>>
          %dma_wait3A_270 = arith.constant 0 : i32
          %dma_wait3A_271 = arith.constant 0 : i32
          %dma_wait3A_272 = tpu.memref_slice %arg7[%cond3A_248, %dma_wait3A_270, %dma_wait3A_271] : memref<2x32x128xf32, #tpu.memory_space<vmem>> -> memref<1x32x128xf32, #tpu.memory_space<vmem>>
          %dma_wait3A_273 = tpu.memref_squeeze %dma_wait3A_272 : memref<1x32x128xf32, #tpu.memory_space<vmem>> -> memref<32x128xf32, #tpu.memory_space<vmem>>
          tpu.wait_dma2 semaphore(%arg13 : memref<!tpu.dma_semaphore, #tpu.memory_space<semaphore_mem>>) src(%dma_wait3A_273 : memref<32x128xf32, #tpu.memory_space<vmem>>) dst(%dma_wait3A_269 : memref<32x128xf32, #tpu.memory_space<hbm>>)
        } else {
        }
        %lt3A_251 = arith.constant 50000 : i32
        %lt3A_252 = arith.cmpi slt, %mul3A_242, %lt3A_251 : i32
        %add3A_253 = arith.constant 32 : i32
        %add3A_254 = arith.addi %mul3A_242, %add3A_253 : i32
        %gt3A_255 = arith.constant 50000 : i32
        %gt3A_256 = arith.cmpi sgt, %add3A_254, %gt3A_255 : i32
        %and3A_257 = arith.andi %lt3A_252, %gt3A_256 : i1
        %convert_element_type3A_258 = arith.extui %and3A_257 : i1 to i32
        %cond3A_259 = arith.constant 1 : i32
        %cond3A_260 = arith.constant 0 : i32
        %cond3A_261 = arith.cmpi ne, %convert_element_type3A_258, %cond3A_260 : i32
        scf.if %cond3A_261 {
          %dma_wait3A_262 = arith.constant 0 : i32
          %dma_wait3A_263 = arith.constant 0 : i32
          %dma_wait3A_264 = tpu.memref_slice %arg7[%cond3A_259, %dma_wait3A_262, %dma_wait3A_263] : memref<2x32x128xf32, #tpu.memory_space<vmem>> -> memref<1x16x128xf32, #tpu.memory_space<vmem>>
          %dma_wait3A_265 = tpu.memref_squeeze %dma_wait3A_264 : memref<1x16x128xf32, #tpu.memory_space<vmem>> -> memref<16x128xf32, #tpu.memory_space<vmem>>
          %dma_wait3A_266 = arith.constant 0 : i32
          %dma_wait3A_267 = tpu.memref_slice %arg4[%mul3A_242, %dma_wait3A_266] : memref<50000x128xf32, #tpu.memory_space<hbm>> -> memref<16x128xf32, #tpu.memory_space<hbm>>
          %dma_wait3A_268 = arith.constant 0 : i32
          %dma_wait3A_269 = tpu.memref_slice %arg4[%mul3A_242, %dma_wait3A_268] : memref<50000x128xf32, #tpu.memory_space<hbm>> -> memref<16x128xf32, #tpu.memory_space<hbm>>
          %dma_wait3A_270 = arith.constant 0 : i32
          %dma_wait3A_271 = arith.constant 0 : i32
          %dma_wait3A_272 = tpu.memref_slice %arg7[%cond3A_259, %dma_wait3A_270, %dma_wait3A_271] : memref<2x32x128xf32, #tpu.memory_space<vmem>> -> memref<1x16x128xf32, #tpu.memory_space<vmem>>
          %dma_wait3A_273 = tpu.memref_squeeze %dma_wait3A_272 : memref<1x16x128xf32, #tpu.memory_space<vmem>> -> memref<16x128xf32, #tpu.memory_space<vmem>>
          tpu.wait_dma2 semaphore(%arg13 : memref<!tpu.dma_semaphore, #tpu.memory_space<semaphore_mem>>) src(%dma_wait3A_273 : memref<16x128xf32, #tpu.memory_space<vmem>>) dst(%dma_wait3A_269 : memref<16x128xf32, #tpu.memory_space<hbm>>)
        } else {
        }
      } else {
      }
      %add3A_207 = arith.addi %select_n3A_8, %add3A_179 : i32
      %mul3A_208 = arith.constant 32 : i32
      %mul3A_209 = arith.muli %add3A_207, %mul3A_208 : i32
      %scan3A_210 = arith.constant 0 : i32
      %scan3A_211 = arith.constant 0 : i32
      %scan3A_212 = arith.constant 32 : i32
      %scan3A_213 = arith.addi %scan3A_211, %scan3A_212 : i32
      %scan3A_214 = arith.constant 1 : i32
      scf.for %scan3A_238 = %scan3A_211 to %scan3A_213 step %scan3A_214  : i32 {
        %add3A_239 = arith.addi %mul3A_209, %scan3A_238 : i32
        %eq3A_240 = arith.constant 49999 : i32
        %eq3A_241 = arith.cmpi eq, %add3A_239, %eq3A_240 : i32
        %jit3A_242 = arith.constant 1.000000e+00 : f32
        %jit3A_243 = arith.constant 1.000000e-01 : f32
        %select_n3A_244 = arith.select %eq3A_241, %jit3A_242, %jit3A_243 : f32
        %get3A = arith.constant 1 : i32
        %get3A_245 = arith.index_cast %get3A : i32 to index
        %get3A_246 = arith.index_cast %scan3A_238 : i32 to index
        %get3A_247 = arith.constant 0 : index
        %get3A_248 = tpu.vector_load %arg6[%get3A_245, %get3A_246, %get3A_247] {strides = array<i32>} : memref<2x352x128xf32, #tpu.memory_space<vmem>>, vector<1x1x16xf32>,
        %get3A_249 = vector.shape_cast %get3A_248 : vector<1x1x16xf32> to vector<16xf32>
        %add3A_250 = arith.constant 32 : i32
        %add3A_251 = arith.addi %add3A_250, %scan3A_238 : i32
        %get3A_252 = arith.constant 1 : i32
        %get3A_253 = arith.index_cast %get3A_252 : i32 to index
        %get3A_254 = arith.index_cast %add3A_251 : i32 to index
        %get3A_255 = arith.constant 0 : index
        %get3A_256 = tpu.vector_load %arg6[%get3A_253, %get3A_254, %get3A_255] {strides = array<i32>} : memref<2x352x128xf32, #tpu.memory_space<vmem>>, vector<1x1x16xf32>,
        %get3A_257 = vector.shape_cast %get3A_256 : vector<1x1x16xf32> to vector<16xf32>
        %add3A_258 = arith.addf %get3A_249, %get3A_257 : vector<16xf32>
        %add3A_259 = arith.constant 64 : i32
        %add3A_260 = arith.addi %add3A_259, %scan3A_238 : i32
        %get3A_261 = arith.constant 1 : i32
        %get3A_262 = arith.index_cast %get3A_261 : i32 to index
        %get3A_263 = arith.index_cast %add3A_260 : i32 to index
        %get3A_264 = arith.constant 0 : index
        %get3A_265 = tpu.vector_load %arg6[%get3A_262, %get3A_263, %get3A_264] {strides = array<i32>} : memref<2x352x128xf32, #tpu.memory_space<vmem>>, vector<1x1x16xf32>,
        %get3A_266 = vector.shape_cast %get3A_265 : vector<1x1x16xf32> to vector<16xf32>
        %add3A_267 = arith.addf %add3A_258, %get3A_266 : vector<16xf32>
        %add3A_268 = arith.constant 96 : i32
        %add3A_269 = arith.addi %add3A_268, %scan3A_238 : i32
        %get3A_270 = arith.constant 1 : i32
        %get3A_271 = arith.index_cast %get3A_270 : i32 to index
        %get3A_272 = arith.index_cast %add3A_269 : i32 to index
        %get3A_273 = arith.constant 0 : index
        %get3A_274 = tpu.vector_load %arg6[%get3A_271, %get3A_272, %get3A_273] {strides = array<i32>} : memref<2x352x128xf32, #tpu.memory_space<vmem>>, vector<1x1x16xf32>,
        %get3A_275 = vector.shape_cast %get3A_274 : vector<1x1x16xf32> to vector<16xf32>
        %add3A_276 = arith.addf %add3A_267, %get3A_275 : vector<16xf32>
        %add3A_277 = arith.constant 128 : i32
        %add3A_278 = arith.addi %add3A_277, %scan3A_238 : i32
        %get3A_279 = arith.constant 1 : i32
        %get3A_280 = arith.index_cast %get3A_279 : i32 to index
        %get3A_281 = arith.index_cast %add3A_278 : i32 to index
        %get3A_282 = arith.constant 0 : index
        %get3A_283 = tpu.vector_load %arg6[%get3A_280, %get3A_281, %get3A_282] {strides = array<i32>} : memref<2x352x128xf32, #tpu.memory_space<vmem>>, vector<1x1x16xf32>,
        %get3A_284 = vector.shape_cast %get3A_283 : vector<1x1x16xf32> to vector<16xf32>
        %add3A_285 = arith.addf %add3A_276, %get3A_284 : vector<16xf32>
        %add3A_286 = arith.constant 160 : i32
        %add3A_287 = arith.addi %add3A_286, %scan3A_238 : i32
        %get3A_288 = arith.constant 1 : i32
        %get3A_289 = arith.index_cast %get3A_288 : i32 to index
        %get3A_290 = arith.index_cast %add3A_287 : i32 to index
        %get3A_291 = arith.constant 0 : index
        %get3A_292 = tpu.vector_load %arg6[%get3A_289, %get3A_290, %get3A_291] {strides = array<i32>} : memref<2x352x128xf32, #tpu.memory_space<vmem>>, vector<1x1x16xf32>,
        %get3A_293 = vector.shape_cast %get3A_292 : vector<1x1x16xf32> to vector<16xf32>
        %add3A_294 = arith.addf %add3A_285, %get3A_293 : vector<16xf32>
        %add3A_295 = arith.constant 192 : i32
        %add3A_296 = arith.addi %add3A_295, %scan3A_238 : i32
        %get3A_297 = arith.constant 1 : i32
        %get3A_298 = arith.index_cast %get3A_297 : i32 to index
        %get3A_299 = arith.index_cast %add3A_296 : i32 to index
        %get3A_300 = arith.constant 0 : index
        %get3A_301 = tpu.vector_load %arg6[%get3A_298, %get3A_299, %get3A_300] {strides = array<i32>} : memref<2x352x128xf32, #tpu.memory_space<vmem>>, vector<1x1x16xf32>,
        %get3A_302 = vector.shape_cast %get3A_301 : vector<1x1x16xf32> to vector<16xf32>
        %add3A_303 = arith.addf %add3A_294, %get3A_302 : vector<16xf32>
        %add3A_304 = arith.constant 224 : i32
        %add3A_305 = arith.addi %add3A_304, %scan3A_238 : i32
        %get3A_306 = arith.constant 1 : i32
        %get3A_307 = arith.index_cast %get3A_306 : i32 to index
        %get3A_308 = arith.index_cast %add3A_305 : i32 to index
        %get3A_309 = arith.constant 0 : index
        %get3A_310 = tpu.vector_load %arg6[%get3A_307, %get3A_308, %get3A_309] {strides = array<i32>} : memref<2x352x128xf32, #tpu.memory_space<vmem>>, vector<1x1x16xf32>,
        %get3A_311 = vector.shape_cast %get3A_310 : vector<1x1x16xf32> to vector<16xf32>
        %add3A_312 = arith.addf %add3A_303, %get3A_311 : vector<16xf32>
        %add3A_313 = arith.constant 256 : i32
        %add3A_314 = arith.addi %add3A_313, %scan3A_238 : i32
        %get3A_315 = arith.constant 1 : i32
        %get3A_316 = arith.index_cast %get3A_315 : i32 to index
        %get3A_317 = arith.index_cast %add3A_314 : i32 to index
        %get3A_318 = arith.constant 0 : index
        %get3A_319 = tpu.vector_load %arg6[%get3A_316, %get3A_317, %get3A_318] {strides = array<i32>} : memref<2x352x128xf32, #tpu.memory_space<vmem>>, vector<1x1x16xf32>,
        %get3A_320 = vector.shape_cast %get3A_319 : vector<1x1x16xf32> to vector<16xf32>
        %add3A_321 = arith.addf %add3A_312, %get3A_320 : vector<16xf32>
        %add3A_322 = arith.constant 288 : i32
        %add3A_323 = arith.addi %add3A_322, %scan3A_238 : i32
        %get3A_324 = arith.constant 1 : i32
        %get3A_325 = arith.index_cast %get3A_324 : i32 to index
        %get3A_326 = arith.index_cast %add3A_323 : i32 to index
        %get3A_327 = arith.constant 0 : index
        %get3A_328 = tpu.vector_load %arg6[%get3A_325, %get3A_326, %get3A_327] {strides = array<i32>} : memref<2x352x128xf32, #tpu.memory_space<vmem>>, vector<1x1x16xf32>,
        %get3A_329 = vector.shape_cast %get3A_328 : vector<1x1x16xf32> to vector<16xf32>
        %add3A_330 = arith.addf %add3A_321, %get3A_329 : vector<16xf32>
        %add3A_331 = arith.constant 320 : i32
        %add3A_332 = arith.addi %add3A_331, %scan3A_238 : i32
        %get3A_333 = arith.constant 1 : i32
        %get3A_334 = arith.index_cast %get3A_333 : i32 to index
        %get3A_335 = arith.index_cast %add3A_332 : i32 to index
        %get3A_336 = arith.constant 0 : index
        %get3A_337 = tpu.vector_load %arg6[%get3A_334, %get3A_335, %get3A_336] {strides = array<i32>} : memref<2x352x128xf32, #tpu.memory_space<vmem>>, vector<1x1x16xf32>,
        %get3A_338 = vector.shape_cast %get3A_337 : vector<1x1x16xf32> to vector<16xf32>
        %mul3A_339 = vector.broadcast %select_n3A_244 : f32 to vector<16xf32>
        %mul3A_340 = arith.mulf %mul3A_339, %add3A_330 : vector<16xf32>
        %add3A_341 = arith.addf %get3A_338, %mul3A_340 : vector<16xf32>
        %swap3A = arith.constant 1 : i32
        %swap3A_342 = arith.index_cast %swap3A : i32 to index
        %swap3A_343 = arith.index_cast %scan3A_238 : i32 to index
        %swap3A_344 = arith.constant 0 : index
        %swap3A_345 = tpu.vector_load %arg7[%swap3A_342, %swap3A_343, %swap3A_344] {strides = array<i32>} : memref<2x32x128xf32, #tpu.memory_space<vmem>>, vector<1x1x16xf32>,
        %swap3A_346 = vector.shape_cast %swap3A_345 : vector<1x1x16xf32> to vector<16xf32>
        %swap3A_347 = vector.shape_cast %add3A_341 : vector<16xf32> to vector<1x1x16xf32>
        tpu.vector_store %arg7[%swap3A_342, %swap3A_343, %swap3A_344], %swap3A_347 {strides = array<i32>} : memref<2x32x128xf32, #tpu.memory_space<vmem>>, vector<1x1x16xf32>,
        %get3A_348 = arith.constant 1 : i32
        %get3A_349 = arith.index_cast %get3A_348 : i32 to index
        %get3A_350 = arith.index_cast %scan3A_238 : i32 to index
        %get3A_351 = arith.constant 16 : index
        %get3A_352 = tpu.vector_load %arg6[%get3A_349, %get3A_350, %get3A_351] {strides = array<i32>} : memref<2x352x128xf32, #tpu.memory_space<vmem>>, vector<1x1x16xf32>,
        %get3A_353 = vector.shape_cast %get3A_352 : vector<1x1x16xf32> to vector<16xf32>
        %add3A_354 = arith.constant 32 : i32
        %add3A_355 = arith.addi %add3A_354, %scan3A_238 : i32
        %get3A_356 = arith.constant 1 : i32
        %get3A_357 = arith.index_cast %get3A_356 : i32 to index
        %get3A_358 = arith.index_cast %add3A_355 : i32 to index
        %get3A_359 = arith.constant 16 : index
        %get3A_360 = tpu.vector_load %arg6[%get3A_357, %get3A_358, %get3A_359] {strides = array<i32>} : memref<2x352x128xf32, #tpu.memory_space<vmem>>, vector<1x1x16xf32>,
        %get3A_361 = vector.shape_cast %get3A_360 : vector<1x1x16xf32> to vector<16xf32>
        %add3A_362 = arith.addf %get3A_353, %get3A_361 : vector<16xf32>
        %add3A_363 = arith.constant 64 : i32
        %add3A_364 = arith.addi %add3A_363, %scan3A_238 : i32
        %get3A_365 = arith.constant 1 : i32
        %get3A_366 = arith.index_cast %get3A_365 : i32 to index
        %get3A_367 = arith.index_cast %add3A_364 : i32 to index
        %get3A_368 = arith.constant 16 : index
        %get3A_369 = tpu.vector_load %arg6[%get3A_366, %get3A_367, %get3A_368] {strides = array<i32>} : memref<2x352x128xf32, #tpu.memory_space<vmem>>, vector<1x1x16xf32>,
        %get3A_370 = vector.shape_cast %get3A_369 : vector<1x1x16xf32> to vector<16xf32>
        %add3A_371 = arith.addf %add3A_362, %get3A_370 : vector<16xf32>
        %add3A_372 = arith.constant 96 : i32
        %add3A_373 = arith.addi %add3A_372, %scan3A_238 : i32
        %get3A_374 = arith.constant 1 : i32
        %get3A_375 = arith.index_cast %get3A_374 : i32 to index
        %get3A_376 = arith.index_cast %add3A_373 : i32 to index
        %get3A_377 = arith.constant 16 : index
        %get3A_378 = tpu.vector_load %arg6[%get3A_375, %get3A_376, %get3A_377] {strides = array<i32>} : memref<2x352x128xf32, #tpu.memory_space<vmem>>, vector<1x1x16xf32>,
        %get3A_379 = vector.shape_cast %get3A_378 : vector<1x1x16xf32> to vector<16xf32>
        %add3A_380 = arith.addf %add3A_371, %get3A_379 : vector<16xf32>
        %add3A_381 = arith.constant 128 : i32
        %add3A_382 = arith.addi %add3A_381, %scan3A_238 : i32
        %get3A_383 = arith.constant 1 : i32
        %get3A_384 = arith.index_cast %get3A_383 : i32 to index
        %get3A_385 = arith.index_cast %add3A_382 : i32 to index
        %get3A_386 = arith.constant 16 : index
        %get3A_387 = tpu.vector_load %arg6[%get3A_384, %get3A_385, %get3A_386] {strides = array<i32>} : memref<2x352x128xf32, #tpu.memory_space<vmem>>, vector<1x1x16xf32>,
        %get3A_388 = vector.shape_cast %get3A_387 : vector<1x1x16xf32> to vector<16xf32>
        %add3A_389 = arith.addf %add3A_380, %get3A_388 : vector<16xf32>
        %add3A_390 = arith.constant 160 : i32
        %add3A_391 = arith.addi %add3A_390, %scan3A_238 : i32
        %get3A_392 = arith.constant 1 : i32
        %get3A_393 = arith.index_cast %get3A_392 : i32 to index
        %get3A_394 = arith.index_cast %add3A_391 : i32 to index
        %get3A_395 = arith.constant 16 : index
        %get3A_396 = tpu.vector_load %arg6[%get3A_393, %get3A_394, %get3A_395] {strides = array<i32>} : memref<2x352x128xf32, #tpu.memory_space<vmem>>, vector<1x1x16xf32>,
        %get3A_397 = vector.shape_cast %get3A_396 : vector<1x1x16xf32> to vector<16xf32>
        %add3A_398 = arith.addf %add3A_389, %get3A_397 : vector<16xf32>
        %add3A_399 = arith.constant 192 : i32
        %add3A_400 = arith.addi %add3A_399, %scan3A_238 : i32
        %get3A_401 = arith.constant 1 : i32
        %get3A_402 = arith.index_cast %get3A_401 : i32 to index
        %get3A_403 = arith.index_cast %add3A_400 : i32 to index
        %get3A_404 = arith.constant 16 : index
        %get3A_405 = tpu.vector_load %arg6[%get3A_402, %get3A_403, %get3A_404] {strides = array<i32>} : memref<2x352x128xf32, #tpu.memory_space<vmem>>, vector<1x1x16xf32>,
        %get3A_406 = vector.shape_cast %get3A_405 : vector<1x1x16xf32> to vector<16xf32>
        %add3A_407 = arith.addf %add3A_398, %get3A_406 : vector<16xf32>
        %add3A_408 = arith.constant 224 : i32
        %add3A_409 = arith.addi %add3A_408, %scan3A_238 : i32
        %get3A_410 = arith.constant 1 : i32
        %get3A_411 = arith.index_cast %get3A_410 : i32 to index
        %get3A_412 = arith.index_cast %add3A_409 : i32 to index
        %get3A_413 = arith.constant 16 : index
        %get3A_414 = tpu.vector_load %arg6[%get3A_411, %get3A_412, %get3A_413] {strides = array<i32>} : memref<2x352x128xf32, #tpu.memory_space<vmem>>, vector<1x1x16xf32>,
        %get3A_415 = vector.shape_cast %get3A_414 : vector<1x1x16xf32> to vector<16xf32>
        %add3A_416 = arith.addf %add3A_407, %get3A_415 : vector<16xf32>
        %add3A_417 = arith.constant 256 : i32
        %add3A_418 = arith.addi %add3A_417, %scan3A_238 : i32
        %get3A_419 = arith.constant 1 : i32
        %get3A_420 = arith.index_cast %get3A_419 : i32 to index
        %get3A_421 = arith.index_cast %add3A_418 : i32 to index
        %get3A_422 = arith.constant 16 : index
        %get3A_423 = tpu.vector_load %arg6[%get3A_420, %get3A_421, %get3A_422] {strides = array<i32>} : memref<2x352x128xf32, #tpu.memory_space<vmem>>, vector<1x1x16xf32>,
        %get3A_424 = vector.shape_cast %get3A_423 : vector<1x1x16xf32> to vector<16xf32>
        %add3A_425 = arith.addf %add3A_416, %get3A_424 : vector<16xf32>
        %add3A_426 = arith.constant 288 : i32
        %add3A_427 = arith.addi %add3A_426, %scan3A_238 : i32
        %get3A_428 = arith.constant 1 : i32
        %get3A_429 = arith.index_cast %get3A_428 : i32 to index
        %get3A_430 = arith.index_cast %add3A_427 : i32 to index
        %get3A_431 = arith.constant 16 : index
        %get3A_432 = tpu.vector_load %arg6[%get3A_429, %get3A_430, %get3A_431] {strides = array<i32>} : memref<2x352x128xf32, #tpu.memory_space<vmem>>, vector<1x1x16xf32>,
        %get3A_433 = vector.shape_cast %get3A_432 : vector<1x1x16xf32> to vector<16xf32>
        %add3A_434 = arith.addf %add3A_425, %get3A_433 : vector<16xf32>
        %add3A_435 = arith.constant 320 : i32
        %add3A_436 = arith.addi %add3A_435, %scan3A_238 : i32
        %get3A_437 = arith.constant 1 : i32
        %get3A_438 = arith.index_cast %get3A_437 : i32 to index
        %get3A_439 = arith.index_cast %add3A_436 : i32 to index
        %get3A_440 = arith.constant 16 : index
        %get3A_441 = tpu.vector_load %arg6[%get3A_438, %get3A_439, %get3A_440] {strides = array<i32>} : memref<2x352x128xf32, #tpu.memory_space<vmem>>, vector<1x1x16xf32>,
        %get3A_442 = vector.shape_cast %get3A_441 : vector<1x1x16xf32> to vector<16xf32>
        %mul3A_443 = vector.broadcast %select_n3A_244 : f32 to vector<16xf32>
        %mul3A_444 = arith.mulf %mul3A_443, %add3A_434 : vector<16xf32>
        %add3A_445 = arith.addf %get3A_442, %mul3A_444 : vector<16xf32>
        %swap3A_446 = arith.constant 1 : i32
        %swap3A_447 = arith.index_cast %swap3A_446 : i32 to index
        %swap3A_448 = arith.index_cast %scan3A_238 : i32 to index
        %swap3A_449 = arith.constant 16 : index
        %swap3A_450 = tpu.vector_load %arg7[%swap3A_447, %swap3A_448, %swap3A_449] {strides = array<i32>} : memref<2x32x128xf32, #tpu.memory_space<vmem>>, vector<1x1x16xf32>,
        %swap3A_451 = vector.shape_cast %swap3A_450 : vector<1x1x16xf32> to vector<16xf32>
        %swap3A_452 = vector.shape_cast %add3A_445 : vector<16xf32> to vector<1x1x16xf32>
        tpu.vector_store %arg7[%swap3A_447, %swap3A_448, %swap3A_449], %swap3A_452 {strides = array<i32>} : memref<2x32x128xf32, #tpu.memory_space<vmem>>, vector<1x1x16xf32>,
        %get3A_453 = arith.constant 1 : i32
        %get3A_454 = arith.index_cast %get3A_453 : i32 to index
        %get3A_455 = arith.index_cast %scan3A_238 : i32 to index
        %get3A_456 = arith.constant 32 : index
        %get3A_457 = tpu.vector_load %arg6[%get3A_454, %get3A_455, %get3A_456] {strides = array<i32>} : memref<2x352x128xf32, #tpu.memory_space<vmem>>, vector<1x1x16xf32>,
        %get3A_458 = vector.shape_cast %get3A_457 : vector<1x1x16xf32> to vector<16xf32>
        %add3A_459 = arith.constant 32 : i32
        %add3A_460 = arith.addi %add3A_459, %scan3A_238 : i32
        %get3A_461 = arith.constant 1 : i32
        %get3A_462 = arith.index_cast %get3A_461 : i32 to index
        %get3A_463 = arith.index_cast %add3A_460 : i32 to index
        %get3A_464 = arith.constant 32 : index
        %get3A_465 = tpu.vector_load %arg6[%get3A_462, %get3A_463, %get3A_464] {strides = array<i32>} : memref<2x352x128xf32, #tpu.memory_space<vmem>>, vector<1x1x16xf32>,
        %get3A_466 = vector.shape_cast %get3A_465 : vector<1x1x16xf32> to vector<16xf32>
        %add3A_467 = arith.addf %get3A_458, %get3A_466 : vector<16xf32>
        %add3A_468 = arith.constant 64 : i32
        %add3A_469 = arith.addi %add3A_468, %scan3A_238 : i32
        %get3A_470 = arith.constant 1 : i32
        %get3A_471 = arith.index_cast %get3A_470 : i32 to index
        %get3A_472 = arith.index_cast %add3A_469 : i32 to index
        %get3A_473 = arith.constant 32 : index
        %get3A_474 = tpu.vector_load %arg6[%get3A_471, %get3A_472, %get3A_473] {strides = array<i32>} : memref<2x352x128xf32, #tpu.memory_space<vmem>>, vector<1x1x16xf32>,
        %get3A_475 = vector.shape_cast %get3A_474 : vector<1x1x16xf32> to vector<16xf32>
        %add3A_476 = arith.addf %add3A_467, %get3A_475 : vector<16xf32>
        %add3A_477 = arith.constant 96 : i32
        %add3A_478 = arith.addi %add3A_477, %scan3A_238 : i32
        %get3A_479 = arith.constant 1 : i32
        %get3A_480 = arith.index_cast %get3A_479 : i32 to index
        %get3A_481 = arith.index_cast %add3A_478 : i32 to index
        %get3A_482 = arith.constant 32 : index
        %get3A_483 = tpu.vector_load %arg6[%get3A_480, %get3A_481, %get3A_482] {strides = array<i32>} : memref<2x352x128xf32, #tpu.memory_space<vmem>>, vector<1x1x16xf32>,
        %get3A_484 = vector.shape_cast %get3A_483 : vector<1x1x16xf32> to vector<16xf32>
        %add3A_485 = arith.addf %add3A_476, %get3A_484 : vector<16xf32>
        %add3A_486 = arith.constant 128 : i32
        %add3A_487 = arith.addi %add3A_486, %scan3A_238 : i32
        %get3A_488 = arith.constant 1 : i32
        %get3A_489 = arith.index_cast %get3A_488 : i32 to index
        %get3A_490 = arith.index_cast %add3A_487 : i32 to index
        %get3A_491 = arith.constant 32 : index
        %get3A_492 = tpu.vector_load %arg6[%get3A_489, %get3A_490, %get3A_491] {strides = array<i32>} : memref<2x352x128xf32, #tpu.memory_space<vmem>>, vector<1x1x16xf32>,
        %get3A_493 = vector.shape_cast %get3A_492 : vector<1x1x16xf32> to vector<16xf32>
        %add3A_494 = arith.addf %add3A_485, %get3A_493 : vector<16xf32>
        %add3A_495 = arith.constant 160 : i32
        %add3A_496 = arith.addi %add3A_495, %scan3A_238 : i32
        %get3A_497 = arith.constant 1 : i32
        %get3A_498 = arith.index_cast %get3A_497 : i32 to index
        %get3A_499 = arith.index_cast %add3A_496 : i32 to index
        %get3A_500 = arith.constant 32 : index
        %get3A_501 = tpu.vector_load %arg6[%get3A_498, %get3A_499, %get3A_500] {strides = array<i32>} : memref<2x352x128xf32, #tpu.memory_space<vmem>>, vector<1x1x16xf32>,
        %get3A_502 = vector.shape_cast %get3A_501 : vector<1x1x16xf32> to vector<16xf32>
        %add3A_503 = arith.addf %add3A_494, %get3A_502 : vector<16xf32>
        %add3A_504 = arith.constant 192 : i32
        %add3A_505 = arith.addi %add3A_504, %scan3A_238 : i32
        %get3A_506 = arith.constant 1 : i32
        %get3A_507 = arith.index_cast %get3A_506 : i32 to index
        %get3A_508 = arith.index_cast %add3A_505 : i32 to index
        %get3A_509 = arith.constant 32 : index
        %get3A_510 = tpu.vector_load %arg6[%get3A_507, %get3A_508, %get3A_509] {strides = array<i32>} : memref<2x352x128xf32, #tpu.memory_space<vmem>>, vector<1x1x16xf32>,
        %get3A_511 = vector.shape_cast %get3A_510 : vector<1x1x16xf32> to vector<16xf32>
        %add3A_512 = arith.addf %add3A_503, %get3A_511 : vector<16xf32>
        %add3A_513 = arith.constant 224 : i32
        %add3A_514 = arith.addi %add3A_513, %scan3A_238 : i32
        %get3A_515 = arith.constant 1 : i32
        %get3A_516 = arith.index_cast %get3A_515 : i32 to index
        %get3A_517 = arith.index_cast %add3A_514 : i32 to index
        %get3A_518 = arith.constant 32 : index
        %get3A_519 = tpu.vector_load %arg6[%get3A_516, %get3A_517, %get3A_518] {strides = array<i32>} : memref<2x352x128xf32, #tpu.memory_space<vmem>>, vector<1x1x16xf32>,
        %get3A_520 = vector.shape_cast %get3A_519 : vector<1x1x16xf32> to vector<16xf32>
        %add3A_521 = arith.addf %add3A_512, %get3A_520 : vector<16xf32>
        %add3A_522 = arith.constant 256 : i32
        %add3A_523 = arith.addi %add3A_522, %scan3A_238 : i32
        %get3A_524 = arith.constant 1 : i32
        %get3A_525 = arith.index_cast %get3A_524 : i32 to index
        %get3A_526 = arith.index_cast %add3A_523 : i32 to index
        %get3A_527 = arith.constant 32 : index
        %get3A_528 = tpu.vector_load %arg6[%get3A_525, %get3A_526, %get3A_527] {strides = array<i32>} : memref<2x352x128xf32, #tpu.memory_space<vmem>>, vector<1x1x16xf32>,
        %get3A_529 = vector.shape_cast %get3A_528 : vector<1x1x16xf32> to vector<16xf32>
        %add3A_530 = arith.addf %add3A_521, %get3A_529 : vector<16xf32>
        %add3A_531 = arith.constant 288 : i32
        %add3A_532 = arith.addi %add3A_531, %scan3A_238 : i32
        %get3A_533 = arith.constant 1 : i32
        %get3A_534 = arith.index_cast %get3A_533 : i32 to index
        %get3A_535 = arith.index_cast %add3A_532 : i32 to index
        %get3A_536 = arith.constant 32 : index
        %get3A_537 = tpu.vector_load %arg6[%get3A_534, %get3A_535, %get3A_536] {strides = array<i32>} : memref<2x352x128xf32, #tpu.memory_space<vmem>>, vector<1x1x16xf32>,
        %get3A_538 = vector.shape_cast %get3A_537 : vector<1x1x16xf32> to vector<16xf32>
        %add3A_539 = arith.addf %add3A_530, %get3A_538 : vector<16xf32>
        %add3A_540 = arith.constant 320 : i32
        %add3A_541 = arith.addi %add3A_540, %scan3A_238 : i32
        %get3A_542 = arith.constant 1 : i32
        %get3A_543 = arith.index_cast %get3A_542 : i32 to index
        %get3A_544 = arith.index_cast %add3A_541 : i32 to index
        %get3A_545 = arith.constant 32 : index
        %get3A_546 = tpu.vector_load %arg6[%get3A_543, %get3A_544, %get3A_545] {strides = array<i32>} : memref<2x352x128xf32, #tpu.memory_space<vmem>>, vector<1x1x16xf32>,
        %get3A_547 = vector.shape_cast %get3A_546 : vector<1x1x16xf32> to vector<16xf32>
        %mul3A_548 = vector.broadcast %select_n3A_244 : f32 to vector<16xf32>
        %mul3A_549 = arith.mulf %mul3A_548, %add3A_539 : vector<16xf32>
        %add3A_550 = arith.addf %get3A_547, %mul3A_549 : vector<16xf32>
        %swap3A_551 = arith.constant 1 : i32
        %swap3A_552 = arith.index_cast %swap3A_551 : i32 to index
        %swap3A_553 = arith.index_cast %scan3A_238 : i32 to index
        %swap3A_554 = arith.constant 32 : index
        %swap3A_555 = tpu.vector_load %arg7[%swap3A_552, %swap3A_553, %swap3A_554] {strides = array<i32>} : memref<2x32x128xf32, #tpu.memory_space<vmem>>, vector<1x1x16xf32>,
        %swap3A_556 = vector.shape_cast %swap3A_555 : vector<1x1x16xf32> to vector<16xf32>
        %swap3A_557 = vector.shape_cast %add3A_550 : vector<16xf32> to vector<1x1x16xf32>
        tpu.vector_store %arg7[%swap3A_552, %swap3A_553, %swap3A_554], %swap3A_557 {strides = array<i32>} : memref<2x32x128xf32, #tpu.memory_space<vmem>>, vector<1x1x16xf32>,
        %get3A_558 = arith.constant 1 : i32
        %get3A_559 = arith.index_cast %get3A_558 : i32 to index
        %get3A_560 = arith.index_cast %scan3A_238 : i32 to index
        %get3A_561 = arith.constant 48 : index
        %get3A_562 = tpu.vector_load %arg6[%get3A_559, %get3A_560, %get3A_561] {strides = array<i32>} : memref<2x352x128xf32, #tpu.memory_space<vmem>>, vector<1x1x16xf32>,
        %get3A_563 = vector.shape_cast %get3A_562 : vector<1x1x16xf32> to vector<16xf32>
        %add3A_564 = arith.constant 32 : i32
        %add3A_565 = arith.addi %add3A_564, %scan3A_238 : i32
        %get3A_566 = arith.constant 1 : i32
        %get3A_567 = arith.index_cast %get3A_566 : i32 to index
        %get3A_568 = arith.index_cast %add3A_565 : i32 to index
        %get3A_569 = arith.constant 48 : index
        %get3A_570 = tpu.vector_load %arg6[%get3A_567, %get3A_568, %get3A_569] {strides = array<i32>} : memref<2x352x128xf32, #tpu.memory_space<vmem>>, vector<1x1x16xf32>,
        %get3A_571 = vector.shape_cast %get3A_570 : vector<1x1x16xf32> to vector<16xf32>
        %add3A_572 = arith.addf %get3A_563, %get3A_571 : vector<16xf32>
        %add3A_573 = arith.constant 64 : i32
        %add3A_574 = arith.addi %add3A_573, %scan3A_238 : i32
        %get3A_575 = arith.constant 1 : i32
        %get3A_576 = arith.index_cast %get3A_575 : i32 to index
        %get3A_577 = arith.index_cast %add3A_574 : i32 to index
        %get3A_578 = arith.constant 48 : index
        %get3A_579 = tpu.vector_load %arg6[%get3A_576, %get3A_577, %get3A_578] {strides = array<i32>} : memref<2x352x128xf32, #tpu.memory_space<vmem>>, vector<1x1x16xf32>,
        %get3A_580 = vector.shape_cast %get3A_579 : vector<1x1x16xf32> to vector<16xf32>
        %add3A_581 = arith.addf %add3A_572, %get3A_580 : vector<16xf32>
        %add3A_582 = arith.constant 96 : i32
        %add3A_583 = arith.addi %add3A_582, %scan3A_238 : i32
        %get3A_584 = arith.constant 1 : i32
        %get3A_585 = arith.index_cast %get3A_584 : i32 to index
        %get3A_586 = arith.index_cast %add3A_583 : i32 to index
        %get3A_587 = arith.constant 48 : index
        %get3A_588 = tpu.vector_load %arg6[%get3A_585, %get3A_586, %get3A_587] {strides = array<i32>} : memref<2x352x128xf32, #tpu.memory_space<vmem>>, vector<1x1x16xf32>,
        %get3A_589 = vector.shape_cast %get3A_588 : vector<1x1x16xf32> to vector<16xf32>
        %add3A_590 = arith.addf %add3A_581, %get3A_589 : vector<16xf32>
        %add3A_591 = arith.constant 128 : i32
        %add3A_592 = arith.addi %add3A_591, %scan3A_238 : i32
        %get3A_593 = arith.constant 1 : i32
        %get3A_594 = arith.index_cast %get3A_593 : i32 to index
        %get3A_595 = arith.index_cast %add3A_592 : i32 to index
        %get3A_596 = arith.constant 48 : index
        %get3A_597 = tpu.vector_load %arg6[%get3A_594, %get3A_595, %get3A_596] {strides = array<i32>} : memref<2x352x128xf32, #tpu.memory_space<vmem>>, vector<1x1x16xf32>,
        %get3A_598 = vector.shape_cast %get3A_597 : vector<1x1x16xf32> to vector<16xf32>
        %add3A_599 = arith.addf %add3A_590, %get3A_598 : vector<16xf32>
        %add3A_600 = arith.constant 160 : i32
        %add3A_601 = arith.addi %add3A_600, %scan3A_238 : i32
        %get3A_602 = arith.constant 1 : i32
        %get3A_603 = arith.index_cast %get3A_602 : i32 to index
        %get3A_604 = arith.index_cast %add3A_601 : i32 to index
        %get3A_605 = arith.constant 48 : index
        %get3A_606 = tpu.vector_load %arg6[%get3A_603, %get3A_604, %get3A_605] {strides = array<i32>} : memref<2x352x128xf32, #tpu.memory_space<vmem>>, vector<1x1x16xf32>,
        %get3A_607 = vector.shape_cast %get3A_606 : vector<1x1x16xf32> to vector<16xf32>
        %add3A_608 = arith.addf %add3A_599, %get3A_607 : vector<16xf32>
        %add3A_609 = arith.constant 192 : i32
        %add3A_610 = arith.addi %add3A_609, %scan3A_238 : i32
        %get3A_611 = arith.constant 1 : i32
        %get3A_612 = arith.index_cast %get3A_611 : i32 to index
        %get3A_613 = arith.index_cast %add3A_610 : i32 to index
        %get3A_614 = arith.constant 48 : index
        %get3A_615 = tpu.vector_load %arg6[%get3A_612, %get3A_613, %get3A_614] {strides = array<i32>} : memref<2x352x128xf32, #tpu.memory_space<vmem>>, vector<1x1x16xf32>,
        %get3A_616 = vector.shape_cast %get3A_615 : vector<1x1x16xf32> to vector<16xf32>
        %add3A_617 = arith.addf %add3A_608, %get3A_616 : vector<16xf32>
        %add3A_618 = arith.constant 224 : i32
        %add3A_619 = arith.addi %add3A_618, %scan3A_238 : i32
        %get3A_620 = arith.constant 1 : i32
        %get3A_621 = arith.index_cast %get3A_620 : i32 to index
        %get3A_622 = arith.index_cast %add3A_619 : i32 to index
        %get3A_623 = arith.constant 48 : index
        %get3A_624 = tpu.vector_load %arg6[%get3A_621, %get3A_622, %get3A_623] {strides = array<i32>} : memref<2x352x128xf32, #tpu.memory_space<vmem>>, vector<1x1x16xf32>,
        %get3A_625 = vector.shape_cast %get3A_624 : vector<1x1x16xf32> to vector<16xf32>
        %add3A_626 = arith.addf %add3A_617, %get3A_625 : vector<16xf32>
        %add3A_627 = arith.constant 256 : i32
        %add3A_628 = arith.addi %add3A_627, %scan3A_238 : i32
        %get3A_629 = arith.constant 1 : i32
        %get3A_630 = arith.index_cast %get3A_629 : i32 to index
        %get3A_631 = arith.index_cast %add3A_628 : i32 to index
        %get3A_632 = arith.constant 48 : index
        %get3A_633 = tpu.vector_load %arg6[%get3A_630, %get3A_631, %get3A_632] {strides = array<i32>} : memref<2x352x128xf32, #tpu.memory_space<vmem>>, vector<1x1x16xf32>,
        %get3A_634 = vector.shape_cast %get3A_633 : vector<1x1x16xf32> to vector<16xf32>
        %add3A_635 = arith.addf %add3A_626, %get3A_634 : vector<16xf32>
        %add3A_636 = arith.constant 288 : i32
        %add3A_637 = arith.addi %add3A_636, %scan3A_238 : i32
        %get3A_638 = arith.constant 1 : i32
        %get3A_639 = arith.index_cast %get3A_638 : i32 to index
        %get3A_640 = arith.index_cast %add3A_637 : i32 to index
        %get3A_641 = arith.constant 48 : index
        %get3A_642 = tpu.vector_load %arg6[%get3A_639, %get3A_640, %get3A_641] {strides = array<i32>} : memref<2x352x128xf32, #tpu.memory_space<vmem>>, vector<1x1x16xf32>,
        %get3A_643 = vector.shape_cast %get3A_642 : vector<1x1x16xf32> to vector<16xf32>
        %add3A_644 = arith.addf %add3A_635, %get3A_643 : vector<16xf32>
        %add3A_645 = arith.constant 320 : i32
        %add3A_646 = arith.addi %add3A_645, %scan3A_238 : i32
        %get3A_647 = arith.constant 1 : i32
        %get3A_648 = arith.index_cast %get3A_647 : i32 to index
        %get3A_649 = arith.index_cast %add3A_646 : i32 to index
        %get3A_650 = arith.constant 48 : index
        %get3A_651 = tpu.vector_load %arg6[%get3A_648, %get3A_649, %get3A_650] {strides = array<i32>} : memref<2x352x128xf32, #tpu.memory_space<vmem>>, vector<1x1x16xf32>,
        %get3A_652 = vector.shape_cast %get3A_651 : vector<1x1x16xf32> to vector<16xf32>
        %mul3A_653 = vector.broadcast %select_n3A_244 : f32 to vector<16xf32>
        %mul3A_654 = arith.mulf %mul3A_653, %add3A_644 : vector<16xf32>
        %add3A_655 = arith.addf %get3A_652, %mul3A_654 : vector<16xf32>
        %swap3A_656 = arith.constant 1 : i32
        %swap3A_657 = arith.index_cast %swap3A_656 : i32 to index
        %swap3A_658 = arith.index_cast %scan3A_238 : i32 to index
        %swap3A_659 = arith.constant 48 : index
        %swap3A_660 = tpu.vector_load %arg7[%swap3A_657, %swap3A_658, %swap3A_659] {strides = array<i32>} : memref<2x32x128xf32, #tpu.memory_space<vmem>>, vector<1x1x16xf32>,
        %swap3A_661 = vector.shape_cast %swap3A_660 : vector<1x1x16xf32> to vector<16xf32>
        %swap3A_662 = vector.shape_cast %add3A_655 : vector<16xf32> to vector<1x1x16xf32>
        tpu.vector_store %arg7[%swap3A_657, %swap3A_658, %swap3A_659], %swap3A_662 {strides = array<i32>} : memref<2x32x128xf32, #tpu.memory_space<vmem>>, vector<1x1x16xf32>,
        %get3A_663 = arith.constant 1 : i32
        %get3A_664 = arith.index_cast %get3A_663 : i32 to index
        %get3A_665 = arith.index_cast %scan3A_238 : i32 to index
        %get3A_666 = arith.constant 64 : index
        %get3A_667 = tpu.vector_load %arg6[%get3A_664, %get3A_665, %get3A_666] {strides = array<i32>} : memref<2x352x128xf32, #tpu.memory_space<vmem>>, vector<1x1x16xf32>,
        %get3A_668 = vector.shape_cast %get3A_667 : vector<1x1x16xf32> to vector<16xf32>
        %add3A_669 = arith.constant 32 : i32
        %add3A_670 = arith.addi %add3A_669, %scan3A_238 : i32
        %get3A_671 = arith.constant 1 : i32
        %get3A_672 = arith.index_cast %get3A_671 : i32 to index
        %get3A_673 = arith.index_cast %add3A_670 : i32 to index
        %get3A_674 = arith.constant 64 : index
        %get3A_675 = tpu.vector_load %arg6[%get3A_672, %get3A_673, %get3A_674] {strides = array<i32>} : memref<2x352x128xf32, #tpu.memory_space<vmem>>, vector<1x1x16xf32>,
        %get3A_676 = vector.shape_cast %get3A_675 : vector<1x1x16xf32> to vector<16xf32>
        %add3A_677 = arith.addf %get3A_668, %get3A_676 : vector<16xf32>
        %add3A_678 = arith.constant 64 : i32
        %add3A_679 = arith.addi %add3A_678, %scan3A_238 : i32
        %get3A_680 = arith.constant 1 : i32
        %get3A_681 = arith.index_cast %get3A_680 : i32 to index
        %get3A_682 = arith.index_cast %add3A_679 : i32 to index
        %get3A_683 = arith.constant 64 : index
        %get3A_684 = tpu.vector_load %arg6[%get3A_681, %get3A_682, %get3A_683] {strides = array<i32>} : memref<2x352x128xf32, #tpu.memory_space<vmem>>, vector<1x1x16xf32>,
        %get3A_685 = vector.shape_cast %get3A_684 : vector<1x1x16xf32> to vector<16xf32>
        %add3A_686 = arith.addf %add3A_677, %get3A_685 : vector<16xf32>
        %add3A_687 = arith.constant 96 : i32
        %add3A_688 = arith.addi %add3A_687, %scan3A_238 : i32
        %get3A_689 = arith.constant 1 : i32
        %get3A_690 = arith.index_cast %get3A_689 : i32 to index
        %get3A_691 = arith.index_cast %add3A_688 : i32 to index
        %get3A_692 = arith.constant 64 : index
        %get3A_693 = tpu.vector_load %arg6[%get3A_690, %get3A_691, %get3A_692] {strides = array<i32>} : memref<2x352x128xf32, #tpu.memory_space<vmem>>, vector<1x1x16xf32>,
        %get3A_694 = vector.shape_cast %get3A_693 : vector<1x1x16xf32> to vector<16xf32>
        %add3A_695 = arith.addf %add3A_686, %get3A_694 : vector<16xf32>
        %add3A_696 = arith.constant 128 : i32
        %add3A_697 = arith.addi %add3A_696, %scan3A_238 : i32
        %get3A_698 = arith.constant 1 : i32
        %get3A_699 = arith.index_cast %get3A_698 : i32 to index
        %get3A_700 = arith.index_cast %add3A_697 : i32 to index
        %get3A_701 = arith.constant 64 : index
        %get3A_702 = tpu.vector_load %arg6[%get3A_699, %get3A_700, %get3A_701] {strides = array<i32>} : memref<2x352x128xf32, #tpu.memory_space<vmem>>, vector<1x1x16xf32>,
        %get3A_703 = vector.shape_cast %get3A_702 : vector<1x1x16xf32> to vector<16xf32>
        %add3A_704 = arith.addf %add3A_695, %get3A_703 : vector<16xf32>
        %add3A_705 = arith.constant 160 : i32
        %add3A_706 = arith.addi %add3A_705, %scan3A_238 : i32
        %get3A_707 = arith.constant 1 : i32
        %get3A_708 = arith.index_cast %get3A_707 : i32 to index
        %get3A_709 = arith.index_cast %add3A_706 : i32 to index
        %get3A_710 = arith.constant 64 : index
        %get3A_711 = tpu.vector_load %arg6[%get3A_708, %get3A_709, %get3A_710] {strides = array<i32>} : memref<2x352x128xf32, #tpu.memory_space<vmem>>, vector<1x1x16xf32>,
        %get3A_712 = vector.shape_cast %get3A_711 : vector<1x1x16xf32> to vector<16xf32>
        %add3A_713 = arith.addf %add3A_704, %get3A_712 : vector<16xf32>
        %add3A_714 = arith.constant 192 : i32
        %add3A_715 = arith.addi %add3A_714, %scan3A_238 : i32
        %get3A_716 = arith.constant 1 : i32
        %get3A_717 = arith.index_cast %get3A_716 : i32 to index
        %get3A_718 = arith.index_cast %add3A_715 : i32 to index
        %get3A_719 = arith.constant 64 : index
        %get3A_720 = tpu.vector_load %arg6[%get3A_717, %get3A_718, %get3A_719] {strides = array<i32>} : memref<2x352x128xf32, #tpu.memory_space<vmem>>, vector<1x1x16xf32>,
        %get3A_721 = vector.shape_cast %get3A_720 : vector<1x1x16xf32> to vector<16xf32>
        %add3A_722 = arith.addf %add3A_713, %get3A_721 : vector<16xf32>
        %add3A_723 = arith.constant 224 : i32
        %add3A_724 = arith.addi %add3A_723, %scan3A_238 : i32
        %get3A_725 = arith.constant 1 : i32
        %get3A_726 = arith.index_cast %get3A_725 : i32 to index
        %get3A_727 = arith.index_cast %add3A_724 : i32 to index
        %get3A_728 = arith.constant 64 : index
        %get3A_729 = tpu.vector_load %arg6[%get3A_726, %get3A_727, %get3A_728] {strides = array<i32>} : memref<2x352x128xf32, #tpu.memory_space<vmem>>, vector<1x1x16xf32>,
        %get3A_730 = vector.shape_cast %get3A_729 : vector<1x1x16xf32> to vector<16xf32>
        %add3A_731 = arith.addf %add3A_722, %get3A_730 : vector<16xf32>
        %add3A_732 = arith.constant 256 : i32
        %add3A_733 = arith.addi %add3A_732, %scan3A_238 : i32
        %get3A_734 = arith.constant 1 : i32
        %get3A_735 = arith.index_cast %get3A_734 : i32 to index
        %get3A_736 = arith.index_cast %add3A_733 : i32 to index
        %get3A_737 = arith.constant 64 : index
        %get3A_738 = tpu.vector_load %arg6[%get3A_735, %get3A_736, %get3A_737] {strides = array<i32>} : memref<2x352x128xf32, #tpu.memory_space<vmem>>, vector<1x1x16xf32>,
        %get3A_739 = vector.shape_cast %get3A_738 : vector<1x1x16xf32> to vector<16xf32>
        %add3A_740 = arith.addf %add3A_731, %get3A_739 : vector<16xf32>
        %add3A_741 = arith.constant 288 : i32
        %add3A_742 = arith.addi %add3A_741, %scan3A_238 : i32
        %get3A_743 = arith.constant 1 : i32
        %get3A_744 = arith.index_cast %get3A_743 : i32 to index
        %get3A_745 = arith.index_cast %add3A_742 : i32 to index
        %get3A_746 = arith.constant 64 : index
        %get3A_747 = tpu.vector_load %arg6[%get3A_744, %get3A_745, %get3A_746] {strides = array<i32>} : memref<2x352x128xf32, #tpu.memory_space<vmem>>, vector<1x1x16xf32>,
        %get3A_748 = vector.shape_cast %get3A_747 : vector<1x1x16xf32> to vector<16xf32>
        %add3A_749 = arith.addf %add3A_740, %get3A_748 : vector<16xf32>
        %add3A_750 = arith.constant 320 : i32
        %add3A_751 = arith.addi %add3A_750, %scan3A_238 : i32
        %get3A_752 = arith.constant 1 : i32
        %get3A_753 = arith.index_cast %get3A_752 : i32 to index
        %get3A_754 = arith.index_cast %add3A_751 : i32 to index
        %get3A_755 = arith.constant 64 : index
        %get3A_756 = tpu.vector_load %arg6[%get3A_753, %get3A_754, %get3A_755] {strides = array<i32>} : memref<2x352x128xf32, #tpu.memory_space<vmem>>, vector<1x1x16xf32>,
        %get3A_757 = vector.shape_cast %get3A_756 : vector<1x1x16xf32> to vector<16xf32>
        %mul3A_758 = vector.broadcast %select_n3A_244 : f32 to vector<16xf32>
        %mul3A_759 = arith.mulf %mul3A_758, %add3A_749 : vector<16xf32>
        %add3A_760 = arith.addf %get3A_757, %mul3A_759 : vector<16xf32>
        %swap3A_761 = arith.constant 1 : i32
        %swap3A_762 = arith.index_cast %swap3A_761 : i32 to index
        %swap3A_763 = arith.index_cast %scan3A_238 : i32 to index
        %swap3A_764 = arith.constant 64 : index
        %swap3A_765 = tpu.vector_load %arg7[%swap3A_762, %swap3A_763, %swap3A_764] {strides = array<i32>} : memref<2x32x128xf32, #tpu.memory_space<vmem>>, vector<1x1x16xf32>,
        %swap3A_766 = vector.shape_cast %swap3A_765 : vector<1x1x16xf32> to vector<16xf32>
        %swap3A_767 = vector.shape_cast %add3A_760 : vector<16xf32> to vector<1x1x16xf32>
        tpu.vector_store %arg7[%swap3A_762, %swap3A_763, %swap3A_764], %swap3A_767 {strides = array<i32>} : memref<2x32x128xf32, #tpu.memory_space<vmem>>, vector<1x1x16xf32>,
        %get3A_768 = arith.constant 1 : i32
        %get3A_769 = arith.index_cast %get3A_768 : i32 to index
        %get3A_770 = arith.index_cast %scan3A_238 : i32 to index
        %get3A_771 = arith.constant 80 : index
        %get3A_772 = tpu.vector_load %arg6[%get3A_769, %get3A_770, %get3A_771] {strides = array<i32>} : memref<2x352x128xf32, #tpu.memory_space<vmem>>, vector<1x1x16xf32>,
        %get3A_773 = vector.shape_cast %get3A_772 : vector<1x1x16xf32> to vector<16xf32>
        %add3A_774 = arith.constant 32 : i32
        %add3A_775 = arith.addi %add3A_774, %scan3A_238 : i32
        %get3A_776 = arith.constant 1 : i32
        %get3A_777 = arith.index_cast %get3A_776 : i32 to index
        %get3A_778 = arith.index_cast %add3A_775 : i32 to index
        %get3A_779 = arith.constant 80 : index
        %get3A_780 = tpu.vector_load %arg6[%get3A_777, %get3A_778, %get3A_779] {strides = array<i32>} : memref<2x352x128xf32, #tpu.memory_space<vmem>>, vector<1x1x16xf32>,
        %get3A_781 = vector.shape_cast %get3A_780 : vector<1x1x16xf32> to vector<16xf32>
        %add3A_782 = arith.addf %get3A_773, %get3A_781 : vector<16xf32>
        %add3A_783 = arith.constant 64 : i32
        %add3A_784 = arith.addi %add3A_783, %scan3A_238 : i32
        %get3A_785 = arith.constant 1 : i32
        %get3A_786 = arith.index_cast %get3A_785 : i32 to index
        %get3A_787 = arith.index_cast %add3A_784 : i32 to index
        %get3A_788 = arith.constant 80 : index
        %get3A_789 = tpu.vector_load %arg6[%get3A_786, %get3A_787, %get3A_788] {strides = array<i32>} : memref<2x352x128xf32, #tpu.memory_space<vmem>>, vector<1x1x16xf32>,
        %get3A_790 = vector.shape_cast %get3A_789 : vector<1x1x16xf32> to vector<16xf32>
        %add3A_791 = arith.addf %add3A_782, %get3A_790 : vector<16xf32>
        %add3A_792 = arith.constant 96 : i32
        %add3A_793 = arith.addi %add3A_792, %scan3A_238 : i32
        %get3A_794 = arith.constant 1 : i32
        %get3A_795 = arith.index_cast %get3A_794 : i32 to index
        %get3A_796 = arith.index_cast %add3A_793 : i32 to index
        %get3A_797 = arith.constant 80 : index
        %get3A_798 = tpu.vector_load %arg6[%get3A_795, %get3A_796, %get3A_797] {strides = array<i32>} : memref<2x352x128xf32, #tpu.memory_space<vmem>>, vector<1x1x16xf32>,
        %get3A_799 = vector.shape_cast %get3A_798 : vector<1x1x16xf32> to vector<16xf32>
        %add3A_800 = arith.addf %add3A_791, %get3A_799 : vector<16xf32>
        %add3A_801 = arith.constant 128 : i32
        %add3A_802 = arith.addi %add3A_801, %scan3A_238 : i32
        %get3A_803 = arith.constant 1 : i32
        %get3A_804 = arith.index_cast %get3A_803 : i32 to index
        %get3A_805 = arith.index_cast %add3A_802 : i32 to index
        %get3A_806 = arith.constant 80 : index
        %get3A_807 = tpu.vector_load %arg6[%get3A_804, %get3A_805, %get3A_806] {strides = array<i32>} : memref<2x352x128xf32, #tpu.memory_space<vmem>>, vector<1x1x16xf32>,
        %get3A_808 = vector.shape_cast %get3A_807 : vector<1x1x16xf32> to vector<16xf32>
        %add3A_809 = arith.addf %add3A_800, %get3A_808 : vector<16xf32>
        %add3A_810 = arith.constant 160 : i32
        %add3A_811 = arith.addi %add3A_810, %scan3A_238 : i32
        %get3A_812 = arith.constant 1 : i32
        %get3A_813 = arith.index_cast %get3A_812 : i32 to index
        %get3A_814 = arith.index_cast %add3A_811 : i32 to index
        %get3A_815 = arith.constant 80 : index
        %get3A_816 = tpu.vector_load %arg6[%get3A_813, %get3A_814, %get3A_815] {strides = array<i32>} : memref<2x352x128xf32, #tpu.memory_space<vmem>>, vector<1x1x16xf32>,
        %get3A_817 = vector.shape_cast %get3A_816 : vector<1x1x16xf32> to vector<16xf32>
        %add3A_818 = arith.addf %add3A_809, %get3A_817 : vector<16xf32>
        %add3A_819 = arith.constant 192 : i32
        %add3A_820 = arith.addi %add3A_819, %scan3A_238 : i32
        %get3A_821 = arith.constant 1 : i32
        %get3A_822 = arith.index_cast %get3A_821 : i32 to index
        %get3A_823 = arith.index_cast %add3A_820 : i32 to index
        %get3A_824 = arith.constant 80 : index
        %get3A_825 = tpu.vector_load %arg6[%get3A_822, %get3A_823, %get3A_824] {strides = array<i32>} : memref<2x352x128xf32, #tpu.memory_space<vmem>>, vector<1x1x16xf32>,
        %get3A_826 = vector.shape_cast %get3A_825 : vector<1x1x16xf32> to vector<16xf32>
        %add3A_827 = arith.addf %add3A_818, %get3A_826 : vector<16xf32>
        %add3A_828 = arith.constant 224 : i32
        %add3A_829 = arith.addi %add3A_828, %scan3A_238 : i32
        %get3A_830 = arith.constant 1 : i32
        %get3A_831 = arith.index_cast %get3A_830 : i32 to index
        %get3A_832 = arith.index_cast %add3A_829 : i32 to index
        %get3A_833 = arith.constant 80 : index
        %get3A_834 = tpu.vector_load %arg6[%get3A_831, %get3A_832, %get3A_833] {strides = array<i32>} : memref<2x352x128xf32, #tpu.memory_space<vmem>>, vector<1x1x16xf32>,
        %get3A_835 = vector.shape_cast %get3A_834 : vector<1x1x16xf32> to vector<16xf32>
        %add3A_836 = arith.addf %add3A_827, %get3A_835 : vector<16xf32>
        %add3A_837 = arith.constant 256 : i32
        %add3A_838 = arith.addi %add3A_837, %scan3A_238 : i32
        %get3A_839 = arith.constant 1 : i32
        %get3A_840 = arith.index_cast %get3A_839 : i32 to index
        %get3A_841 = arith.index_cast %add3A_838 : i32 to index
        %get3A_842 = arith.constant 80 : index
        %get3A_843 = tpu.vector_load %arg6[%get3A_840, %get3A_841, %get3A_842] {strides = array<i32>} : memref<2x352x128xf32, #tpu.memory_space<vmem>>, vector<1x1x16xf32>,
        %get3A_844 = vector.shape_cast %get3A_843 : vector<1x1x16xf32> to vector<16xf32>
        %add3A_845 = arith.addf %add3A_836, %get3A_844 : vector<16xf32>
        %add3A_846 = arith.constant 288 : i32
        %add3A_847 = arith.addi %add3A_846, %scan3A_238 : i32
        %get3A_848 = arith.constant 1 : i32
        %get3A_849 = arith.index_cast %get3A_848 : i32 to index
        %get3A_850 = arith.index_cast %add3A_847 : i32 to index
        %get3A_851 = arith.constant 80 : index
        %get3A_852 = tpu.vector_load %arg6[%get3A_849, %get3A_850, %get3A_851] {strides = array<i32>} : memref<2x352x128xf32, #tpu.memory_space<vmem>>, vector<1x1x16xf32>,
        %get3A_853 = vector.shape_cast %get3A_852 : vector<1x1x16xf32> to vector<16xf32>
        %add3A_854 = arith.addf %add3A_845, %get3A_853 : vector<16xf32>
        %add3A_855 = arith.constant 320 : i32
        %add3A_856 = arith.addi %add3A_855, %scan3A_238 : i32
        %get3A_857 = arith.constant 1 : i32
        %get3A_858 = arith.index_cast %get3A_857 : i32 to index
        %get3A_859 = arith.index_cast %add3A_856 : i32 to index
        %get3A_860 = arith.constant 80 : index
        %get3A_861 = tpu.vector_load %arg6[%get3A_858, %get3A_859, %get3A_860] {strides = array<i32>} : memref<2x352x128xf32, #tpu.memory_space<vmem>>, vector<1x1x16xf32>,
        %get3A_862 = vector.shape_cast %get3A_861 : vector<1x1x16xf32> to vector<16xf32>
        %mul3A_863 = vector.broadcast %select_n3A_244 : f32 to vector<16xf32>
        %mul3A_864 = arith.mulf %mul3A_863, %add3A_854 : vector<16xf32>
        %add3A_865 = arith.addf %get3A_862, %mul3A_864 : vector<16xf32>
        %swap3A_866 = arith.constant 1 : i32
        %swap3A_867 = arith.index_cast %swap3A_866 : i32 to index
        %swap3A_868 = arith.index_cast %scan3A_238 : i32 to index
        %swap3A_869 = arith.constant 80 : index
        %swap3A_870 = tpu.vector_load %arg7[%swap3A_867, %swap3A_868, %swap3A_869] {strides = array<i32>} : memref<2x32x128xf32, #tpu.memory_space<vmem>>, vector<1x1x16xf32>,
        %swap3A_871 = vector.shape_cast %swap3A_870 : vector<1x1x16xf32> to vector<16xf32>
        %swap3A_872 = vector.shape_cast %add3A_865 : vector<16xf32> to vector<1x1x16xf32>
        tpu.vector_store %arg7[%swap3A_867, %swap3A_868, %swap3A_869], %swap3A_872 {strides = array<i32>} : memref<2x32x128xf32, #tpu.memory_space<vmem>>, vector<1x1x16xf32>,
        %get3A_873 = arith.constant 1 : i32
        %get3A_874 = arith.index_cast %get3A_873 : i32 to index
        %get3A_875 = arith.index_cast %scan3A_238 : i32 to index
        %get3A_876 = arith.constant 96 : index
        %get3A_877 = tpu.vector_load %arg6[%get3A_874, %get3A_875, %get3A_876] {strides = array<i32>} : memref<2x352x128xf32, #tpu.memory_space<vmem>>, vector<1x1x16xf32>,
        %get3A_878 = vector.shape_cast %get3A_877 : vector<1x1x16xf32> to vector<16xf32>
        %add3A_879 = arith.constant 32 : i32
        %add3A_880 = arith.addi %add3A_879, %scan3A_238 : i32
        %get3A_881 = arith.constant 1 : i32
        %get3A_882 = arith.index_cast %get3A_881 : i32 to index
        %get3A_883 = arith.index_cast %add3A_880 : i32 to index
        %get3A_884 = arith.constant 96 : index
        %get3A_885 = tpu.vector_load %arg6[%get3A_882, %get3A_883, %get3A_884] {strides = array<i32>} : memref<2x352x128xf32, #tpu.memory_space<vmem>>, vector<1x1x16xf32>,
        %get3A_886 = vector.shape_cast %get3A_885 : vector<1x1x16xf32> to vector<16xf32>
        %add3A_887 = arith.addf %get3A_878, %get3A_886 : vector<16xf32>
        %add3A_888 = arith.constant 64 : i32
        %add3A_889 = arith.addi %add3A_888, %scan3A_238 : i32
        %get3A_890 = arith.constant 1 : i32
        %get3A_891 = arith.index_cast %get3A_890 : i32 to index
        %get3A_892 = arith.index_cast %add3A_889 : i32 to index
        %get3A_893 = arith.constant 96 : index
        %get3A_894 = tpu.vector_load %arg6[%get3A_891, %get3A_892, %get3A_893] {strides = array<i32>} : memref<2x352x128xf32, #tpu.memory_space<vmem>>, vector<1x1x16xf32>,
        %get3A_895 = vector.shape_cast %get3A_894 : vector<1x1x16xf32> to vector<16xf32>
        %add3A_896 = arith.addf %add3A_887, %get3A_895 : vector<16xf32>
        %add3A_897 = arith.constant 96 : i32
        %add3A_898 = arith.addi %add3A_897, %scan3A_238 : i32
        %get3A_899 = arith.constant 1 : i32
        %get3A_900 = arith.index_cast %get3A_899 : i32 to index
        %get3A_901 = arith.index_cast %add3A_898 : i32 to index
        %get3A_902 = arith.constant 96 : index
        %get3A_903 = tpu.vector_load %arg6[%get3A_900, %get3A_901, %get3A_902] {strides = array<i32>} : memref<2x352x128xf32, #tpu.memory_space<vmem>>, vector<1x1x16xf32>,
        %get3A_904 = vector.shape_cast %get3A_903 : vector<1x1x16xf32> to vector<16xf32>
        %add3A_905 = arith.addf %add3A_896, %get3A_904 : vector<16xf32>
        %add3A_906 = arith.constant 128 : i32
        %add3A_907 = arith.addi %add3A_906, %scan3A_238 : i32
        %get3A_908 = arith.constant 1 : i32
        %get3A_909 = arith.index_cast %get3A_908 : i32 to index
        %get3A_910 = arith.index_cast %add3A_907 : i32 to index
        %get3A_911 = arith.constant 96 : index
        %get3A_912 = tpu.vector_load %arg6[%get3A_909, %get3A_910, %get3A_911] {strides = array<i32>} : memref<2x352x128xf32, #tpu.memory_space<vmem>>, vector<1x1x16xf32>,
        %get3A_913 = vector.shape_cast %get3A_912 : vector<1x1x16xf32> to vector<16xf32>
        %add3A_914 = arith.addf %add3A_905, %get3A_913 : vector<16xf32>
        %add3A_915 = arith.constant 160 : i32
        %add3A_916 = arith.addi %add3A_915, %scan3A_238 : i32
        %get3A_917 = arith.constant 1 : i32
        %get3A_918 = arith.index_cast %get3A_917 : i32 to index
        %get3A_919 = arith.index_cast %add3A_916 : i32 to index
        %get3A_920 = arith.constant 96 : index
        %get3A_921 = tpu.vector_load %arg6[%get3A_918, %get3A_919, %get3A_920] {strides = array<i32>} : memref<2x352x128xf32, #tpu.memory_space<vmem>>, vector<1x1x16xf32>,
        %get3A_922 = vector.shape_cast %get3A_921 : vector<1x1x16xf32> to vector<16xf32>
        %add3A_923 = arith.addf %add3A_914, %get3A_922 : vector<16xf32>
        %add3A_924 = arith.constant 192 : i32
        %add3A_925 = arith.addi %add3A_924, %scan3A_238 : i32
        %get3A_926 = arith.constant 1 : i32
        %get3A_927 = arith.index_cast %get3A_926 : i32 to index
        %get3A_928 = arith.index_cast %add3A_925 : i32 to index
        %get3A_929 = arith.constant 96 : index
        %get3A_930 = tpu.vector_load %arg6[%get3A_927, %get3A_928, %get3A_929] {strides = array<i32>} : memref<2x352x128xf32, #tpu.memory_space<vmem>>, vector<1x1x16xf32>,
        %get3A_931 = vector.shape_cast %get3A_930 : vector<1x1x16xf32> to vector<16xf32>
        %add3A_932 = arith.addf %add3A_923, %get3A_931 : vector<16xf32>
        %add3A_933 = arith.constant 224 : i32
        %add3A_934 = arith.addi %add3A_933, %scan3A_238 : i32
        %get3A_935 = arith.constant 1 : i32
        %get3A_936 = arith.index_cast %get3A_935 : i32 to index
        %get3A_937 = arith.index_cast %add3A_934 : i32 to index
        %get3A_938 = arith.constant 96 : index
        %get3A_939 = tpu.vector_load %arg6[%get3A_936, %get3A_937, %get3A_938] {strides = array<i32>} : memref<2x352x128xf32, #tpu.memory_space<vmem>>, vector<1x1x16xf32>,
        %get3A_940 = vector.shape_cast %get3A_939 : vector<1x1x16xf32> to vector<16xf32>
        %add3A_941 = arith.addf %add3A_932, %get3A_940 : vector<16xf32>
        %add3A_942 = arith.constant 256 : i32
        %add3A_943 = arith.addi %add3A_942, %scan3A_238 : i32
        %get3A_944 = arith.constant 1 : i32
        %get3A_945 = arith.index_cast %get3A_944 : i32 to index
        %get3A_946 = arith.index_cast %add3A_943 : i32 to index
        %get3A_947 = arith.constant 96 : index
        %get3A_948 = tpu.vector_load %arg6[%get3A_945, %get3A_946, %get3A_947] {strides = array<i32>} : memref<2x352x128xf32, #tpu.memory_space<vmem>>, vector<1x1x16xf32>,
        %get3A_949 = vector.shape_cast %get3A_948 : vector<1x1x16xf32> to vector<16xf32>
        %add3A_950 = arith.addf %add3A_941, %get3A_949 : vector<16xf32>
        %add3A_951 = arith.constant 288 : i32
        %add3A_952 = arith.addi %add3A_951, %scan3A_238 : i32
        %get3A_953 = arith.constant 1 : i32
        %get3A_954 = arith.index_cast %get3A_953 : i32 to index
        %get3A_955 = arith.index_cast %add3A_952 : i32 to index
        %get3A_956 = arith.constant 96 : index
        %get3A_957 = tpu.vector_load %arg6[%get3A_954, %get3A_955, %get3A_956] {strides = array<i32>} : memref<2x352x128xf32, #tpu.memory_space<vmem>>, vector<1x1x16xf32>,
        %get3A_958 = vector.shape_cast %get3A_957 : vector<1x1x16xf32> to vector<16xf32>
        %add3A_959 = arith.addf %add3A_950, %get3A_958 : vector<16xf32>
        %add3A_960 = arith.constant 320 : i32
        %add3A_961 = arith.addi %add3A_960, %scan3A_238 : i32
        %get3A_962 = arith.constant 1 : i32
        %get3A_963 = arith.index_cast %get3A_962 : i32 to index
        %get3A_964 = arith.index_cast %add3A_961 : i32 to index
        %get3A_965 = arith.constant 96 : index
        %get3A_966 = tpu.vector_load %arg6[%get3A_963, %get3A_964, %get3A_965] {strides = array<i32>} : memref<2x352x128xf32, #tpu.memory_space<vmem>>, vector<1x1x16xf32>,
        %get3A_967 = vector.shape_cast %get3A_966 : vector<1x1x16xf32> to vector<16xf32>
        %mul3A_968 = vector.broadcast %select_n3A_244 : f32 to vector<16xf32>
        %mul3A_969 = arith.mulf %mul3A_968, %add3A_959 : vector<16xf32>
        %add3A_970 = arith.addf %get3A_967, %mul3A_969 : vector<16xf32>
        %swap3A_971 = arith.constant 1 : i32
        %swap3A_972 = arith.index_cast %swap3A_971 : i32 to index
        %swap3A_973 = arith.index_cast %scan3A_238 : i32 to index
        %swap3A_974 = arith.constant 96 : index
        %swap3A_975 = tpu.vector_load %arg7[%swap3A_972, %swap3A_973, %swap3A_974] {strides = array<i32>} : memref<2x32x128xf32, #tpu.memory_space<vmem>>, vector<1x1x16xf32>,
        %swap3A_976 = vector.shape_cast %swap3A_975 : vector<1x1x16xf32> to vector<16xf32>
        %swap3A_977 = vector.shape_cast %add3A_970 : vector<16xf32> to vector<1x1x16xf32>
        tpu.vector_store %arg7[%swap3A_972, %swap3A_973, %swap3A_974], %swap3A_977 {strides = array<i32>} : memref<2x32x128xf32, #tpu.memory_space<vmem>>, vector<1x1x16xf32>,
        %get3A_978 = arith.constant 1 : i32
        %get3A_979 = arith.index_cast %get3A_978 : i32 to index
        %get3A_980 = arith.index_cast %scan3A_238 : i32 to index
        %get3A_981 = arith.constant 112 : index
        %get3A_982 = tpu.vector_load %arg6[%get3A_979, %get3A_980, %get3A_981] {strides = array<i32>} : memref<2x352x128xf32, #tpu.memory_space<vmem>>, vector<1x1x16xf32>,
        %get3A_983 = vector.shape_cast %get3A_982 : vector<1x1x16xf32> to vector<16xf32>
        %add3A_984 = arith.constant 32 : i32
        %add3A_985 = arith.addi %add3A_984, %scan3A_238 : i32
        %get3A_986 = arith.constant 1 : i32
        %get3A_987 = arith.index_cast %get3A_986 : i32 to index
        %get3A_988 = arith.index_cast %add3A_985 : i32 to index
        %get3A_989 = arith.constant 112 : index
        %get3A_990 = tpu.vector_load %arg6[%get3A_987, %get3A_988, %get3A_989] {strides = array<i32>} : memref<2x352x128xf32, #tpu.memory_space<vmem>>, vector<1x1x16xf32>,
        %get3A_991 = vector.shape_cast %get3A_990 : vector<1x1x16xf32> to vector<16xf32>
        %add3A_992 = arith.addf %get3A_983, %get3A_991 : vector<16xf32>
        %add3A_993 = arith.constant 64 : i32
        %add3A_994 = arith.addi %add3A_993, %scan3A_238 : i32
        %get3A_995 = arith.constant 1 : i32
        %get3A_996 = arith.index_cast %get3A_995 : i32 to index
        %get3A_997 = arith.index_cast %add3A_994 : i32 to index
        %get3A_998 = arith.constant 112 : index
        %get3A_999 = tpu.vector_load %arg6[%get3A_996, %get3A_997, %get3A_998] {strides = array<i32>} : memref<2x352x128xf32, #tpu.memory_space<vmem>>, vector<1x1x16xf32>,
        %get3A_1000 = vector.shape_cast %get3A_999 : vector<1x1x16xf32> to vector<16xf32>
        %add3A_1001 = arith.addf %add3A_992, %get3A_1000 : vector<16xf32>
        %add3A_1002 = arith.constant 96 : i32
        %add3A_1003 = arith.addi %add3A_1002, %scan3A_238 : i32
        %get3A_1004 = arith.constant 1 : i32
        %get3A_1005 = arith.index_cast %get3A_1004 : i32 to index
        %get3A_1006 = arith.index_cast %add3A_1003 : i32 to index
        %get3A_1007 = arith.constant 112 : index
        %get3A_1008 = tpu.vector_load %arg6[%get3A_1005, %get3A_1006, %get3A_1007] {strides = array<i32>} : memref<2x352x128xf32, #tpu.memory_space<vmem>>, vector<1x1x16xf32>,
        %get3A_1009 = vector.shape_cast %get3A_1008 : vector<1x1x16xf32> to vector<16xf32>
        %add3A_1010 = arith.addf %add3A_1001, %get3A_1009 : vector<16xf32>
        %add3A_1011 = arith.constant 128 : i32
        %add3A_1012 = arith.addi %add3A_1011, %scan3A_238 : i32
        %get3A_1013 = arith.constant 1 : i32
        %get3A_1014 = arith.index_cast %get3A_1013 : i32 to index
        %get3A_1015 = arith.index_cast %add3A_1012 : i32 to index
        %get3A_1016 = arith.constant 112 : index
        %get3A_1017 = tpu.vector_load %arg6[%get3A_1014, %get3A_1015, %get3A_1016] {strides = array<i32>} : memref<2x352x128xf32, #tpu.memory_space<vmem>>, vector<1x1x16xf32>,
        %get3A_1018 = vector.shape_cast %get3A_1017 : vector<1x1x16xf32> to vector<16xf32>
        %add3A_1019 = arith.addf %add3A_1010, %get3A_1018 : vector<16xf32>
        %add3A_1020 = arith.constant 160 : i32
        %add3A_1021 = arith.addi %add3A_1020, %scan3A_238 : i32
        %get3A_1022 = arith.constant 1 : i32
        %get3A_1023 = arith.index_cast %get3A_1022 : i32 to index
        %get3A_1024 = arith.index_cast %add3A_1021 : i32 to index
        %get3A_1025 = arith.constant 112 : index
        %get3A_1026 = tpu.vector_load %arg6[%get3A_1023, %get3A_1024, %get3A_1025] {strides = array<i32>} : memref<2x352x128xf32, #tpu.memory_space<vmem>>, vector<1x1x16xf32>,
        %get3A_1027 = vector.shape_cast %get3A_1026 : vector<1x1x16xf32> to vector<16xf32>
        %add3A_1028 = arith.addf %add3A_1019, %get3A_1027 : vector<16xf32>
        %add3A_1029 = arith.constant 192 : i32
        %add3A_1030 = arith.addi %add3A_1029, %scan3A_238 : i32
        %get3A_1031 = arith.constant 1 : i32
        %get3A_1032 = arith.index_cast %get3A_1031 : i32 to index
        %get3A_1033 = arith.index_cast %add3A_1030 : i32 to index
        %get3A_1034 = arith.constant 112 : index
        %get3A_1035 = tpu.vector_load %arg6[%get3A_1032, %get3A_1033, %get3A_1034] {strides = array<i32>} : memref<2x352x128xf32, #tpu.memory_space<vmem>>, vector<1x1x16xf32>,
        %get3A_1036 = vector.shape_cast %get3A_1035 : vector<1x1x16xf32> to vector<16xf32>
        %add3A_1037 = arith.addf %add3A_1028, %get3A_1036 : vector<16xf32>
        %add3A_1038 = arith.constant 224 : i32
        %add3A_1039 = arith.addi %add3A_1038, %scan3A_238 : i32
        %get3A_1040 = arith.constant 1 : i32
        %get3A_1041 = arith.index_cast %get3A_1040 : i32 to index
        %get3A_1042 = arith.index_cast %add3A_1039 : i32 to index
        %get3A_1043 = arith.constant 112 : index
        %get3A_1044 = tpu.vector_load %arg6[%get3A_1041, %get3A_1042, %get3A_1043] {strides = array<i32>} : memref<2x352x128xf32, #tpu.memory_space<vmem>>, vector<1x1x16xf32>,
        %get3A_1045 = vector.shape_cast %get3A_1044 : vector<1x1x16xf32> to vector<16xf32>
        %add3A_1046 = arith.addf %add3A_1037, %get3A_1045 : vector<16xf32>
        %add3A_1047 = arith.constant 256 : i32
        %add3A_1048 = arith.addi %add3A_1047, %scan3A_238 : i32
        %get3A_1049 = arith.constant 1 : i32
        %get3A_1050 = arith.index_cast %get3A_1049 : i32 to index
        %get3A_1051 = arith.index_cast %add3A_1048 : i32 to index
        %get3A_1052 = arith.constant 112 : index
        %get3A_1053 = tpu.vector_load %arg6[%get3A_1050, %get3A_1051, %get3A_1052] {strides = array<i32>} : memref<2x352x128xf32, #tpu.memory_space<vmem>>, vector<1x1x16xf32>,
        %get3A_1054 = vector.shape_cast %get3A_1053 : vector<1x1x16xf32> to vector<16xf32>
        %add3A_1055 = arith.addf %add3A_1046, %get3A_1054 : vector<16xf32>
        %add3A_1056 = arith.constant 288 : i32
        %add3A_1057 = arith.addi %add3A_1056, %scan3A_238 : i32
        %get3A_1058 = arith.constant 1 : i32
        %get3A_1059 = arith.index_cast %get3A_1058 : i32 to index
        %get3A_1060 = arith.index_cast %add3A_1057 : i32 to index
        %get3A_1061 = arith.constant 112 : index
        %get3A_1062 = tpu.vector_load %arg6[%get3A_1059, %get3A_1060, %get3A_1061] {strides = array<i32>} : memref<2x352x128xf32, #tpu.memory_space<vmem>>, vector<1x1x16xf32>,
        %get3A_1063 = vector.shape_cast %get3A_1062 : vector<1x1x16xf32> to vector<16xf32>
        %add3A_1064 = arith.addf %add3A_1055, %get3A_1063 : vector<16xf32>
        %add3A_1065 = arith.constant 320 : i32
        %add3A_1066 = arith.addi %add3A_1065, %scan3A_238 : i32
        %get3A_1067 = arith.constant 1 : i32
        %get3A_1068 = arith.index_cast %get3A_1067 : i32 to index
        %get3A_1069 = arith.index_cast %add3A_1066 : i32 to index
        %get3A_1070 = arith.constant 112 : index
        %get3A_1071 = tpu.vector_load %arg6[%get3A_1068, %get3A_1069, %get3A_1070] {strides = array<i32>} : memref<2x352x128xf32, #tpu.memory_space<vmem>>, vector<1x1x16xf32>,
        %get3A_1072 = vector.shape_cast %get3A_1071 : vector<1x1x16xf32> to vector<16xf32>
        %mul3A_1073 = vector.broadcast %select_n3A_244 : f32 to vector<16xf32>
        %mul3A_1074 = arith.mulf %mul3A_1073, %add3A_1064 : vector<16xf32>
        %add3A_1075 = arith.addf %get3A_1072, %mul3A_1074 : vector<16xf32>
        %swap3A_1076 = arith.constant 1 : i32
        %swap3A_1077 = arith.index_cast %swap3A_1076 : i32 to index
        %swap3A_1078 = arith.index_cast %scan3A_238 : i32 to index
        %swap3A_1079 = arith.constant 112 : index
        %swap3A_1080 = tpu.vector_load %arg7[%swap3A_1077, %swap3A_1078, %swap3A_1079] {strides = array<i32>} : memref<2x32x128xf32, #tpu.memory_space<vmem>>, vector<1x1x16xf32>,
        %swap3A_1081 = vector.shape_cast %swap3A_1080 : vector<1x1x16xf32> to vector<16xf32>
        %swap3A_1082 = vector.shape_cast %add3A_1075 : vector<16xf32> to vector<1x1x16xf32>
        tpu.vector_store %arg7[%swap3A_1077, %swap3A_1078, %swap3A_1079], %swap3A_1082 {strides = array<i32>} : memref<2x32x128xf32, #tpu.memory_space<vmem>>, vector<1x1x16xf32>,
      }
      %scan3A_215 = arith.constant 32 : i32
      %add3A_216 = arith.addi %select_n3A_8, %add3A_179 : i32
      %mul3A_217 = arith.constant 32 : i32
      %mul3A_218 = arith.muli %add3A_216, %mul3A_217 : i32
      %add3A_219 = arith.constant 32 : i32
      %add3A_220 = arith.addi %mul3A_218, %add3A_219 : i32
      %le3A_221 = arith.constant 50000 : i32
      %le3A_222 = arith.cmpi sle, %add3A_220, %le3A_221 : i32
      %convert_element_type3A_223 = arith.extui %le3A_222 : i1 to i32
      %cond3A_224 = arith.constant 1 : i32
      %cond3A_225 = arith.constant 0 : i32
      %cond3A_226 = arith.cmpi ne, %convert_element_type3A_223, %cond3A_225 : i32
      scf.if %cond3A_226 {
        %dma_start3A_238 = arith.constant 0 : i32
        %dma_start3A_239 = arith.constant 0 : i32
        %dma_start3A_240 = tpu.memref_slice %arg7[%cond3A_224, %dma_start3A_238, %dma_start3A_239] : memref<2x32x128xf32, #tpu.memory_space<vmem>> -> memref<1x32x128xf32, #tpu.memory_space<vmem>>
        %dma_start3A_241 = tpu.memref_squeeze %dma_start3A_240 : memref<1x32x128xf32, #tpu.memory_space<vmem>> -> memref<32x128xf32, #tpu.memory_space<vmem>>
        %dma_start3A_242 = arith.constant 0 : i32
        %dma_start3A_243 = tpu.memref_slice %arg4[%mul3A_218, %dma_start3A_242] : memref<50000x128xf32, #tpu.memory_space<hbm>> -> memref<32x128xf32, #tpu.memory_space<hbm>>
        %dma_start3A_244 = arith.constant 0 : i32
        %dma_start3A_245 = tpu.memref_slice %arg4[%mul3A_218, %dma_start3A_244] : memref<50000x128xf32, #tpu.memory_space<hbm>> -> memref<32x128xf32, #tpu.memory_space<hbm>>
        %dma_start3A_246 = arith.constant 0 : i32
        %dma_start3A_247 = arith.constant 0 : i32
        %dma_start3A_248 = tpu.memref_slice %arg7[%cond3A_224, %dma_start3A_246, %dma_start3A_247] : memref<2x32x128xf32, #tpu.memory_space<vmem>> -> memref<1x32x128xf32, #tpu.memory_space<vmem>>
        %dma_start3A_249 = tpu.memref_squeeze %dma_start3A_248 : memref<1x32x128xf32, #tpu.memory_space<vmem>> -> memref<32x128xf32, #tpu.memory_space<vmem>>
        tpu.enqueue_dma source(%dma_start3A_249 : memref<32x128xf32, #tpu.memory_space<vmem>>) target(%dma_start3A_245 : memref<32x128xf32, #tpu.memory_space<hbm>>) target_semaphore(%arg13 : memref<!tpu.dma_semaphore, #tpu.memory_space<semaphore_mem>>)
      } else {
      }
      %lt3A_227 = arith.constant 50000 : i32
      %lt3A_228 = arith.cmpi slt, %mul3A_218, %lt3A_227 : i32
      %add3A_229 = arith.constant 32 : i32
      %add3A_230 = arith.addi %mul3A_218, %add3A_229 : i32
      %gt3A_231 = arith.constant 50000 : i32
      %gt3A_232 = arith.cmpi sgt, %add3A_230, %gt3A_231 : i32
      %and3A_233 = arith.andi %lt3A_228, %gt3A_232 : i1
      %convert_element_type3A_234 = arith.extui %and3A_233 : i1 to i32
      %cond3A_235 = arith.constant 1 : i32
      %cond3A_236 = arith.constant 0 : i32
      %cond3A_237 = arith.cmpi ne, %convert_element_type3A_234, %cond3A_236 : i32
      scf.if %cond3A_237 {
        %dma_start3A_238 = arith.constant 0 : i32
        %dma_start3A_239 = arith.constant 0 : i32
        %dma_start3A_240 = tpu.memref_slice %arg7[%cond3A_235, %dma_start3A_238, %dma_start3A_239] : memref<2x32x128xf32, #tpu.memory_space<vmem>> -> memref<1x16x128xf32, #tpu.memory_space<vmem>>
        %dma_start3A_241 = tpu.memref_squeeze %dma_start3A_240 : memref<1x16x128xf32, #tpu.memory_space<vmem>> -> memref<16x128xf32, #tpu.memory_space<vmem>>
        %dma_start3A_242 = arith.constant 0 : i32
        %dma_start3A_243 = tpu.memref_slice %arg4[%mul3A_218, %dma_start3A_242] : memref<50000x128xf32, #tpu.memory_space<hbm>> -> memref<16x128xf32, #tpu.memory_space<hbm>>
        %dma_start3A_244 = arith.constant 0 : i32
        %dma_start3A_245 = tpu.memref_slice %arg4[%mul3A_218, %dma_start3A_244] : memref<50000x128xf32, #tpu.memory_space<hbm>> -> memref<16x128xf32, #tpu.memory_space<hbm>>
        %dma_start3A_246 = arith.constant 0 : i32
        %dma_start3A_247 = arith.constant 0 : i32
        %dma_start3A_248 = tpu.memref_slice %arg7[%cond3A_235, %dma_start3A_246, %dma_start3A_247] : memref<2x32x128xf32, #tpu.memory_space<vmem>> -> memref<1x16x128xf32, #tpu.memory_space<vmem>>
        %dma_start3A_249 = tpu.memref_squeeze %dma_start3A_248 : memref<1x16x128xf32, #tpu.memory_space<vmem>> -> memref<16x128xf32, #tpu.memory_space<vmem>>
        tpu.enqueue_dma source(%dma_start3A_249 : memref<16x128xf32, #tpu.memory_space<vmem>>) target(%dma_start3A_245 : memref<16x128xf32, #tpu.memory_space<hbm>>) target_semaphore(%arg13 : memref<!tpu.dma_semaphore, #tpu.memory_space<semaphore_mem>>)
      } else {
      }
    }
    %while3A_73 = arith.constant 1 : i32
    scf.for %while3A_117 = %while3A_71 to %while3A_67 step %while3A_73  : i32 {
      %mul3A_118 = arith.constant 2 : i32
      %mul3A_119 = arith.muli %mul3A_118, %while3A_117 : i32
      %add3A_120 = arith.constant 0 : i32
      %add3A_121 = arith.addi %mul3A_119, %add3A_120 : i32
      %add3A_122 = arith.constant 1 : i32
      %add3A_123 = arith.addi %add3A_121, %add3A_122 : i32
      %lt3A_124 = arith.cmpi slt, %add3A_123, %select_n3A : i32
      %convert_element_type3A_125 = arith.extui %lt3A_124 : i1 to i32
      %cond3A_126 = arith.constant 0 : i32
      %cond3A_127 = arith.cmpi ne, %convert_element_type3A_125, %cond3A_126 : i32
      scf.if %cond3A_127 {
        %add3A_238 = arith.constant 1 : i32
        %add3A_239 = arith.addi %add3A_121, %add3A_238 : i32
        %add3A_240 = arith.addi %select_n3A_8, %add3A_239 : i32
        %mul3A_241 = arith.constant 352 : i32
        %mul3A_242 = arith.muli %add3A_240, %mul3A_241 : i32
        %dma_wait3A_243 = arith.constant 352 : i32
        %dma_wait3A_244 = tpu.memref_slice %arg5[%dma_wait3A_243] : memref<704xi32, #tpu.memory_space<vmem>> -> memref<352xi32, #tpu.memory_space<vmem>>
        %dma_wait3A_245 = tpu.memref_slice %arg2[%mul3A_242] : memref<551936xi32, #tpu.memory_space<hbm>> -> memref<352xi32, #tpu.memory_space<hbm>>
        %dma_wait3A_246 = arith.constant 352 : i32
        %dma_wait3A_247 = tpu.memref_slice %arg5[%dma_wait3A_246] : memref<704xi32, #tpu.memory_space<vmem>> -> memref<352xi32, #tpu.memory_space<vmem>>
        %dma_wait3A_248 = tpu.memref_slice %arg2[%mul3A_242] : memref<551936xi32, #tpu.memory_space<hbm>> -> memref<352xi32, #tpu.memory_space<hbm>>
        tpu.wait_dma2 semaphore(%arg9 : memref<!tpu.dma_semaphore, #tpu.memory_space<semaphore_mem>>) src(%dma_wait3A_248 : memref<352xi32, #tpu.memory_space<hbm>>) dst(%dma_wait3A_247 : memref<352xi32, #tpu.memory_space<vmem>>)
        %dma_start3A_249 = arith.constant 1 : i32
        %dma_start3A_250 = arith.constant 0 : i32
        %dma_start3A_251 = arith.constant 0 : i32
        %dma_start3A_252 = tpu.memref_slice %arg6[%dma_start3A_249, %dma_start3A_250, %dma_start3A_251] : memref<2x352x128xf32, #tpu.memory_space<vmem>> -> memref<1x352x128xf32, #tpu.memory_space<vmem>>
        %dma_start3A_253 = tpu.memref_squeeze %dma_start3A_252 : memref<1x352x128xf32, #tpu.memory_space<vmem>> -> memref<352x128xf32, #tpu.memory_space<vmem>>
        %dma_start3A_254 = arith.constant 352 : i32
        %dma_start3A_255 = tpu.memref_slice %arg5[%dma_start3A_254] : memref<704xi32, #tpu.memory_space<vmem>> -> memref<352xi32, #tpu.memory_space<vmem>>
        %dma_start3A_256 = arith.constant 0 : i32
        %dma_start3A_257 = arith.constant 0 : i32
        %dma_start3A_258 = tpu.memref_slice %arg3[%dma_start3A_256, %dma_start3A_257] : memref<100000x128xf32, #tpu.memory_space<hbm>> -> memref<100000x128xf32, #tpu.memory_space<hbm>>
        tpu.enqueue_indirect_dma source(%dma_start3A_258 : memref<100000x128xf32, #tpu.memory_space<hbm>>) target(%dma_start3A_253 : memref<352x128xf32, #tpu.memory_space<vmem>>) offsets(%dma_start3A_255 : memref<352xi32, #tpu.memory_space<vmem>>) semaphore(%arg11 : memref<!tpu.dma_semaphore, #tpu.memory_space<semaphore_mem>>)
      } else {
      }
      %dma_wait3A_128 = arith.constant 0 : i32
      %dma_wait3A_129 = arith.constant 0 : i32
      %dma_wait3A_130 = arith.constant 0 : i32
      %dma_wait3A_131 = tpu.memref_slice %arg6[%dma_wait3A_128, %dma_wait3A_129, %dma_wait3A_130] : memref<2x352x128xf32, #tpu.memory_space<vmem>> -> memref<1x352x128xf32, #tpu.memory_space<vmem>>
      %dma_wait3A_132 = tpu.memref_squeeze %dma_wait3A_131 : memref<1x352x128xf32, #tpu.memory_space<vmem>> -> memref<352x128xf32, #tpu.memory_space<vmem>>
      %dma_wait3A_133 = arith.constant 0 : i32
      %dma_wait3A_134 = tpu.memref_slice %arg5[%dma_wait3A_133] : memref<704xi32, #tpu.memory_space<vmem>> -> memref<352xi32, #tpu.memory_space<vmem>>
      %dma_wait3A_135 = arith.constant 0 : i32
      %dma_wait3A_136 = arith.constant 0 : i32
      %dma_wait3A_137 = tpu.memref_slice %arg3[%dma_wait3A_135, %dma_wait3A_136] : memref<100000x128xf32, #tpu.memory_space<hbm>> -> memref<100000x128xf32, #tpu.memory_space<hbm>>
      tpu.wait_indirect_dma semaphore(%arg10 : memref<!tpu.dma_semaphore, #tpu.memory_space<semaphore_mem>>) src(%dma_wait3A_137 : memref<100000x128xf32, #tpu.memory_space<hbm>>) dst(%dma_wait3A_132 : memref<352x128xf32, #tpu.memory_space<vmem>>)
      %add3A_138 = arith.constant 2 : i32
      %add3A_139 = arith.addi %add3A_121, %add3A_138 : i32
      %lt3A_140 = arith.cmpi slt, %add3A_139, %select_n3A : i32
      %convert_element_type3A_141 = arith.extui %lt3A_140 : i1 to i32
      %cond3A_142 = arith.constant 0 : i32
      %cond3A_143 = arith.cmpi ne, %convert_element_type3A_141, %cond3A_142 : i32
      scf.if %cond3A_143 {
        %add3A_238 = arith.constant 2 : i32
        %add3A_239 = arith.addi %add3A_121, %add3A_238 : i32
        %add3A_240 = arith.addi %select_n3A_8, %add3A_239 : i32
        %mul3A_241 = arith.constant 352 : i32
        %mul3A_242 = arith.muli %add3A_240, %mul3A_241 : i32
        %dma_start3A_243 = arith.constant 0 : i32
        %dma_start3A_244 = tpu.memref_slice %arg5[%dma_start3A_243] : memref<704xi32, #tpu.memory_space<vmem>> -> memref<352xi32, #tpu.memory_space<vmem>>
        %dma_start3A_245 = tpu.memref_slice %arg2[%mul3A_242] : memref<551936xi32, #tpu.memory_space<hbm>> -> memref<352xi32, #tpu.memory_space<hbm>>
        %dma_start3A_246 = arith.constant 0 : i32
        %dma_start3A_247 = tpu.memref_slice %arg5[%dma_start3A_246] : memref<704xi32, #tpu.memory_space<vmem>> -> memref<352xi32, #tpu.memory_space<vmem>>
        %dma_start3A_248 = tpu.memref_slice %arg2[%mul3A_242] : memref<551936xi32, #tpu.memory_space<hbm>> -> memref<352xi32, #tpu.memory_space<hbm>>
        tpu.enqueue_dma source(%dma_start3A_248 : memref<352xi32, #tpu.memory_space<hbm>>) target(%dma_start3A_247 : memref<352xi32, #tpu.memory_space<vmem>>) target_semaphore(%arg8 : memref<!tpu.dma_semaphore, #tpu.memory_space<semaphore_mem>>)
      } else {
      }
      %ge3A = arith.constant 2 : i32
      %ge3A_144 = arith.cmpi sge, %add3A_121, %ge3A : i32
      %convert_element_type3A_145 = arith.extui %ge3A_144 : i1 to i32
      %cond3A_146 = arith.constant 0 : i32
      %cond3A_147 = arith.cmpi ne, %convert_element_type3A_145, %cond3A_146 : i32
      scf.if %cond3A_147 {
        %sub3A_238 = arith.constant 2 : i32
        %sub3A_239 = arith.subi %add3A_121, %sub3A_238 : i32
        %add3A_240 = arith.addi %select_n3A_8, %sub3A_239 : i32
        %mul3A_241 = arith.constant 32 : i32
        %mul3A_242 = arith.muli %add3A_240, %mul3A_241 : i32
        %add3A_243 = arith.constant 32 : i32
        %add3A_244 = arith.addi %mul3A_242, %add3A_243 : i32
        %le3A_245 = arith.constant 50000 : i32
        %le3A_246 = arith.cmpi sle, %add3A_244, %le3A_245 : i32
        %convert_element_type3A_247 = arith.extui %le3A_246 : i1 to i32
        %cond3A_248 = arith.constant 0 : i32
        %cond3A_249 = arith.constant 0 : i32
        %cond3A_250 = arith.cmpi ne, %convert_element_type3A_247, %cond3A_249 : i32
        scf.if %cond3A_250 {
          %dma_wait3A_262 = arith.constant 0 : i32
          %dma_wait3A_263 = arith.constant 0 : i32
          %dma_wait3A_264 = tpu.memref_slice %arg7[%cond3A_248, %dma_wait3A_262, %dma_wait3A_263] : memref<2x32x128xf32, #tpu.memory_space<vmem>> -> memref<1x32x128xf32, #tpu.memory_space<vmem>>
          %dma_wait3A_265 = tpu.memref_squeeze %dma_wait3A_264 : memref<1x32x128xf32, #tpu.memory_space<vmem>> -> memref<32x128xf32, #tpu.memory_space<vmem>>
          %dma_wait3A_266 = arith.constant 0 : i32
          %dma_wait3A_267 = tpu.memref_slice %arg4[%mul3A_242, %dma_wait3A_266] : memref<50000x128xf32, #tpu.memory_space<hbm>> -> memref<32x128xf32, #tpu.memory_space<hbm>>
          %dma_wait3A_268 = arith.constant 0 : i32
          %dma_wait3A_269 = tpu.memref_slice %arg4[%mul3A_242, %dma_wait3A_268] : memref<50000x128xf32, #tpu.memory_space<hbm>> -> memref<32x128xf32, #tpu.memory_space<hbm>>
          %dma_wait3A_270 = arith.constant 0 : i32
          %dma_wait3A_271 = arith.constant 0 : i32
          %dma_wait3A_272 = tpu.memref_slice %arg7[%cond3A_248, %dma_wait3A_270, %dma_wait3A_271] : memref<2x32x128xf32, #tpu.memory_space<vmem>> -> memref<1x32x128xf32, #tpu.memory_space<vmem>>
          %dma_wait3A_273 = tpu.memref_squeeze %dma_wait3A_272 : memref<1x32x128xf32, #tpu.memory_space<vmem>> -> memref<32x128xf32, #tpu.memory_space<vmem>>
          tpu.wait_dma2 semaphore(%arg12 : memref<!tpu.dma_semaphore, #tpu.memory_space<semaphore_mem>>) src(%dma_wait3A_273 : memref<32x128xf32, #tpu.memory_space<vmem>>) dst(%dma_wait3A_269 : memref<32x128xf32, #tpu.memory_space<hbm>>)
        } else {
        }
        %lt3A_251 = arith.constant 50000 : i32
        %lt3A_252 = arith.cmpi slt, %mul3A_242, %lt3A_251 : i32
        %add3A_253 = arith.constant 32 : i32
        %add3A_254 = arith.addi %mul3A_242, %add3A_253 : i32
        %gt3A_255 = arith.constant 50000 : i32
        %gt3A_256 = arith.cmpi sgt, %add3A_254, %gt3A_255 : i32
        %and3A_257 = arith.andi %lt3A_252, %gt3A_256 : i1
        %convert_element_type3A_258 = arith.extui %and3A_257 : i1 to i32
        %cond3A_259 = arith.constant 0 : i32
        %cond3A_260 = arith.constant 0 : i32
        %cond3A_261 = arith.cmpi ne, %convert_element_type3A_258, %cond3A_260 : i32
        scf.if %cond3A_261 {
          %dma_wait3A_262 = arith.constant 0 : i32
          %dma_wait3A_263 = arith.constant 0 : i32
          %dma_wait3A_264 = tpu.memref_slice %arg7[%cond3A_259, %dma_wait3A_262, %dma_wait3A_263] : memref<2x32x128xf32, #tpu.memory_space<vmem>> -> memref<1x16x128xf32, #tpu.memory_space<vmem>>
          %dma_wait3A_265 = tpu.memref_squeeze %dma_wait3A_264 : memref<1x16x128xf32, #tpu.memory_space<vmem>> -> memref<16x128xf32, #tpu.memory_space<vmem>>
          %dma_wait3A_266 = arith.constant 0 : i32
          %dma_wait3A_267 = tpu.memref_slice %arg4[%mul3A_242, %dma_wait3A_266] : memref<50000x128xf32, #tpu.memory_space<hbm>> -> memref<16x128xf32, #tpu.memory_space<hbm>>
          %dma_wait3A_268 = arith.constant 0 : i32
          %dma_wait3A_269 = tpu.memref_slice %arg4[%mul3A_242, %dma_wait3A_268] : memref<50000x128xf32, #tpu.memory_space<hbm>> -> memref<16x128xf32, #tpu.memory_space<hbm>>
          %dma_wait3A_270 = arith.constant 0 : i32
          %dma_wait3A_271 = arith.constant 0 : i32
          %dma_wait3A_272 = tpu.memref_slice %arg7[%cond3A_259, %dma_wait3A_270, %dma_wait3A_271] : memref<2x32x128xf32, #tpu.memory_space<vmem>> -> memref<1x16x128xf32, #tpu.memory_space<vmem>>
          %dma_wait3A_273 = tpu.memref_squeeze %dma_wait3A_272 : memref<1x16x128xf32, #tpu.memory_space<vmem>> -> memref<16x128xf32, #tpu.memory_space<vmem>>
          tpu.wait_dma2 semaphore(%arg12 : memref<!tpu.dma_semaphore, #tpu.memory_space<semaphore_mem>>) src(%dma_wait3A_273 : memref<16x128xf32, #tpu.memory_space<vmem>>) dst(%dma_wait3A_269 : memref<16x128xf32, #tpu.memory_space<hbm>>)
        } else {
        }
      } else {
      }
      %add3A_148 = arith.addi %select_n3A_8, %add3A_121 : i32
      %mul3A_149 = arith.constant 32 : i32
      %mul3A_150 = arith.muli %add3A_148, %mul3A_149 : i32
      %scan3A = arith.constant 0 : i32
      %scan3A_151 = arith.constant 0 : i32
      %scan3A_152 = arith.constant 32 : i32
      %scan3A_153 = arith.addi %scan3A_151, %scan3A_152 : i32
      %scan3A_154 = arith.constant 1 : i32
      scf.for %scan3A_238 = %scan3A_151 to %scan3A_153 step %scan3A_154  : i32 {
        %add3A_239 = arith.addi %mul3A_150, %scan3A_238 : i32
        %eq3A_240 = arith.constant 49999 : i32
        %eq3A_241 = arith.cmpi eq, %add3A_239, %eq3A_240 : i32
        %jit3A_242 = arith.constant 1.000000e+00 : f32
        %jit3A_243 = arith.constant 1.000000e-01 : f32
        %select_n3A_244 = arith.select %eq3A_241, %jit3A_242, %jit3A_243 : f32
        %get3A = arith.constant 0 : i32
        %get3A_245 = arith.index_cast %get3A : i32 to index
        %get3A_246 = arith.index_cast %scan3A_238 : i32 to index
        %get3A_247 = arith.constant 0 : index
        %get3A_248 = tpu.vector_load %arg6[%get3A_245, %get3A_246, %get3A_247] {strides = array<i32>} : memref<2x352x128xf32, #tpu.memory_space<vmem>>, vector<1x1x16xf32>,
        %get3A_249 = vector.shape_cast %get3A_248 : vector<1x1x16xf32> to vector<16xf32>
        %add3A_250 = arith.constant 32 : i32
        %add3A_251 = arith.addi %add3A_250, %scan3A_238 : i32
        %get3A_252 = arith.constant 0 : i32
        %get3A_253 = arith.index_cast %get3A_252 : i32 to index
        %get3A_254 = arith.index_cast %add3A_251 : i32 to index
        %get3A_255 = arith.constant 0 : index
        %get3A_256 = tpu.vector_load %arg6[%get3A_253, %get3A_254, %get3A_255] {strides = array<i32>} : memref<2x352x128xf32, #tpu.memory_space<vmem>>, vector<1x1x16xf32>,
        %get3A_257 = vector.shape_cast %get3A_256 : vector<1x1x16xf32> to vector<16xf32>
        %add3A_258 = arith.addf %get3A_249, %get3A_257 : vector<16xf32>
        %add3A_259 = arith.constant 64 : i32
        %add3A_260 = arith.addi %add3A_259, %scan3A_238 : i32
        %get3A_261 = arith.constant 0 : i32
        %get3A_262 = arith.index_cast %get3A_261 : i32 to index
        %get3A_263 = arith.index_cast %add3A_260 : i32 to index
        %get3A_264 = arith.constant 0 : index
        %get3A_265 = tpu.vector_load %arg6[%get3A_262, %get3A_263, %get3A_264] {strides = array<i32>} : memref<2x352x128xf32, #tpu.memory_space<vmem>>, vector<1x1x16xf32>,
        %get3A_266 = vector.shape_cast %get3A_265 : vector<1x1x16xf32> to vector<16xf32>
        %add3A_267 = arith.addf %add3A_258, %get3A_266 : vector<16xf32>
        %add3A_268 = arith.constant 96 : i32
        %add3A_269 = arith.addi %add3A_268, %scan3A_238 : i32
        %get3A_270 = arith.constant 0 : i32
        %get3A_271 = arith.index_cast %get3A_270 : i32 to index
        %get3A_272 = arith.index_cast %add3A_269 : i32 to index
        %get3A_273 = arith.constant 0 : index
        %get3A_274 = tpu.vector_load %arg6[%get3A_271, %get3A_272, %get3A_273] {strides = array<i32>} : memref<2x352x128xf32, #tpu.memory_space<vmem>>, vector<1x1x16xf32>,
        %get3A_275 = vector.shape_cast %get3A_274 : vector<1x1x16xf32> to vector<16xf32>
        %add3A_276 = arith.addf %add3A_267, %get3A_275 : vector<16xf32>
        %add3A_277 = arith.constant 128 : i32
        %add3A_278 = arith.addi %add3A_277, %scan3A_238 : i32
        %get3A_279 = arith.constant 0 : i32
        %get3A_280 = arith.index_cast %get3A_279 : i32 to index
        %get3A_281 = arith.index_cast %add3A_278 : i32 to index
        %get3A_282 = arith.constant 0 : index
        %get3A_283 = tpu.vector_load %arg6[%get3A_280, %get3A_281, %get3A_282] {strides = array<i32>} : memref<2x352x128xf32, #tpu.memory_space<vmem>>, vector<1x1x16xf32>,
        %get3A_284 = vector.shape_cast %get3A_283 : vector<1x1x16xf32> to vector<16xf32>
        %add3A_285 = arith.addf %add3A_276, %get3A_284 : vector<16xf32>
        %add3A_286 = arith.constant 160 : i32
        %add3A_287 = arith.addi %add3A_286, %scan3A_238 : i32
        %get3A_288 = arith.constant 0 : i32
        %get3A_289 = arith.index_cast %get3A_288 : i32 to index
        %get3A_290 = arith.index_cast %add3A_287 : i32 to index
        %get3A_291 = arith.constant 0 : index
        %get3A_292 = tpu.vector_load %arg6[%get3A_289, %get3A_290, %get3A_291] {strides = array<i32>} : memref<2x352x128xf32, #tpu.memory_space<vmem>>, vector<1x1x16xf32>,
        %get3A_293 = vector.shape_cast %get3A_292 : vector<1x1x16xf32> to vector<16xf32>
        %add3A_294 = arith.addf %add3A_285, %get3A_293 : vector<16xf32>
        %add3A_295 = arith.constant 192 : i32
        %add3A_296 = arith.addi %add3A_295, %scan3A_238 : i32
        %get3A_297 = arith.constant 0 : i32
        %get3A_298 = arith.index_cast %get3A_297 : i32 to index
        %get3A_299 = arith.index_cast %add3A_296 : i32 to index
        %get3A_300 = arith.constant 0 : index
        %get3A_301 = tpu.vector_load %arg6[%get3A_298, %get3A_299, %get3A_300] {strides = array<i32>} : memref<2x352x128xf32, #tpu.memory_space<vmem>>, vector<1x1x16xf32>,
        %get3A_302 = vector.shape_cast %get3A_301 : vector<1x1x16xf32> to vector<16xf32>
        %add3A_303 = arith.addf %add3A_294, %get3A_302 : vector<16xf32>
        %add3A_304 = arith.constant 224 : i32
        %add3A_305 = arith.addi %add3A_304, %scan3A_238 : i32
        %get3A_306 = arith.constant 0 : i32
        %get3A_307 = arith.index_cast %get3A_306 : i32 to index
        %get3A_308 = arith.index_cast %add3A_305 : i32 to index
        %get3A_309 = arith.constant 0 : index
        %get3A_310 = tpu.vector_load %arg6[%get3A_307, %get3A_308, %get3A_309] {strides = array<i32>} : memref<2x352x128xf32, #tpu.memory_space<vmem>>, vector<1x1x16xf32>,
        %get3A_311 = vector.shape_cast %get3A_310 : vector<1x1x16xf32> to vector<16xf32>
        %add3A_312 = arith.addf %add3A_303, %get3A_311 : vector<16xf32>
        %add3A_313 = arith.constant 256 : i32
        %add3A_314 = arith.addi %add3A_313, %scan3A_238 : i32
        %get3A_315 = arith.constant 0 : i32
        %get3A_316 = arith.index_cast %get3A_315 : i32 to index
        %get3A_317 = arith.index_cast %add3A_314 : i32 to index
        %get3A_318 = arith.constant 0 : index
        %get3A_319 = tpu.vector_load %arg6[%get3A_316, %get3A_317, %get3A_318] {strides = array<i32>} : memref<2x352x128xf32, #tpu.memory_space<vmem>>, vector<1x1x16xf32>,
        %get3A_320 = vector.shape_cast %get3A_319 : vector<1x1x16xf32> to vector<16xf32>
        %add3A_321 = arith.addf %add3A_312, %get3A_320 : vector<16xf32>
        %add3A_322 = arith.constant 288 : i32
        %add3A_323 = arith.addi %add3A_322, %scan3A_238 : i32
        %get3A_324 = arith.constant 0 : i32
        %get3A_325 = arith.index_cast %get3A_324 : i32 to index
        %get3A_326 = arith.index_cast %add3A_323 : i32 to index
        %get3A_327 = arith.constant 0 : index
        %get3A_328 = tpu.vector_load %arg6[%get3A_325, %get3A_326, %get3A_327] {strides = array<i32>} : memref<2x352x128xf32, #tpu.memory_space<vmem>>, vector<1x1x16xf32>,
        %get3A_329 = vector.shape_cast %get3A_328 : vector<1x1x16xf32> to vector<16xf32>
        %add3A_330 = arith.addf %add3A_321, %get3A_329 : vector<16xf32>
        %add3A_331 = arith.constant 320 : i32
        %add3A_332 = arith.addi %add3A_331, %scan3A_238 : i32
        %get3A_333 = arith.constant 0 : i32
        %get3A_334 = arith.index_cast %get3A_333 : i32 to index
        %get3A_335 = arith.index_cast %add3A_332 : i32 to index
        %get3A_336 = arith.constant 0 : index
        %get3A_337 = tpu.vector_load %arg6[%get3A_334, %get3A_335, %get3A_336] {strides = array<i32>} : memref<2x352x128xf32, #tpu.memory_space<vmem>>, vector<1x1x16xf32>,
        %get3A_338 = vector.shape_cast %get3A_337 : vector<1x1x16xf32> to vector<16xf32>
        %mul3A_339 = vector.broadcast %select_n3A_244 : f32 to vector<16xf32>
        %mul3A_340 = arith.mulf %mul3A_339, %add3A_330 : vector<16xf32>
        %add3A_341 = arith.addf %get3A_338, %mul3A_340 : vector<16xf32>
        %swap3A = arith.constant 0 : i32
        %swap3A_342 = arith.index_cast %swap3A : i32 to index
        %swap3A_343 = arith.index_cast %scan3A_238 : i32 to index
        %swap3A_344 = arith.constant 0 : index
        %swap3A_345 = tpu.vector_load %arg7[%swap3A_342, %swap3A_343, %swap3A_344] {strides = array<i32>} : memref<2x32x128xf32, #tpu.memory_space<vmem>>, vector<1x1x16xf32>,
        %swap3A_346 = vector.shape_cast %swap3A_345 : vector<1x1x16xf32> to vector<16xf32>
        %swap3A_347 = vector.shape_cast %add3A_341 : vector<16xf32> to vector<1x1x16xf32>
        tpu.vector_store %arg7[%swap3A_342, %swap3A_343, %swap3A_344], %swap3A_347 {strides = array<i32>} : memref<2x32x128xf32, #tpu.memory_space<vmem>>, vector<1x1x16xf32>,
        %get3A_348 = arith.constant 0 : i32
        %get3A_349 = arith.index_cast %get3A_348 : i32 to index
        %get3A_350 = arith.index_cast %scan3A_238 : i32 to index
        %get3A_351 = arith.constant 16 : index
        %get3A_352 = tpu.vector_load %arg6[%get3A_349, %get3A_350, %get3A_351] {strides = array<i32>} : memref<2x352x128xf32, #tpu.memory_space<vmem>>, vector<1x1x16xf32>,
        %get3A_353 = vector.shape_cast %get3A_352 : vector<1x1x16xf32> to vector<16xf32>
        %add3A_354 = arith.constant 32 : i32
        %add3A_355 = arith.addi %add3A_354, %scan3A_238 : i32
        %get3A_356 = arith.constant 0 : i32
        %get3A_357 = arith.index_cast %get3A_356 : i32 to index
        %get3A_358 = arith.index_cast %add3A_355 : i32 to index
        %get3A_359 = arith.constant 16 : index
        %get3A_360 = tpu.vector_load %arg6[%get3A_357, %get3A_358, %get3A_359] {strides = array<i32>} : memref<2x352x128xf32, #tpu.memory_space<vmem>>, vector<1x1x16xf32>,
        %get3A_361 = vector.shape_cast %get3A_360 : vector<1x1x16xf32> to vector<16xf32>
        %add3A_362 = arith.addf %get3A_353, %get3A_361 : vector<16xf32>
        %add3A_363 = arith.constant 64 : i32
        %add3A_364 = arith.addi %add3A_363, %scan3A_238 : i32
        %get3A_365 = arith.constant 0 : i32
        %get3A_366 = arith.index_cast %get3A_365 : i32 to index
        %get3A_367 = arith.index_cast %add3A_364 : i32 to index
        %get3A_368 = arith.constant 16 : index
        %get3A_369 = tpu.vector_load %arg6[%get3A_366, %get3A_367, %get3A_368] {strides = array<i32>} : memref<2x352x128xf32, #tpu.memory_space<vmem>>, vector<1x1x16xf32>,
        %get3A_370 = vector.shape_cast %get3A_369 : vector<1x1x16xf32> to vector<16xf32>
        %add3A_371 = arith.addf %add3A_362, %get3A_370 : vector<16xf32>
        %add3A_372 = arith.constant 96 : i32
        %add3A_373 = arith.addi %add3A_372, %scan3A_238 : i32
        %get3A_374 = arith.constant 0 : i32
        %get3A_375 = arith.index_cast %get3A_374 : i32 to index
        %get3A_376 = arith.index_cast %add3A_373 : i32 to index
        %get3A_377 = arith.constant 16 : index
        %get3A_378 = tpu.vector_load %arg6[%get3A_375, %get3A_376, %get3A_377] {strides = array<i32>} : memref<2x352x128xf32, #tpu.memory_space<vmem>>, vector<1x1x16xf32>,
        %get3A_379 = vector.shape_cast %get3A_378 : vector<1x1x16xf32> to vector<16xf32>
        %add3A_380 = arith.addf %add3A_371, %get3A_379 : vector<16xf32>
        %add3A_381 = arith.constant 128 : i32
        %add3A_382 = arith.addi %add3A_381, %scan3A_238 : i32
        %get3A_383 = arith.constant 0 : i32
        %get3A_384 = arith.index_cast %get3A_383 : i32 to index
        %get3A_385 = arith.index_cast %add3A_382 : i32 to index
        %get3A_386 = arith.constant 16 : index
        %get3A_387 = tpu.vector_load %arg6[%get3A_384, %get3A_385, %get3A_386] {strides = array<i32>} : memref<2x352x128xf32, #tpu.memory_space<vmem>>, vector<1x1x16xf32>,
        %get3A_388 = vector.shape_cast %get3A_387 : vector<1x1x16xf32> to vector<16xf32>
        %add3A_389 = arith.addf %add3A_380, %get3A_388 : vector<16xf32>
        %add3A_390 = arith.constant 160 : i32
        %add3A_391 = arith.addi %add3A_390, %scan3A_238 : i32
        %get3A_392 = arith.constant 0 : i32
        %get3A_393 = arith.index_cast %get3A_392 : i32 to index
        %get3A_394 = arith.index_cast %add3A_391 : i32 to index
        %get3A_395 = arith.constant 16 : index
        %get3A_396 = tpu.vector_load %arg6[%get3A_393, %get3A_394, %get3A_395] {strides = array<i32>} : memref<2x352x128xf32, #tpu.memory_space<vmem>>, vector<1x1x16xf32>,
        %get3A_397 = vector.shape_cast %get3A_396 : vector<1x1x16xf32> to vector<16xf32>
        %add3A_398 = arith.addf %add3A_389, %get3A_397 : vector<16xf32>
        %add3A_399 = arith.constant 192 : i32
        %add3A_400 = arith.addi %add3A_399, %scan3A_238 : i32
        %get3A_401 = arith.constant 0 : i32
        %get3A_402 = arith.index_cast %get3A_401 : i32 to index
        %get3A_403 = arith.index_cast %add3A_400 : i32 to index
        %get3A_404 = arith.constant 16 : index
        %get3A_405 = tpu.vector_load %arg6[%get3A_402, %get3A_403, %get3A_404] {strides = array<i32>} : memref<2x352x128xf32, #tpu.memory_space<vmem>>, vector<1x1x16xf32>,
        %get3A_406 = vector.shape_cast %get3A_405 : vector<1x1x16xf32> to vector<16xf32>
        %add3A_407 = arith.addf %add3A_398, %get3A_406 : vector<16xf32>
        %add3A_408 = arith.constant 224 : i32
        %add3A_409 = arith.addi %add3A_408, %scan3A_238 : i32
        %get3A_410 = arith.constant 0 : i32
        %get3A_411 = arith.index_cast %get3A_410 : i32 to index
        %get3A_412 = arith.index_cast %add3A_409 : i32 to index
        %get3A_413 = arith.constant 16 : index
        %get3A_414 = tpu.vector_load %arg6[%get3A_411, %get3A_412, %get3A_413] {strides = array<i32>} : memref<2x352x128xf32, #tpu.memory_space<vmem>>, vector<1x1x16xf32>,
        %get3A_415 = vector.shape_cast %get3A_414 : vector<1x1x16xf32> to vector<16xf32>
        %add3A_416 = arith.addf %add3A_407, %get3A_415 : vector<16xf32>
        %add3A_417 = arith.constant 256 : i32
        %add3A_418 = arith.addi %add3A_417, %scan3A_238 : i32
        %get3A_419 = arith.constant 0 : i32
        %get3A_420 = arith.index_cast %get3A_419 : i32 to index
        %get3A_421 = arith.index_cast %add3A_418 : i32 to index
        %get3A_422 = arith.constant 16 : index
        %get3A_423 = tpu.vector_load %arg6[%get3A_420, %get3A_421, %get3A_422] {strides = array<i32>} : memref<2x352x128xf32, #tpu.memory_space<vmem>>, vector<1x1x16xf32>,
        %get3A_424 = vector.shape_cast %get3A_423 : vector<1x1x16xf32> to vector<16xf32>
        %add3A_425 = arith.addf %add3A_416, %get3A_424 : vector<16xf32>
        %add3A_426 = arith.constant 288 : i32
        %add3A_427 = arith.addi %add3A_426, %scan3A_238 : i32
        %get3A_428 = arith.constant 0 : i32
        %get3A_429 = arith.index_cast %get3A_428 : i32 to index
        %get3A_430 = arith.index_cast %add3A_427 : i32 to index
        %get3A_431 = arith.constant 16 : index
        %get3A_432 = tpu.vector_load %arg6[%get3A_429, %get3A_430, %get3A_431] {strides = array<i32>} : memref<2x352x128xf32, #tpu.memory_space<vmem>>, vector<1x1x16xf32>,
        %get3A_433 = vector.shape_cast %get3A_432 : vector<1x1x16xf32> to vector<16xf32>
        %add3A_434 = arith.addf %add3A_425, %get3A_433 : vector<16xf32>
        %add3A_435 = arith.constant 320 : i32
        %add3A_436 = arith.addi %add3A_435, %scan3A_238 : i32
        %get3A_437 = arith.constant 0 : i32
        %get3A_438 = arith.index_cast %get3A_437 : i32 to index
        %get3A_439 = arith.index_cast %add3A_436 : i32 to index
        %get3A_440 = arith.constant 16 : index
        %get3A_441 = tpu.vector_load %arg6[%get3A_438, %get3A_439, %get3A_440] {strides = array<i32>} : memref<2x352x128xf32, #tpu.memory_space<vmem>>, vector<1x1x16xf32>,
        %get3A_442 = vector.shape_cast %get3A_441 : vector<1x1x16xf32> to vector<16xf32>
        %mul3A_443 = vector.broadcast %select_n3A_244 : f32 to vector<16xf32>
        %mul3A_444 = arith.mulf %mul3A_443, %add3A_434 : vector<16xf32>
        %add3A_445 = arith.addf %get3A_442, %mul3A_444 : vector<16xf32>
        %swap3A_446 = arith.constant 0 : i32
        %swap3A_447 = arith.index_cast %swap3A_446 : i32 to index
        %swap3A_448 = arith.index_cast %scan3A_238 : i32 to index
        %swap3A_449 = arith.constant 16 : index
        %swap3A_450 = tpu.vector_load %arg7[%swap3A_447, %swap3A_448, %swap3A_449] {strides = array<i32>} : memref<2x32x128xf32, #tpu.memory_space<vmem>>, vector<1x1x16xf32>,
        %swap3A_451 = vector.shape_cast %swap3A_450 : vector<1x1x16xf32> to vector<16xf32>
        %swap3A_452 = vector.shape_cast %add3A_445 : vector<16xf32> to vector<1x1x16xf32>
        tpu.vector_store %arg7[%swap3A_447, %swap3A_448, %swap3A_449], %swap3A_452 {strides = array<i32>} : memref<2x32x128xf32, #tpu.memory_space<vmem>>, vector<1x1x16xf32>,
        %get3A_453 = arith.constant 0 : i32
        %get3A_454 = arith.index_cast %get3A_453 : i32 to index
        %get3A_455 = arith.index_cast %scan3A_238 : i32 to index
        %get3A_456 = arith.constant 32 : index
        %get3A_457 = tpu.vector_load %arg6[%get3A_454, %get3A_455, %get3A_456] {strides = array<i32>} : memref<2x352x128xf32, #tpu.memory_space<vmem>>, vector<1x1x16xf32>,
        %get3A_458 = vector.shape_cast %get3A_457 : vector<1x1x16xf32> to vector<16xf32>
        %add3A_459 = arith.constant 32 : i32
        %add3A_460 = arith.addi %add3A_459, %scan3A_238 : i32
        %get3A_461 = arith.constant 0 : i32
        %get3A_462 = arith.index_cast %get3A_461 : i32 to index
        %get3A_463 = arith.index_cast %add3A_460 : i32 to index
        %get3A_464 = arith.constant 32 : index
        %get3A_465 = tpu.vector_load %arg6[%get3A_462, %get3A_463, %get3A_464] {strides = array<i32>} : memref<2x352x128xf32, #tpu.memory_space<vmem>>, vector<1x1x16xf32>,
        %get3A_466 = vector.shape_cast %get3A_465 : vector<1x1x16xf32> to vector<16xf32>
        %add3A_467 = arith.addf %get3A_458, %get3A_466 : vector<16xf32>
        %add3A_468 = arith.constant 64 : i32
        %add3A_469 = arith.addi %add3A_468, %scan3A_238 : i32
        %get3A_470 = arith.constant 0 : i32
        %get3A_471 = arith.index_cast %get3A_470 : i32 to index
        %get3A_472 = arith.index_cast %add3A_469 : i32 to index
        %get3A_473 = arith.constant 32 : index
        %get3A_474 = tpu.vector_load %arg6[%get3A_471, %get3A_472, %get3A_473] {strides = array<i32>} : memref<2x352x128xf32, #tpu.memory_space<vmem>>, vector<1x1x16xf32>,
        %get3A_475 = vector.shape_cast %get3A_474 : vector<1x1x16xf32> to vector<16xf32>
        %add3A_476 = arith.addf %add3A_467, %get3A_475 : vector<16xf32>
        %add3A_477 = arith.constant 96 : i32
        %add3A_478 = arith.addi %add3A_477, %scan3A_238 : i32
        %get3A_479 = arith.constant 0 : i32
        %get3A_480 = arith.index_cast %get3A_479 : i32 to index
        %get3A_481 = arith.index_cast %add3A_478 : i32 to index
        %get3A_482 = arith.constant 32 : index
        %get3A_483 = tpu.vector_load %arg6[%get3A_480, %get3A_481, %get3A_482] {strides = array<i32>} : memref<2x352x128xf32, #tpu.memory_space<vmem>>, vector<1x1x16xf32>,
        %get3A_484 = vector.shape_cast %get3A_483 : vector<1x1x16xf32> to vector<16xf32>
        %add3A_485 = arith.addf %add3A_476, %get3A_484 : vector<16xf32>
        %add3A_486 = arith.constant 128 : i32
        %add3A_487 = arith.addi %add3A_486, %scan3A_238 : i32
        %get3A_488 = arith.constant 0 : i32
        %get3A_489 = arith.index_cast %get3A_488 : i32 to index
        %get3A_490 = arith.index_cast %add3A_487 : i32 to index
        %get3A_491 = arith.constant 32 : index
        %get3A_492 = tpu.vector_load %arg6[%get3A_489, %get3A_490, %get3A_491] {strides = array<i32>} : memref<2x352x128xf32, #tpu.memory_space<vmem>>, vector<1x1x16xf32>,
        %get3A_493 = vector.shape_cast %get3A_492 : vector<1x1x16xf32> to vector<16xf32>
        %add3A_494 = arith.addf %add3A_485, %get3A_493 : vector<16xf32>
        %add3A_495 = arith.constant 160 : i32
        %add3A_496 = arith.addi %add3A_495, %scan3A_238 : i32
        %get3A_497 = arith.constant 0 : i32
        %get3A_498 = arith.index_cast %get3A_497 : i32 to index
        %get3A_499 = arith.index_cast %add3A_496 : i32 to index
        %get3A_500 = arith.constant 32 : index
        %get3A_501 = tpu.vector_load %arg6[%get3A_498, %get3A_499, %get3A_500] {strides = array<i32>} : memref<2x352x128xf32, #tpu.memory_space<vmem>>, vector<1x1x16xf32>,
        %get3A_502 = vector.shape_cast %get3A_501 : vector<1x1x16xf32> to vector<16xf32>
        %add3A_503 = arith.addf %add3A_494, %get3A_502 : vector<16xf32>
        %add3A_504 = arith.constant 192 : i32
        %add3A_505 = arith.addi %add3A_504, %scan3A_238 : i32
        %get3A_506 = arith.constant 0 : i32
        %get3A_507 = arith.index_cast %get3A_506 : i32 to index
        %get3A_508 = arith.index_cast %add3A_505 : i32 to index
        %get3A_509 = arith.constant 32 : index
        %get3A_510 = tpu.vector_load %arg6[%get3A_507, %get3A_508, %get3A_509] {strides = array<i32>} : memref<2x352x128xf32, #tpu.memory_space<vmem>>, vector<1x1x16xf32>,
        %get3A_511 = vector.shape_cast %get3A_510 : vector<1x1x16xf32> to vector<16xf32>
        %add3A_512 = arith.addf %add3A_503, %get3A_511 : vector<16xf32>
        %add3A_513 = arith.constant 224 : i32
        %add3A_514 = arith.addi %add3A_513, %scan3A_238 : i32
        %get3A_515 = arith.constant 0 : i32
        %get3A_516 = arith.index_cast %get3A_515 : i32 to index
        %get3A_517 = arith.index_cast %add3A_514 : i32 to index
        %get3A_518 = arith.constant 32 : index
        %get3A_519 = tpu.vector_load %arg6[%get3A_516, %get3A_517, %get3A_518] {strides = array<i32>} : memref<2x352x128xf32, #tpu.memory_space<vmem>>, vector<1x1x16xf32>,
        %get3A_520 = vector.shape_cast %get3A_519 : vector<1x1x16xf32> to vector<16xf32>
        %add3A_521 = arith.addf %add3A_512, %get3A_520 : vector<16xf32>
        %add3A_522 = arith.constant 256 : i32
        %add3A_523 = arith.addi %add3A_522, %scan3A_238 : i32
        %get3A_524 = arith.constant 0 : i32
        %get3A_525 = arith.index_cast %get3A_524 : i32 to index
        %get3A_526 = arith.index_cast %add3A_523 : i32 to index
        %get3A_527 = arith.constant 32 : index
        %get3A_528 = tpu.vector_load %arg6[%get3A_525, %get3A_526, %get3A_527] {strides = array<i32>} : memref<2x352x128xf32, #tpu.memory_space<vmem>>, vector<1x1x16xf32>,
        %get3A_529 = vector.shape_cast %get3A_528 : vector<1x1x16xf32> to vector<16xf32>
        %add3A_530 = arith.addf %add3A_521, %get3A_529 : vector<16xf32>
        %add3A_531 = arith.constant 288 : i32
        %add3A_532 = arith.addi %add3A_531, %scan3A_238 : i32
        %get3A_533 = arith.constant 0 : i32
        %get3A_534 = arith.index_cast %get3A_533 : i32 to index
        %get3A_535 = arith.index_cast %add3A_532 : i32 to index
        %get3A_536 = arith.constant 32 : index
        %get3A_537 = tpu.vector_load %arg6[%get3A_534, %get3A_535, %get3A_536] {strides = array<i32>} : memref<2x352x128xf32, #tpu.memory_space<vmem>>, vector<1x1x16xf32>,
        %get3A_538 = vector.shape_cast %get3A_537 : vector<1x1x16xf32> to vector<16xf32>
        %add3A_539 = arith.addf %add3A_530, %get3A_538 : vector<16xf32>
        %add3A_540 = arith.constant 320 : i32
        %add3A_541 = arith.addi %add3A_540, %scan3A_238 : i32
        %get3A_542 = arith.constant 0 : i32
        %get3A_543 = arith.index_cast %get3A_542 : i32 to index
        %get3A_544 = arith.index_cast %add3A_541 : i32 to index
        %get3A_545 = arith.constant 32 : index
        %get3A_546 = tpu.vector_load %arg6[%get3A_543, %get3A_544, %get3A_545] {strides = array<i32>} : memref<2x352x128xf32, #tpu.memory_space<vmem>>, vector<1x1x16xf32>,
        %get3A_547 = vector.shape_cast %get3A_546 : vector<1x1x16xf32> to vector<16xf32>
        %mul3A_548 = vector.broadcast %select_n3A_244 : f32 to vector<16xf32>
        %mul3A_549 = arith.mulf %mul3A_548, %add3A_539 : vector<16xf32>
        %add3A_550 = arith.addf %get3A_547, %mul3A_549 : vector<16xf32>
        %swap3A_551 = arith.constant 0 : i32
        %swap3A_552 = arith.index_cast %swap3A_551 : i32 to index
        %swap3A_553 = arith.index_cast %scan3A_238 : i32 to index
        %swap3A_554 = arith.constant 32 : index
        %swap3A_555 = tpu.vector_load %arg7[%swap3A_552, %swap3A_553, %swap3A_554] {strides = array<i32>} : memref<2x32x128xf32, #tpu.memory_space<vmem>>, vector<1x1x16xf32>,
        %swap3A_556 = vector.shape_cast %swap3A_555 : vector<1x1x16xf32> to vector<16xf32>
        %swap3A_557 = vector.shape_cast %add3A_550 : vector<16xf32> to vector<1x1x16xf32>
        tpu.vector_store %arg7[%swap3A_552, %swap3A_553, %swap3A_554], %swap3A_557 {strides = array<i32>} : memref<2x32x128xf32, #tpu.memory_space<vmem>>, vector<1x1x16xf32>,
        %get3A_558 = arith.constant 0 : i32
        %get3A_559 = arith.index_cast %get3A_558 : i32 to index
        %get3A_560 = arith.index_cast %scan3A_238 : i32 to index
        %get3A_561 = arith.constant 48 : index
        %get3A_562 = tpu.vector_load %arg6[%get3A_559, %get3A_560, %get3A_561] {strides = array<i32>} : memref<2x352x128xf32, #tpu.memory_space<vmem>>, vector<1x1x16xf32>,
        %get3A_563 = vector.shape_cast %get3A_562 : vector<1x1x16xf32> to vector<16xf32>
        %add3A_564 = arith.constant 32 : i32
        %add3A_565 = arith.addi %add3A_564, %scan3A_238 : i32
        %get3A_566 = arith.constant 0 : i32
        %get3A_567 = arith.index_cast %get3A_566 : i32 to index
        %get3A_568 = arith.index_cast %add3A_565 : i32 to index
        %get3A_569 = arith.constant 48 : index
        %get3A_570 = tpu.vector_load %arg6[%get3A_567, %get3A_568, %get3A_569] {strides = array<i32>} : memref<2x352x128xf32, #tpu.memory_space<vmem>>, vector<1x1x16xf32>,
        %get3A_571 = vector.shape_cast %get3A_570 : vector<1x1x16xf32> to vector<16xf32>
        %add3A_572 = arith.addf %get3A_563, %get3A_571 : vector<16xf32>
        %add3A_573 = arith.constant 64 : i32
        %add3A_574 = arith.addi %add3A_573, %scan3A_238 : i32
        %get3A_575 = arith.constant 0 : i32
        %get3A_576 = arith.index_cast %get3A_575 : i32 to index
        %get3A_577 = arith.index_cast %add3A_574 : i32 to index
        %get3A_578 = arith.constant 48 : index
        %get3A_579 = tpu.vector_load %arg6[%get3A_576, %get3A_577, %get3A_578] {strides = array<i32>} : memref<2x352x128xf32, #tpu.memory_space<vmem>>, vector<1x1x16xf32>,
        %get3A_580 = vector.shape_cast %get3A_579 : vector<1x1x16xf32> to vector<16xf32>
        %add3A_581 = arith.addf %add3A_572, %get3A_580 : vector<16xf32>
        %add3A_582 = arith.constant 96 : i32
        %add3A_583 = arith.addi %add3A_582, %scan3A_238 : i32
        %get3A_584 = arith.constant 0 : i32
        %get3A_585 = arith.index_cast %get3A_584 : i32 to index
        %get3A_586 = arith.index_cast %add3A_583 : i32 to index
        %get3A_587 = arith.constant 48 : index
        %get3A_588 = tpu.vector_load %arg6[%get3A_585, %get3A_586, %get3A_587] {strides = array<i32>} : memref<2x352x128xf32, #tpu.memory_space<vmem>>, vector<1x1x16xf32>,
        %get3A_589 = vector.shape_cast %get3A_588 : vector<1x1x16xf32> to vector<16xf32>
        %add3A_590 = arith.addf %add3A_581, %get3A_589 : vector<16xf32>
        %add3A_591 = arith.constant 128 : i32
        %add3A_592 = arith.addi %add3A_591, %scan3A_238 : i32
        %get3A_593 = arith.constant 0 : i32
        %get3A_594 = arith.index_cast %get3A_593 : i32 to index
        %get3A_595 = arith.index_cast %add3A_592 : i32 to index
        %get3A_596 = arith.constant 48 : index
        %get3A_597 = tpu.vector_load %arg6[%get3A_594, %get3A_595, %get3A_596] {strides = array<i32>} : memref<2x352x128xf32, #tpu.memory_space<vmem>>, vector<1x1x16xf32>,
        %get3A_598 = vector.shape_cast %get3A_597 : vector<1x1x16xf32> to vector<16xf32>
        %add3A_599 = arith.addf %add3A_590, %get3A_598 : vector<16xf32>
        %add3A_600 = arith.constant 160 : i32
        %add3A_601 = arith.addi %add3A_600, %scan3A_238 : i32
        %get3A_602 = arith.constant 0 : i32
        %get3A_603 = arith.index_cast %get3A_602 : i32 to index
        %get3A_604 = arith.index_cast %add3A_601 : i32 to index
        %get3A_605 = arith.constant 48 : index
        %get3A_606 = tpu.vector_load %arg6[%get3A_603, %get3A_604, %get3A_605] {strides = array<i32>} : memref<2x352x128xf32, #tpu.memory_space<vmem>>, vector<1x1x16xf32>,
        %get3A_607 = vector.shape_cast %get3A_606 : vector<1x1x16xf32> to vector<16xf32>
        %add3A_608 = arith.addf %add3A_599, %get3A_607 : vector<16xf32>
        %add3A_609 = arith.constant 192 : i32
        %add3A_610 = arith.addi %add3A_609, %scan3A_238 : i32
        %get3A_611 = arith.constant 0 : i32
        %get3A_612 = arith.index_cast %get3A_611 : i32 to index
        %get3A_613 = arith.index_cast %add3A_610 : i32 to index
        %get3A_614 = arith.constant 48 : index
        %get3A_615 = tpu.vector_load %arg6[%get3A_612, %get3A_613, %get3A_614] {strides = array<i32>} : memref<2x352x128xf32, #tpu.memory_space<vmem>>, vector<1x1x16xf32>,
        %get3A_616 = vector.shape_cast %get3A_615 : vector<1x1x16xf32> to vector<16xf32>
        %add3A_617 = arith.addf %add3A_608, %get3A_616 : vector<16xf32>
        %add3A_618 = arith.constant 224 : i32
        %add3A_619 = arith.addi %add3A_618, %scan3A_238 : i32
        %get3A_620 = arith.constant 0 : i32
        %get3A_621 = arith.index_cast %get3A_620 : i32 to index
        %get3A_622 = arith.index_cast %add3A_619 : i32 to index
        %get3A_623 = arith.constant 48 : index
        %get3A_624 = tpu.vector_load %arg6[%get3A_621, %get3A_622, %get3A_623] {strides = array<i32>} : memref<2x352x128xf32, #tpu.memory_space<vmem>>, vector<1x1x16xf32>,
        %get3A_625 = vector.shape_cast %get3A_624 : vector<1x1x16xf32> to vector<16xf32>
        %add3A_626 = arith.addf %add3A_617, %get3A_625 : vector<16xf32>
        %add3A_627 = arith.constant 256 : i32
        %add3A_628 = arith.addi %add3A_627, %scan3A_238 : i32
        %get3A_629 = arith.constant 0 : i32
        %get3A_630 = arith.index_cast %get3A_629 : i32 to index
        %get3A_631 = arith.index_cast %add3A_628 : i32 to index
        %get3A_632 = arith.constant 48 : index
        %get3A_633 = tpu.vector_load %arg6[%get3A_630, %get3A_631, %get3A_632] {strides = array<i32>} : memref<2x352x128xf32, #tpu.memory_space<vmem>>, vector<1x1x16xf32>,
        %get3A_634 = vector.shape_cast %get3A_633 : vector<1x1x16xf32> to vector<16xf32>
        %add3A_635 = arith.addf %add3A_626, %get3A_634 : vector<16xf32>
        %add3A_636 = arith.constant 288 : i32
        %add3A_637 = arith.addi %add3A_636, %scan3A_238 : i32
        %get3A_638 = arith.constant 0 : i32
        %get3A_639 = arith.index_cast %get3A_638 : i32 to index
        %get3A_640 = arith.index_cast %add3A_637 : i32 to index
        %get3A_641 = arith.constant 48 : index
        %get3A_642 = tpu.vector_load %arg6[%get3A_639, %get3A_640, %get3A_641] {strides = array<i32>} : memref<2x352x128xf32, #tpu.memory_space<vmem>>, vector<1x1x16xf32>,
        %get3A_643 = vector.shape_cast %get3A_642 : vector<1x1x16xf32> to vector<16xf32>
        %add3A_644 = arith.addf %add3A_635, %get3A_643 : vector<16xf32>
        %add3A_645 = arith.constant 320 : i32
        %add3A_646 = arith.addi %add3A_645, %scan3A_238 : i32
        %get3A_647 = arith.constant 0 : i32
        %get3A_648 = arith.index_cast %get3A_647 : i32 to index
        %get3A_649 = arith.index_cast %add3A_646 : i32 to index
        %get3A_650 = arith.constant 48 : index
        %get3A_651 = tpu.vector_load %arg6[%get3A_648, %get3A_649, %get3A_650] {strides = array<i32>} : memref<2x352x128xf32, #tpu.memory_space<vmem>>, vector<1x1x16xf32>,
        %get3A_652 = vector.shape_cast %get3A_651 : vector<1x1x16xf32> to vector<16xf32>
        %mul3A_653 = vector.broadcast %select_n3A_244 : f32 to vector<16xf32>
        %mul3A_654 = arith.mulf %mul3A_653, %add3A_644 : vector<16xf32>
        %add3A_655 = arith.addf %get3A_652, %mul3A_654 : vector<16xf32>
        %swap3A_656 = arith.constant 0 : i32
        %swap3A_657 = arith.index_cast %swap3A_656 : i32 to index
        %swap3A_658 = arith.index_cast %scan3A_238 : i32 to index
        %swap3A_659 = arith.constant 48 : index
        %swap3A_660 = tpu.vector_load %arg7[%swap3A_657, %swap3A_658, %swap3A_659] {strides = array<i32>} : memref<2x32x128xf32, #tpu.memory_space<vmem>>, vector<1x1x16xf32>,
        %swap3A_661 = vector.shape_cast %swap3A_660 : vector<1x1x16xf32> to vector<16xf32>
        %swap3A_662 = vector.shape_cast %add3A_655 : vector<16xf32> to vector<1x1x16xf32>
        tpu.vector_store %arg7[%swap3A_657, %swap3A_658, %swap3A_659], %swap3A_662 {strides = array<i32>} : memref<2x32x128xf32, #tpu.memory_space<vmem>>, vector<1x1x16xf32>,
        %get3A_663 = arith.constant 0 : i32
        %get3A_664 = arith.index_cast %get3A_663 : i32 to index
        %get3A_665 = arith.index_cast %scan3A_238 : i32 to index
        %get3A_666 = arith.constant 64 : index
        %get3A_667 = tpu.vector_load %arg6[%get3A_664, %get3A_665, %get3A_666] {strides = array<i32>} : memref<2x352x128xf32, #tpu.memory_space<vmem>>, vector<1x1x16xf32>,
        %get3A_668 = vector.shape_cast %get3A_667 : vector<1x1x16xf32> to vector<16xf32>
        %add3A_669 = arith.constant 32 : i32
        %add3A_670 = arith.addi %add3A_669, %scan3A_238 : i32
        %get3A_671 = arith.constant 0 : i32
        %get3A_672 = arith.index_cast %get3A_671 : i32 to index
        %get3A_673 = arith.index_cast %add3A_670 : i32 to index
        %get3A_674 = arith.constant 64 : index
        %get3A_675 = tpu.vector_load %arg6[%get3A_672, %get3A_673, %get3A_674] {strides = array<i32>} : memref<2x352x128xf32, #tpu.memory_space<vmem>>, vector<1x1x16xf32>,
        %get3A_676 = vector.shape_cast %get3A_675 : vector<1x1x16xf32> to vector<16xf32>
        %add3A_677 = arith.addf %get3A_668, %get3A_676 : vector<16xf32>
        %add3A_678 = arith.constant 64 : i32
        %add3A_679 = arith.addi %add3A_678, %scan3A_238 : i32
        %get3A_680 = arith.constant 0 : i32
        %get3A_681 = arith.index_cast %get3A_680 : i32 to index
        %get3A_682 = arith.index_cast %add3A_679 : i32 to index
        %get3A_683 = arith.constant 64 : index
        %get3A_684 = tpu.vector_load %arg6[%get3A_681, %get3A_682, %get3A_683] {strides = array<i32>} : memref<2x352x128xf32, #tpu.memory_space<vmem>>, vector<1x1x16xf32>,
        %get3A_685 = vector.shape_cast %get3A_684 : vector<1x1x16xf32> to vector<16xf32>
        %add3A_686 = arith.addf %add3A_677, %get3A_685 : vector<16xf32>
        %add3A_687 = arith.constant 96 : i32
        %add3A_688 = arith.addi %add3A_687, %scan3A_238 : i32
        %get3A_689 = arith.constant 0 : i32
        %get3A_690 = arith.index_cast %get3A_689 : i32 to index
        %get3A_691 = arith.index_cast %add3A_688 : i32 to index
        %get3A_692 = arith.constant 64 : index
        %get3A_693 = tpu.vector_load %arg6[%get3A_690, %get3A_691, %get3A_692] {strides = array<i32>} : memref<2x352x128xf32, #tpu.memory_space<vmem>>, vector<1x1x16xf32>,
        %get3A_694 = vector.shape_cast %get3A_693 : vector<1x1x16xf32> to vector<16xf32>
        %add3A_695 = arith.addf %add3A_686, %get3A_694 : vector<16xf32>
        %add3A_696 = arith.constant 128 : i32
        %add3A_697 = arith.addi %add3A_696, %scan3A_238 : i32
        %get3A_698 = arith.constant 0 : i32
        %get3A_699 = arith.index_cast %get3A_698 : i32 to index
        %get3A_700 = arith.index_cast %add3A_697 : i32 to index
        %get3A_701 = arith.constant 64 : index
        %get3A_702 = tpu.vector_load %arg6[%get3A_699, %get3A_700, %get3A_701] {strides = array<i32>} : memref<2x352x128xf32, #tpu.memory_space<vmem>>, vector<1x1x16xf32>,
        %get3A_703 = vector.shape_cast %get3A_702 : vector<1x1x16xf32> to vector<16xf32>
        %add3A_704 = arith.addf %add3A_695, %get3A_703 : vector<16xf32>
        %add3A_705 = arith.constant 160 : i32
        %add3A_706 = arith.addi %add3A_705, %scan3A_238 : i32
        %get3A_707 = arith.constant 0 : i32
        %get3A_708 = arith.index_cast %get3A_707 : i32 to index
        %get3A_709 = arith.index_cast %add3A_706 : i32 to index
        %get3A_710 = arith.constant 64 : index
        %get3A_711 = tpu.vector_load %arg6[%get3A_708, %get3A_709, %get3A_710] {strides = array<i32>} : memref<2x352x128xf32, #tpu.memory_space<vmem>>, vector<1x1x16xf32>,
        %get3A_712 = vector.shape_cast %get3A_711 : vector<1x1x16xf32> to vector<16xf32>
        %add3A_713 = arith.addf %add3A_704, %get3A_712 : vector<16xf32>
        %add3A_714 = arith.constant 192 : i32
        %add3A_715 = arith.addi %add3A_714, %scan3A_238 : i32
        %get3A_716 = arith.constant 0 : i32
        %get3A_717 = arith.index_cast %get3A_716 : i32 to index
        %get3A_718 = arith.index_cast %add3A_715 : i32 to index
        %get3A_719 = arith.constant 64 : index
        %get3A_720 = tpu.vector_load %arg6[%get3A_717, %get3A_718, %get3A_719] {strides = array<i32>} : memref<2x352x128xf32, #tpu.memory_space<vmem>>, vector<1x1x16xf32>,
        %get3A_721 = vector.shape_cast %get3A_720 : vector<1x1x16xf32> to vector<16xf32>
        %add3A_722 = arith.addf %add3A_713, %get3A_721 : vector<16xf32>
        %add3A_723 = arith.constant 224 : i32
        %add3A_724 = arith.addi %add3A_723, %scan3A_238 : i32
        %get3A_725 = arith.constant 0 : i32
        %get3A_726 = arith.index_cast %get3A_725 : i32 to index
        %get3A_727 = arith.index_cast %add3A_724 : i32 to index
        %get3A_728 = arith.constant 64 : index
        %get3A_729 = tpu.vector_load %arg6[%get3A_726, %get3A_727, %get3A_728] {strides = array<i32>} : memref<2x352x128xf32, #tpu.memory_space<vmem>>, vector<1x1x16xf32>,
        %get3A_730 = vector.shape_cast %get3A_729 : vector<1x1x16xf32> to vector<16xf32>
        %add3A_731 = arith.addf %add3A_722, %get3A_730 : vector<16xf32>
        %add3A_732 = arith.constant 256 : i32
        %add3A_733 = arith.addi %add3A_732, %scan3A_238 : i32
        %get3A_734 = arith.constant 0 : i32
        %get3A_735 = arith.index_cast %get3A_734 : i32 to index
        %get3A_736 = arith.index_cast %add3A_733 : i32 to index
        %get3A_737 = arith.constant 64 : index
        %get3A_738 = tpu.vector_load %arg6[%get3A_735, %get3A_736, %get3A_737] {strides = array<i32>} : memref<2x352x128xf32, #tpu.memory_space<vmem>>, vector<1x1x16xf32>,
        %get3A_739 = vector.shape_cast %get3A_738 : vector<1x1x16xf32> to vector<16xf32>
        %add3A_740 = arith.addf %add3A_731, %get3A_739 : vector<16xf32>
        %add3A_741 = arith.constant 288 : i32
        %add3A_742 = arith.addi %add3A_741, %scan3A_238 : i32
        %get3A_743 = arith.constant 0 : i32
        %get3A_744 = arith.index_cast %get3A_743 : i32 to index
        %get3A_745 = arith.index_cast %add3A_742 : i32 to index
        %get3A_746 = arith.constant 64 : index
        %get3A_747 = tpu.vector_load %arg6[%get3A_744, %get3A_745, %get3A_746] {strides = array<i32>} : memref<2x352x128xf32, #tpu.memory_space<vmem>>, vector<1x1x16xf32>,
        %get3A_748 = vector.shape_cast %get3A_747 : vector<1x1x16xf32> to vector<16xf32>
        %add3A_749 = arith.addf %add3A_740, %get3A_748 : vector<16xf32>
        %add3A_750 = arith.constant 320 : i32
        %add3A_751 = arith.addi %add3A_750, %scan3A_238 : i32
        %get3A_752 = arith.constant 0 : i32
        %get3A_753 = arith.index_cast %get3A_752 : i32 to index
        %get3A_754 = arith.index_cast %add3A_751 : i32 to index
        %get3A_755 = arith.constant 64 : index
        %get3A_756 = tpu.vector_load %arg6[%get3A_753, %get3A_754, %get3A_755] {strides = array<i32>} : memref<2x352x128xf32, #tpu.memory_space<vmem>>, vector<1x1x16xf32>,
        %get3A_757 = vector.shape_cast %get3A_756 : vector<1x1x16xf32> to vector<16xf32>
        %mul3A_758 = vector.broadcast %select_n3A_244 : f32 to vector<16xf32>
        %mul3A_759 = arith.mulf %mul3A_758, %add3A_749 : vector<16xf32>
        %add3A_760 = arith.addf %get3A_757, %mul3A_759 : vector<16xf32>
        %swap3A_761 = arith.constant 0 : i32
        %swap3A_762 = arith.index_cast %swap3A_761 : i32 to index
        %swap3A_763 = arith.index_cast %scan3A_238 : i32 to index
        %swap3A_764 = arith.constant 64 : index
        %swap3A_765 = tpu.vector_load %arg7[%swap3A_762, %swap3A_763, %swap3A_764] {strides = array<i32>} : memref<2x32x128xf32, #tpu.memory_space<vmem>>, vector<1x1x16xf32>,
        %swap3A_766 = vector.shape_cast %swap3A_765 : vector<1x1x16xf32> to vector<16xf32>
        %swap3A_767 = vector.shape_cast %add3A_760 : vector<16xf32> to vector<1x1x16xf32>
        tpu.vector_store %arg7[%swap3A_762, %swap3A_763, %swap3A_764], %swap3A_767 {strides = array<i32>} : memref<2x32x128xf32, #tpu.memory_space<vmem>>, vector<1x1x16xf32>,
        %get3A_768 = arith.constant 0 : i32
        %get3A_769 = arith.index_cast %get3A_768 : i32 to index
        %get3A_770 = arith.index_cast %scan3A_238 : i32 to index
        %get3A_771 = arith.constant 80 : index
        %get3A_772 = tpu.vector_load %arg6[%get3A_769, %get3A_770, %get3A_771] {strides = array<i32>} : memref<2x352x128xf32, #tpu.memory_space<vmem>>, vector<1x1x16xf32>,
        %get3A_773 = vector.shape_cast %get3A_772 : vector<1x1x16xf32> to vector<16xf32>
        %add3A_774 = arith.constant 32 : i32
        %add3A_775 = arith.addi %add3A_774, %scan3A_238 : i32
        %get3A_776 = arith.constant 0 : i32
        %get3A_777 = arith.index_cast %get3A_776 : i32 to index
        %get3A_778 = arith.index_cast %add3A_775 : i32 to index
        %get3A_779 = arith.constant 80 : index
        %get3A_780 = tpu.vector_load %arg6[%get3A_777, %get3A_778, %get3A_779] {strides = array<i32>} : memref<2x352x128xf32, #tpu.memory_space<vmem>>, vector<1x1x16xf32>,
        %get3A_781 = vector.shape_cast %get3A_780 : vector<1x1x16xf32> to vector<16xf32>
        %add3A_782 = arith.addf %get3A_773, %get3A_781 : vector<16xf32>
        %add3A_783 = arith.constant 64 : i32
        %add3A_784 = arith.addi %add3A_783, %scan3A_238 : i32
        %get3A_785 = arith.constant 0 : i32
        %get3A_786 = arith.index_cast %get3A_785 : i32 to index
        %get3A_787 = arith.index_cast %add3A_784 : i32 to index
        %get3A_788 = arith.constant 80 : index
        %get3A_789 = tpu.vector_load %arg6[%get3A_786, %get3A_787, %get3A_788] {strides = array<i32>} : memref<2x352x128xf32, #tpu.memory_space<vmem>>, vector<1x1x16xf32>,
        %get3A_790 = vector.shape_cast %get3A_789 : vector<1x1x16xf32> to vector<16xf32>
        %add3A_791 = arith.addf %add3A_782, %get3A_790 : vector<16xf32>
        %add3A_792 = arith.constant 96 : i32
        %add3A_793 = arith.addi %add3A_792, %scan3A_238 : i32
        %get3A_794 = arith.constant 0 : i32
        %get3A_795 = arith.index_cast %get3A_794 : i32 to index
        %get3A_796 = arith.index_cast %add3A_793 : i32 to index
        %get3A_797 = arith.constant 80 : index
        %get3A_798 = tpu.vector_load %arg6[%get3A_795, %get3A_796, %get3A_797] {strides = array<i32>} : memref<2x352x128xf32, #tpu.memory_space<vmem>>, vector<1x1x16xf32>,
        %get3A_799 = vector.shape_cast %get3A_798 : vector<1x1x16xf32> to vector<16xf32>
        %add3A_800 = arith.addf %add3A_791, %get3A_799 : vector<16xf32>
        %add3A_801 = arith.constant 128 : i32
        %add3A_802 = arith.addi %add3A_801, %scan3A_238 : i32
        %get3A_803 = arith.constant 0 : i32
        %get3A_804 = arith.index_cast %get3A_803 : i32 to index
        %get3A_805 = arith.index_cast %add3A_802 : i32 to index
        %get3A_806 = arith.constant 80 : index
        %get3A_807 = tpu.vector_load %arg6[%get3A_804, %get3A_805, %get3A_806] {strides = array<i32>} : memref<2x352x128xf32, #tpu.memory_space<vmem>>, vector<1x1x16xf32>,
        %get3A_808 = vector.shape_cast %get3A_807 : vector<1x1x16xf32> to vector<16xf32>
        %add3A_809 = arith.addf %add3A_800, %get3A_808 : vector<16xf32>
        %add3A_810 = arith.constant 160 : i32
        %add3A_811 = arith.addi %add3A_810, %scan3A_238 : i32
        %get3A_812 = arith.constant 0 : i32
        %get3A_813 = arith.index_cast %get3A_812 : i32 to index
        %get3A_814 = arith.index_cast %add3A_811 : i32 to index
        %get3A_815 = arith.constant 80 : index
        %get3A_816 = tpu.vector_load %arg6[%get3A_813, %get3A_814, %get3A_815] {strides = array<i32>} : memref<2x352x128xf32, #tpu.memory_space<vmem>>, vector<1x1x16xf32>,
        %get3A_817 = vector.shape_cast %get3A_816 : vector<1x1x16xf32> to vector<16xf32>
        %add3A_818 = arith.addf %add3A_809, %get3A_817 : vector<16xf32>
        %add3A_819 = arith.constant 192 : i32
        %add3A_820 = arith.addi %add3A_819, %scan3A_238 : i32
        %get3A_821 = arith.constant 0 : i32
        %get3A_822 = arith.index_cast %get3A_821 : i32 to index
        %get3A_823 = arith.index_cast %add3A_820 : i32 to index
        %get3A_824 = arith.constant 80 : index
        %get3A_825 = tpu.vector_load %arg6[%get3A_822, %get3A_823, %get3A_824] {strides = array<i32>} : memref<2x352x128xf32, #tpu.memory_space<vmem>>, vector<1x1x16xf32>,
        %get3A_826 = vector.shape_cast %get3A_825 : vector<1x1x16xf32> to vector<16xf32>
        %add3A_827 = arith.addf %add3A_818, %get3A_826 : vector<16xf32>
        %add3A_828 = arith.constant 224 : i32
        %add3A_829 = arith.addi %add3A_828, %scan3A_238 : i32
        %get3A_830 = arith.constant 0 : i32
        %get3A_831 = arith.index_cast %get3A_830 : i32 to index
        %get3A_832 = arith.index_cast %add3A_829 : i32 to index
        %get3A_833 = arith.constant 80 : index
        %get3A_834 = tpu.vector_load %arg6[%get3A_831, %get3A_832, %get3A_833] {strides = array<i32>} : memref<2x352x128xf32, #tpu.memory_space<vmem>>, vector<1x1x16xf32>,
        %get3A_835 = vector.shape_cast %get3A_834 : vector<1x1x16xf32> to vector<16xf32>
        %add3A_836 = arith.addf %add3A_827, %get3A_835 : vector<16xf32>
        %add3A_837 = arith.constant 256 : i32
        %add3A_838 = arith.addi %add3A_837, %scan3A_238 : i32
        %get3A_839 = arith.constant 0 : i32
        %get3A_840 = arith.index_cast %get3A_839 : i32 to index
        %get3A_841 = arith.index_cast %add3A_838 : i32 to index
        %get3A_842 = arith.constant 80 : index
        %get3A_843 = tpu.vector_load %arg6[%get3A_840, %get3A_841, %get3A_842] {strides = array<i32>} : memref<2x352x128xf32, #tpu.memory_space<vmem>>, vector<1x1x16xf32>,
        %get3A_844 = vector.shape_cast %get3A_843 : vector<1x1x16xf32> to vector<16xf32>
        %add3A_845 = arith.addf %add3A_836, %get3A_844 : vector<16xf32>
        %add3A_846 = arith.constant 288 : i32
        %add3A_847 = arith.addi %add3A_846, %scan3A_238 : i32
        %get3A_848 = arith.constant 0 : i32
        %get3A_849 = arith.index_cast %get3A_848 : i32 to index
        %get3A_850 = arith.index_cast %add3A_847 : i32 to index
        %get3A_851 = arith.constant 80 : index
        %get3A_852 = tpu.vector_load %arg6[%get3A_849, %get3A_850, %get3A_851] {strides = array<i32>} : memref<2x352x128xf32, #tpu.memory_space<vmem>>, vector<1x1x16xf32>,
        %get3A_853 = vector.shape_cast %get3A_852 : vector<1x1x16xf32> to vector<16xf32>
        %add3A_854 = arith.addf %add3A_845, %get3A_853 : vector<16xf32>
        %add3A_855 = arith.constant 320 : i32
        %add3A_856 = arith.addi %add3A_855, %scan3A_238 : i32
        %get3A_857 = arith.constant 0 : i32
        %get3A_858 = arith.index_cast %get3A_857 : i32 to index
        %get3A_859 = arith.index_cast %add3A_856 : i32 to index
        %get3A_860 = arith.constant 80 : index
        %get3A_861 = tpu.vector_load %arg6[%get3A_858, %get3A_859, %get3A_860] {strides = array<i32>} : memref<2x352x128xf32, #tpu.memory_space<vmem>>, vector<1x1x16xf32>,
        %get3A_862 = vector.shape_cast %get3A_861 : vector<1x1x16xf32> to vector<16xf32>
        %mul3A_863 = vector.broadcast %select_n3A_244 : f32 to vector<16xf32>
        %mul3A_864 = arith.mulf %mul3A_863, %add3A_854 : vector<16xf32>
        %add3A_865 = arith.addf %get3A_862, %mul3A_864 : vector<16xf32>
        %swap3A_866 = arith.constant 0 : i32
        %swap3A_867 = arith.index_cast %swap3A_866 : i32 to index
        %swap3A_868 = arith.index_cast %scan3A_238 : i32 to index
        %swap3A_869 = arith.constant 80 : index
        %swap3A_870 = tpu.vector_load %arg7[%swap3A_867, %swap3A_868, %swap3A_869] {strides = array<i32>} : memref<2x32x128xf32, #tpu.memory_space<vmem>>, vector<1x1x16xf32>,
        %swap3A_871 = vector.shape_cast %swap3A_870 : vector<1x1x16xf32> to vector<16xf32>
        %swap3A_872 = vector.shape_cast %add3A_865 : vector<16xf32> to vector<1x1x16xf32>
        tpu.vector_store %arg7[%swap3A_867, %swap3A_868, %swap3A_869], %swap3A_872 {strides = array<i32>} : memref<2x32x128xf32, #tpu.memory_space<vmem>>, vector<1x1x16xf32>,
        %get3A_873 = arith.constant 0 : i32
        %get3A_874 = arith.index_cast %get3A_873 : i32 to index
        %get3A_875 = arith.index_cast %scan3A_238 : i32 to index
        %get3A_876 = arith.constant 96 : index
        %get3A_877 = tpu.vector_load %arg6[%get3A_874, %get3A_875, %get3A_876] {strides = array<i32>} : memref<2x352x128xf32, #tpu.memory_space<vmem>>, vector<1x1x16xf32>,
        %get3A_878 = vector.shape_cast %get3A_877 : vector<1x1x16xf32> to vector<16xf32>
        %add3A_879 = arith.constant 32 : i32
        %add3A_880 = arith.addi %add3A_879, %scan3A_238 : i32
        %get3A_881 = arith.constant 0 : i32
        %get3A_882 = arith.index_cast %get3A_881 : i32 to index
        %get3A_883 = arith.index_cast %add3A_880 : i32 to index
        %get3A_884 = arith.constant 96 : index
        %get3A_885 = tpu.vector_load %arg6[%get3A_882, %get3A_883, %get3A_884] {strides = array<i32>} : memref<2x352x128xf32, #tpu.memory_space<vmem>>, vector<1x1x16xf32>,
        %get3A_886 = vector.shape_cast %get3A_885 : vector<1x1x16xf32> to vector<16xf32>
        %add3A_887 = arith.addf %get3A_878, %get3A_886 : vector<16xf32>
        %add3A_888 = arith.constant 64 : i32
        %add3A_889 = arith.addi %add3A_888, %scan3A_238 : i32
        %get3A_890 = arith.constant 0 : i32
        %get3A_891 = arith.index_cast %get3A_890 : i32 to index
        %get3A_892 = arith.index_cast %add3A_889 : i32 to index
        %get3A_893 = arith.constant 96 : index
        %get3A_894 = tpu.vector_load %arg6[%get3A_891, %get3A_892, %get3A_893] {strides = array<i32>} : memref<2x352x128xf32, #tpu.memory_space<vmem>>, vector<1x1x16xf32>,
        %get3A_895 = vector.shape_cast %get3A_894 : vector<1x1x16xf32> to vector<16xf32>
        %add3A_896 = arith.addf %add3A_887, %get3A_895 : vector<16xf32>
        %add3A_897 = arith.constant 96 : i32
        %add3A_898 = arith.addi %add3A_897, %scan3A_238 : i32
        %get3A_899 = arith.constant 0 : i32
        %get3A_900 = arith.index_cast %get3A_899 : i32 to index
        %get3A_901 = arith.index_cast %add3A_898 : i32 to index
        %get3A_902 = arith.constant 96 : index
        %get3A_903 = tpu.vector_load %arg6[%get3A_900, %get3A_901, %get3A_902] {strides = array<i32>} : memref<2x352x128xf32, #tpu.memory_space<vmem>>, vector<1x1x16xf32>,
        %get3A_904 = vector.shape_cast %get3A_903 : vector<1x1x16xf32> to vector<16xf32>
        %add3A_905 = arith.addf %add3A_896, %get3A_904 : vector<16xf32>
        %add3A_906 = arith.constant 128 : i32
        %add3A_907 = arith.addi %add3A_906, %scan3A_238 : i32
        %get3A_908 = arith.constant 0 : i32
        %get3A_909 = arith.index_cast %get3A_908 : i32 to index
        %get3A_910 = arith.index_cast %add3A_907 : i32 to index
        %get3A_911 = arith.constant 96 : index
        %get3A_912 = tpu.vector_load %arg6[%get3A_909, %get3A_910, %get3A_911] {strides = array<i32>} : memref<2x352x128xf32, #tpu.memory_space<vmem>>, vector<1x1x16xf32>,
        %get3A_913 = vector.shape_cast %get3A_912 : vector<1x1x16xf32> to vector<16xf32>
        %add3A_914 = arith.addf %add3A_905, %get3A_913 : vector<16xf32>
        %add3A_915 = arith.constant 160 : i32
        %add3A_916 = arith.addi %add3A_915, %scan3A_238 : i32
        %get3A_917 = arith.constant 0 : i32
        %get3A_918 = arith.index_cast %get3A_917 : i32 to index
        %get3A_919 = arith.index_cast %add3A_916 : i32 to index
        %get3A_920 = arith.constant 96 : index
        %get3A_921 = tpu.vector_load %arg6[%get3A_918, %get3A_919, %get3A_920] {strides = array<i32>} : memref<2x352x128xf32, #tpu.memory_space<vmem>>, vector<1x1x16xf32>,
        %get3A_922 = vector.shape_cast %get3A_921 : vector<1x1x16xf32> to vector<16xf32>
        %add3A_923 = arith.addf %add3A_914, %get3A_922 : vector<16xf32>
        %add3A_924 = arith.constant 192 : i32
        %add3A_925 = arith.addi %add3A_924, %scan3A_238 : i32
        %get3A_926 = arith.constant 0 : i32
        %get3A_927 = arith.index_cast %get3A_926 : i32 to index
        %get3A_928 = arith.index_cast %add3A_925 : i32 to index
        %get3A_929 = arith.constant 96 : index
        %get3A_930 = tpu.vector_load %arg6[%get3A_927, %get3A_928, %get3A_929] {strides = array<i32>} : memref<2x352x128xf32, #tpu.memory_space<vmem>>, vector<1x1x16xf32>,
        %get3A_931 = vector.shape_cast %get3A_930 : vector<1x1x16xf32> to vector<16xf32>
        %add3A_932 = arith.addf %add3A_923, %get3A_931 : vector<16xf32>
        %add3A_933 = arith.constant 224 : i32
        %add3A_934 = arith.addi %add3A_933, %scan3A_238 : i32
        %get3A_935 = arith.constant 0 : i32
        %get3A_936 = arith.index_cast %get3A_935 : i32 to index
        %get3A_937 = arith.index_cast %add3A_934 : i32 to index
        %get3A_938 = arith.constant 96 : index
        %get3A_939 = tpu.vector_load %arg6[%get3A_936, %get3A_937, %get3A_938] {strides = array<i32>} : memref<2x352x128xf32, #tpu.memory_space<vmem>>, vector<1x1x16xf32>,
        %get3A_940 = vector.shape_cast %get3A_939 : vector<1x1x16xf32> to vector<16xf32>
        %add3A_941 = arith.addf %add3A_932, %get3A_940 : vector<16xf32>
        %add3A_942 = arith.constant 256 : i32
        %add3A_943 = arith.addi %add3A_942, %scan3A_238 : i32
        %get3A_944 = arith.constant 0 : i32
        %get3A_945 = arith.index_cast %get3A_944 : i32 to index
        %get3A_946 = arith.index_cast %add3A_943 : i32 to index
        %get3A_947 = arith.constant 96 : index
        %get3A_948 = tpu.vector_load %arg6[%get3A_945, %get3A_946, %get3A_947] {strides = array<i32>} : memref<2x352x128xf32, #tpu.memory_space<vmem>>, vector<1x1x16xf32>,
        %get3A_949 = vector.shape_cast %get3A_948 : vector<1x1x16xf32> to vector<16xf32>
        %add3A_950 = arith.addf %add3A_941, %get3A_949 : vector<16xf32>
        %add3A_951 = arith.constant 288 : i32
        %add3A_952 = arith.addi %add3A_951, %scan3A_238 : i32
        %get3A_953 = arith.constant 0 : i32
        %get3A_954 = arith.index_cast %get3A_953 : i32 to index
        %get3A_955 = arith.index_cast %add3A_952 : i32 to index
        %get3A_956 = arith.constant 96 : index
        %get3A_957 = tpu.vector_load %arg6[%get3A_954, %get3A_955, %get3A_956] {strides = array<i32>} : memref<2x352x128xf32, #tpu.memory_space<vmem>>, vector<1x1x16xf32>,
        %get3A_958 = vector.shape_cast %get3A_957 : vector<1x1x16xf32> to vector<16xf32>
        %add3A_959 = arith.addf %add3A_950, %get3A_958 : vector<16xf32>
        %add3A_960 = arith.constant 320 : i32
        %add3A_961 = arith.addi %add3A_960, %scan3A_238 : i32
        %get3A_962 = arith.constant 0 : i32
        %get3A_963 = arith.index_cast %get3A_962 : i32 to index
        %get3A_964 = arith.index_cast %add3A_961 : i32 to index
        %get3A_965 = arith.constant 96 : index
        %get3A_966 = tpu.vector_load %arg6[%get3A_963, %get3A_964, %get3A_965] {strides = array<i32>} : memref<2x352x128xf32, #tpu.memory_space<vmem>>, vector<1x1x16xf32>,
        %get3A_967 = vector.shape_cast %get3A_966 : vector<1x1x16xf32> to vector<16xf32>
        %mul3A_968 = vector.broadcast %select_n3A_244 : f32 to vector<16xf32>
        %mul3A_969 = arith.mulf %mul3A_968, %add3A_959 : vector<16xf32>
        %add3A_970 = arith.addf %get3A_967, %mul3A_969 : vector<16xf32>
        %swap3A_971 = arith.constant 0 : i32
        %swap3A_972 = arith.index_cast %swap3A_971 : i32 to index
        %swap3A_973 = arith.index_cast %scan3A_238 : i32 to index
        %swap3A_974 = arith.constant 96 : index
        %swap3A_975 = tpu.vector_load %arg7[%swap3A_972, %swap3A_973, %swap3A_974] {strides = array<i32>} : memref<2x32x128xf32, #tpu.memory_space<vmem>>, vector<1x1x16xf32>,
        %swap3A_976 = vector.shape_cast %swap3A_975 : vector<1x1x16xf32> to vector<16xf32>
        %swap3A_977 = vector.shape_cast %add3A_970 : vector<16xf32> to vector<1x1x16xf32>
        tpu.vector_store %arg7[%swap3A_972, %swap3A_973, %swap3A_974], %swap3A_977 {strides = array<i32>} : memref<2x32x128xf32, #tpu.memory_space<vmem>>, vector<1x1x16xf32>,
        %get3A_978 = arith.constant 0 : i32
        %get3A_979 = arith.index_cast %get3A_978 : i32 to index
        %get3A_980 = arith.index_cast %scan3A_238 : i32 to index
        %get3A_981 = arith.constant 112 : index
        %get3A_982 = tpu.vector_load %arg6[%get3A_979, %get3A_980, %get3A_981] {strides = array<i32>} : memref<2x352x128xf32, #tpu.memory_space<vmem>>, vector<1x1x16xf32>,
        %get3A_983 = vector.shape_cast %get3A_982 : vector<1x1x16xf32> to vector<16xf32>
        %add3A_984 = arith.constant 32 : i32
        %add3A_985 = arith.addi %add3A_984, %scan3A_238 : i32
        %get3A_986 = arith.constant 0 : i32
        %get3A_987 = arith.index_cast %get3A_986 : i32 to index
        %get3A_988 = arith.index_cast %add3A_985 : i32 to index
        %get3A_989 = arith.constant 112 : index
        %get3A_990 = tpu.vector_load %arg6[%get3A_987, %get3A_988, %get3A_989] {strides = array<i32>} : memref<2x352x128xf32, #tpu.memory_space<vmem>>, vector<1x1x16xf32>,
        %get3A_991 = vector.shape_cast %get3A_990 : vector<1x1x16xf32> to vector<16xf32>
        %add3A_992 = arith.addf %get3A_983, %get3A_991 : vector<16xf32>
        %add3A_993 = arith.constant 64 : i32
        %add3A_994 = arith.addi %add3A_993, %scan3A_238 : i32
        %get3A_995 = arith.constant 0 : i32
        %get3A_996 = arith.index_cast %get3A_995 : i32 to index
        %get3A_997 = arith.index_cast %add3A_994 : i32 to index
        %get3A_998 = arith.constant 112 : index
        %get3A_999 = tpu.vector_load %arg6[%get3A_996, %get3A_997, %get3A_998] {strides = array<i32>} : memref<2x352x128xf32, #tpu.memory_space<vmem>>, vector<1x1x16xf32>,
        %get3A_1000 = vector.shape_cast %get3A_999 : vector<1x1x16xf32> to vector<16xf32>
        %add3A_1001 = arith.addf %add3A_992, %get3A_1000 : vector<16xf32>
        %add3A_1002 = arith.constant 96 : i32
        %add3A_1003 = arith.addi %add3A_1002, %scan3A_238 : i32
        %get3A_1004 = arith.constant 0 : i32
        %get3A_1005 = arith.index_cast %get3A_1004 : i32 to index
        %get3A_1006 = arith.index_cast %add3A_1003 : i32 to index
        %get3A_1007 = arith.constant 112 : index
        %get3A_1008 = tpu.vector_load %arg6[%get3A_1005, %get3A_1006, %get3A_1007] {strides = array<i32>} : memref<2x352x128xf32, #tpu.memory_space<vmem>>, vector<1x1x16xf32>,
        %get3A_1009 = vector.shape_cast %get3A_1008 : vector<1x1x16xf32> to vector<16xf32>
        %add3A_1010 = arith.addf %add3A_1001, %get3A_1009 : vector<16xf32>
        %add3A_1011 = arith.constant 128 : i32
        %add3A_1012 = arith.addi %add3A_1011, %scan3A_238 : i32
        %get3A_1013 = arith.constant 0 : i32
        %get3A_1014 = arith.index_cast %get3A_1013 : i32 to index
        %get3A_1015 = arith.index_cast %add3A_1012 : i32 to index
        %get3A_1016 = arith.constant 112 : index
        %get3A_1017 = tpu.vector_load %arg6[%get3A_1014, %get3A_1015, %get3A_1016] {strides = array<i32>} : memref<2x352x128xf32, #tpu.memory_space<vmem>>, vector<1x1x16xf32>,
        %get3A_1018 = vector.shape_cast %get3A_1017 : vector<1x1x16xf32> to vector<16xf32>
        %add3A_1019 = arith.addf %add3A_1010, %get3A_1018 : vector<16xf32>
        %add3A_1020 = arith.constant 160 : i32
        %add3A_1021 = arith.addi %add3A_1020, %scan3A_238 : i32
        %get3A_1022 = arith.constant 0 : i32
        %get3A_1023 = arith.index_cast %get3A_1022 : i32 to index
        %get3A_1024 = arith.index_cast %add3A_1021 : i32 to index
        %get3A_1025 = arith.constant 112 : index
        %get3A_1026 = tpu.vector_load %arg6[%get3A_1023, %get3A_1024, %get3A_1025] {strides = array<i32>} : memref<2x352x128xf32, #tpu.memory_space<vmem>>, vector<1x1x16xf32>,
        %get3A_1027 = vector.shape_cast %get3A_1026 : vector<1x1x16xf32> to vector<16xf32>
        %add3A_1028 = arith.addf %add3A_1019, %get3A_1027 : vector<16xf32>
        %add3A_1029 = arith.constant 192 : i32
        %add3A_1030 = arith.addi %add3A_1029, %scan3A_238 : i32
        %get3A_1031 = arith.constant 0 : i32
        %get3A_1032 = arith.index_cast %get3A_1031 : i32 to index
        %get3A_1033 = arith.index_cast %add3A_1030 : i32 to index
        %get3A_1034 = arith.constant 112 : index
        %get3A_1035 = tpu.vector_load %arg6[%get3A_1032, %get3A_1033, %get3A_1034] {strides = array<i32>} : memref<2x352x128xf32, #tpu.memory_space<vmem>>, vector<1x1x16xf32>,
        %get3A_1036 = vector.shape_cast %get3A_1035 : vector<1x1x16xf32> to vector<16xf32>
        %add3A_1037 = arith.addf %add3A_1028, %get3A_1036 : vector<16xf32>
        %add3A_1038 = arith.constant 224 : i32
        %add3A_1039 = arith.addi %add3A_1038, %scan3A_238 : i32
        %get3A_1040 = arith.constant 0 : i32
        %get3A_1041 = arith.index_cast %get3A_1040 : i32 to index
        %get3A_1042 = arith.index_cast %add3A_1039 : i32 to index
        %get3A_1043 = arith.constant 112 : index
        %get3A_1044 = tpu.vector_load %arg6[%get3A_1041, %get3A_1042, %get3A_1043] {strides = array<i32>} : memref<2x352x128xf32, #tpu.memory_space<vmem>>, vector<1x1x16xf32>,
        %get3A_1045 = vector.shape_cast %get3A_1044 : vector<1x1x16xf32> to vector<16xf32>
        %add3A_1046 = arith.addf %add3A_1037, %get3A_1045 : vector<16xf32>
        %add3A_1047 = arith.constant 256 : i32
        %add3A_1048 = arith.addi %add3A_1047, %scan3A_238 : i32
        %get3A_1049 = arith.constant 0 : i32
        %get3A_1050 = arith.index_cast %get3A_1049 : i32 to index
        %get3A_1051 = arith.index_cast %add3A_1048 : i32 to index
        %get3A_1052 = arith.constant 112 : index
        %get3A_1053 = tpu.vector_load %arg6[%get3A_1050, %get3A_1051, %get3A_1052] {strides = array<i32>} : memref<2x352x128xf32, #tpu.memory_space<vmem>>, vector<1x1x16xf32>,
        %get3A_1054 = vector.shape_cast %get3A_1053 : vector<1x1x16xf32> to vector<16xf32>
        %add3A_1055 = arith.addf %add3A_1046, %get3A_1054 : vector<16xf32>
        %add3A_1056 = arith.constant 288 : i32
        %add3A_1057 = arith.addi %add3A_1056, %scan3A_238 : i32
        %get3A_1058 = arith.constant 0 : i32
        %get3A_1059 = arith.index_cast %get3A_1058 : i32 to index
        %get3A_1060 = arith.index_cast %add3A_1057 : i32 to index
        %get3A_1061 = arith.constant 112 : index
        %get3A_1062 = tpu.vector_load %arg6[%get3A_1059, %get3A_1060, %get3A_1061] {strides = array<i32>} : memref<2x352x128xf32, #tpu.memory_space<vmem>>, vector<1x1x16xf32>,
        %get3A_1063 = vector.shape_cast %get3A_1062 : vector<1x1x16xf32> to vector<16xf32>
        %add3A_1064 = arith.addf %add3A_1055, %get3A_1063 : vector<16xf32>
        %add3A_1065 = arith.constant 320 : i32
        %add3A_1066 = arith.addi %add3A_1065, %scan3A_238 : i32
        %get3A_1067 = arith.constant 0 : i32
        %get3A_1068 = arith.index_cast %get3A_1067 : i32 to index
        %get3A_1069 = arith.index_cast %add3A_1066 : i32 to index
        %get3A_1070 = arith.constant 112 : index
        %get3A_1071 = tpu.vector_load %arg6[%get3A_1068, %get3A_1069, %get3A_1070] {strides = array<i32>} : memref<2x352x128xf32, #tpu.memory_space<vmem>>, vector<1x1x16xf32>,
        %get3A_1072 = vector.shape_cast %get3A_1071 : vector<1x1x16xf32> to vector<16xf32>
        %mul3A_1073 = vector.broadcast %select_n3A_244 : f32 to vector<16xf32>
        %mul3A_1074 = arith.mulf %mul3A_1073, %add3A_1064 : vector<16xf32>
        %add3A_1075 = arith.addf %get3A_1072, %mul3A_1074 : vector<16xf32>
        %swap3A_1076 = arith.constant 0 : i32
        %swap3A_1077 = arith.index_cast %swap3A_1076 : i32 to index
        %swap3A_1078 = arith.index_cast %scan3A_238 : i32 to index
        %swap3A_1079 = arith.constant 112 : index
        %swap3A_1080 = tpu.vector_load %arg7[%swap3A_1077, %swap3A_1078, %swap3A_1079] {strides = array<i32>} : memref<2x32x128xf32, #tpu.memory_space<vmem>>, vector<1x1x16xf32>,
        %swap3A_1081 = vector.shape_cast %swap3A_1080 : vector<1x1x16xf32> to vector<16xf32>
        %swap3A_1082 = vector.shape_cast %add3A_1075 : vector<16xf32> to vector<1x1x16xf32>
        tpu.vector_store %arg7[%swap3A_1077, %swap3A_1078, %swap3A_1079], %swap3A_1082 {strides = array<i32>} : memref<2x32x128xf32, #tpu.memory_space<vmem>>, vector<1x1x16xf32>,
      }
      %scan3A_155 = arith.constant 32 : i32
      %add3A_156 = arith.addi %select_n3A_8, %add3A_121 : i32
      %mul3A_157 = arith.constant 32 : i32
      %mul3A_158 = arith.muli %add3A_156, %mul3A_157 : i32
      %add3A_159 = arith.constant 32 : i32
      %add3A_160 = arith.addi %mul3A_158, %add3A_159 : i32
      %le3A_161 = arith.constant 50000 : i32
      %le3A_162 = arith.cmpi sle, %add3A_160, %le3A_161 : i32
      %convert_element_type3A_163 = arith.extui %le3A_162 : i1 to i32
      %cond3A_164 = arith.constant 0 : i32
      %cond3A_165 = arith.constant 0 : i32
      %cond3A_166 = arith.cmpi ne, %convert_element_type3A_163, %cond3A_165 : i32
      scf.if %cond3A_166 {
        %dma_start3A_238 = arith.constant 0 : i32
        %dma_start3A_239 = arith.constant 0 : i32
        %dma_start3A_240 = tpu.memref_slice %arg7[%cond3A_164, %dma_start3A_238, %dma_start3A_239] : memref<2x32x128xf32, #tpu.memory_space<vmem>> -> memref<1x32x128xf32, #tpu.memory_space<vmem>>
        %dma_start3A_241 = tpu.memref_squeeze %dma_start3A_240 : memref<1x32x128xf32, #tpu.memory_space<vmem>> -> memref<32x128xf32, #tpu.memory_space<vmem>>
        %dma_start3A_242 = arith.constant 0 : i32
        %dma_start3A_243 = tpu.memref_slice %arg4[%mul3A_158, %dma_start3A_242] : memref<50000x128xf32, #tpu.memory_space<hbm>> -> memref<32x128xf32, #tpu.memory_space<hbm>>
        %dma_start3A_244 = arith.constant 0 : i32
        %dma_start3A_245 = tpu.memref_slice %arg4[%mul3A_158, %dma_start3A_244] : memref<50000x128xf32, #tpu.memory_space<hbm>> -> memref<32x128xf32, #tpu.memory_space<hbm>>
        %dma_start3A_246 = arith.constant 0 : i32
        %dma_start3A_247 = arith.constant 0 : i32
        %dma_start3A_248 = tpu.memref_slice %arg7[%cond3A_164, %dma_start3A_246, %dma_start3A_247] : memref<2x32x128xf32, #tpu.memory_space<vmem>> -> memref<1x32x128xf32, #tpu.memory_space<vmem>>
        %dma_start3A_249 = tpu.memref_squeeze %dma_start3A_248 : memref<1x32x128xf32, #tpu.memory_space<vmem>> -> memref<32x128xf32, #tpu.memory_space<vmem>>
        tpu.enqueue_dma source(%dma_start3A_249 : memref<32x128xf32, #tpu.memory_space<vmem>>) target(%dma_start3A_245 : memref<32x128xf32, #tpu.memory_space<hbm>>) target_semaphore(%arg12 : memref<!tpu.dma_semaphore, #tpu.memory_space<semaphore_mem>>)
      } else {
      }
      %lt3A_167 = arith.constant 50000 : i32
      %lt3A_168 = arith.cmpi slt, %mul3A_158, %lt3A_167 : i32
      %add3A_169 = arith.constant 32 : i32
      %add3A_170 = arith.addi %mul3A_158, %add3A_169 : i32
      %gt3A_171 = arith.constant 50000 : i32
      %gt3A_172 = arith.cmpi sgt, %add3A_170, %gt3A_171 : i32
      %and3A_173 = arith.andi %lt3A_168, %gt3A_172 : i1
      %convert_element_type3A_174 = arith.extui %and3A_173 : i1 to i32
      %cond3A_175 = arith.constant 0 : i32
      %cond3A_176 = arith.constant 0 : i32
      %cond3A_177 = arith.cmpi ne, %convert_element_type3A_174, %cond3A_176 : i32
      scf.if %cond3A_177 {
        %dma_start3A_238 = arith.constant 0 : i32
        %dma_start3A_239 = arith.constant 0 : i32
        %dma_start3A_240 = tpu.memref_slice %arg7[%cond3A_175, %dma_start3A_238, %dma_start3A_239] : memref<2x32x128xf32, #tpu.memory_space<vmem>> -> memref<1x16x128xf32, #tpu.memory_space<vmem>>
        %dma_start3A_241 = tpu.memref_squeeze %dma_start3A_240 : memref<1x16x128xf32, #tpu.memory_space<vmem>> -> memref<16x128xf32, #tpu.memory_space<vmem>>
        %dma_start3A_242 = arith.constant 0 : i32
        %dma_start3A_243 = tpu.memref_slice %arg4[%mul3A_158, %dma_start3A_242] : memref<50000x128xf32, #tpu.memory_space<hbm>> -> memref<16x128xf32, #tpu.memory_space<hbm>>
        %dma_start3A_244 = arith.constant 0 : i32
        %dma_start3A_245 = tpu.memref_slice %arg4[%mul3A_158, %dma_start3A_244] : memref<50000x128xf32, #tpu.memory_space<hbm>> -> memref<16x128xf32, #tpu.memory_space<hbm>>
        %dma_start3A_246 = arith.constant 0 : i32
        %dma_start3A_247 = arith.constant 0 : i32
        %dma_start3A_248 = tpu.memref_slice %arg7[%cond3A_175, %dma_start3A_246, %dma_start3A_247] : memref<2x32x128xf32, #tpu.memory_space<vmem>> -> memref<1x16x128xf32, #tpu.memory_space<vmem>>
        %dma_start3A_249 = tpu.memref_squeeze %dma_start3A_248 : memref<1x16x128xf32, #tpu.memory_space<vmem>> -> memref<16x128xf32, #tpu.memory_space<vmem>>
        tpu.enqueue_dma source(%dma_start3A_249 : memref<16x128xf32, #tpu.memory_space<vmem>>) target(%dma_start3A_245 : memref<16x128xf32, #tpu.memory_space<hbm>>) target_semaphore(%arg12 : memref<!tpu.dma_semaphore, #tpu.memory_space<semaphore_mem>>)
      } else {
      }
      %add3A_178 = arith.constant 1 : i32
      %add3A_179 = arith.addi %mul3A_119, %add3A_178 : i32
      %add3A_180 = arith.constant 1 : i32
      %add3A_181 = arith.addi %add3A_179, %add3A_180 : i32
      %lt3A_182 = arith.cmpi slt, %add3A_181, %select_n3A : i32
      %convert_element_type3A_183 = arith.extui %lt3A_182 : i1 to i32
      %cond3A_184 = arith.constant 0 : i32
      %cond3A_185 = arith.cmpi ne, %convert_element_type3A_183, %cond3A_184 : i32
      scf.if %cond3A_185 {
        %add3A_238 = arith.constant 1 : i32
        %add3A_239 = arith.addi %add3A_179, %add3A_238 : i32
        %add3A_240 = arith.addi %select_n3A_8, %add3A_239 : i32
        %mul3A_241 = arith.constant 352 : i32
        %mul3A_242 = arith.muli %add3A_240, %mul3A_241 : i32
        %dma_wait3A_243 = arith.constant 0 : i32
        %dma_wait3A_244 = tpu.memref_slice %arg5[%dma_wait3A_243] : memref<704xi32, #tpu.memory_space<vmem>> -> memref<352xi32, #tpu.memory_space<vmem>>
        %dma_wait3A_245 = tpu.memref_slice %arg2[%mul3A_242] : memref<551936xi32, #tpu.memory_space<hbm>> -> memref<352xi32, #tpu.memory_space<hbm>>
        %dma_wait3A_246 = arith.constant 0 : i32
        %dma_wait3A_247 = tpu.memref_slice %arg5[%dma_wait3A_246] : memref<704xi32, #tpu.memory_space<vmem>> -> memref<352xi32, #tpu.memory_space<vmem>>
        %dma_wait3A_248 = tpu.memref_slice %arg2[%mul3A_242] : memref<551936xi32, #tpu.memory_space<hbm>> -> memref<352xi32, #tpu.memory_space<hbm>>
        tpu.wait_dma2 semaphore(%arg8 : memref<!tpu.dma_semaphore, #tpu.memory_space<semaphore_mem>>) src(%dma_wait3A_248 : memref<352xi32, #tpu.memory_space<hbm>>) dst(%dma_wait3A_247 : memref<352xi32, #tpu.memory_space<vmem>>)
        %dma_start3A_249 = arith.constant 0 : i32
        %dma_start3A_250 = arith.constant 0 : i32
        %dma_start3A_251 = arith.constant 0 : i32
        %dma_start3A_252 = tpu.memref_slice %arg6[%dma_start3A_249, %dma_start3A_250, %dma_start3A_251] : memref<2x352x128xf32, #tpu.memory_space<vmem>> -> memref<1x352x128xf32, #tpu.memory_space<vmem>>
        %dma_start3A_253 = tpu.memref_squeeze %dma_start3A_252 : memref<1x352x128xf32, #tpu.memory_space<vmem>> -> memref<352x128xf32, #tpu.memory_space<vmem>>
        %dma_start3A_254 = arith.constant 0 : i32
        %dma_start3A_255 = tpu.memref_slice %arg5[%dma_start3A_254] : memref<704xi32, #tpu.memory_space<vmem>> -> memref<352xi32, #tpu.memory_space<vmem>>
        %dma_start3A_256 = arith.constant 0 : i32
        %dma_start3A_257 = arith.constant 0 : i32
        %dma_start3A_258 = tpu.memref_slice %arg3[%dma_start3A_256, %dma_start3A_257] : memref<100000x128xf32, #tpu.memory_space<hbm>> -> memref<100000x128xf32, #tpu.memory_space<hbm>>
        tpu.enqueue_indirect_dma source(%dma_start3A_258 : memref<100000x128xf32, #tpu.memory_space<hbm>>) target(%dma_start3A_253 : memref<352x128xf32, #tpu.memory_space<vmem>>) offsets(%dma_start3A_255 : memref<352xi32, #tpu.memory_space<vmem>>) semaphore(%arg10 : memref<!tpu.dma_semaphore, #tpu.memory_space<semaphore_mem>>)
      } else {
      }
      %dma_wait3A_186 = arith.constant 1 : i32
      %dma_wait3A_187 = arith.constant 0 : i32
      %dma_wait3A_188 = arith.constant 0 : i32
      %dma_wait3A_189 = tpu.memref_slice %arg6[%dma_wait3A_186, %dma_wait3A_187, %dma_wait3A_188] : memref<2x352x128xf32, #tpu.memory_space<vmem>> -> memref<1x352x128xf32, #tpu.memory_space<vmem>>
      %dma_wait3A_190 = tpu.memref_squeeze %dma_wait3A_189 : memref<1x352x128xf32, #tpu.memory_space<vmem>> -> memref<352x128xf32, #tpu.memory_space<vmem>>
      %dma_wait3A_191 = arith.constant 352 : i32
      %dma_wait3A_192 = tpu.memref_slice %arg5[%dma_wait3A_191] : memref<704xi32, #tpu.memory_space<vmem>> -> memref<352xi32, #tpu.memory_space<vmem>>
      %dma_wait3A_193 = arith.constant 0 : i32
      %dma_wait3A_194 = arith.constant 0 : i32
      %dma_wait3A_195 = tpu.memref_slice %arg3[%dma_wait3A_193, %dma_wait3A_194] : memref<100000x128xf32, #tpu.memory_space<hbm>> -> memref<100000x128xf32, #tpu.memory_space<hbm>>
      tpu.wait_indirect_dma semaphore(%arg11 : memref<!tpu.dma_semaphore, #tpu.memory_space<semaphore_mem>>) src(%dma_wait3A_195 : memref<100000x128xf32, #tpu.memory_space<hbm>>) dst(%dma_wait3A_190 : memref<352x128xf32, #tpu.memory_space<vmem>>)
      %add3A_196 = arith.constant 2 : i32
      %add3A_197 = arith.addi %add3A_179, %add3A_196 : i32
      %lt3A_198 = arith.cmpi slt, %add3A_197, %select_n3A : i32
      %convert_element_type3A_199 = arith.extui %lt3A_198 : i1 to i32
      %cond3A_200 = arith.constant 0 : i32
      %cond3A_201 = arith.cmpi ne, %convert_element_type3A_199, %cond3A_200 : i32
      scf.if %cond3A_201 {
        %add3A_238 = arith.constant 2 : i32
        %add3A_239 = arith.addi %add3A_179, %add3A_238 : i32
        %add3A_240 = arith.addi %select_n3A_8, %add3A_239 : i32
        %mul3A_241 = arith.constant 352 : i32
        %mul3A_242 = arith.muli %add3A_240, %mul3A_241 : i32
        %dma_start3A_243 = arith.constant 352 : i32
        %dma_start3A_244 = tpu.memref_slice %arg5[%dma_start3A_243] : memref<704xi32, #tpu.memory_space<vmem>> -> memref<352xi32, #tpu.memory_space<vmem>>
        %dma_start3A_245 = tpu.memref_slice %arg2[%mul3A_242] : memref<551936xi32, #tpu.memory_space<hbm>> -> memref<352xi32, #tpu.memory_space<hbm>>
        %dma_start3A_246 = arith.constant 352 : i32
        %dma_start3A_247 = tpu.memref_slice %arg5[%dma_start3A_246] : memref<704xi32, #tpu.memory_space<vmem>> -> memref<352xi32, #tpu.memory_space<vmem>>
        %dma_start3A_248 = tpu.memref_slice %arg2[%mul3A_242] : memref<551936xi32, #tpu.memory_space<hbm>> -> memref<352xi32, #tpu.memory_space<hbm>>
        tpu.enqueue_dma source(%dma_start3A_248 : memref<352xi32, #tpu.memory_space<hbm>>) target(%dma_start3A_247 : memref<352xi32, #tpu.memory_space<vmem>>) target_semaphore(%arg9 : memref<!tpu.dma_semaphore, #tpu.memory_space<semaphore_mem>>)
      } else {
      }
      %ge3A_202 = arith.constant 2 : i32
      %ge3A_203 = arith.cmpi sge, %add3A_179, %ge3A_202 : i32
      %convert_element_type3A_204 = arith.extui %ge3A_203 : i1 to i32
      %cond3A_205 = arith.constant 0 : i32
      %cond3A_206 = arith.cmpi ne, %convert_element_type3A_204, %cond3A_205 : i32
      scf.if %cond3A_206 {
        %sub3A_238 = arith.constant 2 : i32
        %sub3A_239 = arith.subi %add3A_179, %sub3A_238 : i32
        %add3A_240 = arith.addi %select_n3A_8, %sub3A_239 : i32
        %mul3A_241 = arith.constant 32 : i32
        %mul3A_242 = arith.muli %add3A_240, %mul3A_241 : i32
        %add3A_243 = arith.constant 32 : i32
        %add3A_244 = arith.addi %mul3A_242, %add3A_243 : i32
        %le3A_245 = arith.constant 50000 : i32
        %le3A_246 = arith.cmpi sle, %add3A_244, %le3A_245 : i32
        %convert_element_type3A_247 = arith.extui %le3A_246 : i1 to i32
        %cond3A_248 = arith.constant 1 : i32
        %cond3A_249 = arith.constant 0 : i32
        %cond3A_250 = arith.cmpi ne, %convert_element_type3A_247, %cond3A_249 : i32
        scf.if %cond3A_250 {
          %dma_wait3A_262 = arith.constant 0 : i32
          %dma_wait3A_263 = arith.constant 0 : i32
          %dma_wait3A_264 = tpu.memref_slice %arg7[%cond3A_248, %dma_wait3A_262, %dma_wait3A_263] : memref<2x32x128xf32, #tpu.memory_space<vmem>> -> memref<1x32x128xf32, #tpu.memory_space<vmem>>
          %dma_wait3A_265 = tpu.memref_squeeze %dma_wait3A_264 : memref<1x32x128xf32, #tpu.memory_space<vmem>> -> memref<32x128xf32, #tpu.memory_space<vmem>>
          %dma_wait3A_266 = arith.constant 0 : i32
          %dma_wait3A_267 = tpu.memref_slice %arg4[%mul3A_242, %dma_wait3A_266] : memref<50000x128xf32, #tpu.memory_space<hbm>> -> memref<32x128xf32, #tpu.memory_space<hbm>>
          %dma_wait3A_268 = arith.constant 0 : i32
          %dma_wait3A_269 = tpu.memref_slice %arg4[%mul3A_242, %dma_wait3A_268] : memref<50000x128xf32, #tpu.memory_space<hbm>> -> memref<32x128xf32, #tpu.memory_space<hbm>>
          %dma_wait3A_270 = arith.constant 0 : i32
          %dma_wait3A_271 = arith.constant 0 : i32
          %dma_wait3A_272 = tpu.memref_slice %arg7[%cond3A_248, %dma_wait3A_270, %dma_wait3A_271] : memref<2x32x128xf32, #tpu.memory_space<vmem>> -> memref<1x32x128xf32, #tpu.memory_space<vmem>>
          %dma_wait3A_273 = tpu.memref_squeeze %dma_wait3A_272 : memref<1x32x128xf32, #tpu.memory_space<vmem>> -> memref<32x128xf32, #tpu.memory_space<vmem>>
          tpu.wait_dma2 semaphore(%arg13 : memref<!tpu.dma_semaphore, #tpu.memory_space<semaphore_mem>>) src(%dma_wait3A_273 : memref<32x128xf32, #tpu.memory_space<vmem>>) dst(%dma_wait3A_269 : memref<32x128xf32, #tpu.memory_space<hbm>>)
        } else {
        }
        %lt3A_251 = arith.constant 50000 : i32
        %lt3A_252 = arith.cmpi slt, %mul3A_242, %lt3A_251 : i32
        %add3A_253 = arith.constant 32 : i32
        %add3A_254 = arith.addi %mul3A_242, %add3A_253 : i32
        %gt3A_255 = arith.constant 50000 : i32
        %gt3A_256 = arith.cmpi sgt, %add3A_254, %gt3A_255 : i32
        %and3A_257 = arith.andi %lt3A_252, %gt3A_256 : i1
        %convert_element_type3A_258 = arith.extui %and3A_257 : i1 to i32
        %cond3A_259 = arith.constant 1 : i32
        %cond3A_260 = arith.constant 0 : i32
        %cond3A_261 = arith.cmpi ne, %convert_element_type3A_258, %cond3A_260 : i32
        scf.if %cond3A_261 {
          %dma_wait3A_262 = arith.constant 0 : i32
          %dma_wait3A_263 = arith.constant 0 : i32
          %dma_wait3A_264 = tpu.memref_slice %arg7[%cond3A_259, %dma_wait3A_262, %dma_wait3A_263] : memref<2x32x128xf32, #tpu.memory_space<vmem>> -> memref<1x16x128xf32, #tpu.memory_space<vmem>>
          %dma_wait3A_265 = tpu.memref_squeeze %dma_wait3A_264 : memref<1x16x128xf32, #tpu.memory_space<vmem>> -> memref<16x128xf32, #tpu.memory_space<vmem>>
          %dma_wait3A_266 = arith.constant 0 : i32
          %dma_wait3A_267 = tpu.memref_slice %arg4[%mul3A_242, %dma_wait3A_266] : memref<50000x128xf32, #tpu.memory_space<hbm>> -> memref<16x128xf32, #tpu.memory_space<hbm>>
          %dma_wait3A_268 = arith.constant 0 : i32
          %dma_wait3A_269 = tpu.memref_slice %arg4[%mul3A_242, %dma_wait3A_268] : memref<50000x128xf32, #tpu.memory_space<hbm>> -> memref<16x128xf32, #tpu.memory_space<hbm>>
          %dma_wait3A_270 = arith.constant 0 : i32
          %dma_wait3A_271 = arith.constant 0 : i32
          %dma_wait3A_272 = tpu.memref_slice %arg7[%cond3A_259, %dma_wait3A_270, %dma_wait3A_271] : memref<2x32x128xf32, #tpu.memory_space<vmem>> -> memref<1x16x128xf32, #tpu.memory_space<vmem>>
          %dma_wait3A_273 = tpu.memref_squeeze %dma_wait3A_272 : memref<1x16x128xf32, #tpu.memory_space<vmem>> -> memref<16x128xf32, #tpu.memory_space<vmem>>
          tpu.wait_dma2 semaphore(%arg13 : memref<!tpu.dma_semaphore, #tpu.memory_space<semaphore_mem>>) src(%dma_wait3A_273 : memref<16x128xf32, #tpu.memory_space<vmem>>) dst(%dma_wait3A_269 : memref<16x128xf32, #tpu.memory_space<hbm>>)
        } else {
        }
      } else {
      }
      %add3A_207 = arith.addi %select_n3A_8, %add3A_179 : i32
      %mul3A_208 = arith.constant 32 : i32
      %mul3A_209 = arith.muli %add3A_207, %mul3A_208 : i32
      %scan3A_210 = arith.constant 0 : i32
      %scan3A_211 = arith.constant 0 : i32
      %scan3A_212 = arith.constant 32 : i32
      %scan3A_213 = arith.addi %scan3A_211, %scan3A_212 : i32
      %scan3A_214 = arith.constant 1 : i32
      scf.for %scan3A_238 = %scan3A_211 to %scan3A_213 step %scan3A_214  : i32 {
        %add3A_239 = arith.addi %mul3A_209, %scan3A_238 : i32
        %eq3A_240 = arith.constant 49999 : i32
        %eq3A_241 = arith.cmpi eq, %add3A_239, %eq3A_240 : i32
        %jit3A_242 = arith.constant 1.000000e+00 : f32
        %jit3A_243 = arith.constant 1.000000e-01 : f32
        %select_n3A_244 = arith.select %eq3A_241, %jit3A_242, %jit3A_243 : f32
        %get3A = arith.constant 1 : i32
        %get3A_245 = arith.index_cast %get3A : i32 to index
        %get3A_246 = arith.index_cast %scan3A_238 : i32 to index
        %get3A_247 = arith.constant 0 : index
        %get3A_248 = tpu.vector_load %arg6[%get3A_245, %get3A_246, %get3A_247] {strides = array<i32>} : memref<2x352x128xf32, #tpu.memory_space<vmem>>, vector<1x1x16xf32>,
        %get3A_249 = vector.shape_cast %get3A_248 : vector<1x1x16xf32> to vector<16xf32>
        %add3A_250 = arith.constant 32 : i32
        %add3A_251 = arith.addi %add3A_250, %scan3A_238 : i32
        %get3A_252 = arith.constant 1 : i32
        %get3A_253 = arith.index_cast %get3A_252 : i32 to index
        %get3A_254 = arith.index_cast %add3A_251 : i32 to index
        %get3A_255 = arith.constant 0 : index
        %get3A_256 = tpu.vector_load %arg6[%get3A_253, %get3A_254, %get3A_255] {strides = array<i32>} : memref<2x352x128xf32, #tpu.memory_space<vmem>>, vector<1x1x16xf32>,
        %get3A_257 = vector.shape_cast %get3A_256 : vector<1x1x16xf32> to vector<16xf32>
        %add3A_258 = arith.addf %get3A_249, %get3A_257 : vector<16xf32>
        %add3A_259 = arith.constant 64 : i32
        %add3A_260 = arith.addi %add3A_259, %scan3A_238 : i32
        %get3A_261 = arith.constant 1 : i32
        %get3A_262 = arith.index_cast %get3A_261 : i32 to index
        %get3A_263 = arith.index_cast %add3A_260 : i32 to index
        %get3A_264 = arith.constant 0 : index
        %get3A_265 = tpu.vector_load %arg6[%get3A_262, %get3A_263, %get3A_264] {strides = array<i32>} : memref<2x352x128xf32, #tpu.memory_space<vmem>>, vector<1x1x16xf32>,
        %get3A_266 = vector.shape_cast %get3A_265 : vector<1x1x16xf32> to vector<16xf32>
        %add3A_267 = arith.addf %add3A_258, %get3A_266 : vector<16xf32>
        %add3A_268 = arith.constant 96 : i32
        %add3A_269 = arith.addi %add3A_268, %scan3A_238 : i32
        %get3A_270 = arith.constant 1 : i32
        %get3A_271 = arith.index_cast %get3A_270 : i32 to index
        %get3A_272 = arith.index_cast %add3A_269 : i32 to index
        %get3A_273 = arith.constant 0 : index
        %get3A_274 = tpu.vector_load %arg6[%get3A_271, %get3A_272, %get3A_273] {strides = array<i32>} : memref<2x352x128xf32, #tpu.memory_space<vmem>>, vector<1x1x16xf32>,
        %get3A_275 = vector.shape_cast %get3A_274 : vector<1x1x16xf32> to vector<16xf32>
        %add3A_276 = arith.addf %add3A_267, %get3A_275 : vector<16xf32>
        %add3A_277 = arith.constant 128 : i32
        %add3A_278 = arith.addi %add3A_277, %scan3A_238 : i32
        %get3A_279 = arith.constant 1 : i32
        %get3A_280 = arith.index_cast %get3A_279 : i32 to index
        %get3A_281 = arith.index_cast %add3A_278 : i32 to index
        %get3A_282 = arith.constant 0 : index
        %get3A_283 = tpu.vector_load %arg6[%get3A_280, %get3A_281, %get3A_282] {strides = array<i32>} : memref<2x352x128xf32, #tpu.memory_space<vmem>>, vector<1x1x16xf32>,
        %get3A_284 = vector.shape_cast %get3A_283 : vector<1x1x16xf32> to vector<16xf32>
        %add3A_285 = arith.addf %add3A_276, %get3A_284 : vector<16xf32>
        %add3A_286 = arith.constant 160 : i32
        %add3A_287 = arith.addi %add3A_286, %scan3A_238 : i32
        %get3A_288 = arith.constant 1 : i32
        %get3A_289 = arith.index_cast %get3A_288 : i32 to index
        %get3A_290 = arith.index_cast %add3A_287 : i32 to index
        %get3A_291 = arith.constant 0 : index
        %get3A_292 = tpu.vector_load %arg6[%get3A_289, %get3A_290, %get3A_291] {strides = array<i32>} : memref<2x352x128xf32, #tpu.memory_space<vmem>>, vector<1x1x16xf32>,
        %get3A_293 = vector.shape_cast %get3A_292 : vector<1x1x16xf32> to vector<16xf32>
        %add3A_294 = arith.addf %add3A_285, %get3A_293 : vector<16xf32>
        %add3A_295 = arith.constant 192 : i32
        %add3A_296 = arith.addi %add3A_295, %scan3A_238 : i32
        %get3A_297 = arith.constant 1 : i32
        %get3A_298 = arith.index_cast %get3A_297 : i32 to index
        %get3A_299 = arith.index_cast %add3A_296 : i32 to index
        %get3A_300 = arith.constant 0 : index
        %get3A_301 = tpu.vector_load %arg6[%get3A_298, %get3A_299, %get3A_300] {strides = array<i32>} : memref<2x352x128xf32, #tpu.memory_space<vmem>>, vector<1x1x16xf32>,
        %get3A_302 = vector.shape_cast %get3A_301 : vector<1x1x16xf32> to vector<16xf32>
        %add3A_303 = arith.addf %add3A_294, %get3A_302 : vector<16xf32>
        %add3A_304 = arith.constant 224 : i32
        %add3A_305 = arith.addi %add3A_304, %scan3A_238 : i32
        %get3A_306 = arith.constant 1 : i32
        %get3A_307 = arith.index_cast %get3A_306 : i32 to index
        %get3A_308 = arith.index_cast %add3A_305 : i32 to index
        %get3A_309 = arith.constant 0 : index
        %get3A_310 = tpu.vector_load %arg6[%get3A_307, %get3A_308, %get3A_309] {strides = array<i32>} : memref<2x352x128xf32, #tpu.memory_space<vmem>>, vector<1x1x16xf32>,
        %get3A_311 = vector.shape_cast %get3A_310 : vector<1x1x16xf32> to vector<16xf32>
        %add3A_312 = arith.addf %add3A_303, %get3A_311 : vector<16xf32>
        %add3A_313 = arith.constant 256 : i32
        %add3A_314 = arith.addi %add3A_313, %scan3A_238 : i32
        %get3A_315 = arith.constant 1 : i32
        %get3A_316 = arith.index_cast %get3A_315 : i32 to index
        %get3A_317 = arith.index_cast %add3A_314 : i32 to index
        %get3A_318 = arith.constant 0 : index
        %get3A_319 = tpu.vector_load %arg6[%get3A_316, %get3A_317, %get3A_318] {strides = array<i32>} : memref<2x352x128xf32, #tpu.memory_space<vmem>>, vector<1x1x16xf32>,
        %get3A_320 = vector.shape_cast %get3A_319 : vector<1x1x16xf32> to vector<16xf32>
        %add3A_321 = arith.addf %add3A_312, %get3A_320 : vector<16xf32>
        %add3A_322 = arith.constant 288 : i32
        %add3A_323 = arith.addi %add3A_322, %scan3A_238 : i32
        %get3A_324 = arith.constant 1 : i32
        %get3A_325 = arith.index_cast %get3A_324 : i32 to index
        %get3A_326 = arith.index_cast %add3A_323 : i32 to index
        %get3A_327 = arith.constant 0 : index
        %get3A_328 = tpu.vector_load %arg6[%get3A_325, %get3A_326, %get3A_327] {strides = array<i32>} : memref<2x352x128xf32, #tpu.memory_space<vmem>>, vector<1x1x16xf32>,
        %get3A_329 = vector.shape_cast %get3A_328 : vector<1x1x16xf32> to vector<16xf32>
        %add3A_330 = arith.addf %add3A_321, %get3A_329 : vector<16xf32>
        %add3A_331 = arith.constant 320 : i32
        %add3A_332 = arith.addi %add3A_331, %scan3A_238 : i32
        %get3A_333 = arith.constant 1 : i32
        %get3A_334 = arith.index_cast %get3A_333 : i32 to index
        %get3A_335 = arith.index_cast %add3A_332 : i32 to index
        %get3A_336 = arith.constant 0 : index
        %get3A_337 = tpu.vector_load %arg6[%get3A_334, %get3A_335, %get3A_336] {strides = array<i32>} : memref<2x352x128xf32, #tpu.memory_space<vmem>>, vector<1x1x16xf32>,
        %get3A_338 = vector.shape_cast %get3A_337 : vector<1x1x16xf32> to vector<16xf32>
        %mul3A_339 = vector.broadcast %select_n3A_244 : f32 to vector<16xf32>
        %mul3A_340 = arith.mulf %mul3A_339, %add3A_330 : vector<16xf32>
        %add3A_341 = arith.addf %get3A_338, %mul3A_340 : vector<16xf32>
        %swap3A = arith.constant 1 : i32
        %swap3A_342 = arith.index_cast %swap3A : i32 to index
        %swap3A_343 = arith.index_cast %scan3A_238 : i32 to index
        %swap3A_344 = arith.constant 0 : index
        %swap3A_345 = tpu.vector_load %arg7[%swap3A_342, %swap3A_343, %swap3A_344] {strides = array<i32>} : memref<2x32x128xf32, #tpu.memory_space<vmem>>, vector<1x1x16xf32>,
        %swap3A_346 = vector.shape_cast %swap3A_345 : vector<1x1x16xf32> to vector<16xf32>
        %swap3A_347 = vector.shape_cast %add3A_341 : vector<16xf32> to vector<1x1x16xf32>
        tpu.vector_store %arg7[%swap3A_342, %swap3A_343, %swap3A_344], %swap3A_347 {strides = array<i32>} : memref<2x32x128xf32, #tpu.memory_space<vmem>>, vector<1x1x16xf32>,
        %get3A_348 = arith.constant 1 : i32
        %get3A_349 = arith.index_cast %get3A_348 : i32 to index
        %get3A_350 = arith.index_cast %scan3A_238 : i32 to index
        %get3A_351 = arith.constant 16 : index
        %get3A_352 = tpu.vector_load %arg6[%get3A_349, %get3A_350, %get3A_351] {strides = array<i32>} : memref<2x352x128xf32, #tpu.memory_space<vmem>>, vector<1x1x16xf32>,
        %get3A_353 = vector.shape_cast %get3A_352 : vector<1x1x16xf32> to vector<16xf32>
        %add3A_354 = arith.constant 32 : i32
        %add3A_355 = arith.addi %add3A_354, %scan3A_238 : i32
        %get3A_356 = arith.constant 1 : i32
        %get3A_357 = arith.index_cast %get3A_356 : i32 to index
        %get3A_358 = arith.index_cast %add3A_355 : i32 to index
        %get3A_359 = arith.constant 16 : index
        %get3A_360 = tpu.vector_load %arg6[%get3A_357, %get3A_358, %get3A_359] {strides = array<i32>} : memref<2x352x128xf32, #tpu.memory_space<vmem>>, vector<1x1x16xf32>,
        %get3A_361 = vector.shape_cast %get3A_360 : vector<1x1x16xf32> to vector<16xf32>
        %add3A_362 = arith.addf %get3A_353, %get3A_361 : vector<16xf32>
        %add3A_363 = arith.constant 64 : i32
        %add3A_364 = arith.addi %add3A_363, %scan3A_238 : i32
        %get3A_365 = arith.constant 1 : i32
        %get3A_366 = arith.index_cast %get3A_365 : i32 to index
        %get3A_367 = arith.index_cast %add3A_364 : i32 to index
        %get3A_368 = arith.constant 16 : index
        %get3A_369 = tpu.vector_load %arg6[%get3A_366, %get3A_367, %get3A_368] {strides = array<i32>} : memref<2x352x128xf32, #tpu.memory_space<vmem>>, vector<1x1x16xf32>,
        %get3A_370 = vector.shape_cast %get3A_369 : vector<1x1x16xf32> to vector<16xf32>
        %add3A_371 = arith.addf %add3A_362, %get3A_370 : vector<16xf32>
        %add3A_372 = arith.constant 96 : i32
        %add3A_373 = arith.addi %add3A_372, %scan3A_238 : i32
        %get3A_374 = arith.constant 1 : i32
        %get3A_375 = arith.index_cast %get3A_374 : i32 to index
        %get3A_376 = arith.index_cast %add3A_373 : i32 to index
        %get3A_377 = arith.constant 16 : index
        %get3A_378 = tpu.vector_load %arg6[%get3A_375, %get3A_376, %get3A_377] {strides = array<i32>} : memref<2x352x128xf32, #tpu.memory_space<vmem>>, vector<1x1x16xf32>,
        %get3A_379 = vector.shape_cast %get3A_378 : vector<1x1x16xf32> to vector<16xf32>
        %add3A_380 = arith.addf %add3A_371, %get3A_379 : vector<16xf32>
        %add3A_381 = arith.constant 128 : i32
        %add3A_382 = arith.addi %add3A_381, %scan3A_238 : i32
        %get3A_383 = arith.constant 1 : i32
        %get3A_384 = arith.index_cast %get3A_383 : i32 to index
        %get3A_385 = arith.index_cast %add3A_382 : i32 to index
        %get3A_386 = arith.constant 16 : index
        %get3A_387 = tpu.vector_load %arg6[%get3A_384, %get3A_385, %get3A_386] {strides = array<i32>} : memref<2x352x128xf32, #tpu.memory_space<vmem>>, vector<1x1x16xf32>,
        %get3A_388 = vector.shape_cast %get3A_387 : vector<1x1x16xf32> to vector<16xf32>
        %add3A_389 = arith.addf %add3A_380, %get3A_388 : vector<16xf32>
        %add3A_390 = arith.constant 160 : i32
        %add3A_391 = arith.addi %add3A_390, %scan3A_238 : i32
        %get3A_392 = arith.constant 1 : i32
        %get3A_393 = arith.index_cast %get3A_392 : i32 to index
        %get3A_394 = arith.index_cast %add3A_391 : i32 to index
        %get3A_395 = arith.constant 16 : index
        %get3A_396 = tpu.vector_load %arg6[%get3A_393, %get3A_394, %get3A_395] {strides = array<i32>} : memref<2x352x128xf32, #tpu.memory_space<vmem>>, vector<1x1x16xf32>,
        %get3A_397 = vector.shape_cast %get3A_396 : vector<1x1x16xf32> to vector<16xf32>
        %add3A_398 = arith.addf %add3A_389, %get3A_397 : vector<16xf32>
        %add3A_399 = arith.constant 192 : i32
        %add3A_400 = arith.addi %add3A_399, %scan3A_238 : i32
        %get3A_401 = arith.constant 1 : i32
        %get3A_402 = arith.index_cast %get3A_401 : i32 to index
        %get3A_403 = arith.index_cast %add3A_400 : i32 to index
        %get3A_404 = arith.constant 16 : index
        %get3A_405 = tpu.vector_load %arg6[%get3A_402, %get3A_403, %get3A_404] {strides = array<i32>} : memref<2x352x128xf32, #tpu.memory_space<vmem>>, vector<1x1x16xf32>,
        %get3A_406 = vector.shape_cast %get3A_405 : vector<1x1x16xf32> to vector<16xf32>
        %add3A_407 = arith.addf %add3A_398, %get3A_406 : vector<16xf32>
        %add3A_408 = arith.constant 224 : i32
        %add3A_409 = arith.addi %add3A_408, %scan3A_238 : i32
        %get3A_410 = arith.constant 1 : i32
        %get3A_411 = arith.index_cast %get3A_410 : i32 to index
        %get3A_412 = arith.index_cast %add3A_409 : i32 to index
        %get3A_413 = arith.constant 16 : index
        %get3A_414 = tpu.vector_load %arg6[%get3A_411, %get3A_412, %get3A_413] {strides = array<i32>} : memref<2x352x128xf32, #tpu.memory_space<vmem>>, vector<1x1x16xf32>,
        %get3A_415 = vector.shape_cast %get3A_414 : vector<1x1x16xf32> to vector<16xf32>
        %add3A_416 = arith.addf %add3A_407, %get3A_415 : vector<16xf32>
        %add3A_417 = arith.constant 256 : i32
        %add3A_418 = arith.addi %add3A_417, %scan3A_238 : i32
        %get3A_419 = arith.constant 1 : i32
        %get3A_420 = arith.index_cast %get3A_419 : i32 to index
        %get3A_421 = arith.index_cast %add3A_418 : i32 to index
        %get3A_422 = arith.constant 16 : index
        %get3A_423 = tpu.vector_load %arg6[%get3A_420, %get3A_421, %get3A_422] {strides = array<i32>} : memref<2x352x128xf32, #tpu.memory_space<vmem>>, vector<1x1x16xf32>,
        %get3A_424 = vector.shape_cast %get3A_423 : vector<1x1x16xf32> to vector<16xf32>
        %add3A_425 = arith.addf %add3A_416, %get3A_424 : vector<16xf32>
        %add3A_426 = arith.constant 288 : i32
        %add3A_427 = arith.addi %add3A_426, %scan3A_238 : i32
        %get3A_428 = arith.constant 1 : i32
        %get3A_429 = arith.index_cast %get3A_428 : i32 to index
        %get3A_430 = arith.index_cast %add3A_427 : i32 to index
        %get3A_431 = arith.constant 16 : index
        %get3A_432 = tpu.vector_load %arg6[%get3A_429, %get3A_430, %get3A_431] {strides = array<i32>} : memref<2x352x128xf32, #tpu.memory_space<vmem>>, vector<1x1x16xf32>,
        %get3A_433 = vector.shape_cast %get3A_432 : vector<1x1x16xf32> to vector<16xf32>
        %add3A_434 = arith.addf %add3A_425, %get3A_433 : vector<16xf32>
        %add3A_435 = arith.constant 320 : i32
        %add3A_436 = arith.addi %add3A_435, %scan3A_238 : i32
        %get3A_437 = arith.constant 1 : i32
        %get3A_438 = arith.index_cast %get3A_437 : i32 to index
        %get3A_439 = arith.index_cast %add3A_436 : i32 to index
        %get3A_440 = arith.constant 16 : index
        %get3A_441 = tpu.vector_load %arg6[%get3A_438, %get3A_439, %get3A_440] {strides = array<i32>} : memref<2x352x128xf32, #tpu.memory_space<vmem>>, vector<1x1x16xf32>,
        %get3A_442 = vector.shape_cast %get3A_441 : vector<1x1x16xf32> to vector<16xf32>
        %mul3A_443 = vector.broadcast %select_n3A_244 : f32 to vector<16xf32>
        %mul3A_444 = arith.mulf %mul3A_443, %add3A_434 : vector<16xf32>
        %add3A_445 = arith.addf %get3A_442, %mul3A_444 : vector<16xf32>
        %swap3A_446 = arith.constant 1 : i32
        %swap3A_447 = arith.index_cast %swap3A_446 : i32 to index
        %swap3A_448 = arith.index_cast %scan3A_238 : i32 to index
        %swap3A_449 = arith.constant 16 : index
        %swap3A_450 = tpu.vector_load %arg7[%swap3A_447, %swap3A_448, %swap3A_449] {strides = array<i32>} : memref<2x32x128xf32, #tpu.memory_space<vmem>>, vector<1x1x16xf32>,
        %swap3A_451 = vector.shape_cast %swap3A_450 : vector<1x1x16xf32> to vector<16xf32>
        %swap3A_452 = vector.shape_cast %add3A_445 : vector<16xf32> to vector<1x1x16xf32>
        tpu.vector_store %arg7[%swap3A_447, %swap3A_448, %swap3A_449], %swap3A_452 {strides = array<i32>} : memref<2x32x128xf32, #tpu.memory_space<vmem>>, vector<1x1x16xf32>,
        %get3A_453 = arith.constant 1 : i32
        %get3A_454 = arith.index_cast %get3A_453 : i32 to index
        %get3A_455 = arith.index_cast %scan3A_238 : i32 to index
        %get3A_456 = arith.constant 32 : index
        %get3A_457 = tpu.vector_load %arg6[%get3A_454, %get3A_455, %get3A_456] {strides = array<i32>} : memref<2x352x128xf32, #tpu.memory_space<vmem>>, vector<1x1x16xf32>,
        %get3A_458 = vector.shape_cast %get3A_457 : vector<1x1x16xf32> to vector<16xf32>
        %add3A_459 = arith.constant 32 : i32
        %add3A_460 = arith.addi %add3A_459, %scan3A_238 : i32
        %get3A_461 = arith.constant 1 : i32
        %get3A_462 = arith.index_cast %get3A_461 : i32 to index
        %get3A_463 = arith.index_cast %add3A_460 : i32 to index
        %get3A_464 = arith.constant 32 : index
        %get3A_465 = tpu.vector_load %arg6[%get3A_462, %get3A_463, %get3A_464] {strides = array<i32>} : memref<2x352x128xf32, #tpu.memory_space<vmem>>, vector<1x1x16xf32>,
        %get3A_466 = vector.shape_cast %get3A_465 : vector<1x1x16xf32> to vector<16xf32>
        %add3A_467 = arith.addf %get3A_458, %get3A_466 : vector<16xf32>
        %add3A_468 = arith.constant 64 : i32
        %add3A_469 = arith.addi %add3A_468, %scan3A_238 : i32
        %get3A_470 = arith.constant 1 : i32
        %get3A_471 = arith.index_cast %get3A_470 : i32 to index
        %get3A_472 = arith.index_cast %add3A_469 : i32 to index
        %get3A_473 = arith.constant 32 : index
        %get3A_474 = tpu.vector_load %arg6[%get3A_471, %get3A_472, %get3A_473] {strides = array<i32>} : memref<2x352x128xf32, #tpu.memory_space<vmem>>, vector<1x1x16xf32>,
        %get3A_475 = vector.shape_cast %get3A_474 : vector<1x1x16xf32> to vector<16xf32>
        %add3A_476 = arith.addf %add3A_467, %get3A_475 : vector<16xf32>
        %add3A_477 = arith.constant 96 : i32
        %add3A_478 = arith.addi %add3A_477, %scan3A_238 : i32
        %get3A_479 = arith.constant 1 : i32
        %get3A_480 = arith.index_cast %get3A_479 : i32 to index
        %get3A_481 = arith.index_cast %add3A_478 : i32 to index
        %get3A_482 = arith.constant 32 : index
        %get3A_483 = tpu.vector_load %arg6[%get3A_480, %get3A_481, %get3A_482] {strides = array<i32>} : memref<2x352x128xf32, #tpu.memory_space<vmem>>, vector<1x1x16xf32>,
        %get3A_484 = vector.shape_cast %get3A_483 : vector<1x1x16xf32> to vector<16xf32>
        %add3A_485 = arith.addf %add3A_476, %get3A_484 : vector<16xf32>
        %add3A_486 = arith.constant 128 : i32
        %add3A_487 = arith.addi %add3A_486, %scan3A_238 : i32
        %get3A_488 = arith.constant 1 : i32
        %get3A_489 = arith.index_cast %get3A_488 : i32 to index
        %get3A_490 = arith.index_cast %add3A_487 : i32 to index
        %get3A_491 = arith.constant 32 : index
        %get3A_492 = tpu.vector_load %arg6[%get3A_489, %get3A_490, %get3A_491] {strides = array<i32>} : memref<2x352x128xf32, #tpu.memory_space<vmem>>, vector<1x1x16xf32>,
        %get3A_493 = vector.shape_cast %get3A_492 : vector<1x1x16xf32> to vector<16xf32>
        %add3A_494 = arith.addf %add3A_485, %get3A_493 : vector<16xf32>
        %add3A_495 = arith.constant 160 : i32
        %add3A_496 = arith.addi %add3A_495, %scan3A_238 : i32
        %get3A_497 = arith.constant 1 : i32
        %get3A_498 = arith.index_cast %get3A_497 : i32 to index
        %get3A_499 = arith.index_cast %add3A_496 : i32 to index
        %get3A_500 = arith.constant 32 : index
        %get3A_501 = tpu.vector_load %arg6[%get3A_498, %get3A_499, %get3A_500] {strides = array<i32>} : memref<2x352x128xf32, #tpu.memory_space<vmem>>, vector<1x1x16xf32>,
        %get3A_502 = vector.shape_cast %get3A_501 : vector<1x1x16xf32> to vector<16xf32>
        %add3A_503 = arith.addf %add3A_494, %get3A_502 : vector<16xf32>
        %add3A_504 = arith.constant 192 : i32
        %add3A_505 = arith.addi %add3A_504, %scan3A_238 : i32
        %get3A_506 = arith.constant 1 : i32
        %get3A_507 = arith.index_cast %get3A_506 : i32 to index
        %get3A_508 = arith.index_cast %add3A_505 : i32 to index
        %get3A_509 = arith.constant 32 : index
        %get3A_510 = tpu.vector_load %arg6[%get3A_507, %get3A_508, %get3A_509] {strides = array<i32>} : memref<2x352x128xf32, #tpu.memory_space<vmem>>, vector<1x1x16xf32>,
        %get3A_511 = vector.shape_cast %get3A_510 : vector<1x1x16xf32> to vector<16xf32>
        %add3A_512 = arith.addf %add3A_503, %get3A_511 : vector<16xf32>
        %add3A_513 = arith.constant 224 : i32
        %add3A_514 = arith.addi %add3A_513, %scan3A_238 : i32
        %get3A_515 = arith.constant 1 : i32
        %get3A_516 = arith.index_cast %get3A_515 : i32 to index
        %get3A_517 = arith.index_cast %add3A_514 : i32 to index
        %get3A_518 = arith.constant 32 : index
        %get3A_519 = tpu.vector_load %arg6[%get3A_516, %get3A_517, %get3A_518] {strides = array<i32>} : memref<2x352x128xf32, #tpu.memory_space<vmem>>, vector<1x1x16xf32>,
        %get3A_520 = vector.shape_cast %get3A_519 : vector<1x1x16xf32> to vector<16xf32>
        %add3A_521 = arith.addf %add3A_512, %get3A_520 : vector<16xf32>
        %add3A_522 = arith.constant 256 : i32
        %add3A_523 = arith.addi %add3A_522, %scan3A_238 : i32
        %get3A_524 = arith.constant 1 : i32
        %get3A_525 = arith.index_cast %get3A_524 : i32 to index
        %get3A_526 = arith.index_cast %add3A_523 : i32 to index
        %get3A_527 = arith.constant 32 : index
        %get3A_528 = tpu.vector_load %arg6[%get3A_525, %get3A_526, %get3A_527] {strides = array<i32>} : memref<2x352x128xf32, #tpu.memory_space<vmem>>, vector<1x1x16xf32>,
        %get3A_529 = vector.shape_cast %get3A_528 : vector<1x1x16xf32> to vector<16xf32>
        %add3A_530 = arith.addf %add3A_521, %get3A_529 : vector<16xf32>
        %add3A_531 = arith.constant 288 : i32
        %add3A_532 = arith.addi %add3A_531, %scan3A_238 : i32
        %get3A_533 = arith.constant 1 : i32
        %get3A_534 = arith.index_cast %get3A_533 : i32 to index
        %get3A_535 = arith.index_cast %add3A_532 : i32 to index
        %get3A_536 = arith.constant 32 : index
        %get3A_537 = tpu.vector_load %arg6[%get3A_534, %get3A_535, %get3A_536] {strides = array<i32>} : memref<2x352x128xf32, #tpu.memory_space<vmem>>, vector<1x1x16xf32>,
        %get3A_538 = vector.shape_cast %get3A_537 : vector<1x1x16xf32> to vector<16xf32>
        %add3A_539 = arith.addf %add3A_530, %get3A_538 : vector<16xf32>
        %add3A_540 = arith.constant 320 : i32
        %add3A_541 = arith.addi %add3A_540, %scan3A_238 : i32
        %get3A_542 = arith.constant 1 : i32
        %get3A_543 = arith.index_cast %get3A_542 : i32 to index
        %get3A_544 = arith.index_cast %add3A_541 : i32 to index
        %get3A_545 = arith.constant 32 : index
        %get3A_546 = tpu.vector_load %arg6[%get3A_543, %get3A_544, %get3A_545] {strides = array<i32>} : memref<2x352x128xf32, #tpu.memory_space<vmem>>, vector<1x1x16xf32>,
        %get3A_547 = vector.shape_cast %get3A_546 : vector<1x1x16xf32> to vector<16xf32>
        %mul3A_548 = vector.broadcast %select_n3A_244 : f32 to vector<16xf32>
        %mul3A_549 = arith.mulf %mul3A_548, %add3A_539 : vector<16xf32>
        %add3A_550 = arith.addf %get3A_547, %mul3A_549 : vector<16xf32>
        %swap3A_551 = arith.constant 1 : i32
        %swap3A_552 = arith.index_cast %swap3A_551 : i32 to index
        %swap3A_553 = arith.index_cast %scan3A_238 : i32 to index
        %swap3A_554 = arith.constant 32 : index
        %swap3A_555 = tpu.vector_load %arg7[%swap3A_552, %swap3A_553, %swap3A_554] {strides = array<i32>} : memref<2x32x128xf32, #tpu.memory_space<vmem>>, vector<1x1x16xf32>,
        %swap3A_556 = vector.shape_cast %swap3A_555 : vector<1x1x16xf32> to vector<16xf32>
        %swap3A_557 = vector.shape_cast %add3A_550 : vector<16xf32> to vector<1x1x16xf32>
        tpu.vector_store %arg7[%swap3A_552, %swap3A_553, %swap3A_554], %swap3A_557 {strides = array<i32>} : memref<2x32x128xf32, #tpu.memory_space<vmem>>, vector<1x1x16xf32>,
        %get3A_558 = arith.constant 1 : i32
        %get3A_559 = arith.index_cast %get3A_558 : i32 to index
        %get3A_560 = arith.index_cast %scan3A_238 : i32 to index
        %get3A_561 = arith.constant 48 : index
        %get3A_562 = tpu.vector_load %arg6[%get3A_559, %get3A_560, %get3A_561] {strides = array<i32>} : memref<2x352x128xf32, #tpu.memory_space<vmem>>, vector<1x1x16xf32>,
        %get3A_563 = vector.shape_cast %get3A_562 : vector<1x1x16xf32> to vector<16xf32>
        %add3A_564 = arith.constant 32 : i32
        %add3A_565 = arith.addi %add3A_564, %scan3A_238 : i32
        %get3A_566 = arith.constant 1 : i32
        %get3A_567 = arith.index_cast %get3A_566 : i32 to index
        %get3A_568 = arith.index_cast %add3A_565 : i32 to index
        %get3A_569 = arith.constant 48 : index
        %get3A_570 = tpu.vector_load %arg6[%get3A_567, %get3A_568, %get3A_569] {strides = array<i32>} : memref<2x352x128xf32, #tpu.memory_space<vmem>>, vector<1x1x16xf32>,
        %get3A_571 = vector.shape_cast %get3A_570 : vector<1x1x16xf32> to vector<16xf32>
        %add3A_572 = arith.addf %get3A_563, %get3A_571 : vector<16xf32>
        %add3A_573 = arith.constant 64 : i32
        %add3A_574 = arith.addi %add3A_573, %scan3A_238 : i32
        %get3A_575 = arith.constant 1 : i32
        %get3A_576 = arith.index_cast %get3A_575 : i32 to index
        %get3A_577 = arith.index_cast %add3A_574 : i32 to index
        %get3A_578 = arith.constant 48 : index
        %get3A_579 = tpu.vector_load %arg6[%get3A_576, %get3A_577, %get3A_578] {strides = array<i32>} : memref<2x352x128xf32, #tpu.memory_space<vmem>>, vector<1x1x16xf32>,
        %get3A_580 = vector.shape_cast %get3A_579 : vector<1x1x16xf32> to vector<16xf32>
        %add3A_581 = arith.addf %add3A_572, %get3A_580 : vector<16xf32>
        %add3A_582 = arith.constant 96 : i32
        %add3A_583 = arith.addi %add3A_582, %scan3A_238 : i32
        %get3A_584 = arith.constant 1 : i32
        %get3A_585 = arith.index_cast %get3A_584 : i32 to index
        %get3A_586 = arith.index_cast %add3A_583 : i32 to index
        %get3A_587 = arith.constant 48 : index
        %get3A_588 = tpu.vector_load %arg6[%get3A_585, %get3A_586, %get3A_587] {strides = array<i32>} : memref<2x352x128xf32, #tpu.memory_space<vmem>>, vector<1x1x16xf32>,
        %get3A_589 = vector.shape_cast %get3A_588 : vector<1x1x16xf32> to vector<16xf32>
        %add3A_590 = arith.addf %add3A_581, %get3A_589 : vector<16xf32>
        %add3A_591 = arith.constant 128 : i32
        %add3A_592 = arith.addi %add3A_591, %scan3A_238 : i32
        %get3A_593 = arith.constant 1 : i32
        %get3A_594 = arith.index_cast %get3A_593 : i32 to index
        %get3A_595 = arith.index_cast %add3A_592 : i32 to index
        %get3A_596 = arith.constant 48 : index
        %get3A_597 = tpu.vector_load %arg6[%get3A_594, %get3A_595, %get3A_596] {strides = array<i32>} : memref<2x352x128xf32, #tpu.memory_space<vmem>>, vector<1x1x16xf32>,
        %get3A_598 = vector.shape_cast %get3A_597 : vector<1x1x16xf32> to vector<16xf32>
        %add3A_599 = arith.addf %add3A_590, %get3A_598 : vector<16xf32>
        %add3A_600 = arith.constant 160 : i32
        %add3A_601 = arith.addi %add3A_600, %scan3A_238 : i32
        %get3A_602 = arith.constant 1 : i32
        %get3A_603 = arith.index_cast %get3A_602 : i32 to index
        %get3A_604 = arith.index_cast %add3A_601 : i32 to index
        %get3A_605 = arith.constant 48 : index
        %get3A_606 = tpu.vector_load %arg6[%get3A_603, %get3A_604, %get3A_605] {strides = array<i32>} : memref<2x352x128xf32, #tpu.memory_space<vmem>>, vector<1x1x16xf32>,
        %get3A_607 = vector.shape_cast %get3A_606 : vector<1x1x16xf32> to vector<16xf32>
        %add3A_608 = arith.addf %add3A_599, %get3A_607 : vector<16xf32>
        %add3A_609 = arith.constant 192 : i32
        %add3A_610 = arith.addi %add3A_609, %scan3A_238 : i32
        %get3A_611 = arith.constant 1 : i32
        %get3A_612 = arith.index_cast %get3A_611 : i32 to index
        %get3A_613 = arith.index_cast %add3A_610 : i32 to index
        %get3A_614 = arith.constant 48 : index
        %get3A_615 = tpu.vector_load %arg6[%get3A_612, %get3A_613, %get3A_614] {strides = array<i32>} : memref<2x352x128xf32, #tpu.memory_space<vmem>>, vector<1x1x16xf32>,
        %get3A_616 = vector.shape_cast %get3A_615 : vector<1x1x16xf32> to vector<16xf32>
        %add3A_617 = arith.addf %add3A_608, %get3A_616 : vector<16xf32>
        %add3A_618 = arith.constant 224 : i32
        %add3A_619 = arith.addi %add3A_618, %scan3A_238 : i32
        %get3A_620 = arith.constant 1 : i32
        %get3A_621 = arith.index_cast %get3A_620 : i32 to index
        %get3A_622 = arith.index_cast %add3A_619 : i32 to index
        %get3A_623 = arith.constant 48 : index
        %get3A_624 = tpu.vector_load %arg6[%get3A_621, %get3A_622, %get3A_623] {strides = array<i32>} : memref<2x352x128xf32, #tpu.memory_space<vmem>>, vector<1x1x16xf32>,
        %get3A_625 = vector.shape_cast %get3A_624 : vector<1x1x16xf32> to vector<16xf32>
        %add3A_626 = arith.addf %add3A_617, %get3A_625 : vector<16xf32>
        %add3A_627 = arith.constant 256 : i32
        %add3A_628 = arith.addi %add3A_627, %scan3A_238 : i32
        %get3A_629 = arith.constant 1 : i32
        %get3A_630 = arith.index_cast %get3A_629 : i32 to index
        %get3A_631 = arith.index_cast %add3A_628 : i32 to index
        %get3A_632 = arith.constant 48 : index
        %get3A_633 = tpu.vector_load %arg6[%get3A_630, %get3A_631, %get3A_632] {strides = array<i32>} : memref<2x352x128xf32, #tpu.memory_space<vmem>>, vector<1x1x16xf32>,
        %get3A_634 = vector.shape_cast %get3A_633 : vector<1x1x16xf32> to vector<16xf32>
        %add3A_635 = arith.addf %add3A_626, %get3A_634 : vector<16xf32>
        %add3A_636 = arith.constant 288 : i32
        %add3A_637 = arith.addi %add3A_636, %scan3A_238 : i32
        %get3A_638 = arith.constant 1 : i32
        %get3A_639 = arith.index_cast %get3A_638 : i32 to index
        %get3A_640 = arith.index_cast %add3A_637 : i32 to index
        %get3A_641 = arith.constant 48 : index
        %get3A_642 = tpu.vector_load %arg6[%get3A_639, %get3A_640, %get3A_641] {strides = array<i32>} : memref<2x352x128xf32, #tpu.memory_space<vmem>>, vector<1x1x16xf32>,
        %get3A_643 = vector.shape_cast %get3A_642 : vector<1x1x16xf32> to vector<16xf32>
        %add3A_644 = arith.addf %add3A_635, %get3A_643 : vector<16xf32>
        %add3A_645 = arith.constant 320 : i32
        %add3A_646 = arith.addi %add3A_645, %scan3A_238 : i32
        %get3A_647 = arith.constant 1 : i32
        %get3A_648 = arith.index_cast %get3A_647 : i32 to index
        %get3A_649 = arith.index_cast %add3A_646 : i32 to index
        %get3A_650 = arith.constant 48 : index
        %get3A_651 = tpu.vector_load %arg6[%get3A_648, %get3A_649, %get3A_650] {strides = array<i32>} : memref<2x352x128xf32, #tpu.memory_space<vmem>>, vector<1x1x16xf32>,
        %get3A_652 = vector.shape_cast %get3A_651 : vector<1x1x16xf32> to vector<16xf32>
        %mul3A_653 = vector.broadcast %select_n3A_244 : f32 to vector<16xf32>
        %mul3A_654 = arith.mulf %mul3A_653, %add3A_644 : vector<16xf32>
        %add3A_655 = arith.addf %get3A_652, %mul3A_654 : vector<16xf32>
        %swap3A_656 = arith.constant 1 : i32
        %swap3A_657 = arith.index_cast %swap3A_656 : i32 to index
        %swap3A_658 = arith.index_cast %scan3A_238 : i32 to index
        %swap3A_659 = arith.constant 48 : index
        %swap3A_660 = tpu.vector_load %arg7[%swap3A_657, %swap3A_658, %swap3A_659] {strides = array<i32>} : memref<2x32x128xf32, #tpu.memory_space<vmem>>, vector<1x1x16xf32>,
        %swap3A_661 = vector.shape_cast %swap3A_660 : vector<1x1x16xf32> to vector<16xf32>
        %swap3A_662 = vector.shape_cast %add3A_655 : vector<16xf32> to vector<1x1x16xf32>
        tpu.vector_store %arg7[%swap3A_657, %swap3A_658, %swap3A_659], %swap3A_662 {strides = array<i32>} : memref<2x32x128xf32, #tpu.memory_space<vmem>>, vector<1x1x16xf32>,
        %get3A_663 = arith.constant 1 : i32
        %get3A_664 = arith.index_cast %get3A_663 : i32 to index
        %get3A_665 = arith.index_cast %scan3A_238 : i32 to index
        %get3A_666 = arith.constant 64 : index
        %get3A_667 = tpu.vector_load %arg6[%get3A_664, %get3A_665, %get3A_666] {strides = array<i32>} : memref<2x352x128xf32, #tpu.memory_space<vmem>>, vector<1x1x16xf32>,
        %get3A_668 = vector.shape_cast %get3A_667 : vector<1x1x16xf32> to vector<16xf32>
        %add3A_669 = arith.constant 32 : i32
        %add3A_670 = arith.addi %add3A_669, %scan3A_238 : i32
        %get3A_671 = arith.constant 1 : i32
        %get3A_672 = arith.index_cast %get3A_671 : i32 to index
        %get3A_673 = arith.index_cast %add3A_670 : i32 to index
        %get3A_674 = arith.constant 64 : index
        %get3A_675 = tpu.vector_load %arg6[%get3A_672, %get3A_673, %get3A_674] {strides = array<i32>} : memref<2x352x128xf32, #tpu.memory_space<vmem>>, vector<1x1x16xf32>,
        %get3A_676 = vector.shape_cast %get3A_675 : vector<1x1x16xf32> to vector<16xf32>
        %add3A_677 = arith.addf %get3A_668, %get3A_676 : vector<16xf32>
        %add3A_678 = arith.constant 64 : i32
        %add3A_679 = arith.addi %add3A_678, %scan3A_238 : i32
        %get3A_680 = arith.constant 1 : i32
        %get3A_681 = arith.index_cast %get3A_680 : i32 to index
        %get3A_682 = arith.index_cast %add3A_679 : i32 to index
        %get3A_683 = arith.constant 64 : index
        %get3A_684 = tpu.vector_load %arg6[%get3A_681, %get3A_682, %get3A_683] {strides = array<i32>} : memref<2x352x128xf32, #tpu.memory_space<vmem>>, vector<1x1x16xf32>,
        %get3A_685 = vector.shape_cast %get3A_684 : vector<1x1x16xf32> to vector<16xf32>
        %add3A_686 = arith.addf %add3A_677, %get3A_685 : vector<16xf32>
        %add3A_687 = arith.constant 96 : i32
        %add3A_688 = arith.addi %add3A_687, %scan3A_238 : i32
        %get3A_689 = arith.constant 1 : i32
        %get3A_690 = arith.index_cast %get3A_689 : i32 to index
        %get3A_691 = arith.index_cast %add3A_688 : i32 to index
        %get3A_692 = arith.constant 64 : index
        %get3A_693 = tpu.vector_load %arg6[%get3A_690, %get3A_691, %get3A_692] {strides = array<i32>} : memref<2x352x128xf32, #tpu.memory_space<vmem>>, vector<1x1x16xf32>,
        %get3A_694 = vector.shape_cast %get3A_693 : vector<1x1x16xf32> to vector<16xf32>
        %add3A_695 = arith.addf %add3A_686, %get3A_694 : vector<16xf32>
        %add3A_696 = arith.constant 128 : i32
        %add3A_697 = arith.addi %add3A_696, %scan3A_238 : i32
        %get3A_698 = arith.constant 1 : i32
        %get3A_699 = arith.index_cast %get3A_698 : i32 to index
        %get3A_700 = arith.index_cast %add3A_697 : i32 to index
        %get3A_701 = arith.constant 64 : index
        %get3A_702 = tpu.vector_load %arg6[%get3A_699, %get3A_700, %get3A_701] {strides = array<i32>} : memref<2x352x128xf32, #tpu.memory_space<vmem>>, vector<1x1x16xf32>,
        %get3A_703 = vector.shape_cast %get3A_702 : vector<1x1x16xf32> to vector<16xf32>
        %add3A_704 = arith.addf %add3A_695, %get3A_703 : vector<16xf32>
        %add3A_705 = arith.constant 160 : i32
        %add3A_706 = arith.addi %add3A_705, %scan3A_238 : i32
        %get3A_707 = arith.constant 1 : i32
        %get3A_708 = arith.index_cast %get3A_707 : i32 to index
        %get3A_709 = arith.index_cast %add3A_706 : i32 to index
        %get3A_710 = arith.constant 64 : index
        %get3A_711 = tpu.vector_load %arg6[%get3A_708, %get3A_709, %get3A_710] {strides = array<i32>} : memref<2x352x128xf32, #tpu.memory_space<vmem>>, vector<1x1x16xf32>,
        %get3A_712 = vector.shape_cast %get3A_711 : vector<1x1x16xf32> to vector<16xf32>
        %add3A_713 = arith.addf %add3A_704, %get3A_712 : vector<16xf32>
        %add3A_714 = arith.constant 192 : i32
        %add3A_715 = arith.addi %add3A_714, %scan3A_238 : i32
        %get3A_716 = arith.constant 1 : i32
        %get3A_717 = arith.index_cast %get3A_716 : i32 to index
        %get3A_718 = arith.index_cast %add3A_715 : i32 to index
        %get3A_719 = arith.constant 64 : index
        %get3A_720 = tpu.vector_load %arg6[%get3A_717, %get3A_718, %get3A_719] {strides = array<i32>} : memref<2x352x128xf32, #tpu.memory_space<vmem>>, vector<1x1x16xf32>,
        %get3A_721 = vector.shape_cast %get3A_720 : vector<1x1x16xf32> to vector<16xf32>
        %add3A_722 = arith.addf %add3A_713, %get3A_721 : vector<16xf32>
        %add3A_723 = arith.constant 224 : i32
        %add3A_724 = arith.addi %add3A_723, %scan3A_238 : i32
        %get3A_725 = arith.constant 1 : i32
        %get3A_726 = arith.index_cast %get3A_725 : i32 to index
        %get3A_727 = arith.index_cast %add3A_724 : i32 to index
        %get3A_728 = arith.constant 64 : index
        %get3A_729 = tpu.vector_load %arg6[%get3A_726, %get3A_727, %get3A_728] {strides = array<i32>} : memref<2x352x128xf32, #tpu.memory_space<vmem>>, vector<1x1x16xf32>,
        %get3A_730 = vector.shape_cast %get3A_729 : vector<1x1x16xf32> to vector<16xf32>
        %add3A_731 = arith.addf %add3A_722, %get3A_730 : vector<16xf32>
        %add3A_732 = arith.constant 256 : i32
        %add3A_733 = arith.addi %add3A_732, %scan3A_238 : i32
        %get3A_734 = arith.constant 1 : i32
        %get3A_735 = arith.index_cast %get3A_734 : i32 to index
        %get3A_736 = arith.index_cast %add3A_733 : i32 to index
        %get3A_737 = arith.constant 64 : index
        %get3A_738 = tpu.vector_load %arg6[%get3A_735, %get3A_736, %get3A_737] {strides = array<i32>} : memref<2x352x128xf32, #tpu.memory_space<vmem>>, vector<1x1x16xf32>,
        %get3A_739 = vector.shape_cast %get3A_738 : vector<1x1x16xf32> to vector<16xf32>
        %add3A_740 = arith.addf %add3A_731, %get3A_739 : vector<16xf32>
        %add3A_741 = arith.constant 288 : i32
        %add3A_742 = arith.addi %add3A_741, %scan3A_238 : i32
        %get3A_743 = arith.constant 1 : i32
        %get3A_744 = arith.index_cast %get3A_743 : i32 to index
        %get3A_745 = arith.index_cast %add3A_742 : i32 to index
        %get3A_746 = arith.constant 64 : index
        %get3A_747 = tpu.vector_load %arg6[%get3A_744, %get3A_745, %get3A_746] {strides = array<i32>} : memref<2x352x128xf32, #tpu.memory_space<vmem>>, vector<1x1x16xf32>,
        %get3A_748 = vector.shape_cast %get3A_747 : vector<1x1x16xf32> to vector<16xf32>
        %add3A_749 = arith.addf %add3A_740, %get3A_748 : vector<16xf32>
        %add3A_750 = arith.constant 320 : i32
        %add3A_751 = arith.addi %add3A_750, %scan3A_238 : i32
        %get3A_752 = arith.constant 1 : i32
        %get3A_753 = arith.index_cast %get3A_752 : i32 to index
        %get3A_754 = arith.index_cast %add3A_751 : i32 to index
        %get3A_755 = arith.constant 64 : index
        %get3A_756 = tpu.vector_load %arg6[%get3A_753, %get3A_754, %get3A_755] {strides = array<i32>} : memref<2x352x128xf32, #tpu.memory_space<vmem>>, vector<1x1x16xf32>,
        %get3A_757 = vector.shape_cast %get3A_756 : vector<1x1x16xf32> to vector<16xf32>
        %mul3A_758 = vector.broadcast %select_n3A_244 : f32 to vector<16xf32>
        %mul3A_759 = arith.mulf %mul3A_758, %add3A_749 : vector<16xf32>
        %add3A_760 = arith.addf %get3A_757, %mul3A_759 : vector<16xf32>
        %swap3A_761 = arith.constant 1 : i32
        %swap3A_762 = arith.index_cast %swap3A_761 : i32 to index
        %swap3A_763 = arith.index_cast %scan3A_238 : i32 to index
        %swap3A_764 = arith.constant 64 : index
        %swap3A_765 = tpu.vector_load %arg7[%swap3A_762, %swap3A_763, %swap3A_764] {strides = array<i32>} : memref<2x32x128xf32, #tpu.memory_space<vmem>>, vector<1x1x16xf32>,
        %swap3A_766 = vector.shape_cast %swap3A_765 : vector<1x1x16xf32> to vector<16xf32>
        %swap3A_767 = vector.shape_cast %add3A_760 : vector<16xf32> to vector<1x1x16xf32>
        tpu.vector_store %arg7[%swap3A_762, %swap3A_763, %swap3A_764], %swap3A_767 {strides = array<i32>} : memref<2x32x128xf32, #tpu.memory_space<vmem>>, vector<1x1x16xf32>,
        %get3A_768 = arith.constant 1 : i32
        %get3A_769 = arith.index_cast %get3A_768 : i32 to index
        %get3A_770 = arith.index_cast %scan3A_238 : i32 to index
        %get3A_771 = arith.constant 80 : index
        %get3A_772 = tpu.vector_load %arg6[%get3A_769, %get3A_770, %get3A_771] {strides = array<i32>} : memref<2x352x128xf32, #tpu.memory_space<vmem>>, vector<1x1x16xf32>,
        %get3A_773 = vector.shape_cast %get3A_772 : vector<1x1x16xf32> to vector<16xf32>
        %add3A_774 = arith.constant 32 : i32
        %add3A_775 = arith.addi %add3A_774, %scan3A_238 : i32
        %get3A_776 = arith.constant 1 : i32
        %get3A_777 = arith.index_cast %get3A_776 : i32 to index
        %get3A_778 = arith.index_cast %add3A_775 : i32 to index
        %get3A_779 = arith.constant 80 : index
        %get3A_780 = tpu.vector_load %arg6[%get3A_777, %get3A_778, %get3A_779] {strides = array<i32>} : memref<2x352x128xf32, #tpu.memory_space<vmem>>, vector<1x1x16xf32>,
        %get3A_781 = vector.shape_cast %get3A_780 : vector<1x1x16xf32> to vector<16xf32>
        %add3A_782 = arith.addf %get3A_773, %get3A_781 : vector<16xf32>
        %add3A_783 = arith.constant 64 : i32
        %add3A_784 = arith.addi %add3A_783, %scan3A_238 : i32
        %get3A_785 = arith.constant 1 : i32
        %get3A_786 = arith.index_cast %get3A_785 : i32 to index
        %get3A_787 = arith.index_cast %add3A_784 : i32 to index
        %get3A_788 = arith.constant 80 : index
        %get3A_789 = tpu.vector_load %arg6[%get3A_786, %get3A_787, %get3A_788] {strides = array<i32>} : memref<2x352x128xf32, #tpu.memory_space<vmem>>, vector<1x1x16xf32>,
        %get3A_790 = vector.shape_cast %get3A_789 : vector<1x1x16xf32> to vector<16xf32>
        %add3A_791 = arith.addf %add3A_782, %get3A_790 : vector<16xf32>
        %add3A_792 = arith.constant 96 : i32
        %add3A_793 = arith.addi %add3A_792, %scan3A_238 : i32
        %get3A_794 = arith.constant 1 : i32
        %get3A_795 = arith.index_cast %get3A_794 : i32 to index
        %get3A_796 = arith.index_cast %add3A_793 : i32 to index
        %get3A_797 = arith.constant 80 : index
        %get3A_798 = tpu.vector_load %arg6[%get3A_795, %get3A_796, %get3A_797] {strides = array<i32>} : memref<2x352x128xf32, #tpu.memory_space<vmem>>, vector<1x1x16xf32>,
        %get3A_799 = vector.shape_cast %get3A_798 : vector<1x1x16xf32> to vector<16xf32>
        %add3A_800 = arith.addf %add3A_791, %get3A_799 : vector<16xf32>
        %add3A_801 = arith.constant 128 : i32
        %add3A_802 = arith.addi %add3A_801, %scan3A_238 : i32
        %get3A_803 = arith.constant 1 : i32
        %get3A_804 = arith.index_cast %get3A_803 : i32 to index
        %get3A_805 = arith.index_cast %add3A_802 : i32 to index
        %get3A_806 = arith.constant 80 : index
        %get3A_807 = tpu.vector_load %arg6[%get3A_804, %get3A_805, %get3A_806] {strides = array<i32>} : memref<2x352x128xf32, #tpu.memory_space<vmem>>, vector<1x1x16xf32>,
        %get3A_808 = vector.shape_cast %get3A_807 : vector<1x1x16xf32> to vector<16xf32>
        %add3A_809 = arith.addf %add3A_800, %get3A_808 : vector<16xf32>
        %add3A_810 = arith.constant 160 : i32
        %add3A_811 = arith.addi %add3A_810, %scan3A_238 : i32
        %get3A_812 = arith.constant 1 : i32
        %get3A_813 = arith.index_cast %get3A_812 : i32 to index
        %get3A_814 = arith.index_cast %add3A_811 : i32 to index
        %get3A_815 = arith.constant 80 : index
        %get3A_816 = tpu.vector_load %arg6[%get3A_813, %get3A_814, %get3A_815] {strides = array<i32>} : memref<2x352x128xf32, #tpu.memory_space<vmem>>, vector<1x1x16xf32>,
        %get3A_817 = vector.shape_cast %get3A_816 : vector<1x1x16xf32> to vector<16xf32>
        %add3A_818 = arith.addf %add3A_809, %get3A_817 : vector<16xf32>
        %add3A_819 = arith.constant 192 : i32
        %add3A_820 = arith.addi %add3A_819, %scan3A_238 : i32
        %get3A_821 = arith.constant 1 : i32
        %get3A_822 = arith.index_cast %get3A_821 : i32 to index
        %get3A_823 = arith.index_cast %add3A_820 : i32 to index
        %get3A_824 = arith.constant 80 : index
        %get3A_825 = tpu.vector_load %arg6[%get3A_822, %get3A_823, %get3A_824] {strides = array<i32>} : memref<2x352x128xf32, #tpu.memory_space<vmem>>, vector<1x1x16xf32>,
        %get3A_826 = vector.shape_cast %get3A_825 : vector<1x1x16xf32> to vector<16xf32>
        %add3A_827 = arith.addf %add3A_818, %get3A_826 : vector<16xf32>
        %add3A_828 = arith.constant 224 : i32
        %add3A_829 = arith.addi %add3A_828, %scan3A_238 : i32
        %get3A_830 = arith.constant 1 : i32
        %get3A_831 = arith.index_cast %get3A_830 : i32 to index
        %get3A_832 = arith.index_cast %add3A_829 : i32 to index
        %get3A_833 = arith.constant 80 : index
        %get3A_834 = tpu.vector_load %arg6[%get3A_831, %get3A_832, %get3A_833] {strides = array<i32>} : memref<2x352x128xf32, #tpu.memory_space<vmem>>, vector<1x1x16xf32>,
        %get3A_835 = vector.shape_cast %get3A_834 : vector<1x1x16xf32> to vector<16xf32>
        %add3A_836 = arith.addf %add3A_827, %get3A_835 : vector<16xf32>
        %add3A_837 = arith.constant 256 : i32
        %add3A_838 = arith.addi %add3A_837, %scan3A_238 : i32
        %get3A_839 = arith.constant 1 : i32
        %get3A_840 = arith.index_cast %get3A_839 : i32 to index
        %get3A_841 = arith.index_cast %add3A_838 : i32 to index
        %get3A_842 = arith.constant 80 : index
        %get3A_843 = tpu.vector_load %arg6[%get3A_840, %get3A_841, %get3A_842] {strides = array<i32>} : memref<2x352x128xf32, #tpu.memory_space<vmem>>, vector<1x1x16xf32>,
        %get3A_844 = vector.shape_cast %get3A_843 : vector<1x1x16xf32> to vector<16xf32>
        %add3A_845 = arith.addf %add3A_836, %get3A_844 : vector<16xf32>
        %add3A_846 = arith.constant 288 : i32
        %add3A_847 = arith.addi %add3A_846, %scan3A_238 : i32
        %get3A_848 = arith.constant 1 : i32
        %get3A_849 = arith.index_cast %get3A_848 : i32 to index
        %get3A_850 = arith.index_cast %add3A_847 : i32 to index
        %get3A_851 = arith.constant 80 : index
        %get3A_852 = tpu.vector_load %arg6[%get3A_849, %get3A_850, %get3A_851] {strides = array<i32>} : memref<2x352x128xf32, #tpu.memory_space<vmem>>, vector<1x1x16xf32>,
        %get3A_853 = vector.shape_cast %get3A_852 : vector<1x1x16xf32> to vector<16xf32>
        %add3A_854 = arith.addf %add3A_845, %get3A_853 : vector<16xf32>
        %add3A_855 = arith.constant 320 : i32
        %add3A_856 = arith.addi %add3A_855, %scan3A_238 : i32
        %get3A_857 = arith.constant 1 : i32
        %get3A_858 = arith.index_cast %get3A_857 : i32 to index
        %get3A_859 = arith.index_cast %add3A_856 : i32 to index
        %get3A_860 = arith.constant 80 : index
        %get3A_861 = tpu.vector_load %arg6[%get3A_858, %get3A_859, %get3A_860] {strides = array<i32>} : memref<2x352x128xf32, #tpu.memory_space<vmem>>, vector<1x1x16xf32>,
        %get3A_862 = vector.shape_cast %get3A_861 : vector<1x1x16xf32> to vector<16xf32>
        %mul3A_863 = vector.broadcast %select_n3A_244 : f32 to vector<16xf32>
        %mul3A_864 = arith.mulf %mul3A_863, %add3A_854 : vector<16xf32>
        %add3A_865 = arith.addf %get3A_862, %mul3A_864 : vector<16xf32>
        %swap3A_866 = arith.constant 1 : i32
        %swap3A_867 = arith.index_cast %swap3A_866 : i32 to index
        %swap3A_868 = arith.index_cast %scan3A_238 : i32 to index
        %swap3A_869 = arith.constant 80 : index
        %swap3A_870 = tpu.vector_load %arg7[%swap3A_867, %swap3A_868, %swap3A_869] {strides = array<i32>} : memref<2x32x128xf32, #tpu.memory_space<vmem>>, vector<1x1x16xf32>,
        %swap3A_871 = vector.shape_cast %swap3A_870 : vector<1x1x16xf32> to vector<16xf32>
        %swap3A_872 = vector.shape_cast %add3A_865 : vector<16xf32> to vector<1x1x16xf32>
        tpu.vector_store %arg7[%swap3A_867, %swap3A_868, %swap3A_869], %swap3A_872 {strides = array<i32>} : memref<2x32x128xf32, #tpu.memory_space<vmem>>, vector<1x1x16xf32>,
        %get3A_873 = arith.constant 1 : i32
        %get3A_874 = arith.index_cast %get3A_873 : i32 to index
        %get3A_875 = arith.index_cast %scan3A_238 : i32 to index
        %get3A_876 = arith.constant 96 : index
        %get3A_877 = tpu.vector_load %arg6[%get3A_874, %get3A_875, %get3A_876] {strides = array<i32>} : memref<2x352x128xf32, #tpu.memory_space<vmem>>, vector<1x1x16xf32>,
        %get3A_878 = vector.shape_cast %get3A_877 : vector<1x1x16xf32> to vector<16xf32>
        %add3A_879 = arith.constant 32 : i32
        %add3A_880 = arith.addi %add3A_879, %scan3A_238 : i32
        %get3A_881 = arith.constant 1 : i32
        %get3A_882 = arith.index_cast %get3A_881 : i32 to index
        %get3A_883 = arith.index_cast %add3A_880 : i32 to index
        %get3A_884 = arith.constant 96 : index
        %get3A_885 = tpu.vector_load %arg6[%get3A_882, %get3A_883, %get3A_884] {strides = array<i32>} : memref<2x352x128xf32, #tpu.memory_space<vmem>>, vector<1x1x16xf32>,
        %get3A_886 = vector.shape_cast %get3A_885 : vector<1x1x16xf32> to vector<16xf32>
        %add3A_887 = arith.addf %get3A_878, %get3A_886 : vector<16xf32>
        %add3A_888 = arith.constant 64 : i32
        %add3A_889 = arith.addi %add3A_888, %scan3A_238 : i32
        %get3A_890 = arith.constant 1 : i32
        %get3A_891 = arith.index_cast %get3A_890 : i32 to index
        %get3A_892 = arith.index_cast %add3A_889 : i32 to index
        %get3A_893 = arith.constant 96 : index
        %get3A_894 = tpu.vector_load %arg6[%get3A_891, %get3A_892, %get3A_893] {strides = array<i32>} : memref<2x352x128xf32, #tpu.memory_space<vmem>>, vector<1x1x16xf32>,
        %get3A_895 = vector.shape_cast %get3A_894 : vector<1x1x16xf32> to vector<16xf32>
        %add3A_896 = arith.addf %add3A_887, %get3A_895 : vector<16xf32>
        %add3A_897 = arith.constant 96 : i32
        %add3A_898 = arith.addi %add3A_897, %scan3A_238 : i32
        %get3A_899 = arith.constant 1 : i32
        %get3A_900 = arith.index_cast %get3A_899 : i32 to index
        %get3A_901 = arith.index_cast %add3A_898 : i32 to index
        %get3A_902 = arith.constant 96 : index
        %get3A_903 = tpu.vector_load %arg6[%get3A_900, %get3A_901, %get3A_902] {strides = array<i32>} : memref<2x352x128xf32, #tpu.memory_space<vmem>>, vector<1x1x16xf32>,
        %get3A_904 = vector.shape_cast %get3A_903 : vector<1x1x16xf32> to vector<16xf32>
        %add3A_905 = arith.addf %add3A_896, %get3A_904 : vector<16xf32>
        %add3A_906 = arith.constant 128 : i32
        %add3A_907 = arith.addi %add3A_906, %scan3A_238 : i32
        %get3A_908 = arith.constant 1 : i32
        %get3A_909 = arith.index_cast %get3A_908 : i32 to index
        %get3A_910 = arith.index_cast %add3A_907 : i32 to index
        %get3A_911 = arith.constant 96 : index
        %get3A_912 = tpu.vector_load %arg6[%get3A_909, %get3A_910, %get3A_911] {strides = array<i32>} : memref<2x352x128xf32, #tpu.memory_space<vmem>>, vector<1x1x16xf32>,
        %get3A_913 = vector.shape_cast %get3A_912 : vector<1x1x16xf32> to vector<16xf32>
        %add3A_914 = arith.addf %add3A_905, %get3A_913 : vector<16xf32>
        %add3A_915 = arith.constant 160 : i32
        %add3A_916 = arith.addi %add3A_915, %scan3A_238 : i32
        %get3A_917 = arith.constant 1 : i32
        %get3A_918 = arith.index_cast %get3A_917 : i32 to index
        %get3A_919 = arith.index_cast %add3A_916 : i32 to index
        %get3A_920 = arith.constant 96 : index
        %get3A_921 = tpu.vector_load %arg6[%get3A_918, %get3A_919, %get3A_920] {strides = array<i32>} : memref<2x352x128xf32, #tpu.memory_space<vmem>>, vector<1x1x16xf32>,
        %get3A_922 = vector.shape_cast %get3A_921 : vector<1x1x16xf32> to vector<16xf32>
        %add3A_923 = arith.addf %add3A_914, %get3A_922 : vector<16xf32>
        %add3A_924 = arith.constant 192 : i32
        %add3A_925 = arith.addi %add3A_924, %scan3A_238 : i32
        %get3A_926 = arith.constant 1 : i32
        %get3A_927 = arith.index_cast %get3A_926 : i32 to index
        %get3A_928 = arith.index_cast %add3A_925 : i32 to index
        %get3A_929 = arith.constant 96 : index
        %get3A_930 = tpu.vector_load %arg6[%get3A_927, %get3A_928, %get3A_929] {strides = array<i32>} : memref<2x352x128xf32, #tpu.memory_space<vmem>>, vector<1x1x16xf32>,
        %get3A_931 = vector.shape_cast %get3A_930 : vector<1x1x16xf32> to vector<16xf32>
        %add3A_932 = arith.addf %add3A_923, %get3A_931 : vector<16xf32>
        %add3A_933 = arith.constant 224 : i32
        %add3A_934 = arith.addi %add3A_933, %scan3A_238 : i32
        %get3A_935 = arith.constant 1 : i32
        %get3A_936 = arith.index_cast %get3A_935 : i32 to index
        %get3A_937 = arith.index_cast %add3A_934 : i32 to index
        %get3A_938 = arith.constant 96 : index
        %get3A_939 = tpu.vector_load %arg6[%get3A_936, %get3A_937, %get3A_938] {strides = array<i32>} : memref<2x352x128xf32, #tpu.memory_space<vmem>>, vector<1x1x16xf32>,
        %get3A_940 = vector.shape_cast %get3A_939 : vector<1x1x16xf32> to vector<16xf32>
        %add3A_941 = arith.addf %add3A_932, %get3A_940 : vector<16xf32>
        %add3A_942 = arith.constant 256 : i32
        %add3A_943 = arith.addi %add3A_942, %scan3A_238 : i32
        %get3A_944 = arith.constant 1 : i32
        %get3A_945 = arith.index_cast %get3A_944 : i32 to index
        %get3A_946 = arith.index_cast %add3A_943 : i32 to index
        %get3A_947 = arith.constant 96 : index
        %get3A_948 = tpu.vector_load %arg6[%get3A_945, %get3A_946, %get3A_947] {strides = array<i32>} : memref<2x352x128xf32, #tpu.memory_space<vmem>>, vector<1x1x16xf32>,
        %get3A_949 = vector.shape_cast %get3A_948 : vector<1x1x16xf32> to vector<16xf32>
        %add3A_950 = arith.addf %add3A_941, %get3A_949 : vector<16xf32>
        %add3A_951 = arith.constant 288 : i32
        %add3A_952 = arith.addi %add3A_951, %scan3A_238 : i32
        %get3A_953 = arith.constant 1 : i32
        %get3A_954 = arith.index_cast %get3A_953 : i32 to index
        %get3A_955 = arith.index_cast %add3A_952 : i32 to index
        %get3A_956 = arith.constant 96 : index
        %get3A_957 = tpu.vector_load %arg6[%get3A_954, %get3A_955, %get3A_956] {strides = array<i32>} : memref<2x352x128xf32, #tpu.memory_space<vmem>>, vector<1x1x16xf32>,
        %get3A_958 = vector.shape_cast %get3A_957 : vector<1x1x16xf32> to vector<16xf32>
        %add3A_959 = arith.addf %add3A_950, %get3A_958 : vector<16xf32>
        %add3A_960 = arith.constant 320 : i32
        %add3A_961 = arith.addi %add3A_960, %scan3A_238 : i32
        %get3A_962 = arith.constant 1 : i32
        %get3A_963 = arith.index_cast %get3A_962 : i32 to index
        %get3A_964 = arith.index_cast %add3A_961 : i32 to index
        %get3A_965 = arith.constant 96 : index
        %get3A_966 = tpu.vector_load %arg6[%get3A_963, %get3A_964, %get3A_965] {strides = array<i32>} : memref<2x352x128xf32, #tpu.memory_space<vmem>>, vector<1x1x16xf32>,
        %get3A_967 = vector.shape_cast %get3A_966 : vector<1x1x16xf32> to vector<16xf32>
        %mul3A_968 = vector.broadcast %select_n3A_244 : f32 to vector<16xf32>
        %mul3A_969 = arith.mulf %mul3A_968, %add3A_959 : vector<16xf32>
        %add3A_970 = arith.addf %get3A_967, %mul3A_969 : vector<16xf32>
        %swap3A_971 = arith.constant 1 : i32
        %swap3A_972 = arith.index_cast %swap3A_971 : i32 to index
        %swap3A_973 = arith.index_cast %scan3A_238 : i32 to index
        %swap3A_974 = arith.constant 96 : index
        %swap3A_975 = tpu.vector_load %arg7[%swap3A_972, %swap3A_973, %swap3A_974] {strides = array<i32>} : memref<2x32x128xf32, #tpu.memory_space<vmem>>, vector<1x1x16xf32>,
        %swap3A_976 = vector.shape_cast %swap3A_975 : vector<1x1x16xf32> to vector<16xf32>
        %swap3A_977 = vector.shape_cast %add3A_970 : vector<16xf32> to vector<1x1x16xf32>
        tpu.vector_store %arg7[%swap3A_972, %swap3A_973, %swap3A_974], %swap3A_977 {strides = array<i32>} : memref<2x32x128xf32, #tpu.memory_space<vmem>>, vector<1x1x16xf32>,
        %get3A_978 = arith.constant 1 : i32
        %get3A_979 = arith.index_cast %get3A_978 : i32 to index
        %get3A_980 = arith.index_cast %scan3A_238 : i32 to index
        %get3A_981 = arith.constant 112 : index
        %get3A_982 = tpu.vector_load %arg6[%get3A_979, %get3A_980, %get3A_981] {strides = array<i32>} : memref<2x352x128xf32, #tpu.memory_space<vmem>>, vector<1x1x16xf32>,
        %get3A_983 = vector.shape_cast %get3A_982 : vector<1x1x16xf32> to vector<16xf32>
        %add3A_984 = arith.constant 32 : i32
        %add3A_985 = arith.addi %add3A_984, %scan3A_238 : i32
        %get3A_986 = arith.constant 1 : i32
        %get3A_987 = arith.index_cast %get3A_986 : i32 to index
        %get3A_988 = arith.index_cast %add3A_985 : i32 to index
        %get3A_989 = arith.constant 112 : index
        %get3A_990 = tpu.vector_load %arg6[%get3A_987, %get3A_988, %get3A_989] {strides = array<i32>} : memref<2x352x128xf32, #tpu.memory_space<vmem>>, vector<1x1x16xf32>,
        %get3A_991 = vector.shape_cast %get3A_990 : vector<1x1x16xf32> to vector<16xf32>
        %add3A_992 = arith.addf %get3A_983, %get3A_991 : vector<16xf32>
        %add3A_993 = arith.constant 64 : i32
        %add3A_994 = arith.addi %add3A_993, %scan3A_238 : i32
        %get3A_995 = arith.constant 1 : i32
        %get3A_996 = arith.index_cast %get3A_995 : i32 to index
        %get3A_997 = arith.index_cast %add3A_994 : i32 to index
        %get3A_998 = arith.constant 112 : index
        %get3A_999 = tpu.vector_load %arg6[%get3A_996, %get3A_997, %get3A_998] {strides = array<i32>} : memref<2x352x128xf32, #tpu.memory_space<vmem>>, vector<1x1x16xf32>,
        %get3A_1000 = vector.shape_cast %get3A_999 : vector<1x1x16xf32> to vector<16xf32>
        %add3A_1001 = arith.addf %add3A_992, %get3A_1000 : vector<16xf32>
        %add3A_1002 = arith.constant 96 : i32
        %add3A_1003 = arith.addi %add3A_1002, %scan3A_238 : i32
        %get3A_1004 = arith.constant 1 : i32
        %get3A_1005 = arith.index_cast %get3A_1004 : i32 to index
        %get3A_1006 = arith.index_cast %add3A_1003 : i32 to index
        %get3A_1007 = arith.constant 112 : index
        %get3A_1008 = tpu.vector_load %arg6[%get3A_1005, %get3A_1006, %get3A_1007] {strides = array<i32>} : memref<2x352x128xf32, #tpu.memory_space<vmem>>, vector<1x1x16xf32>,
        %get3A_1009 = vector.shape_cast %get3A_1008 : vector<1x1x16xf32> to vector<16xf32>
        %add3A_1010 = arith.addf %add3A_1001, %get3A_1009 : vector<16xf32>
        %add3A_1011 = arith.constant 128 : i32
        %add3A_1012 = arith.addi %add3A_1011, %scan3A_238 : i32
        %get3A_1013 = arith.constant 1 : i32
        %get3A_1014 = arith.index_cast %get3A_1013 : i32 to index
        %get3A_1015 = arith.index_cast %add3A_1012 : i32 to index
        %get3A_1016 = arith.constant 112 : index
        %get3A_1017 = tpu.vector_load %arg6[%get3A_1014, %get3A_1015, %get3A_1016] {strides = array<i32>} : memref<2x352x128xf32, #tpu.memory_space<vmem>>, vector<1x1x16xf32>,
        %get3A_1018 = vector.shape_cast %get3A_1017 : vector<1x1x16xf32> to vector<16xf32>
        %add3A_1019 = arith.addf %add3A_1010, %get3A_1018 : vector<16xf32>
        %add3A_1020 = arith.constant 160 : i32
        %add3A_1021 = arith.addi %add3A_1020, %scan3A_238 : i32
        %get3A_1022 = arith.constant 1 : i32
        %get3A_1023 = arith.index_cast %get3A_1022 : i32 to index
        %get3A_1024 = arith.index_cast %add3A_1021 : i32 to index
        %get3A_1025 = arith.constant 112 : index
        %get3A_1026 = tpu.vector_load %arg6[%get3A_1023, %get3A_1024, %get3A_1025] {strides = array<i32>} : memref<2x352x128xf32, #tpu.memory_space<vmem>>, vector<1x1x16xf32>,
        %get3A_1027 = vector.shape_cast %get3A_1026 : vector<1x1x16xf32> to vector<16xf32>
        %add3A_1028 = arith.addf %add3A_1019, %get3A_1027 : vector<16xf32>
        %add3A_1029 = arith.constant 192 : i32
        %add3A_1030 = arith.addi %add3A_1029, %scan3A_238 : i32
        %get3A_1031 = arith.constant 1 : i32
        %get3A_1032 = arith.index_cast %get3A_1031 : i32 to index
        %get3A_1033 = arith.index_cast %add3A_1030 : i32 to index
        %get3A_1034 = arith.constant 112 : index
        %get3A_1035 = tpu.vector_load %arg6[%get3A_1032, %get3A_1033, %get3A_1034] {strides = array<i32>} : memref<2x352x128xf32, #tpu.memory_space<vmem>>, vector<1x1x16xf32>,
        %get3A_1036 = vector.shape_cast %get3A_1035 : vector<1x1x16xf32> to vector<16xf32>
        %add3A_1037 = arith.addf %add3A_1028, %get3A_1036 : vector<16xf32>
        %add3A_1038 = arith.constant 224 : i32
        %add3A_1039 = arith.addi %add3A_1038, %scan3A_238 : i32
        %get3A_1040 = arith.constant 1 : i32
        %get3A_1041 = arith.index_cast %get3A_1040 : i32 to index
        %get3A_1042 = arith.index_cast %add3A_1039 : i32 to index
        %get3A_1043 = arith.constant 112 : index
        %get3A_1044 = tpu.vector_load %arg6[%get3A_1041, %get3A_1042, %get3A_1043] {strides = array<i32>} : memref<2x352x128xf32, #tpu.memory_space<vmem>>, vector<1x1x16xf32>,
        %get3A_1045 = vector.shape_cast %get3A_1044 : vector<1x1x16xf32> to vector<16xf32>
        %add3A_1046 = arith.addf %add3A_1037, %get3A_1045 : vector<16xf32>
        %add3A_1047 = arith.constant 256 : i32
        %add3A_1048 = arith.addi %add3A_1047, %scan3A_238 : i32
        %get3A_1049 = arith.constant 1 : i32
        %get3A_1050 = arith.index_cast %get3A_1049 : i32 to index
        %get3A_1051 = arith.index_cast %add3A_1048 : i32 to index
        %get3A_1052 = arith.constant 112 : index
        %get3A_1053 = tpu.vector_load %arg6[%get3A_1050, %get3A_1051, %get3A_1052] {strides = array<i32>} : memref<2x352x128xf32, #tpu.memory_space<vmem>>, vector<1x1x16xf32>,
        %get3A_1054 = vector.shape_cast %get3A_1053 : vector<1x1x16xf32> to vector<16xf32>
        %add3A_1055 = arith.addf %add3A_1046, %get3A_1054 : vector<16xf32>
        %add3A_1056 = arith.constant 288 : i32
        %add3A_1057 = arith.addi %add3A_1056, %scan3A_238 : i32
        %get3A_1058 = arith.constant 1 : i32
        %get3A_1059 = arith.index_cast %get3A_1058 : i32 to index
        %get3A_1060 = arith.index_cast %add3A_1057 : i32 to index
        %get3A_1061 = arith.constant 112 : index
        %get3A_1062 = tpu.vector_load %arg6[%get3A_1059, %get3A_1060, %get3A_1061] {strides = array<i32>} : memref<2x352x128xf32, #tpu.memory_space<vmem>>, vector<1x1x16xf32>,
        %get3A_1063 = vector.shape_cast %get3A_1062 : vector<1x1x16xf32> to vector<16xf32>
        %add3A_1064 = arith.addf %add3A_1055, %get3A_1063 : vector<16xf32>
        %add3A_1065 = arith.constant 320 : i32
        %add3A_1066 = arith.addi %add3A_1065, %scan3A_238 : i32
        %get3A_1067 = arith.constant 1 : i32
        %get3A_1068 = arith.index_cast %get3A_1067 : i32 to index
        %get3A_1069 = arith.index_cast %add3A_1066 : i32 to index
        %get3A_1070 = arith.constant 112 : index
        %get3A_1071 = tpu.vector_load %arg6[%get3A_1068, %get3A_1069, %get3A_1070] {strides = array<i32>} : memref<2x352x128xf32, #tpu.memory_space<vmem>>, vector<1x1x16xf32>,
        %get3A_1072 = vector.shape_cast %get3A_1071 : vector<1x1x16xf32> to vector<16xf32>
        %mul3A_1073 = vector.broadcast %select_n3A_244 : f32 to vector<16xf32>
        %mul3A_1074 = arith.mulf %mul3A_1073, %add3A_1064 : vector<16xf32>
        %add3A_1075 = arith.addf %get3A_1072, %mul3A_1074 : vector<16xf32>
        %swap3A_1076 = arith.constant 1 : i32
        %swap3A_1077 = arith.index_cast %swap3A_1076 : i32 to index
        %swap3A_1078 = arith.index_cast %scan3A_238 : i32 to index
        %swap3A_1079 = arith.constant 112 : index
        %swap3A_1080 = tpu.vector_load %arg7[%swap3A_1077, %swap3A_1078, %swap3A_1079] {strides = array<i32>} : memref<2x32x128xf32, #tpu.memory_space<vmem>>, vector<1x1x16xf32>,
        %swap3A_1081 = vector.shape_cast %swap3A_1080 : vector<1x1x16xf32> to vector<16xf32>
        %swap3A_1082 = vector.shape_cast %add3A_1075 : vector<16xf32> to vector<1x1x16xf32>
        tpu.vector_store %arg7[%swap3A_1077, %swap3A_1078, %swap3A_1079], %swap3A_1082 {strides = array<i32>} : memref<2x32x128xf32, #tpu.memory_space<vmem>>, vector<1x1x16xf32>,
      }
      %scan3A_215 = arith.constant 32 : i32
      %add3A_216 = arith.addi %select_n3A_8, %add3A_179 : i32
      %mul3A_217 = arith.constant 32 : i32
      %mul3A_218 = arith.muli %add3A_216, %mul3A_217 : i32
      %add3A_219 = arith.constant 32 : i32
      %add3A_220 = arith.addi %mul3A_218, %add3A_219 : i32
      %le3A_221 = arith.constant 50000 : i32
      %le3A_222 = arith.cmpi sle, %add3A_220, %le3A_221 : i32
      %convert_element_type3A_223 = arith.extui %le3A_222 : i1 to i32
      %cond3A_224 = arith.constant 1 : i32
      %cond3A_225 = arith.constant 0 : i32
      %cond3A_226 = arith.cmpi ne, %convert_element_type3A_223, %cond3A_225 : i32
      scf.if %cond3A_226 {
        %dma_start3A_238 = arith.constant 0 : i32
        %dma_start3A_239 = arith.constant 0 : i32
        %dma_start3A_240 = tpu.memref_slice %arg7[%cond3A_224, %dma_start3A_238, %dma_start3A_239] : memref<2x32x128xf32, #tpu.memory_space<vmem>> -> memref<1x32x128xf32, #tpu.memory_space<vmem>>
        %dma_start3A_241 = tpu.memref_squeeze %dma_start3A_240 : memref<1x32x128xf32, #tpu.memory_space<vmem>> -> memref<32x128xf32, #tpu.memory_space<vmem>>
        %dma_start3A_242 = arith.constant 0 : i32
        %dma_start3A_243 = tpu.memref_slice %arg4[%mul3A_218, %dma_start3A_242] : memref<50000x128xf32, #tpu.memory_space<hbm>> -> memref<32x128xf32, #tpu.memory_space<hbm>>
        %dma_start3A_244 = arith.constant 0 : i32
        %dma_start3A_245 = tpu.memref_slice %arg4[%mul3A_218, %dma_start3A_244] : memref<50000x128xf32, #tpu.memory_space<hbm>> -> memref<32x128xf32, #tpu.memory_space<hbm>>
        %dma_start3A_246 = arith.constant 0 : i32
        %dma_start3A_247 = arith.constant 0 : i32
        %dma_start3A_248 = tpu.memref_slice %arg7[%cond3A_224, %dma_start3A_246, %dma_start3A_247] : memref<2x32x128xf32, #tpu.memory_space<vmem>> -> memref<1x32x128xf32, #tpu.memory_space<vmem>>
        %dma_start3A_249 = tpu.memref_squeeze %dma_start3A_248 : memref<1x32x128xf32, #tpu.memory_space<vmem>> -> memref<32x128xf32, #tpu.memory_space<vmem>>
        tpu.enqueue_dma source(%dma_start3A_249 : memref<32x128xf32, #tpu.memory_space<vmem>>) target(%dma_start3A_245 : memref<32x128xf32, #tpu.memory_space<hbm>>) target_semaphore(%arg13 : memref<!tpu.dma_semaphore, #tpu.memory_space<semaphore_mem>>)
      } else {
      }
      %lt3A_227 = arith.constant 50000 : i32
      %lt3A_228 = arith.cmpi slt, %mul3A_218, %lt3A_227 : i32
      %add3A_229 = arith.constant 32 : i32
      %add3A_230 = arith.addi %mul3A_218, %add3A_229 : i32
      %gt3A_231 = arith.constant 50000 : i32
      %gt3A_232 = arith.cmpi sgt, %add3A_230, %gt3A_231 : i32
      %and3A_233 = arith.andi %lt3A_228, %gt3A_232 : i1
      %convert_element_type3A_234 = arith.extui %and3A_233 : i1 to i32
      %cond3A_235 = arith.constant 1 : i32
      %cond3A_236 = arith.constant 0 : i32
      %cond3A_237 = arith.cmpi ne, %convert_element_type3A_234, %cond3A_236 : i32
      scf.if %cond3A_237 {
        %dma_start3A_238 = arith.constant 0 : i32
        %dma_start3A_239 = arith.constant 0 : i32
        %dma_start3A_240 = tpu.memref_slice %arg7[%cond3A_235, %dma_start3A_238, %dma_start3A_239] : memref<2x32x128xf32, #tpu.memory_space<vmem>> -> memref<1x16x128xf32, #tpu.memory_space<vmem>>
        %dma_start3A_241 = tpu.memref_squeeze %dma_start3A_240 : memref<1x16x128xf32, #tpu.memory_space<vmem>> -> memref<16x128xf32, #tpu.memory_space<vmem>>
        %dma_start3A_242 = arith.constant 0 : i32
        %dma_start3A_243 = tpu.memref_slice %arg4[%mul3A_218, %dma_start3A_242] : memref<50000x128xf32, #tpu.memory_space<hbm>> -> memref<16x128xf32, #tpu.memory_space<hbm>>
        %dma_start3A_244 = arith.constant 0 : i32
        %dma_start3A_245 = tpu.memref_slice %arg4[%mul3A_218, %dma_start3A_244] : memref<50000x128xf32, #tpu.memory_space<hbm>> -> memref<16x128xf32, #tpu.memory_space<hbm>>
        %dma_start3A_246 = arith.constant 0 : i32
        %dma_start3A_247 = arith.constant 0 : i32
        %dma_start3A_248 = tpu.memref_slice %arg7[%cond3A_235, %dma_start3A_246, %dma_start3A_247] : memref<2x32x128xf32, #tpu.memory_space<vmem>> -> memref<1x16x128xf32, #tpu.memory_space<vmem>>
        %dma_start3A_249 = tpu.memref_squeeze %dma_start3A_248 : memref<1x16x128xf32, #tpu.memory_space<vmem>> -> memref<16x128xf32, #tpu.memory_space<vmem>>
        tpu.enqueue_dma source(%dma_start3A_249 : memref<16x128xf32, #tpu.memory_space<vmem>>) target(%dma_start3A_245 : memref<16x128xf32, #tpu.memory_space<hbm>>) target_semaphore(%arg13 : memref<!tpu.dma_semaphore, #tpu.memory_space<semaphore_mem>>)
      } else {
      }
    }
    %sub3A_74 = arith.constant 2 : i32
    %sub3A_75 = arith.subi %select_n3A, %sub3A_74 : i32
    %add3A_76 = arith.addi %select_n3A_8, %sub3A_75 : i32
    %mul3A_77 = arith.constant 32 : i32
    %mul3A_78 = arith.muli %add3A_76, %mul3A_77 : i32
    %add3A_79 = arith.constant 32 : i32
    %add3A_80 = arith.addi %mul3A_78, %add3A_79 : i32
    %le3A = arith.constant 50000 : i32
    %le3A_81 = arith.cmpi sle, %add3A_80, %le3A : i32
    %convert_element_type3A = arith.extui %le3A_81 : i1 to i32
    %cond3A = arith.constant 0 : i32
    %cond3A_82 = arith.constant 0 : i32
    %cond3A_83 = arith.cmpi ne, %convert_element_type3A, %cond3A_82 : i32
    scf.if %cond3A_83 {
      %dma_wait3A_117 = arith.constant 0 : i32
      %dma_wait3A_118 = arith.constant 0 : i32
      %dma_wait3A_119 = tpu.memref_slice %arg7[%cond3A, %dma_wait3A_117, %dma_wait3A_118] : memref<2x32x128xf32, #tpu.memory_space<vmem>> -> memref<1x32x128xf32, #tpu.memory_space<vmem>>
      %dma_wait3A_120 = tpu.memref_squeeze %dma_wait3A_119 : memref<1x32x128xf32, #tpu.memory_space<vmem>> -> memref<32x128xf32, #tpu.memory_space<vmem>>
      %dma_wait3A_121 = arith.constant 0 : i32
      %dma_wait3A_122 = tpu.memref_slice %arg4[%mul3A_78, %dma_wait3A_121] : memref<50000x128xf32, #tpu.memory_space<hbm>> -> memref<32x128xf32, #tpu.memory_space<hbm>>
      %dma_wait3A_123 = arith.constant 0 : i32
      %dma_wait3A_124 = tpu.memref_slice %arg4[%mul3A_78, %dma_wait3A_123] : memref<50000x128xf32, #tpu.memory_space<hbm>> -> memref<32x128xf32, #tpu.memory_space<hbm>>
      %dma_wait3A_125 = arith.constant 0 : i32
      %dma_wait3A_126 = arith.constant 0 : i32
      %dma_wait3A_127 = tpu.memref_slice %arg7[%cond3A, %dma_wait3A_125, %dma_wait3A_126] : memref<2x32x128xf32, #tpu.memory_space<vmem>> -> memref<1x32x128xf32, #tpu.memory_space<vmem>>
      %dma_wait3A_128 = tpu.memref_squeeze %dma_wait3A_127 : memref<1x32x128xf32, #tpu.memory_space<vmem>> -> memref<32x128xf32, #tpu.memory_space<vmem>>
      tpu.wait_dma2 semaphore(%arg12 : memref<!tpu.dma_semaphore, #tpu.memory_space<semaphore_mem>>) src(%dma_wait3A_128 : memref<32x128xf32, #tpu.memory_space<vmem>>) dst(%dma_wait3A_124 : memref<32x128xf32, #tpu.memory_space<hbm>>)
    } else {
    }
    %lt3A = arith.constant 50000 : i32
    %lt3A_84 = arith.cmpi slt, %mul3A_78, %lt3A : i32
    %add3A_85 = arith.constant 32 : i32
    %add3A_86 = arith.addi %mul3A_78, %add3A_85 : i32
    %gt3A = arith.constant 50000 : i32
    %gt3A_87 = arith.cmpi sgt, %add3A_86, %gt3A : i32
    %and3A_88 = arith.andi %lt3A_84, %gt3A_87 : i1
    %convert_element_type3A_89 = arith.extui %and3A_88 : i1 to i32
    %cond3A_90 = arith.constant 0 : i32
    %cond3A_91 = arith.constant 0 : i32
    %cond3A_92 = arith.cmpi ne, %convert_element_type3A_89, %cond3A_91 : i32
    scf.if %cond3A_92 {
      %dma_wait3A_117 = arith.constant 0 : i32
      %dma_wait3A_118 = arith.constant 0 : i32
      %dma_wait3A_119 = tpu.memref_slice %arg7[%cond3A_90, %dma_wait3A_117, %dma_wait3A_118] : memref<2x32x128xf32, #tpu.memory_space<vmem>> -> memref<1x16x128xf32, #tpu.memory_space<vmem>>
      %dma_wait3A_120 = tpu.memref_squeeze %dma_wait3A_119 : memref<1x16x128xf32, #tpu.memory_space<vmem>> -> memref<16x128xf32, #tpu.memory_space<vmem>>
      %dma_wait3A_121 = arith.constant 0 : i32
      %dma_wait3A_122 = tpu.memref_slice %arg4[%mul3A_78, %dma_wait3A_121] : memref<50000x128xf32, #tpu.memory_space<hbm>> -> memref<16x128xf32, #tpu.memory_space<hbm>>
      %dma_wait3A_123 = arith.constant 0 : i32
      %dma_wait3A_124 = tpu.memref_slice %arg4[%mul3A_78, %dma_wait3A_123] : memref<50000x128xf32, #tpu.memory_space<hbm>> -> memref<16x128xf32, #tpu.memory_space<hbm>>
      %dma_wait3A_125 = arith.constant 0 : i32
      %dma_wait3A_126 = arith.constant 0 : i32
      %dma_wait3A_127 = tpu.memref_slice %arg7[%cond3A_90, %dma_wait3A_125, %dma_wait3A_126] : memref<2x32x128xf32, #tpu.memory_space<vmem>> -> memref<1x16x128xf32, #tpu.memory_space<vmem>>
      %dma_wait3A_128 = tpu.memref_squeeze %dma_wait3A_127 : memref<1x16x128xf32, #tpu.memory_space<vmem>> -> memref<16x128xf32, #tpu.memory_space<vmem>>
      tpu.wait_dma2 semaphore(%arg12 : memref<!tpu.dma_semaphore, #tpu.memory_space<semaphore_mem>>) src(%dma_wait3A_128 : memref<16x128xf32, #tpu.memory_space<vmem>>) dst(%dma_wait3A_124 : memref<16x128xf32, #tpu.memory_space<hbm>>)
    } else {
    }
    %sub3A_93 = arith.constant 1 : i32
    %sub3A_94 = arith.subi %select_n3A, %sub3A_93 : i32
    %add3A_95 = arith.addi %select_n3A_8, %sub3A_94 : i32
    %mul3A_96 = arith.constant 32 : i32
    %mul3A_97 = arith.muli %add3A_95, %mul3A_96 : i32
    %add3A_98 = arith.constant 32 : i32
    %add3A_99 = arith.addi %mul3A_97, %add3A_98 : i32
    %le3A_100 = arith.constant 50000 : i32
    %le3A_101 = arith.cmpi sle, %add3A_99, %le3A_100 : i32
    %convert_element_type3A_102 = arith.extui %le3A_101 : i1 to i32
    %cond3A_103 = arith.constant 1 : i32
    %cond3A_104 = arith.constant 0 : i32
    %cond3A_105 = arith.cmpi ne, %convert_element_type3A_102, %cond3A_104 : i32
    scf.if %cond3A_105 {
      %dma_wait3A_117 = arith.constant 0 : i32
      %dma_wait3A_118 = arith.constant 0 : i32
      %dma_wait3A_119 = tpu.memref_slice %arg7[%cond3A_103, %dma_wait3A_117, %dma_wait3A_118] : memref<2x32x128xf32, #tpu.memory_space<vmem>> -> memref<1x32x128xf32, #tpu.memory_space<vmem>>
      %dma_wait3A_120 = tpu.memref_squeeze %dma_wait3A_119 : memref<1x32x128xf32, #tpu.memory_space<vmem>> -> memref<32x128xf32, #tpu.memory_space<vmem>>
      %dma_wait3A_121 = arith.constant 0 : i32
      %dma_wait3A_122 = tpu.memref_slice %arg4[%mul3A_97, %dma_wait3A_121] : memref<50000x128xf32, #tpu.memory_space<hbm>> -> memref<32x128xf32, #tpu.memory_space<hbm>>
      %dma_wait3A_123 = arith.constant 0 : i32
      %dma_wait3A_124 = tpu.memref_slice %arg4[%mul3A_97, %dma_wait3A_123] : memref<50000x128xf32, #tpu.memory_space<hbm>> -> memref<32x128xf32, #tpu.memory_space<hbm>>
      %dma_wait3A_125 = arith.constant 0 : i32
      %dma_wait3A_126 = arith.constant 0 : i32
      %dma_wait3A_127 = tpu.memref_slice %arg7[%cond3A_103, %dma_wait3A_125, %dma_wait3A_126] : memref<2x32x128xf32, #tpu.memory_space<vmem>> -> memref<1x32x128xf32, #tpu.memory_space<vmem>>
      %dma_wait3A_128 = tpu.memref_squeeze %dma_wait3A_127 : memref<1x32x128xf32, #tpu.memory_space<vmem>> -> memref<32x128xf32, #tpu.memory_space<vmem>>
      tpu.wait_dma2 semaphore(%arg13 : memref<!tpu.dma_semaphore, #tpu.memory_space<semaphore_mem>>) src(%dma_wait3A_128 : memref<32x128xf32, #tpu.memory_space<vmem>>) dst(%dma_wait3A_124 : memref<32x128xf32, #tpu.memory_space<hbm>>)
    } else {
    }
    %lt3A_106 = arith.constant 50000 : i32
    %lt3A_107 = arith.cmpi slt, %mul3A_97, %lt3A_106 : i32
    %add3A_108 = arith.constant 32 : i32
    %add3A_109 = arith.addi %mul3A_97, %add3A_108 : i32
    %gt3A_110 = arith.constant 50000 : i32
    %gt3A_111 = arith.cmpi sgt, %add3A_109, %gt3A_110 : i32
    %and3A_112 = arith.andi %lt3A_107, %gt3A_111 : i1
    %convert_element_type3A_113 = arith.extui %and3A_112 : i1 to i32
    %cond3A_114 = arith.constant 1 : i32
    %cond3A_115 = arith.constant 0 : i32
    %cond3A_116 = arith.cmpi ne, %convert_element_type3A_113, %cond3A_115 : i32
    scf.if %cond3A_116 {
      %dma_wait3A_117 = arith.constant 0 : i32
      %dma_wait3A_118 = arith.constant 0 : i32
      %dma_wait3A_119 = tpu.memref_slice %arg7[%cond3A_114, %dma_wait3A_117, %dma_wait3A_118] : memref<2x32x128xf32, #tpu.memory_space<vmem>> -> memref<1x16x128xf32, #tpu.memory_space<vmem>>
      %dma_wait3A_120 = tpu.memref_squeeze %dma_wait3A_119 : memref<1x16x128xf32, #tpu.memory_space<vmem>> -> memref<16x128xf32, #tpu.memory_space<vmem>>
      %dma_wait3A_121 = arith.constant 0 : i32
      %dma_wait3A_122 = tpu.memref_slice %arg4[%mul3A_97, %dma_wait3A_121] : memref<50000x128xf32, #tpu.memory_space<hbm>> -> memref<16x128xf32, #tpu.memory_space<hbm>>
      %dma_wait3A_123 = arith.constant 0 : i32
      %dma_wait3A_124 = tpu.memref_slice %arg4[%mul3A_97, %dma_wait3A_123] : memref<50000x128xf32, #tpu.memory_space<hbm>> -> memref<16x128xf32, #tpu.memory_space<hbm>>
      %dma_wait3A_125 = arith.constant 0 : i32
      %dma_wait3A_126 = arith.constant 0 : i32
      %dma_wait3A_127 = tpu.memref_slice %arg7[%cond3A_114, %dma_wait3A_125, %dma_wait3A_126] : memref<2x32x128xf32, #tpu.memory_space<vmem>> -> memref<1x16x128xf32, #tpu.memory_space<vmem>>
      %dma_wait3A_128 = tpu.memref_squeeze %dma_wait3A_127 : memref<1x16x128xf32, #tpu.memory_space<vmem>> -> memref<16x128xf32, #tpu.memory_space<vmem>>
      tpu.wait_dma2 semaphore(%arg13 : memref<!tpu.dma_semaphore, #tpu.memory_space<semaphore_mem>>) src(%dma_wait3A_128 : memref<16x128xf32, #tpu.memory_space<vmem>>) dst(%dma_wait3A_124 : memref<16x128xf32, #tpu.memory_space<hbm>>)
    } else {
    }
    return
  }
}

</mosaic_0001>

<sc_bundles>
// kernel: kernel.3.cloned.1.call-start
scs
__scs_entry_jumppad:
0x0: {  	(pc) =	sbr.rel $0x88, $3  }
0x1: {  	(tag) =	ssettag $0x0;
	lr =	simm.s32 $0x1  }
0x2: {  	[smem:$0x3F9E] =	sst lr;
	_ =	strace $0xD0000000  }
0x3: {  	_ = 	snop  }
0x4: {  	_ = 	snop  }
0x5: {  	_ = 	snop  }
0x6: {  	_ = 	snop  }
0x7: {  	_ = 	snop  }
__scs_overlays_trampoline_lowered:
0x8: {  	[smem:$0x3FAD] =	sst s0  }
0x9: {  	[smem:$0x3FAE] =	sst s1  }
0xa: {  	[smem:$0x3FAF] =	sst s2  }
0xb: {  	[smem:$0x3FB0] =	sst s3  }
0xc: {  	[smem:$0x3FB1] =	sst s4  }
0xd: {  	[smem:$0x3FB2] =	sst s5  }
0xe: {  	[smem:$0x3FB3] =	sst s6  }
0xf: {  	[smem:$0x3FB4] =	sst s7  }
0x10: {  	[smem:$0x3FB5] =	sst s8  }
0x11: {  	[smem:$0x3FB6] =	sst s9;
	s0 =	simm.s32 @!p0 $0x0  }
0x12: {  	s1 =	sld [smem:$0x3F9C];
	s0 =	simm.s32 @p0 $0x1  }
0x13: {  	[smem:$0x3FB7] =	sst s0;
	s0 =	simm.s32 @!p1 $0x0  }
0x14: {  	s2 =	sld [smem:$0x3F9B];
	s0 =	simm.s32 @p1 $0x1  }
0x15: {  	[smem:$0x3FB8] =	sst s0;
	s0 =	simm.s32 @!p2 $0x0  }
0x16: {  	s3 =	sld [smem:$0x3FDB];
	s0 =	simm.s32 @p2 $0x1  }
0x17: {  	s4 =	simm.s32 $0x1BF5;
	[smem:$0x3FBA] =	sst s0  }
0x18: {  	s0 =	sld [smem:$0x3F9D];
	_ =	swait.ge [sflag:s4], $0x0  }
0x19: {  	s7 =	sld [smem:$0x3F9E]  }
0x1a: {  	s8 =	sadd.s32 $0xFFFFE003, lr  }
0x1b: {  	s9 =	sadd.s32 $0xFFFFFEF7, lr;
	s5 =	simm.s32 $0xFFFFFFFF;
	p2 =	slt.u32 s8, $0xFFFFF086  }
0x1c: {  	p1 =	slt.u32 s9, $0xF7A;
	s5 =	simm.s32 @!p2 $0x0  }
0x1d: {  	s5 =	simm.s32 @p1 $0x1;
	p0 =	seq.s32 s7, s2  }
0x1e: {  	s7 =	smul.u32 @!p0 $0xF7A, s2;
	p2 =	seq.s32 @!p0 s5, $0x0  }
0x1f: {  	s9 =	smul.u32 $0xF7A, s1;
	s8 =	simm.s32 @!p0 $0x1BF5;
	p2 =	por !p2, p0  }
0x20: {  	[sflag:s8] =	ssyncset.s32 @!p0 $0xFFFFF086;
	s6 =	sadd.s32 @!p0 s3, s7;
	s7 =	simm.s32 @!p0 $0x108  }
0x21: {  	s3 =	sadd.s32 s3, s9;
	s6 =	sadd.s32 @!p0 $0x88, s6;
	s7 =	simm.s32 @p2 $0x1082  }
0x22: {  	[simem:s7], [sflag:s8] =	dma.local @!p0 [hbm:s6], $0xF7A  }
0x23: {  	s9 =	sor.u32 $0xD0000000, s2;
	s6 =	simm.s32 $0x108;
	_ =	swait.ge @!p0 [sflag:s8], $0x0  }
0x24: {  	s3 =	sadd.s32 $0x88, s3;
	s6 =	simm.s32 @!p1 $0x1082;
	[sflag:s4] =	ssyncset.s32 $0xFFFFF086  }
0x25: {  	[simem:s6], [sflag:s4] =	dma.local [hbm:s3], $0xF7A  }
0x26: {  	[smem:$0x3F9E] =	sst s1;
	(tag) =	ssettag s2;
	_ =	strace s9  }
0x27: {  	s1 =	sld [smem:$0x3FAE]  }
0x28: {  	s2 =	sld [smem:$0x3FAF]  }
0x29: {  	s4 =	sld [smem:$0x3FB1]  }
0x2a: {  	p0 =	seq.s32 s5, $0x0;
	s5 =	sld [smem:$0x3FB2]  }
0x2b: {  	s6 =	sld [smem:$0x3FB3]  }
0x2c: {  	s7 =	sld [smem:$0x3FB4]  }
0x2d: {  	s3 =	simm.s32 $0x108;
	s8 =	sld [smem:$0x3FB5]  }
0x2e: {  	s3 =	simm.s32 @!p0 $0x1082;
	s9 =	sld [smem:$0x3FB6]  }
0x2f: {  	lr =	sadd.s32 s0, s3;
	s0 =	sld [smem:$0x3FAD]  }
0x30: {  	s3 =	sld [smem:$0x3FB0]  }
0x31: {  	[smem:$0x3FB9] =	sst s10  }
0x32: {  	s10 =	sld [smem:$0x3FB7];
	_ =	sdelay $0x3  }
0x33: {  	p0 =	seq.s32 s10, $0x1;
	s10 =	sld [smem:$0x3FB9];
	_ =	sdelay $0x3  }
0x34: {  	[smem:$0x3FB9] =	sst s10  }
0x35: {  	s10 =	sld [smem:$0x3FB8];
	_ =	sdelay $0x3  }
0x36: {  	p1 =	seq.s32 s10, $0x1;
	s10 =	sld [smem:$0x3FB9];
	_ =	sdelay $0x3  }
0x37: {  	[smem:$0x3FB9] =	sst s10  }
0x38: {  	s10 =	sld [smem:$0x3FBA]  }
0x39: {  	_ = 	snop;
	(pc) =	sbr.ind lr, $3  }
0x3a: {  	_ = 	snop  }
0x3b: {  	_ = 	snop  }
0x3c: {  	p2 =	seq.s32 s10, $0x1;
	s10 =	sld [smem:$0x3FB9]  }
0x3d: {  	_ =	shalt  }
0x3e: {  	_ =	shalt  }
0x3f: {  	_ =	shalt  }
0x40: {  	_ =	shalt  }
0x41: {  	_ =	shalt  }
0x42: {  	_ =	shalt  }
0x43: {  	_ =	shalt  }
0x44: {  	_ =	shalt  }
0x45: {  	_ =	shalt  }
0x46: {  	_ =	shalt  }
0x47: {  	_ =	shalt  }
0x48: {  	_ =	shalt  }
0x49: {  	_ =	shalt  }
0x4a: {  	_ =	shalt  }
0x4b: {  	_ =	shalt  }
0x4c: {  	_ =	shalt  }
0x4d: {  	_ =	shalt  }
0x4e: {  	_ =	shalt  }
0x4f: {  	_ =	shalt  }
0x50: {  	_ =	shalt  }
0x51: {  	_ =	shalt  }
0x52: {  	_ =	shalt  }
0x53: {  	_ =	shalt  }
0x54: {  	_ =	shalt  }
0x55: {  	_ =	shalt  }
0x56: {  	_ =	shalt  }
0x57: {  	_ =	shalt  }
0x58: {  	_ =	shalt  }
0x59: {  	_ =	shalt  }
0x5a: {  	_ =	shalt  }
0x5b: {  	_ =	shalt  }
0x5c: {  	_ =	shalt  }
0x5d: {  	_ =	shalt  }
0x5e: {  	_ =	shalt  }
0x5f: {  	_ =	shalt  }
0x60: {  	_ =	shalt  }
0x61: {  	_ =	shalt  }
0x62: {  	_ =	shalt  }
0x63: {  	_ =	shalt  }
0x64: {  	_ =	shalt  }
0x65: {  	_ =	shalt  }
0x66: {  	_ =	shalt  }
0x67: {  	_ =	shalt  }
0x68: {  	_ =	shalt  }
0x69: {  	_ =	shalt  }
0x6a: {  	_ =	shalt  }
0x6b: {  	_ =	shalt  }
0x6c: {  	_ =	shalt  }
0x6d: {  	_ =	shalt  }
0x6e: {  	_ =	shalt  }
0x6f: {  	_ =	shalt  }
0x70: {  	_ =	shalt  }
0x71: {  	_ =	shalt  }
0x72: {  	_ =	shalt  }
0x73: {  	_ =	shalt  }
0x74: {  	_ =	shalt  }
0x75: {  	_ =	shalt  }
0x76: {  	_ =	shalt  }
0x77: {  	_ =	shalt  }
0x78: {  	_ =	shalt  }
0x79: {  	_ =	shalt  }
0x7a: {  	_ =	shalt  }
0x7b: {  	_ =	shalt  }
0x7c: {  	_ =	shalt  }
0x7d: {  	_ =	shalt  }
0x7e: {  	_ =	shalt  }
0x7f: {  	_ =	shalt  }
0x80: {  	_ =	shalt  }
0x81: {  	_ =	shalt  }
0x82: {  	_ =	shalt  }
0x83: {  	_ =	shalt  }
0x84: {  	_ =	shalt  }
0x85: {  	_ =	shalt  }
0x86: {  	_ =	shalt  }
0x87: {  	_ =	shalt  }
.Lfunc_end0:
.L_simem_size_0:
called_computation_lowered:
.L_overlay_start_0:
0x88: {  	s2 =	sld [smem:$0x3FD9]  }
0x89: {  	s3 =	sld [smem:$0x3FFE];
	_ =	sdelay $0x1  }
0x8a: {  	s1 =	srdreg.scid  }
0x8b: {  	s0 =	sand.u32 $0x1, s1  }
0x8c: {  	s17 =	sshll.u32 s0, $0xA;
	s2 =	sadd.s32 s3, s2  }
0x8d: {  	s2 =	sadd.s32 s2, s17  }
0x8e: {  	[smem:$0x3FC5] =	sst s2  }
0x8f: {  	_ = 	snop  }
0x90: {  	s2 =	sld [smem:$0x3FC7]  }
0x91: {  	s18 =	sld [smem:$0x3FD0];
	(tm) =	ssettm $0x1  }
0x92: {  	s4 =	sld [smem:$0x3FFB];
	_ =	sdelay $0x3  }
0x93: {  	_ =	strace s4  }
0x94: {  	s4 =	sld [smem:$0x3FFC];
	_ =	sdelay $0x3  }
0x95: {  	_ =	strace s4  }
0x96: {  	s4 =	sld [smem:$0x3FFD];
	_ =	sdelay $0x3  }
0x97: {  	_ =	strace s4  }
0x98: {  	_ =	strace $0x8FFFFFFF  }
0x99: {  	s19 =	sld [smem:$0x3FDB];
	_ =	sdelay $0x1  }
0x9a: {  	s5 =	simm.s32 $_scs_section_size  }
0x9b: {  	s6 =	simm.s32 $_size__tile_overlayer_lowered;
	s7 =	simm.s32 $_tile_overlayer_lowered  }
0x9c: {  	s22 =	simm.s32 $0x1BFF;
	s21 =	sshll.u32 s7, $0x1;
	s4 =	sadd.s32 s5, s19  }
0x9d: {  	s8 =	simm.s32 $0x0;
	s20 =	sshll.u32 s6, $0x1;
	s6 =	sadd.s32 s21, s4  }
0x9e: {  	[timem:s8], [sflag:s22] =	dma.local [hbm:s6], s20  }
0x9f: {  	_ =	swait.ge [sflag:s22], s20  }
0xa0: {  	s5 =	ssub.s32 $0x0, s20;
	[sflag:s22] =	ssyncset.done $0x0  }
0xa1: {  	[sflag:s22] =	ssyncadd.s32 s5;
	_ =	sdelay $0x1  }
0xa2: {  	s23 =	simm.s32 $0x1B8B  }
0xa3: {  	_ =	swait.ge [sflag:s23], $0x1  }
0xa4: {  	[sflag:s23] =	ssyncset.done $0x0  }
0xa5: {  	s25 =	simm.s32 $0x1B8E;
	s24 =	sld [smem:$0x3FFE];
	[sflag:s23] =	ssyncadd.s32 $0xFFFFFFFF  }
0xa6: {  	s26 =	simm.s32 $execute0_lowered;
	[smem:$0x3FD2] =	sst s25  }
0xa7: {  	s6 =	sshll.u32 s26, $0x1;
	_ =	strace $0x80000046;
	[dreg:$0x1] =	wrdreg $0xFFFFFFFF  }
0xa8: {  	s28 =	simm.s32 $_size_execute0_lowered;
	s4 =	sadd.s32 s4, s6;
	[dreg:$0x0] =	wrdreg $0x0  }
0xa9: {  	s6 =	sshll.u32 s28, $0x1;
	[dreg:$0x2] =	wrdreg s4  }
0xaa: {  	[dreg:$0x3] =	wrdreg s6  }
0xab: {  	[dreg:$0x4] =	wrdreg $0xC0  }
0xac: {  	_ =	task [dreg:s8], $0x5FFFF  }
0xad: {  	[dreg:$0x1] =	wrdreg $0xFFFFFFFF  }
0xae: {  	[dreg:$0x0] =	wrdreg $0x60  }
0xaf: {  	[dreg:$0x2] =	wrdreg s24  }
0xb0: {  	[dreg:$0x3] =	wrdreg s2  }
0xb1: {  	[dreg:$0x4] =	wrdreg s18  }
0xb2: {  	[dreg:$0x5] =	wrdreg $0x9  }
0xb3: {  	_ =	task.clear_ibuf [dreg:s8], $0x6FFFF;
	_ =	strace $0x90000046  }
0xb4: {  	s29 =	simm.s32 $0x9;
	_ =	strace $0x80000048  }
0xb5: {  	_ =	swait.ge [sflag:s29], $0x1  }
0xb6: {  	[sflag:s29] =	ssyncadd.s32 $0xFFFFFFFF  }
0xb7: {  	_ =	strace $0x90000048  }
0xb8: {  	_ =	sfence  }
0xb9: {  	s30 =	sld [smem:$0x0];
	_ =	sdelay $0x2  }
0xba: {  	s31 =	sshll.u32 s1, $0xD;
	s1 =	sshrl.u32 s1, $0x2  }
0xbb: {  	s3 =	sand.u32 $0x4000, s31;
	s1 =	sadd.s32 s1, s30  }
0xbc: {  	s0 =	sor.u32 s3, s0;
	s1 =	sshll.u32 s1, $0x11  }
0xbd: {  	s0 =	sor.u32 s1, s0  }
0xbe: {  	s0 =	sadd.s32 $0x8F2B, s0  }
0xbf: {  	[sflag:s0] =	ssyncadd.remote.s32 $0x1  }
0xc0: {  	_ =	sfence.sel $0xFFFF  }
0xc1: {  	[dreg:$0x0] =	wrdreg $0xFFFFFFFF;
	(pc) =	sbr.abs _section_cstart, $3  }
0xc2: {  	[dreg:$0x1] =	wrdreg $0xFFFFFFFF  }
0xc3: {  	_ =	task.clear_ibuf [dreg:s8], $0x2FFFF;
	_ =	strace $0x9FFFFFFF  }
0xc4: {  	(tm) =	ssettm $0x7FFFFFFF  }
0xc5: {  	_ =	shalt  }
tec
execute0_lowered:
.L_overlay_start_1:
0x0: {  	(tag) =	ssettag $0x1  }
0x1: {  	s1 =	rddreg [dreg:$0x0];
	s0 =	stileid.u32  }
0x2: {  	s3 =	srdreg.scid;
	s2 =	rddreg [dreg:$0x1]  }
0x3: {  	s5 =	simm.s32 $0x0;
	s15 =	simm.s32 $0x1;
	s4 =	smul.u32 $0xE, s0  }
0x4: {  	s16 =	simm.s32 $0x160;
	s6 =	sand.u32 $0x1, s3;
	s7 =	smul.u32 $0x54, s0  }
0x5: {  	s17 =	simm.s32 $0x300;
	p0 =	seq.s32 s6, $0x0;
	s4 =	sadd.s32 $0x540, s4  }
0x6: {  	s18 =	simm.s32 $0x3;
	s19 =	simm.s32 $0x4;
	s4 =	smov.u32 @p0 s7  }
0x7: {  	s3 =	rddreg [dreg:$0x2];
	s8 =	ssub.s32 $0x2, s6;
	s7 =	smul.u32 $0x160, s4  }
0x8: {  	[smem:$0x7FF] =	sst s5;
	s6 =	sadd.s32 $0x400, s1;
	s30 =	sshrl.u32 s8, $0x1  }
0x9: {  	s10 =	smul.u32 $0x2C, s4;
	s9 =	sshrl.u32 s7, $0x3;
	s7 =	simm.s32 $0x54  }
0xa: {  	s1 =	ssub.s32 s8, s30;
	s9 =	sadd.s32 s6, s9;
	s7 =	simm.s32 @!p0 $0xE  }
0xb: {  	s8 =	sadd.s32 $0x2C, s9;
	s9 =	sadd.s32 s6, s10;
	s10 =	sadd.s32 $0x7FFFFFE, s4  }
0xc: {  	_ =	strace $0x80000047;
	s11 =	sadd.s32 $0x7FFFFFF, s4;
	s13 =	sadd.s32 s7, s10  }
0xd: {  	s31 =	sshll.u32 s4, $0xE;
	s14 =	sadd.s32 s7, s11;
	s20 =	sshll.u32 s13, $0x5  }
0xe: {  	s12 =	sshrl.u32 s7, $0x1;
	s21 =	sshll.u32 s14, $0x5;
	p0 =	sgt.u32 s20, $0xC330  }
0xf: {  	s14 =	sadd.s32 $0xFE796200, s31;
	s13 =	smax.u32 s1, $0x1;
	p1 =	sgt.u32 @p0 s20, $0xC34F  }
0x10: {  	p2 =	sgt.u32 s21, $0xC330;
	s20 =	simm.s32 $0x0;
	p1 =	por p1, !p0  }
.LBB2_1:
0x11: {  	[tilespmem:s5], [sflag:$0x1] =	stream.linear.gather [hbm4b:s9+s5], $0x160, $0x38;
	[tilespmem:$0x18300] =	vst v63  }
0x12: {  	_ =	swait.ge [sflag:s15], $0x160  }
0x13: {  	[sflag:s15] =	ssyncset.done $0x0  }
0x14: {  	[sflag:s15] =	ssyncadd.s32 $0xFFFFFEA0  }
0x15: {  	[tilespmem:s17], [sflag:$0x3] =	stream.indirect.gather [hbm4b:s2+s16], $0x80, s5, s16, $0xb8;
	[tilespmem:$0x18300] =	vst v63  }
0x16: {  	s21 =	smov.u32 s14;
	s22 =	simm.s32 $0x0  }
0x17: {  	[tilespmem:s16], [sflag:$0x2] =	stream.linear.gather [hbm4b:s8+s5], $0x160, $0x38;
	[tilespmem:$0x18300] =	vst v63  }
.LBB2_2:
0x18: {  	s23 =	sshllo.u32 s22, $0x1  }
0x19: {  	p3 =	sge.u32 s23, s7  }
0x1a: {  	s1 =	simm.s32 @!p3 $0x2  }
0x1b: {  	_ =	swait.ge @!p3 [sflag:s1], $0x160  }
0x1c: {  	s24 =	sshll.u32 s22, $0x1;
	[sflag:s1] =	ssyncset.done @!p3 $0x0  }
0x1d: {  	s25 =	simm.s32 @!p3 $0xB300;
	[sflag:s1] =	ssyncadd.s32 @!p3 $0xFFFFFEA0;
	s1 =	simm.s32 @!p3 $0x160  }
0x1e: {  	[tilespmem:s25], [sflag:$0x4] =	stream.indirect.gather @!p3 [hbm4b:s2+s1], $0x80, s1, s1, $0xb8;
	[tilespmem:$0x18300] =	vst v63  }
0x1f: {  	s1 =	sadd.s32 $0x2, s24  }
0x20: {  	p4 =	sge.u32 s1, s7  }
0x21: {  	s1 =	sadd.s32 @!p4 s4, s1  }
0x22: {  	_ =	swait.ge [sflag:s18], $0xB000;
	s1 =	smul.u32 @!p4 $0x2C, s1  }
0x23: {  	p3 =	seq.s32 s22, $0x0;
	[sflag:s18] =	ssyncset.done $0x0  }
0x24: {  	s25 =	simm.s32 @!p4 $0x0;
	[sflag:s18] =	ssyncadd.s32 $0xFFFF5000;
	s1 =	sadd.s32 @!p4 s6, s1  }
0x25: {  	[tilespmem:s25], [sflag:$0x1] =	stream.linear.gather @!p4 [hbm4b:s1+s25], $0x160, $0x38;
	[tilespmem:$0x18300] =	vst v63  }
0x26: {  	s1 =	sadd.s32 @!p3 s24, s10  }
0x27: {  	s1 =	sshll.u32 @!p3 s1, $0x5  }
0x28: {  	p5 =	sgt.s32 @!p3 s1, $0xC330  }
0x29: {  	p6 =	por !p5, p3  }
0x2a: {  	p6 =	sgt.u32 @!p6 s1, $0xC34F  }
0x2b: {  	p6 =	por @!p3 p6, !p5  }
0x2c: {  	p6 =	por p6, p3  }
0x2d: {  	s1 =	simm.s32 @!p6 $0x5  }
0x2e: {  	_ =	swait.ge @!p6 [sflag:s1], $0x800  }
0x2f: {  	p5 =	por p5, p3;
	[sflag:s1] =	ssyncset.done @!p6 $0x0  }
0x30: {  	[sflag:s1] =	ssyncadd.s32 @!p6 $0xFFFFF800;
	s1 =	simm.s32 @!p5 $0x5  }
0x31: {  	_ =	swait.ge @!p5 [sflag:s1], $0x1000  }
0x32: {  	[sflag:s1] =	ssyncset.done @!p5 $0x0  }
0x33: {  	s26 =	simm.s32 $0x0;
	[sflag:s1] =	ssyncadd.s32 @!p5 $0xFFFFF000  }
0x34: {  	v0 =	vld [tilespmem:s26+$0x370]  }
0x35: {  	v1 =	vld [tilespmem:s26+$0x1370]  }
0x36: {  	v2 =	vld [tilespmem:s26+$0x300]  }
0x37: {  	v3 =	vld [tilespmem:s26+$0x2370]  }
0x38: {  	v4 =	vld [tilespmem:s26+$0x1300]  }
0x39: {  	v5 =	vld [tilespmem:s26+$0x3370]  }
0x3a: {  	v6 =	vld [tilespmem:s26+$0x310]  }
0x3b: {  	v7 =	vld [tilespmem:s26+$0x1310]  }
0x3c: {  	v8 =	vld [tilespmem:s26+$0x320]  }
0x3d: {  	v9 =	vld [tilespmem:s26+$0x1320]  }
0x3e: {  	v10 =	vld [tilespmem:s26+$0x330]  }
0x3f: {  	v11 =	vld [tilespmem:s26+$0x1330]  }
0x40: {  	v12 =	vld [tilespmem:s26+$0x340]  }
0x41: {  	v13 =	vld [tilespmem:s26+$0x350]  }
0x42: {  	v14 =	vld [tilespmem:s26+$0x1350]  }
0x43: {  	v15 =	vld [tilespmem:s26+$0x1360]  }
0x44: {  	v16 =	vld [tilespmem:s26+$0x2300]  }
0x45: {  	v17 =	vld [tilespmem:s26+$0x2310]  }
0x46: {  	v18 =	vld [tilespmem:s26+$0x2330]  }
0x47: {  	v19 =	vld [tilespmem:s26+$0x2350]  }
0x48: {  	v20 =	vld [tilespmem:s26+$0x2360]  }
0x49: {  	v21 =	vld [tilespmem:s26+$0x3300]  }
0x4a: {  	v22 =	vld [tilespmem:s26+$0x3310]  }
0x4b: {  	v23 =	vld [tilespmem:s26+$0x3320]  }
0x4c: {  	v24 =	vld [tilespmem:s26+$0x3330]  }
0x4d: {  	v25 =	vld [tilespmem:s26+$0x3340]  }
0x4e: {  	v26 =	vld [tilespmem:s26+$0x3350]  }
0x4f: {  	v27 =	vld [tilespmem:s26+$0x3360]  }
0x50: {  	v28 =	vld [tilespmem:s26+$0x4300]  }
0x51: {  	v29 =	vld [tilespmem:s26+$0x4310]  }
0x52: {  	v30 =	vld [tilespmem:s26+$0x4320]  }
0x53: {  	v31 =	vld [tilespmem:s26+$0x4330]  }
0x54: {  	v32 =	vld [tilespmem:s26+$0x4340]  }
0x55: {  	v33 =	vld [tilespmem:s26+$0x4350]  }
0x56: {  	v34 =	vld [tilespmem:s26+$0x4360]  }
0x57: {  	v35 =	vld [tilespmem:s26+$0x5300]  }
0x58: {  	v36 =	vld [tilespmem:s26+$0x5310]  }
0x59: {  	v37 =	vld [tilespmem:s26+$0x5320]  }
0x5a: {  	v38 =	vld [tilespmem:s26+$0x5330]  }
0x5b: {  	v39 =	vld [tilespmem:s26+$0x5340]  }
0x5c: {  	v40 =	vld [tilespmem:s26+$0x5350]  }
0x5d: {  	v41 =	vld [tilespmem:s26+$0x5360]  }
0x5e: {  	v42 =	vld [tilespmem:s26+$0x6300]  }
0x5f: {  	v43 =	vld [tilespmem:s26+$0x6310];
	v0 =	vadd.f32 v1, v0  }
0x60: {  	v1 =	vld [tilespmem:s26+$0x4370]  }
0x61: {  	v44 =	vld [tilespmem:s26+$0x6320];
	v0 =	vadd.f32 v3, v0  }
0x62: {  	v3 =	vld [tilespmem:s26+$0x5370]  }
0x63: {  	v63 =	vld [tilespmem:s26+$0x6360];
	v0 =	vadd.f32 v5, v0  }
0x64: {  	v5 =	vld [tilespmem:s26+$0x6370]  }
0x65: {  	v45 =	vld [tilespmem:s26+$0x7320];
	v0 =	vadd.f32 v1, v0  }
0x66: {  	v1 =	vld [tilespmem:s26+$0x7370]  }
0x67: {  	v46 =	vld [tilespmem:s26+$0x7330];
	v0 =	vadd.f32 v3, v0  }
0x68: {  	v2 =	vadd.f32 v4, v2;
	v3 =	vld [tilespmem:s26+$0x8370]  }
0x69: {  	v47 =	vld [tilespmem:s26+$0x7340];
	v4 =	vadd.f32 v7, v6;
	v0 =	vadd.f32 v5, v0  }
0x6a: {  	v7 =	vadd.f32 v9, v8;
	v8 =	vadd.f32 v11, v10;
	v5 =	vld [tilespmem:s26+$0x9370]  }
0x6b: {  	v48 =	vld [tilespmem:s26+$0x7350];
	v10 =	vadd.f32 v14, v13;
	v0 =	vadd.f32 v1, v0  }
0x6c: {  	v49 =	vld [tilespmem:s26+$0x7360];
	v2 =	vadd.f32 v16, v2;
	v4 =	vadd.f32 v17, v4  }
0x6d: {  	v50 =	vld [tilespmem:s26+$0x8300];
	v8 =	vadd.f32 v18, v8;
	v0 =	vadd.f32 v3, v0  }
0x6e: {  	s25 =	sadd.s32 $0x0, s21;
	v10 =	vadd.f32 v19, v10;
	v2 =	vadd.f32 v21, v2;
	v3 =	vld [tilespmem:s26+$0xA370]  }
0x6f: {  	p5 =	seq.s32 s25, $0x0;
	s1 =	simm.f32 $1.000000000e+00;
	v51 =	vld [tilespmem:s26+$0x8310];
	v4 =	vadd.f32 v22, v4;
	v0 =	vadd.f32 v5, v0  }
0x70: {  	s1 =	simm.s32 @!p5 $0x3DCCCCCD;
	v8 =	vadd.f32 v24, v8;
	v10 =	vadd.f32 v26, v10;
	v5 =	vld [tilespmem:s26+$0x360]  }
0x71: {  	v6 =	vld [tilespmem:s26+$0x6330];
	v2 =	vadd.f32 v28, v2;
	v4 =	vadd.f32 v29, v4;
	v0 =	vmul.f32 s1, v0  }
0x72: {  	v8 =	vadd.f32 v31, v8;
	v10 =	vadd.f32 v33, v10;
	v1 =	vld [tilespmem:s26+$0x1340]  }
0x73: {  	v2 =	vadd.f32 v35, v2;
	v0 =	vadd.f32 v0, v3;
	v3 =	vld [tilespmem:s26+$0x2320]  }
0x74: {  	v52 =	vld [tilespmem:s26+$0x8320];
	v4 =	vadd.f32 v36, v4;
	v8 =	vadd.f32 v38, v8  }
0x75: {  	v10 =	vadd.f32 v40, v10;
	v5 =	vadd.f32 v15, v5;
	[tilespmem:s26+$0x16370] =	vst v0;
	v0 =	vld [tilespmem:s26+$0x2340]  }
0x76: {  	v53 =	vld [tilespmem:s26+$0x8330];
	v2 =	vadd.f32 v42, v2;
	v4 =	vadd.f32 v43, v4  }
0x77: {  	v54 =	vld [tilespmem:s26+$0x8340];
	v6 =	vadd.f32 v6, v8;
	v5 =	vadd.f32 v20, v5  }
0x78: {  	v1 =	vadd.f32 v1, v12;
	v3 =	vadd.f32 v3, v7;
	v7 =	vld [tilespmem:s26+$0x7300]  }
0x79: {  	v55 =	vld [tilespmem:s26+$0x8350];
	v6 =	vadd.f32 v46, v6;
	v5 =	vadd.f32 v27, v5  }
0x7a: {  	v0 =	vadd.f32 v0, v1;
	v1 =	vld [tilespmem:s26+$0x7310];
	v3 =	vadd.f32 v23, v3  }
0x7b: {  	v56 =	vld [tilespmem:s26+$0x8360];
	v6 =	vadd.f32 v53, v6;
	v5 =	vadd.f32 v34, v5  }
0x7c: {  	v57 =	vld [tilespmem:s26+$0x9300];
	v0 =	vadd.f32 v25, v0;
	v3 =	vadd.f32 v30, v3  }
0x7d: {  	v9 =	vld [tilespmem:s26+$0x6340];
	v5 =	vadd.f32 v41, v5;
	v2 =	vadd.f32 v7, v2  }
0x7e: {  	v11 =	vld [tilespmem:s26+$0x6350];
	v0 =	vadd.f32 v32, v0;
	v3 =	vadd.f32 v37, v3  }
0x7f: {  	v58 =	vld [tilespmem:s26+$0x9360];
	v5 =	vadd.f32 v63, v5;
	v1 =	vadd.f32 v1, v4  }
0x80: {  	v8 =	vld [tilespmem:s26+$0x9310];
	v2 =	vadd.f32 v50, v2;
	v0 =	vadd.f32 v39, v0  }
0x81: {  	v59 =	vld [tilespmem:s26+$0xA300];
	v3 =	vadd.f32 v44, v3;
	v5 =	vadd.f32 v49, v5  }
0x82: {  	v4 =	vld [tilespmem:s26+$0x9330];
	v1 =	vadd.f32 v51, v1;
	v2 =	vadd.f32 v57, v2  }
0x83: {  	v0 =	vadd.f32 v9, v0;
	v9 =	vadd.f32 v11, v10;
	v10 =	vld [tilespmem:s26+$0x9320]  }
0x84: {  	v7 =	vld [tilespmem:s26+$0x9340];
	v3 =	vadd.f32 v45, v3;
	v5 =	vadd.f32 v56, v5  }
0x85: {  	v11 =	vld [tilespmem:s26+$0x9350];
	v8 =	vadd.f32 v8, v1;
	v0 =	vadd.f32 v47, v0  }
0x86: {  	v61 =	vld [tilespmem:s26+$0xA310];
	v9 =	vadd.f32 v48, v9;
	v3 =	vadd.f32 v52, v3  }
0x87: {  	v62 =	vld [tilespmem:s26+$0xA320];
	v6 =	vadd.f32 v4, v6;
	v60 =	vadd.f32 v54, v0  }
0x88: {  	v9 =	vadd.f32 v55, v9;
	v0 =	vld [tilespmem:s26+$0xA330];
	v3 =	vadd.f32 v10, v3;
	v10 =	vmul.f32 s1, v2  }
0x89: {  	v1 =	vld [tilespmem:s26+$0xA340];
	v12 =	vadd.f32 v58, v5;
	v8 =	vmul.f32 s1, v8;
	v7 =	vadd.f32 v7, v60  }
0x8a: {  	v2 =	vld [tilespmem:s26+$0xA350];
	v11 =	vadd.f32 v11, v9;
	v63 =	vmul.f32 s1, v3;
	v10 =	vadd.f32 v10, v59  }
0x8b: {  	s31 =	simm.s32 $0x80;
	s25 =	sadd.s32 s4, s24;
	v4 =	vld [tilespmem:s26+$0xA360];
	v6 =	vmul.f32 s1, v6;
	v9 =	vadd.f32 v8, v61;
	v5 =	vmul.f32 s1, v7  }
0x8c: {  	s29 =	simm.s32 $0x200;
	s30 =	simm.s32 $0x400;
	s28 =	sshll.u32 s25, $0x5;
	v3 =	vld [tilespmem:s31+$0x370];
	v8 =	vmul.f32 s1, v11;
	v7 =	vmul.f32 s1, v12;
	[tilespmem:s26+$0x16300] =	vst v10;
	v10 =	vadd.f32 v63, v62  }
.LBB2_3:
0x8d: {  	p5 =	sne.s32 s30, $0x3E00;
	v11 =	vld [tilespmem:s31+$0x1370];
	[tilespmem:s26+$0x16310] =	vst v9;
	v0 =	vadd.f32 v6, v0  }
0x8e: {  	v6 =	vld [tilespmem:s31+$0x300];
	[tilespmem:s26+$0x16320] =	vst v10;
	v1 =	vadd.f32 v5, v1  }
0x8f: {  	v5 =	vld [tilespmem:s31+$0x2370];
	[tilespmem:s26+$0x16330] =	vst v0;
	v0 =	vadd.f32 v8, v2  }
0x90: {  	v2 =	vld [tilespmem:s31+$0x1300];
	[tilespmem:s26+$0x16340] =	vst v1;
	v1 =	vadd.f32 v7, v4  }
0x91: {  	v4 =	vld [tilespmem:s31+$0x3370];
	[tilespmem:s26+$0x16350] =	vst v0  }
0x92: {  	v0 =	vld [tilespmem:s31+$0x310];
	v3 =	vadd.f32 v11, v3;
	[tilespmem:s26+$0x16360] =	vst v1;
	s26 =	smov.u32 s31  }
0x93: {  	v1 =	vld [tilespmem:s26+$0x4370]  }
0x94: {  	v7 =	vld [tilespmem:s26+$0x1310];
	v3 =	vadd.f32 v5, v3  }
0x95: {  	v2 =	vadd.f32 v2, v6;
	v5 =	vld [tilespmem:s26+$0x5370]  }
0x96: {  	v6 =	vld [tilespmem:s26+$0x320];
	v3 =	vadd.f32 v4, v3  }
0x97: {  	v4 =	vld [tilespmem:s26+$0x6370]  }
0x98: {  	v8 =	vld [tilespmem:s26+$0x1320];
	v1 =	vadd.f32 v1, v3  }
0x99: {  	v0 =	vadd.f32 v7, v0;
	v3 =	vld [tilespmem:s26+$0x7370]  }
0x9a: {  	v7 =	vld [tilespmem:s26+$0x330];
	v1 =	vadd.f32 v5, v1  }
0x9b: {  	v5 =	vld [tilespmem:s26+$0x8370]  }
0x9c: {  	v9 =	vld [tilespmem:s26+$0x1330];
	v1 =	vadd.f32 v4, v1  }
0x9d: {  	v4 =	vadd.f32 v8, v6;
	v6 =	vld [tilespmem:s26+$0x9370]  }
0x9e: {  	v8 =	vld [tilespmem:s26+$0x340];
	v1 =	vadd.f32 v3, v1  }
0x9f: {  	v3 =	vld [tilespmem:s26+$0x1340]  }
0xa0: {  	v10 =	vld [tilespmem:s26+$0x350];
	v1 =	vadd.f32 v5, v1  }
0xa1: {  	s1 =	sadd.s32 s29, s21;
	s29 =	smov.u32 s30;
	v5 =	vadd.f32 v9, v7;
	v7 =	vld [tilespmem:s26+$0xA370]  }
0xa2: {  	p6 =	seq.s32 s1, $0x0;
	s1 =	simm.f32 $1.000000000e+00;
	v9 =	vld [tilespmem:s26+$0x1350];
	v1 =	vadd.f32 v6, v1  }
0xa3: {  	s1 =	simm.s32 @!p6 $0x3DCCCCCD;
	v6 =	vld [tilespmem:s26+$0x360]  }
0xa4: {  	v3 =	vadd.f32 v3, v8;
	v8 =	vld [tilespmem:s26+$0x1360];
	v1 =	vmul.f32 s1, v1  }
0xa5: {  	v11 =	vld [tilespmem:s26+$0x2300]  }
0xa6: {  	v12 =	vld [tilespmem:s26+$0x2310];
	v1 =	vadd.f32 v1, v7  }
0xa7: {  	v7 =	vld [tilespmem:s26+$0x2320];
	v9 =	vadd.f32 v9, v10  }
0xa8: {  	v10 =	vld [tilespmem:s26+$0x2330];
	[tilespmem:s26+$0x16370] =	vst v1  }
0xa9: {  	v1 =	vld [tilespmem:s26+$0x2340];
	v6 =	vadd.f32 v8, v6  }
0xaa: {  	v2 =	vadd.f32 v11, v2;
	v8 =	vld [tilespmem:s26+$0x2350]  }
0xab: {  	v0 =	vadd.f32 v12, v0;
	v11 =	vld [tilespmem:s26+$0x2360]  }
0xac: {  	v12 =	vld [tilespmem:s26+$0x3300];
	v4 =	vadd.f32 v7, v4  }
0xad: {  	v7 =	vld [tilespmem:s26+$0x3310];
	v5 =	vadd.f32 v10, v5  }
0xae: {  	v10 =	vld [tilespmem:s26+$0x3320];
	v1 =	vadd.f32 v1, v3  }
0xaf: {  	v3 =	vld [tilespmem:s26+$0x3330];
	v8 =	vadd.f32 v8, v9  }
0xb0: {  	v9 =	vld [tilespmem:s26+$0x3340];
	v6 =	vadd.f32 v11, v6  }
0xb1: {  	v2 =	vadd.f32 v12, v2;
	v11 =	vld [tilespmem:s26+$0x3350]  }
0xb2: {  	v0 =	vadd.f32 v7, v0;
	v7 =	vld [tilespmem:s26+$0x3360]  }
0xb3: {  	v12 =	vld [tilespmem:s26+$0x4300];
	v4 =	vadd.f32 v10, v4  }
0xb4: {  	v10 =	vld [tilespmem:s26+$0x4310];
	v3 =	vadd.f32 v3, v5  }
0xb5: {  	v5 =	vld [tilespmem:s26+$0x4320];
	v1 =	vadd.f32 v9, v1  }
0xb6: {  	v9 =	vld [tilespmem:s26+$0x4330];
	v8 =	vadd.f32 v11, v8  }
0xb7: {  	v11 =	vld [tilespmem:s26+$0x4340];
	v6 =	vadd.f32 v7, v6  }
0xb8: {  	v2 =	vadd.f32 v12, v2;
	v7 =	vld [tilespmem:s26+$0x4350]  }
0xb9: {  	v0 =	vadd.f32 v10, v0;
	v10 =	vld [tilespmem:s26+$0x4360]  }
0xba: {  	v12 =	vld [tilespmem:s26+$0x5300];
	v4 =	vadd.f32 v5, v4  }
0xbb: {  	v5 =	vld [tilespmem:s26+$0x5310];
	v3 =	vadd.f32 v9, v3  }
0xbc: {  	v9 =	vld [tilespmem:s26+$0x5320];
	v1 =	vadd.f32 v11, v1  }
0xbd: {  	v11 =	vld [tilespmem:s26+$0x5330];
	v7 =	vadd.f32 v7, v8  }
0xbe: {  	v8 =	vld [tilespmem:s26+$0x5340];
	v6 =	vadd.f32 v10, v6  }
0xbf: {  	v2 =	vadd.f32 v12, v2;
	v10 =	vld [tilespmem:s26+$0x5350]  }
0xc0: {  	v0 =	vadd.f32 v5, v0;
	v5 =	vld [tilespmem:s26+$0x5360]  }
0xc1: {  	v12 =	vld [tilespmem:s26+$0x6300];
	v4 =	vadd.f32 v9, v4  }
0xc2: {  	v9 =	vld [tilespmem:s26+$0x6310];
	v3 =	vadd.f32 v11, v3  }
0xc3: {  	v11 =	vld [tilespmem:s26+$0x6320];
	v1 =	vadd.f32 v8, v1  }
0xc4: {  	v8 =	vld [tilespmem:s26+$0x6330];
	v7 =	vadd.f32 v10, v7  }
0xc5: {  	v10 =	vld [tilespmem:s26+$0x6340];
	v5 =	vadd.f32 v5, v6  }
0xc6: {  	v2 =	vadd.f32 v12, v2;
	v6 =	vld [tilespmem:s26+$0x6350]  }
0xc7: {  	v0 =	vadd.f32 v9, v0;
	v9 =	vld [tilespmem:s26+$0x6360]  }
0xc8: {  	v12 =	vld [tilespmem:s26+$0x7300];
	v4 =	vadd.f32 v11, v4  }
0xc9: {  	v11 =	vld [tilespmem:s26+$0x7310];
	v3 =	vadd.f32 v8, v3  }
0xca: {  	v8 =	vld [tilespmem:s26+$0x7320];
	v1 =	vadd.f32 v10, v1  }
0xcb: {  	v10 =	vld [tilespmem:s26+$0x7330];
	v6 =	vadd.f32 v6, v7  }
0xcc: {  	v7 =	vld [tilespmem:s26+$0x7340];
	v5 =	vadd.f32 v9, v5  }
0xcd: {  	v2 =	vadd.f32 v12, v2;
	v9 =	vld [tilespmem:s26+$0x7350]  }
0xce: {  	v0 =	vadd.f32 v11, v0;
	v11 =	vld [tilespmem:s26+$0x7360]  }
0xcf: {  	v12 =	vld [tilespmem:s26+$0x8300];
	v4 =	vadd.f32 v8, v4  }
0xd0: {  	v8 =	vld [tilespmem:s26+$0x8310];
	v3 =	vadd.f32 v10, v3  }
0xd1: {  	v10 =	vld [tilespmem:s26+$0x8320];
	v1 =	vadd.f32 v7, v1  }
0xd2: {  	v7 =	vld [tilespmem:s26+$0x8330];
	v6 =	vadd.f32 v9, v6  }
0xd3: {  	v9 =	vld [tilespmem:s26+$0x8340];
	v5 =	vadd.f32 v11, v5  }
0xd4: {  	v2 =	vadd.f32 v12, v2;
	v11 =	vld [tilespmem:s26+$0x8350]  }
0xd5: {  	v0 =	vadd.f32 v8, v0;
	v8 =	vld [tilespmem:s26+$0x8360]  }
0xd6: {  	v12 =	vld [tilespmem:s26+$0x9300];
	v4 =	vadd.f32 v10, v4  }
0xd7: {  	v10 =	vld [tilespmem:s26+$0x9310];
	v3 =	vadd.f32 v7, v3  }
0xd8: {  	v7 =	vld [tilespmem:s26+$0x9320];
	v1 =	vadd.f32 v9, v1  }
0xd9: {  	v9 =	vld [tilespmem:s26+$0x9330];
	v11 =	vadd.f32 v11, v6  }
0xda: {  	v6 =	vld [tilespmem:s26+$0x9340];
	v8 =	vadd.f32 v8, v5  }
0xdb: {  	v2 =	vadd.f32 v12, v2;
	v5 =	vld [tilespmem:s26+$0x9350]  }
0xdc: {  	v0 =	vadd.f32 v10, v0;
	v10 =	vld [tilespmem:s26+$0x9360]  }
0xdd: {  	v12 =	vld [tilespmem:s26+$0xA300];
	v2 =	vmul.f32 s1, v2;
	v4 =	vadd.f32 v7, v4  }
0xde: {  	v7 =	vld [tilespmem:s26+$0xA310];
	v13 =	vmul.f32 s1, v0;
	v3 =	vadd.f32 v9, v3  }
0xdf: {  	v14 =	vld [tilespmem:s26+$0xA320];
	v15 =	vmul.f32 s1, v4;
	v4 =	vadd.f32 v6, v1  }
.Ltmp0:
0xe0: {  	v0 =	vld [tilespmem:s26+$0xA330];
	v6 =	vmul.f32 s1, v3;
	v3 =	vadd.f32 v5, v11;
	(pc) =	sbr.rel @p5 .LBB2_3-.Ltmp0, $4  }
0xe1: {  	v1 =	vld [tilespmem:s26+$0xA340];
	v5 =	vmul.f32 s1, v4;
	v10 =	vadd.f32 v10, v8  }
0xe2: {  	v11 =	vadd.f32 v2, v12;
	v2 =	vld [tilespmem:s26+$0xA350];
	v8 =	vmul.f32 s1, v3  }
0xe3: {  	s31 =	sshra.s32 s30, $0x2;
	v9 =	vadd.f32 v13, v7;
	v4 =	vld [tilespmem:s26+$0xA360];
	v7 =	vmul.f32 s1, v10  }
0xe4: {  	s30 =	sadd.s32 $0x200, s30;
	v3 =	vld [tilespmem:s31+$0x370];
	[tilespmem:s26+$0x16300] =	vst v11;
	v10 =	vadd.f32 v15, v14  }
0xe5: {  	v11 =	vld [tilespmem:s31+$0x1370];
	[tilespmem:s26+$0x16310] =	vst v9;
	v0 =	vadd.f32 v6, v0  }
0xe6: {  	v9 =	vld [tilespmem:s31+$0x300];
	[tilespmem:s26+$0x16320] =	vst v10;
	v1 =	vadd.f32 v5, v1  }
0xe7: {  	v6 =	vld [tilespmem:s31+$0x2370];
	[tilespmem:s26+$0x16330] =	vst v0;
	v2 =	vadd.f32 v8, v2  }
0xe8: {  	v0 =	vld [tilespmem:s31+$0x1300];
	[tilespmem:s26+$0x16340] =	vst v1;
	v4 =	vadd.f32 v7, v4  }
0xe9: {  	v1 =	vld [tilespmem:s31+$0x3370];
	[tilespmem:s26+$0x16350] =	vst v2  }
0xea: {  	v2 =	vld [tilespmem:s31+$0x310];
	[tilespmem:s26+$0x16360] =	vst v4  }
0xeb: {  	v4 =	vld [tilespmem:s31+$0x4370]  }
0xec: {  	v5 =	vld [tilespmem:s31+$0x1310]  }
0xed: {  	v7 =	vld [tilespmem:s31+$0x320]  }
0xee: {  	v8 =	vld [tilespmem:s31+$0x1320]  }
0xef: {  	v10 =	vld [tilespmem:s31+$0x330]  }
0xf0: {  	v3 =	vadd.f32 v11, v3;
	v11 =	vld [tilespmem:s31+$0x1330]  }
0xf1: {  	v12 =	vld [tilespmem:s31+$0x340]  }
0xf2: {  	v13 =	vld [tilespmem:s31+$0x350]  }
0xf3: {  	v14 =	vld [tilespmem:s31+$0x1350]  }
0xf4: {  	v15 =	vld [tilespmem:s31+$0x1360]  }
0xf5: {  	v16 =	vld [tilespmem:s31+$0x2300]  }
0xf6: {  	v17 =	vld [tilespmem:s31+$0x2310]  }
0xf7: {  	v18 =	vld [tilespmem:s31+$0x2330]  }
0xf8: {  	v19 =	vld [tilespmem:s31+$0x2350]  }
0xf9: {  	v20 =	vld [tilespmem:s31+$0x2360]  }
0xfa: {  	v21 =	vld [tilespmem:s31+$0x3300]  }
0xfb: {  	v22 =	vld [tilespmem:s31+$0x3310]  }
0xfc: {  	v23 =	vld [tilespmem:s31+$0x3320]  }
0xfd: {  	v24 =	vld [tilespmem:s31+$0x3330]  }
0xfe: {  	v25 =	vld [tilespmem:s31+$0x3340]  }
0xff: {  	v26 =	vld [tilespmem:s31+$0x3350]  }
0x100: {  	v27 =	vld [tilespmem:s31+$0x3360]  }
0x101: {  	v28 =	vld [tilespmem:s31+$0x4300]  }
0x102: {  	v29 =	vld [tilespmem:s31+$0x4310]  }
0x103: {  	v30 =	vld [tilespmem:s31+$0x4320]  }
0x104: {  	v31 =	vld [tilespmem:s31+$0x4330]  }
0x105: {  	v32 =	vld [tilespmem:s31+$0x4340]  }
0x106: {  	v33 =	vld [tilespmem:s31+$0x4350]  }
0x107: {  	v34 =	vld [tilespmem:s31+$0x4360]  }
0x108: {  	v35 =	vld [tilespmem:s31+$0x5300]  }
0x109: {  	v36 =	vld [tilespmem:s31+$0x5310]  }
0x10a: {  	v37 =	vld [tilespmem:s31+$0x5320]  }
0x10b: {  	v38 =	vld [tilespmem:s31+$0x5330]  }
0x10c: {  	v39 =	vld [tilespmem:s31+$0x5340]  }
0x10d: {  	v40 =	vld [tilespmem:s31+$0x5350]  }
0x10e: {  	v41 =	vld [tilespmem:s31+$0x5360]  }
0x10f: {  	v42 =	vld [tilespmem:s31+$0x6300]  }
0x110: {  	v43 =	vld [tilespmem:s31+$0x6310]  }
0x111: {  	v44 =	vld [tilespmem:s31+$0x6320]  }
0x112: {  	v45 =	vld [tilespmem:s31+$0x6360];
	v3 =	vadd.f32 v6, v3  }
0x113: {  	v6 =	vld [tilespmem:s31+$0x5370]  }
0x114: {  	v46 =	vld [tilespmem:s31+$0x7320];
	v1 =	vadd.f32 v1, v3  }
0x115: {  	v3 =	vld [tilespmem:s31+$0x6370]  }
0x116: {  	v47 =	vld [tilespmem:s31+$0x7330];
	v1 =	vadd.f32 v4, v1  }
0x117: {  	v4 =	vld [tilespmem:s31+$0x7370]  }
0x118: {  	v48 =	vld [tilespmem:s31+$0x7340];
	v1 =	vadd.f32 v6, v1  }
0x119: {  	v0 =	vadd.f32 v0, v9;
	v6 =	vld [tilespmem:s31+$0x8370]  }
0x11a: {  	v49 =	vld [tilespmem:s31+$0x7350];
	v2 =	vadd.f32 v5, v2;
	v1 =	vadd.f32 v3, v1  }
0x11b: {  	v7 =	vadd.f32 v8, v7;
	v8 =	vadd.f32 v11, v10;
	v3 =	vld [tilespmem:s31+$0x9370]  }
0x11c: {  	v50 =	vld [tilespmem:s31+$0x7360];
	v10 =	vadd.f32 v14, v13;
	v1 =	vadd.f32 v4, v1  }
0x11d: {  	v51 =	vld [tilespmem:s31+$0x8300];
	v0 =	vadd.f32 v16, v0;
	v2 =	vadd.f32 v17, v2  }
0x11e: {  	v52 =	vld [tilespmem:s31+$0x8310];
	v8 =	vadd.f32 v18, v8;
	v1 =	vadd.f32 v6, v1  }
0x11f: {  	s1 =	sadd.s32 s29, s21;
	v10 =	vadd.f32 v19, v10;
	v0 =	vadd.f32 v21, v0;
	v6 =	vld [tilespmem:s31+$0xA370]  }
0x120: {  	p5 =	seq.s32 s1, $0x0;
	s1 =	simm.f32 $1.000000000e+00;
	v53 =	vld [tilespmem:s31+$0x8320];
	v2 =	vadd.f32 v22, v2;
	v1 =	vadd.f32 v3, v1  }
0x121: {  	s1 =	simm.s32 @!p5 $0x3DCCCCCD;
	v8 =	vadd.f32 v24, v8;
	v10 =	vadd.f32 v26, v10;
	v3 =	vld [tilespmem:s31+$0x360]  }
0x122: {  	v5 =	vld [tilespmem:s31+$0x6330];
	v0 =	vadd.f32 v28, v0;
	v2 =	vadd.f32 v29, v2;
	v1 =	vmul.f32 s1, v1  }
0x123: {  	v4 =	vld [tilespmem:s31+$0x1340];
	v8 =	vadd.f32 v31, v8;
	v10 =	vadd.f32 v33, v10  }
0x124: {  	v0 =	vadd.f32 v35, v0;
	v1 =	vadd.f32 v1, v6;
	v6 =	vld [tilespmem:s31+$0x2320]  }
0x125: {  	v54 =	vld [tilespmem:s31+$0x8330];
	v2 =	vadd.f32 v36, v2;
	v8 =	vadd.f32 v38, v8  }
0x126: {  	v10 =	vadd.f32 v40, v10;
	v3 =	vadd.f32 v15, v3;
	[tilespmem:s31+$0x16370] =	vst v1;
	v1 =	vld [tilespmem:s31+$0x2340]  }
0x127: {  	v55 =	vld [tilespmem:s31+$0x8340];
	v0 =	vadd.f32 v42, v0;
	v2 =	vadd.f32 v43, v2  }
0x128: {  	v56 =	vld [tilespmem:s31+$0x8350];
	v5 =	vadd.f32 v5, v8;
	v3 =	vadd.f32 v20, v3  }
0x129: {  	v4 =	vadd.f32 v4, v12;
	v6 =	vadd.f32 v6, v7;
	v7 =	vld [tilespmem:s31+$0x7300]  }
0x12a: {  	v57 =	vld [tilespmem:s31+$0x8360];
	v5 =	vadd.f32 v47, v5;
	v3 =	vadd.f32 v27, v3  }
0x12b: {  	v1 =	vadd.f32 v1, v4;
	v4 =	vld [tilespmem:s31+$0x7310];
	v6 =	vadd.f32 v23, v6  }
0x12c: {  	v58 =	vld [tilespmem:s31+$0x9300];
	v5 =	vadd.f32 v54, v5;
	v3 =	vadd.f32 v34, v3  }
0x12d: {  	v9 =	vld [tilespmem:s31+$0x6340];
	v1 =	vadd.f32 v25, v1;
	v6 =	vadd.f32 v30, v6  }
0x12e: {  	v11 =	vld [tilespmem:s31+$0x6350];
	v3 =	vadd.f32 v41, v3;
	v0 =	vadd.f32 v7, v0  }
0x12f: {  	v59 =	vld [tilespmem:s31+$0x9360];
	v1 =	vadd.f32 v32, v1;
	v6 =	vadd.f32 v37, v6  }
0x130: {  	v60 =	vld [tilespmem:s31+$0xA300];
	v3 =	vadd.f32 v45, v3;
	v2 =	vadd.f32 v4, v2  }
0x131: {  	v61 =	vld [tilespmem:s31+$0xA310];
	v0 =	vadd.f32 v51, v0;
	v1 =	vadd.f32 v39, v1  }
0x132: {  	v8 =	vld [tilespmem:s31+$0x9310];
	v6 =	vadd.f32 v44, v6;
	v3 =	vadd.f32 v50, v3  }
0x133: {  	v1 =	vadd.f32 v9, v1;
	v9 =	vadd.f32 v11, v10;
	v10 =	vld [tilespmem:s31+$0x9320]  }
0x134: {  	v4 =	vld [tilespmem:s31+$0x9330];
	v2 =	vadd.f32 v52, v2;
	v6 =	vadd.f32 v46, v6  }
0x135: {  	v7 =	vld [tilespmem:s31+$0x9340];
	v0 =	vadd.f32 v58, v0;
	v3 =	vadd.f32 v57, v3  }
0x136: {  	v11 =	vld [tilespmem:s31+$0x9350];
	v1 =	vadd.f32 v48, v1;
	v6 =	vadd.f32 v53, v6  }
0x137: {  	v2 =	vadd.f32 v8, v2;
	v8 =	vld [tilespmem:s31+$0xA320];
	v9 =	vadd.f32 v49, v9  }
0x138: {  	v0 =	vmul.f32 s1, v0;
	v1 =	vadd.f32 v55, v1;
	v6 =	vadd.f32 v10, v6;
	v10 =	vld [tilespmem:s31+$0xA330]  }
0x139: {  	v4 =	vadd.f32 v4, v5;
	v5 =	vld [tilespmem:s31+$0xA340];
	v2 =	vmul.f32 s1, v2;
	v9 =	vadd.f32 v56, v9  }
0x13a: {  	v0 =	vadd.f32 v0, v60;
	v1 =	vadd.f32 v7, v1;
	v7 =	vld [tilespmem:s31+$0xA350];
	v6 =	vmul.f32 s1, v6  }
0x13b: {  	v4 =	vmul.f32 s1, v4;
	v2 =	vadd.f32 v2, v61;
	v9 =	vadd.f32 v11, v9;
	v11 =	vld [tilespmem:s31+$0xA360]  }
0x13c: {  	v3 =	vadd.f32 v59, v3;
	[tilespmem:s31+$0x16300] =	vst v0;
	v1 =	vmul.f32 s1, v1;
	v0 =	vadd.f32 v6, v8  }
0x13d: {  	p5 =	sgt.u32 s28, $0xC330;
	[tilespmem:s31+$0x16310] =	vst v2;
	v6 =	vmul.f32 s1, v9;
	v2 =	vadd.f32 v4, v10  }
0x13e: {  	p6 =	sgt.u32 @p5 s28, $0xC34F;
	v3 =	vmul.f32 s1, v3;
	[tilespmem:s31+$0x16320] =	vst v0;
	v0 =	vadd.f32 v1, v5  }
0x13f: {  	p6 =	por p6, !p5;
	v1 =	vadd.f32 v6, v7;
	[tilespmem:s31+$0x16330] =	vst v2  }
0x140: {  	s1 =	sshll.u32 @!p6 s25, $0x9;
	[tilespmem:s31+$0x16340] =	vst v0;
	v0 =	vadd.f32 v3, v11  }
0x141: {  	s1 =	sand.u32 @!p6 $0x1FFFFC00, s1;
	[tilespmem:s31+$0x16350] =	vst v1  }
0x142: {  	s26 =	simm.s32 @!p6 $0x0;
	s28 =	simm.s32 @!p6 $0x16300;
	s1 =	sadd.s32 @!p6 s3, s1;
	[tilespmem:s31+$0x16360] =	vst v0  }
0x143: {  	[hbm4b:s1+s26] =	stream.linear.scatter @!p6 [tilespmem:s28], [sflag:$0x5], $0x800, $0x38;
	[tilespmem:$0x18300] =	vst v63  }
0x144: {  	s1 =	sshll.u32 @!p5 s25, $0x9  }
0x145: {  	s1 =	sand.u32 @!p5 $0x1FFFFC00, s1  }
0x146: {  	s25 =	simm.s32 @!p5 $0x0;
	s26 =	simm.s32 @!p5 $0x16300;
	s1 =	sadd.s32 @!p5 s3, s1  }
0x147: {  	[hbm4b:s1+s25] =	stream.linear.scatter @!p5 [tilespmem:s26], [sflag:$0x5], $0x1000, $0x38;
	[tilespmem:$0x18300] =	vst v63  }
0x148: {  	s1 =	simm.s32 @!p4 $0x1  }
0x149: {  	_ =	swait.ge @!p4 [sflag:s1], $0x160  }
0x14a: {  	s25 =	simm.s32 @!p4 $0x0;
	[sflag:s1] =	ssyncset.done @!p4 $0x0  }
0x14b: {  	s26 =	simm.s32 @!p4 $0x300;
	[sflag:s1] =	ssyncadd.s32 @!p4 $0xFFFFFEA0;
	s1 =	simm.s32 @!p4 $0x160  }
0x14c: {  	[tilespmem:s26], [sflag:$0x3] =	stream.indirect.gather @!p4 [hbm4b:s2+s1], $0x80, s25, s1, $0xb8;
	[tilespmem:$0x18300] =	vst v63  }
0x14d: {  	s1 =	sadd.s32 $0x3, s24  }
0x14e: {  	p4 =	sge.u32 s1, s7  }
0x14f: {  	s1 =	sadd.s32 @!p4 s4, s1  }
0x150: {  	_ =	swait.ge [sflag:s19], $0xB000;
	s1 =	smul.u32 @!p4 $0x2C, s1  }
0x151: {  	[sflag:s19] =	ssyncset.done $0x0;
	s25 =	simm.s32 @!p4 $0x0  }
0x152: {  	s26 =	simm.s32 @!p4 $0x160;
	[sflag:s19] =	ssyncadd.s32 $0xFFFF5000;
	s1 =	sadd.s32 @!p4 s6, s1  }
0x153: {  	[tilespmem:s26], [sflag:$0x2] =	stream.linear.gather @!p4 [hbm4b:s1+s25], $0x160, $0x38;
	[tilespmem:$0x18300] =	vst v63  }
0x154: {  	s1 =	sadd.s32 @!p3 s24, s11  }
0x155: {  	s1 =	sshll.u32 @!p3 s1, $0x5  }
0x156: {  	p4 =	sgt.s32 @!p3 s1, $0xC330  }
0x157: {  	p3 =	por p4, p3  }
0x158: {  	s1 =	simm.s32 @!p3 $0x6  }
0x159: {  	_ =	swait.ge @!p3 [sflag:s1], $0x1000  }
0x15a: {  	[sflag:s1] =	ssyncset.done @!p3 $0x0  }
0x15b: {  	s24 =	simm.s32 $0x0;
	[sflag:s1] =	ssyncadd.s32 @!p3 $0xFFFFF000  }
0x15c: {  	v0 =	vld [tilespmem:s24+$0xB370]  }
0x15d: {  	v1 =	vld [tilespmem:s24+$0xC370]  }
0x15e: {  	v2 =	vld [tilespmem:s24+$0xB300]  }
0x15f: {  	v3 =	vld [tilespmem:s24+$0xD370]  }
0x160: {  	v4 =	vld [tilespmem:s24+$0xC300]  }
0x161: {  	v5 =	vld [tilespmem:s24+$0xE370]  }
0x162: {  	v6 =	vld [tilespmem:s24+$0xB310]  }
0x163: {  	v7 =	vld [tilespmem:s24+$0xC310]  }
0x164: {  	v8 =	vld [tilespmem:s24+$0xB320]  }
0x165: {  	v9 =	vld [tilespmem:s24+$0xC320]  }
0x166: {  	v10 =	vld [tilespmem:s24+$0xB330]  }
0x167: {  	v11 =	vld [tilespmem:s24+$0xC330]  }
0x168: {  	v12 =	vld [tilespmem:s24+$0xB340]  }
0x169: {  	v13 =	vld [tilespmem:s24+$0xB350]  }
0x16a: {  	v14 =	vld [tilespmem:s24+$0xC350]  }
0x16b: {  	v15 =	vld [tilespmem:s24+$0xC360]  }
0x16c: {  	v62 =	vld [tilespmem:s24+$0xD300]  }
0x16d: {  	v17 =	vld [tilespmem:s24+$0xD310]  }
0x16e: {  	v18 =	vld [tilespmem:s24+$0xD330]  }
0x16f: {  	v19 =	vld [tilespmem:s24+$0xD350]  }
0x170: {  	v63 =	vld [tilespmem:s24+$0xD360]  }
0x171: {  	v21 =	vld [tilespmem:s24+$0xE300]  }
0x172: {  	v22 =	vld [tilespmem:s24+$0xE310]  }
0x173: {  	v23 =	vld [tilespmem:s24+$0xE320]  }
0x174: {  	v24 =	vld [tilespmem:s24+$0xE330]  }
0x175: {  	v25 =	vld [tilespmem:s24+$0xE340]  }
0x176: {  	v26 =	vld [tilespmem:s24+$0xE350]  }
0x177: {  	v27 =	vld [tilespmem:s24+$0xE360]  }
0x178: {  	v48 =	vld [tilespmem:s24+$0xF300]  }
0x179: {  	v29 =	vld [tilespmem:s24+$0xF310]  }
0x17a: {  	v49 =	vld [tilespmem:s24+$0xF320]  }
0x17b: {  	v31 =	vld [tilespmem:s24+$0xF330]  }
0x17c: {  	v50 =	vld [tilespmem:s24+$0xF340]  }
0x17d: {  	v33 =	vld [tilespmem:s24+$0xF350]  }
0x17e: {  	v51 =	vld [tilespmem:s24+$0xF360]  }
0x17f: {  	v52 =	vld [tilespmem:s24+$0x10300]  }
0x180: {  	v53 =	vld [tilespmem:s24+$0x10310]  }
0x181: {  	v54 =	vld [tilespmem:s24+$0x10320]  }
0x182: {  	v55 =	vld [tilespmem:s24+$0x10330]  }
0x183: {  	v56 =	vld [tilespmem:s24+$0x10340]  }
0x184: {  	v57 =	vld [tilespmem:s24+$0x10350]  }
0x185: {  	v58 =	vld [tilespmem:s24+$0x10360]  }
0x186: {  	v59 =	vld [tilespmem:s24+$0x11300]  }
0x187: {  	v60 =	vld [tilespmem:s24+$0x11310];
	v0 =	vadd.f32 v1, v0  }
0x188: {  	v1 =	vld [tilespmem:s24+$0xF370]  }
0x189: {  	v61 =	vld [tilespmem:s24+$0x11320];
	v0 =	vadd.f32 v3, v0  }
0x18a: {  	v3 =	vld [tilespmem:s24+$0x10370]  }
0x18b: {  	v45 =	vld [tilespmem:s24+$0x12330];
	v0 =	vadd.f32 v5, v0  }
0x18c: {  	v5 =	vld [tilespmem:s24+$0x11370]  }
0x18d: {  	v46 =	vld [tilespmem:s24+$0x12340];
	v0 =	vadd.f32 v1, v0  }
0x18e: {  	v1 =	vld [tilespmem:s24+$0x12370]  }
0x18f: {  	v47 =	vld [tilespmem:s24+$0x12350];
	v0 =	vadd.f32 v3, v0  }
0x190: {  	v2 =	vadd.f32 v4, v2;
	v3 =	vld [tilespmem:s24+$0x13370]  }
0x191: {  	v4 =	vadd.f32 v7, v6;
	v6 =	vld [tilespmem:s24+$0x11330];
	v0 =	vadd.f32 v5, v0  }
0x192: {  	v7 =	vadd.f32 v9, v8;
	v8 =	vadd.f32 v11, v10;
	v5 =	vld [tilespmem:s24+$0x14370]  }
0x193: {  	v9 =	vld [tilespmem:s24+$0x11340];
	v2 =	vadd.f32 v62, v2;
	v0 =	vadd.f32 v1, v0  }
0x194: {  	v10 =	vadd.f32 v14, v13;
	v11 =	vld [tilespmem:s24+$0x11350];
	v4 =	vadd.f32 v17, v4  }
0x195: {  	v62 =	vld [tilespmem:s24+$0x11360];
	v2 =	vadd.f32 v21, v2;
	v0 =	vadd.f32 v3, v0  }
0x196: {  	v8 =	vadd.f32 v18, v8;
	v10 =	vadd.f32 v19, v10;
	v3 =	vld [tilespmem:s24+$0x15370]  }
0x197: {  	v2 =	vadd.f32 v48, v2;
	v48 =	vld [tilespmem:s24+$0x12360];
	v0 =	vadd.f32 v5, v0  }
0x198: {  	v4 =	vadd.f32 v22, v4;
	v8 =	vadd.f32 v24, v8;
	v5 =	vld [tilespmem:s24+$0xB360]  }
0x199: {  	v10 =	vadd.f32 v26, v10;
	v2 =	vadd.f32 v52, v2;
	v52 =	vld [tilespmem:s24+$0x13330];
	v0 =	vmul.f32 $1.000000010e-01, v0  }
0x19a: {  	v4 =	vadd.f32 v29, v4;
	v8 =	vadd.f32 v31, v8;
	v1 =	vld [tilespmem:s24+$0xC340]  }
0x19b: {  	v10 =	vadd.f32 v33, v10;
	v0 =	vadd.f32 v0, v3;
	v3 =	vld [tilespmem:s24+$0xD320]  }
0x19c: {  	v4 =	vadd.f32 v53, v4;
	v8 =	vadd.f32 v55, v8;
	v53 =	vld [tilespmem:s24+$0x13340]  }
0x19d: {  	v10 =	vadd.f32 v57, v10;
	v5 =	vadd.f32 v15, v5;
	[tilespmem:s24+$0x17370] =	vst v0;
	v0 =	vld [tilespmem:s24+$0xD340]  }
0x19e: {  	v55 =	vld [tilespmem:s24+$0x13360];
	v2 =	vadd.f32 v59, v2;
	v4 =	vadd.f32 v60, v4  }
0x19f: {  	v57 =	vld [tilespmem:s24+$0x14360];
	v6 =	vadd.f32 v6, v8;
	v5 =	vadd.f32 v63, v5  }
0x1a0: {  	v1 =	vadd.f32 v1, v12;
	v3 =	vadd.f32 v3, v7;
	v7 =	vld [tilespmem:s24+$0x12300]  }
0x1a1: {  	v8 =	vld [tilespmem:s24+$0x14310];
	v6 =	vadd.f32 v45, v6;
	v5 =	vadd.f32 v27, v5  }
0x1a2: {  	v0 =	vadd.f32 v0, v1;
	v1 =	vld [tilespmem:s24+$0x12310];
	v3 =	vadd.f32 v23, v3  }
0x1a3: {  	v6 =	vadd.f32 v52, v6;
	v63 =	vld [tilespmem:s24+$0x12320];
	v5 =	vadd.f32 v51, v5  }
0x1a4: {  	v0 =	vadd.f32 v25, v0;
	v3 =	vadd.f32 v49, v3;
	v49 =	vld [tilespmem:s24+$0x13300]  }
0x1a5: {  	v51 =	vld [tilespmem:s24+$0x13320];
	v5 =	vadd.f32 v58, v5;
	v2 =	vadd.f32 v7, v2  }
0x1a6: {  	v58 =	vld [tilespmem:s24+$0x15300];
	v0 =	vadd.f32 v50, v0;
	v3 =	vadd.f32 v54, v3  }
0x1a7: {  	v50 =	vld [tilespmem:s24+$0x13310];
	v5 =	vadd.f32 v62, v5;
	v1 =	vadd.f32 v1, v4  }
0x1a8: {  	v4 =	vld [tilespmem:s24+$0x14330];
	v0 =	vadd.f32 v56, v0;
	v3 =	vadd.f32 v61, v3  }
0x1a9: {  	v56 =	vld [tilespmem:s24+$0x14300];
	v5 =	vadd.f32 v48, v5;
	v2 =	vadd.f32 v49, v2  }
0x1aa: {  	v54 =	vld [tilespmem:s24+$0x13350];
	v0 =	vadd.f32 v9, v0;
	v9 =	vadd.f32 v11, v10  }
0x1ab: {  	v10 =	vld [tilespmem:s24+$0x14320];
	v3 =	vadd.f32 v63, v3;
	v5 =	vadd.f32 v55, v5  }
0x1ac: {  	v7 =	vld [tilespmem:s24+$0x14340];
	v1 =	vadd.f32 v50, v1;
	v0 =	vadd.f32 v46, v0  }
0x1ad: {  	v11 =	vld [tilespmem:s24+$0x14350];
	v9 =	vadd.f32 v47, v9;
	v3 =	vadd.f32 v51, v3  }
0x1ae: {  	v60 =	vld [tilespmem:s24+$0x15310];
	v6 =	vadd.f32 v4, v6;
	v2 =	vadd.f32 v56, v2  }
0x1af: {  	v61 =	vld [tilespmem:s24+$0x15320];
	v8 =	vadd.f32 v8, v1;
	v59 =	vadd.f32 v53, v0  }
0x1b0: {  	v9 =	vadd.f32 v54, v9;
	v0 =	vld [tilespmem:s24+$0x15330];
	v3 =	vadd.f32 v10, v3;
	v10 =	vmul.f32 $1.000000010e-01, v2  }
0x1b1: {  	v12 =	vadd.f32 v57, v5;
	v1 =	vld [tilespmem:s24+$0x15340];
	v62 =	vmul.f32 $1.000000010e-01, v8;
	v7 =	vadd.f32 v7, v59  }
0x1b2: {  	v2 =	vld [tilespmem:s24+$0x15350];
	v11 =	vadd.f32 v11, v9;
	v63 =	vmul.f32 $1.000000010e-01, v3;
	v10 =	vadd.f32 v10, v58  }
0x1b3: {  	s26 =	simm.s32 $0x80;
	v4 =	vld [tilespmem:s24+$0x15360];
	v8 =	vmul.f32 $1.000000010e-01, v6;
	v6 =	vmul.f32 $1.000000010e-01, v12;
	v9 =	vadd.f32 v62, v60  }
0x1b4: {  	s25 =	simm.s32 $0x400;
	v3 =	vld [tilespmem:s26+$0xB370];
	v5 =	vmul.f32 $1.000000010e-01, v7;
	v7 =	vmul.f32 $1.000000010e-01, v11;
	[tilespmem:s24+$0x17300] =	vst v10;
	v10 =	vadd.f32 v63, v61  }
.LBB2_5:
0x1b5: {  	p3 =	sne.s32 s25, $0x3E00;
	v11 =	vld [tilespmem:s26+$0xC370];
	[tilespmem:s24+$0x17310] =	vst v9;
	v0 =	vadd.f32 v8, v0  }
0x1b6: {  	v8 =	vld [tilespmem:s26+$0xB300];
	[tilespmem:s24+$0x17320] =	vst v10;
	v1 =	vadd.f32 v5, v1  }
0x1b7: {  	v5 =	vld [tilespmem:s26+$0xD370];
	[tilespmem:s24+$0x17330] =	vst v0;
	v0 =	vadd.f32 v7, v2  }
0x1b8: {  	v2 =	vld [tilespmem:s26+$0xC300];
	[tilespmem:s24+$0x17340] =	vst v1;
	v1 =	vadd.f32 v6, v4  }
0x1b9: {  	v4 =	vld [tilespmem:s26+$0xE370];
	[tilespmem:s24+$0x17350] =	vst v0  }
0x1ba: {  	v0 =	vld [tilespmem:s26+$0xB310];
	v3 =	vadd.f32 v11, v3;
	[tilespmem:s24+$0x17360] =	vst v1;
	s24 =	smov.u32 s26  }
0x1bb: {  	v1 =	vld [tilespmem:s24+$0xF370]  }
0x1bc: {  	v6 =	vld [tilespmem:s24+$0xC310];
	v3 =	vadd.f32 v5, v3  }
0x1bd: {  	v2 =	vadd.f32 v2, v8;
	v5 =	vld [tilespmem:s24+$0x10370]  }
0x1be: {  	v7 =	vld [tilespmem:s24+$0xB320];
	v3 =	vadd.f32 v4, v3  }
0x1bf: {  	v4 =	vld [tilespmem:s24+$0x11370]  }
0x1c0: {  	v8 =	vld [tilespmem:s24+$0xC320];
	v1 =	vadd.f32 v1, v3  }
0x1c1: {  	v0 =	vadd.f32 v6, v0;
	v3 =	vld [tilespmem:s24+$0x12370]  }
0x1c2: {  	v6 =	vld [tilespmem:s24+$0xB330];
	v1 =	vadd.f32 v5, v1  }
0x1c3: {  	v5 =	vld [tilespmem:s24+$0x13370]  }
0x1c4: {  	v9 =	vld [tilespmem:s24+$0xC330];
	v1 =	vadd.f32 v4, v1  }
0x1c5: {  	v4 =	vadd.f32 v8, v7;
	v7 =	vld [tilespmem:s24+$0x14370]  }
0x1c6: {  	v8 =	vld [tilespmem:s24+$0xB340];
	v1 =	vadd.f32 v3, v1  }
0x1c7: {  	v3 =	vld [tilespmem:s24+$0xC340]  }
0x1c8: {  	v10 =	vld [tilespmem:s24+$0xB350];
	v1 =	vadd.f32 v5, v1  }
0x1c9: {  	v5 =	vadd.f32 v9, v6;
	v6 =	vld [tilespmem:s24+$0x15370]  }
0x1ca: {  	v9 =	vld [tilespmem:s24+$0xC350];
	v1 =	vadd.f32 v7, v1  }
0x1cb: {  	v7 =	vld [tilespmem:s24+$0xB360]  }
0x1cc: {  	v3 =	vadd.f32 v3, v8;
	v8 =	vld [tilespmem:s24+$0xC360];
	v1 =	vmul.f32 $1.000000010e-01, v1  }
0x1cd: {  	v11 =	vld [tilespmem:s24+$0xD300]  }
0x1ce: {  	v12 =	vld [tilespmem:s24+$0xD310];
	v1 =	vadd.f32 v1, v6  }
0x1cf: {  	v6 =	vld [tilespmem:s24+$0xD320];
	v9 =	vadd.f32 v9, v10  }
0x1d0: {  	v10 =	vld [tilespmem:s24+$0xD330];
	[tilespmem:s24+$0x17370] =	vst v1  }
0x1d1: {  	v1 =	vld [tilespmem:s24+$0xD340];
	v7 =	vadd.f32 v8, v7  }
0x1d2: {  	v2 =	vadd.f32 v11, v2;
	v8 =	vld [tilespmem:s24+$0xD350]  }
0x1d3: {  	v0 =	vadd.f32 v12, v0;
	v11 =	vld [tilespmem:s24+$0xD360]  }
0x1d4: {  	v12 =	vld [tilespmem:s24+$0xE300];
	v4 =	vadd.f32 v6, v4  }
0x1d5: {  	v6 =	vld [tilespmem:s24+$0xE310];
	v5 =	vadd.f32 v10, v5  }
0x1d6: {  	v10 =	vld [tilespmem:s24+$0xE320];
	v1 =	vadd.f32 v1, v3  }
0x1d7: {  	v3 =	vld [tilespmem:s24+$0xE330];
	v8 =	vadd.f32 v8, v9  }
0x1d8: {  	v9 =	vld [tilespmem:s24+$0xE340];
	v7 =	vadd.f32 v11, v7  }
0x1d9: {  	v2 =	vadd.f32 v12, v2;
	v11 =	vld [tilespmem:s24+$0xE350]  }
0x1da: {  	v0 =	vadd.f32 v6, v0;
	v6 =	vld [tilespmem:s24+$0xE360]  }
0x1db: {  	v12 =	vld [tilespmem:s24+$0xF300];
	v4 =	vadd.f32 v10, v4  }
0x1dc: {  	v10 =	vld [tilespmem:s24+$0xF310];
	v3 =	vadd.f32 v3, v5  }
0x1dd: {  	v5 =	vld [tilespmem:s24+$0xF320];
	v1 =	vadd.f32 v9, v1  }
0x1de: {  	v9 =	vld [tilespmem:s24+$0xF330];
	v8 =	vadd.f32 v11, v8  }
0x1df: {  	v11 =	vld [tilespmem:s24+$0xF340];
	v6 =	vadd.f32 v6, v7  }
0x1e0: {  	v2 =	vadd.f32 v12, v2;
	v7 =	vld [tilespmem:s24+$0xF350]  }
0x1e1: {  	v0 =	vadd.f32 v10, v0;
	v10 =	vld [tilespmem:s24+$0xF360]  }
0x1e2: {  	v12 =	vld [tilespmem:s24+$0x10300];
	v4 =	vadd.f32 v5, v4  }
0x1e3: {  	v5 =	vld [tilespmem:s24+$0x10310];
	v3 =	vadd.f32 v9, v3  }
0x1e4: {  	v9 =	vld [tilespmem:s24+$0x10320];
	v1 =	vadd.f32 v11, v1  }
0x1e5: {  	v11 =	vld [tilespmem:s24+$0x10330];
	v7 =	vadd.f32 v7, v8  }
0x1e6: {  	v8 =	vld [tilespmem:s24+$0x10340];
	v6 =	vadd.f32 v10, v6  }
0x1e7: {  	v2 =	vadd.f32 v12, v2;
	v10 =	vld [tilespmem:s24+$0x10350]  }
0x1e8: {  	v0 =	vadd.f32 v5, v0;
	v5 =	vld [tilespmem:s24+$0x10360]  }
0x1e9: {  	v12 =	vld [tilespmem:s24+$0x11300];
	v4 =	vadd.f32 v9, v4  }
0x1ea: {  	v9 =	vld [tilespmem:s24+$0x11310];
	v3 =	vadd.f32 v11, v3  }
0x1eb: {  	v11 =	vld [tilespmem:s24+$0x11320];
	v1 =	vadd.f32 v8, v1  }
0x1ec: {  	v8 =	vld [tilespmem:s24+$0x11330];
	v7 =	vadd.f32 v10, v7  }
0x1ed: {  	v10 =	vld [tilespmem:s24+$0x11340];
	v5 =	vadd.f32 v5, v6  }
0x1ee: {  	v2 =	vadd.f32 v12, v2;
	v6 =	vld [tilespmem:s24+$0x11350]  }
0x1ef: {  	v0 =	vadd.f32 v9, v0;
	v9 =	vld [tilespmem:s24+$0x11360]  }
0x1f0: {  	v12 =	vld [tilespmem:s24+$0x12300];
	v4 =	vadd.f32 v11, v4  }
0x1f1: {  	v11 =	vld [tilespmem:s24+$0x12310];
	v3 =	vadd.f32 v8, v3  }
0x1f2: {  	v8 =	vld [tilespmem:s24+$0x12320];
	v1 =	vadd.f32 v10, v1  }
0x1f3: {  	v10 =	vld [tilespmem:s24+$0x12330];
	v6 =	vadd.f32 v6, v7  }
0x1f4: {  	v7 =	vld [tilespmem:s24+$0x12340];
	v5 =	vadd.f32 v9, v5  }
0x1f5: {  	v2 =	vadd.f32 v12, v2;
	v9 =	vld [tilespmem:s24+$0x12350]  }
0x1f6: {  	v0 =	vadd.f32 v11, v0;
	v11 =	vld [tilespmem:s24+$0x12360]  }
0x1f7: {  	v12 =	vld [tilespmem:s24+$0x13300];
	v4 =	vadd.f32 v8, v4  }
0x1f8: {  	v8 =	vld [tilespmem:s24+$0x13310];
	v3 =	vadd.f32 v10, v3  }
0x1f9: {  	v10 =	vld [tilespmem:s24+$0x13320];
	v1 =	vadd.f32 v7, v1  }
0x1fa: {  	v7 =	vld [tilespmem:s24+$0x13330];
	v6 =	vadd.f32 v9, v6  }
0x1fb: {  	v9 =	vld [tilespmem:s24+$0x13340];
	v5 =	vadd.f32 v11, v5  }
0x1fc: {  	v2 =	vadd.f32 v12, v2;
	v11 =	vld [tilespmem:s24+$0x13350]  }
0x1fd: {  	v0 =	vadd.f32 v8, v0;
	v8 =	vld [tilespmem:s24+$0x13360]  }
0x1fe: {  	v12 =	vld [tilespmem:s24+$0x14300];
	v4 =	vadd.f32 v10, v4  }
0x1ff: {  	v10 =	vld [tilespmem:s24+$0x14310];
	v3 =	vadd.f32 v7, v3  }
0x200: {  	v7 =	vld [tilespmem:s24+$0x14320];
	v1 =	vadd.f32 v9, v1  }
0x201: {  	v9 =	vld [tilespmem:s24+$0x14330];
	v6 =	vadd.f32 v11, v6  }
0x202: {  	v11 =	vld [tilespmem:s24+$0x14340];
	v13 =	vadd.f32 v8, v5  }
0x203: {  	v2 =	vadd.f32 v12, v2;
	v5 =	vld [tilespmem:s24+$0x14350]  }
0x204: {  	v0 =	vadd.f32 v10, v0;
	v10 =	vld [tilespmem:s24+$0x14360]  }
0x205: {  	v12 =	vld [tilespmem:s24+$0x15300];
	v2 =	vmul.f32 $1.000000010e-01, v2;
	v4 =	vadd.f32 v7, v4  }
0x206: {  	v14 =	vld [tilespmem:s24+$0x15310];
	v15 =	vmul.f32 $1.000000010e-01, v0;
	v3 =	vadd.f32 v9, v3  }
0x207: {  	v16 =	vld [tilespmem:s24+$0x15320];
	v17 =	vmul.f32 $1.000000010e-01, v4;
	v4 =	vadd.f32 v11, v1  }
.Ltmp1:
0x208: {  	v0 =	vld [tilespmem:s24+$0x15330];
	v8 =	vmul.f32 $1.000000010e-01, v3;
	v3 =	vadd.f32 v5, v6;
	(pc) =	sbr.rel @p3 .LBB2_5-.Ltmp1, $4  }
0x209: {  	v1 =	vld [tilespmem:s24+$0x15340];
	v5 =	vmul.f32 $1.000000010e-01, v4;
	v6 =	vadd.f32 v10, v13  }
0x20a: {  	v10 =	vadd.f32 v2, v12;
	v2 =	vld [tilespmem:s24+$0x15350];
	v7 =	vmul.f32 $1.000000010e-01, v3  }
0x20b: {  	s26 =	sshra.s32 s25, $0x2;
	v9 =	vadd.f32 v15, v14;
	v4 =	vld [tilespmem:s24+$0x15360];
	v6 =	vmul.f32 $1.000000010e-01, v6  }
0x20c: {  	s25 =	sadd.s32 $0x200, s25;
	v3 =	vld [tilespmem:s26+$0xB370];
	[tilespmem:s24+$0x17300] =	vst v10;
	v10 =	vadd.f32 v17, v16  }
0x20d: {  	v11 =	vld [tilespmem:s26+$0xC370];
	[tilespmem:s24+$0x17310] =	vst v9;
	v0 =	vadd.f32 v8, v0  }
0x20e: {  	v9 =	vld [tilespmem:s26+$0xB300];
	[tilespmem:s24+$0x17320] =	vst v10;
	v1 =	vadd.f32 v5, v1  }
0x20f: {  	v53 =	vld [tilespmem:s26+$0xD370];
	[tilespmem:s24+$0x17330] =	vst v0;
	v2 =	vadd.f32 v7, v2  }
0x210: {  	v0 =	vld [tilespmem:s26+$0xC300];
	[tilespmem:s24+$0x17340] =	vst v1;
	v4 =	vadd.f32 v6, v4  }
0x211: {  	v1 =	vld [tilespmem:s26+$0xE370];
	[tilespmem:s24+$0x17350] =	vst v2  }
0x212: {  	v2 =	vld [tilespmem:s26+$0xB310];
	[tilespmem:s24+$0x17360] =	vst v4  }
0x213: {  	v4 =	vld [tilespmem:s26+$0xF370]  }
0x214: {  	v54 =	vld [tilespmem:s26+$0xC310]  }
0x215: {  	v55 =	vld [tilespmem:s26+$0x10370]  }
0x216: {  	v56 =	vld [tilespmem:s26+$0xB320]  }
0x217: {  	v57 =	vld [tilespmem:s26+$0x11370]  }
0x218: {  	v58 =	vld [tilespmem:s26+$0xC320]  }
0x219: {  	v59 =	vld [tilespmem:s26+$0x12370]  }
0x21a: {  	v10 =	vld [tilespmem:s26+$0xB330]  }
0x21b: {  	v60 =	vld [tilespmem:s26+$0x13370]  }
0x21c: {  	v61 =	vld [tilespmem:s26+$0xC330]  }
0x21d: {  	v62 =	vld [tilespmem:s26+$0x14370]  }
0x21e: {  	v12 =	vld [tilespmem:s26+$0xB340]  }
0x21f: {  	v63 =	vld [tilespmem:s26+$0xC340]  }
0x220: {  	v13 =	vld [tilespmem:s26+$0xB350]  }
0x221: {  	v48 =	vld [tilespmem:s26+$0x15370]  }
0x222: {  	v14 =	vld [tilespmem:s26+$0xC350]  }
0x223: {  	v49 =	vld [tilespmem:s26+$0xB360]  }
0x224: {  	v15 =	vld [tilespmem:s26+$0xC360]  }
0x225: {  	v16 =	vld [tilespmem:s26+$0xD300]  }
0x226: {  	v17 =	vld [tilespmem:s26+$0xD310]  }
0x227: {  	v50 =	vld [tilespmem:s26+$0xD320]  }
0x228: {  	v18 =	vld [tilespmem:s26+$0xD330]  }
0x229: {  	v51 =	vld [tilespmem:s26+$0xD340]  }
0x22a: {  	v19 =	vld [tilespmem:s26+$0xD350]  }
0x22b: {  	v20 =	vld [tilespmem:s26+$0xD360]  }
0x22c: {  	v21 =	vld [tilespmem:s26+$0xE300]  }
0x22d: {  	v22 =	vld [tilespmem:s26+$0xE310]  }
0x22e: {  	v23 =	vld [tilespmem:s26+$0xE320]  }
0x22f: {  	v24 =	vld [tilespmem:s26+$0xE330]  }
0x230: {  	v25 =	vld [tilespmem:s26+$0xE340]  }
0x231: {  	v26 =	vld [tilespmem:s26+$0xE350]  }
0x232: {  	v27 =	vld [tilespmem:s26+$0xE360]  }
0x233: {  	v28 =	vld [tilespmem:s26+$0xF300]  }
0x234: {  	v29 =	vld [tilespmem:s26+$0xF310]  }
0x235: {  	v30 =	vld [tilespmem:s26+$0xF320]  }
0x236: {  	v31 =	vld [tilespmem:s26+$0xF330]  }
0x237: {  	v32 =	vld [tilespmem:s26+$0xF340]  }
0x238: {  	v33 =	vld [tilespmem:s26+$0xF350]  }
0x239: {  	v34 =	vld [tilespmem:s26+$0xF360]  }
0x23a: {  	v35 =	vld [tilespmem:s26+$0x10300]  }
0x23b: {  	v3 =	vadd.f32 v11, v3;
	v36 =	vld [tilespmem:s26+$0x10310]  }
0x23c: {  	v37 =	vld [tilespmem:s26+$0x10320]  }
0x23d: {  	v38 =	vld [tilespmem:s26+$0x10330];
	v3 =	vadd.f32 v53, v3  }
0x23e: {  	v39 =	vld [tilespmem:s26+$0x10340]  }
0x23f: {  	v40 =	vld [tilespmem:s26+$0x10350];
	v1 =	vadd.f32 v1, v3  }
0x240: {  	v41 =	vld [tilespmem:s26+$0x10360];
	v0 =	vadd.f32 v0, v9  }
0x241: {  	v42 =	vld [tilespmem:s26+$0x11300];
	v1 =	vadd.f32 v4, v1;
	v2 =	vadd.f32 v54, v2  }
0x242: {  	v43 =	vld [tilespmem:s26+$0x11310];
	v7 =	vadd.f32 v58, v56;
	v53 =	vadd.f32 v61, v10  }
0x243: {  	v44 =	vld [tilespmem:s26+$0x11320];
	v4 =	vadd.f32 v63, v12;
	v3 =	vadd.f32 v15, v49  }
0x244: {  	v52 =	vld [tilespmem:s26+$0x11330];
	v0 =	vadd.f32 v16, v0;
	v1 =	vadd.f32 v55, v1  }
0x245: {  	v46 =	vld [tilespmem:s26+$0x14320];
	v55 =	vadd.f32 v14, v13;
	v2 =	vadd.f32 v17, v2  }
0x246: {  	v47 =	vld [tilespmem:s26+$0x14330];
	v6 =	vadd.f32 v50, v7;
	v8 =	vadd.f32 v18, v53  }
0x247: {  	v54 =	vld [tilespmem:s26+$0x11340];
	v3 =	vadd.f32 v20, v3;
	v0 =	vadd.f32 v21, v0  }
0x248: {  	v56 =	vld [tilespmem:s26+$0x11350];
	v1 =	vadd.f32 v57, v1;
	v10 =	vadd.f32 v19, v55  }
0x249: {  	v58 =	vld [tilespmem:s26+$0x12300];
	v2 =	vadd.f32 v22, v2;
	v6 =	vadd.f32 v23, v6  }
0x24a: {  	v61 =	vld [tilespmem:s26+$0x12330];
	v8 =	vadd.f32 v24, v8;
	v3 =	vadd.f32 v27, v3  }
0x24b: {  	v63 =	vld [tilespmem:s26+$0x12350];
	v0 =	vadd.f32 v28, v0;
	v1 =	vadd.f32 v59, v1  }
0x24c: {  	v49 =	vld [tilespmem:s26+$0x14350];
	v10 =	vadd.f32 v26, v10;
	v2 =	vadd.f32 v29, v2  }
0x24d: {  	v50 =	vld [tilespmem:s26+$0x14360];
	v6 =	vadd.f32 v30, v6;
	v8 =	vadd.f32 v31, v8  }
0x24e: {  	v53 =	vld [tilespmem:s26+$0x15320];
	v3 =	vadd.f32 v34, v3;
	v1 =	vadd.f32 v60, v1  }
0x24f: {  	v57 =	vld [tilespmem:s26+$0x11360];
	v0 =	vadd.f32 v35, v0;
	v10 =	vadd.f32 v33, v10  }
0x250: {  	v28 =	vld [tilespmem:s26+$0x12360];
	v2 =	vadd.f32 v36, v2;
	v1 =	vadd.f32 v62, v1  }
0x251: {  	v59 =	vld [tilespmem:s26+$0x12310];
	v6 =	vadd.f32 v37, v6;
	v8 =	vadd.f32 v38, v8  }
0x252: {  	v30 =	vld [tilespmem:s26+$0x13300];
	v3 =	vadd.f32 v41, v3;
	v0 =	vadd.f32 v42, v0;
	v1 =	vmul.f32 $1.000000010e-01, v1  }
0x253: {  	v34 =	vld [tilespmem:s26+$0x13320];
	v10 =	vadd.f32 v40, v10;
	v2 =	vadd.f32 v43, v2  }
0x254: {  	v60 =	vld [tilespmem:s26+$0x12320];
	v6 =	vadd.f32 v44, v6;
	v1 =	vadd.f32 v1, v48  }
0x255: {  	v36 =	vld [tilespmem:s26+$0x13330];
	v5 =	vadd.f32 v52, v8;
	v3 =	vadd.f32 v57, v3  }
0x256: {  	v38 =	vld [tilespmem:s26+$0x13340];
	v0 =	vadd.f32 v58, v0;
	[tilespmem:s26+$0x17370] =	vst v1;
	v1 =	vadd.f32 v51, v4  }
0x257: {  	v42 =	vld [tilespmem:s26+$0x13360];
	v45 =	vadd.f32 v56, v10;
	v2 =	vadd.f32 v59, v2  }
0x258: {  	v43 =	vld [tilespmem:s26+$0x14300];
	v5 =	vadd.f32 v61, v5;
	v1 =	vadd.f32 v25, v1  }
0x259: {  	v62 =	vld [tilespmem:s26+$0x12340];
	v3 =	vadd.f32 v28, v3;
	v0 =	vadd.f32 v30, v0  }
0x25a: {  	v40 =	vld [tilespmem:s26+$0x13350];
	v6 =	vadd.f32 v60, v6;
	v1 =	vadd.f32 v32, v1  }
0x25b: {  	v44 =	vld [tilespmem:s26+$0x14310];
	v9 =	vadd.f32 v63, v45;
	v5 =	vadd.f32 v36, v5  }
0x25c: {  	v3 =	vadd.f32 v42, v3;
	v32 =	vld [tilespmem:s26+$0x13310];
	v1 =	vadd.f32 v39, v1  }
0x25d: {  	v57 =	vld [tilespmem:s26+$0x15360];
	v6 =	vadd.f32 v34, v6;
	v0 =	vadd.f32 v43, v0  }
0x25e: {  	v51 =	vld [tilespmem:s26+$0x15300];
	v3 =	vadd.f32 v50, v3;
	v1 =	vadd.f32 v54, v1  }
0x25f: {  	v48 =	vld [tilespmem:s26+$0x14340];
	v9 =	vadd.f32 v40, v9;
	v4 =	vadd.f32 v47, v5  }
0x260: {  	v56 =	vld [tilespmem:s26+$0x15350];
	v6 =	vadd.f32 v46, v6;
	v3 =	vmul.f32 $1.000000010e-01, v3;
	v1 =	vadd.f32 v62, v1  }
0x261: {  	v0 =	vmul.f32 $1.000000010e-01, v0;
	v9 =	vadd.f32 v49, v9;
	v54 =	vld [tilespmem:s26+$0x15330];
	v2 =	vadd.f32 v32, v2  }
0x262: {  	v52 =	vld [tilespmem:s26+$0x15310];
	v6 =	vmul.f32 $1.000000010e-01, v6;
	v63 =	vadd.f32 v3, v57;
	v1 =	vadd.f32 v38, v1  }
0x263: {  	v55 =	vld [tilespmem:s26+$0x15340];
	v59 =	vmul.f32 $1.000000010e-01, v9;
	v0 =	vadd.f32 v0, v51;
	v2 =	vadd.f32 v44, v2  }
0x264: {  	v4 =	vmul.f32 $1.000000010e-01, v4;
	v58 =	vadd.f32 v6, v53;
	[tilespmem:s26+$0x17360] =	vst v63;
	v1 =	vadd.f32 v48, v1  }
0x265: {  	[tilespmem:s26+$0x17300] =	vst v0;
	v62 =	vadd.f32 v59, v56;
	v2 =	vmul.f32 $1.000000010e-01, v2  }
0x266: {  	s1 =	sadd.s32 s4, s23;
	[tilespmem:s26+$0x17320] =	vst v58;
	v60 =	vadd.f32 v4, v54;
	v1 =	vmul.f32 $1.000000010e-01, v1  }
0x267: {  	s23 =	sshll.u32 s1, $0x5;
	[tilespmem:s26+$0x17350] =	vst v62;
	v2 =	vadd.f32 v2, v52  }
0x268: {  	p3 =	sgt.u32 s23, $0xC330;
	[tilespmem:s26+$0x17330] =	vst v60;
	v61 =	vadd.f32 v1, v55  }
0x269: {  	s22 =	sadd.s32 $0x1, s22;
	s1 =	sshll.u32 @!p3 s1, $0x9;
	[tilespmem:s26+$0x17310] =	vst v2  }
0x26a: {  	s23 =	simm.s32 @!p3 $0x0;
	s1 =	sadd.s32 @!p3 s3, s1;
	s24 =	simm.s32 @!p3 $0x17300;
	[tilespmem:s26+$0x17340] =	vst v61  }
0x26b: {  	[hbm4b:s1+s23] =	stream.linear.scatter @!p3 [tilespmem:s24], [sflag:$0x6], $0x1000, $0x38;
	[tilespmem:$0x18300] =	vst v63  }
0x26c: {  	p3 =	sne.s32 s22, s12  }
.Ltmp2:
0x26d: {  	_ = 	snop;
	(pc) =	sbr.rel @p3 .LBB2_2-.Ltmp2, $2  }
0x26e: {  	_ =	sdelay $0x2  }
0x26f: {  	s21 =	sadd.s32 $0x8000, s21  }
0x270: {  	s1 =	simm.s32 @!p1 $0x5  }
0x271: {  	_ =	swait.ge @!p1 [sflag:s1], $0x800  }
0x272: {  	[sflag:s1] =	ssyncset.done @!p1 $0x0  }
0x273: {  	s20 =	sadd.s32 $0x1, s20;
	[sflag:s1] =	ssyncadd.s32 @!p1 $0xFFFFF800;
	s1 =	simm.s32 @!p0 $0x5  }
0x274: {  	p3 =	sne.s32 s20, s13;
	_ =	swait.ge @!p0 [sflag:s1], $0x1000  }
.Ltmp3:
0x275: {  	[sflag:s1] =	ssyncset.done @!p0 $0x0;
	(pc) =	sbr.rel @p3 .LBB2_1-.Ltmp3, $4  }
0x276: {  	[sflag:s1] =	ssyncadd.s32 @!p0 $0xFFFFF000;
	s1 =	simm.s32 @!p2 $0x6  }
0x277: {  	_ =	swait.ge @!p2 [sflag:s1], $0x1000  }
0x278: {  	[sflag:s1] =	ssyncset.done @!p2 $0x0  }
0x279: {  	[sflag:s1] =	ssyncadd.s32 @!p2 $0xFFFFF000  }
0x27a: {  	_ =	sfence.sel $0x180000  }
0x27b: {  	[bflag:$0x0] =	sbarrier.arrive $0xFFFF  }
0x27c: {  	_ =	strace $0x90000047  }
0x27d: {  	[bflag:$0x2] =	sbarrier.arrive $0xFFFF  }
0x27e: {  	p0 =	sne.s32 s0, $0x0;
	s0 =	rddreg [dreg:$0x3]  }
0x27f: {  	s0 =	sadd.s32 @!p0 $0x100000, s0  }
0x280: {  	[sflag:s0] =	ssyncadd.tile.s32 @!p0 $0x1;
	_ =	shalt  }
.Lfunc_end2:
_tile_overlayer_lowered:
.L_overlay_start_2:
0x281: {  	(tag) =	ssettag $0x2  }
0x282: {  	s0 =	rddreg [dreg:$0x0];
	s2 =	stileid.u32  }
0x283: {  	s1 =	rddreg [dreg:$0x1];
	p0 =	sne.s32 s2, $0x0  }
0x284: {  	s3 =	rddreg [dreg:$0x2];
	[bflag:$0x3] =	sbarrier.arrive $0xFFFF;
	s2 =	simm.s32 @!p0 $0x1C07  }
0x285: {  	[timem:s3], [sflag:s2] =	dma.local @!p0 [hbm:s0], s1  }
0x286: {  	s0 =	simm.s32 @!p0 $0x7  }
0x287: {  	_ =	swait.ge @!p0 [sflag:s0], s1  }
0x288: {  	s1 =	ssub.s32 @!p0 $0x0, s1;
	[sflag:s0] =	ssyncset.done @!p0 $0x0  }
0x289: {  	[sflag:s0] =	ssyncadd.s32 @!p0 s1  }
0x28a: {  	[bflag:$0x3] =	sbarrier.arrive $0xFFFF  }
0x28b: {  	_ =	shalt  }

</sc_bundles>
